<compile_context>
chip_gen: v7x
topology: tpu7x:2x2x1
jax: 0.10.2.dev20260603
libtpu: 0.0.44.dev20260713+nightly
codegen_flags: <defaults>
</compile_context>

<pallas_src>
import functools

import jax
import jax.numpy as jnp
from jax import lax
from jax.experimental import pallas as pl
from jax.experimental.pallas import tpu as pltpu
from jax.experimental.pallas import tpu_sc as plsc

_NMSG = 128

_E = 160000
_N = 10000
_NSUB = 16
_EC = _E // _NSUB
_NB = 640
_NPAD = _NSUB * _NB
_ROWS = _EC // 128
_DST2_LEN = _NMSG + _E + _NMSG


def _sc_adjacency_body(src_hbm, dst_hbm, dst2_hbm, off_hbm,
                       srcv, dstv, hist, curv, hcol, prefc, degv, offv,
                       tmp16, tfill, totv, posv, post,
                       hist_sh, pref_sh, tot_sh, dst2_sh, sem):
    cid = lax.axis_index("c")
    sid = lax.axis_index("s")
    ebase = sid * _EC
    nb0 = sid * _NB
    iota16 = lax.iota(jnp.int32, 16)
    ones16 = jnp.ones((16,), jnp.int32)

    pltpu.sync_copy(src_hbm.at[pl.ds(ebase, _EC)], srcv)

    def _z(i, _):
        hist[pl.ds(i * 16, 16)] = jnp.zeros((16,), jnp.int32)
        return 0

    lax.fori_loop(0, _NPAD // 16, _z, 0)

    def _h(i, _):
        idx = srcv[pl.ds(i * 16, 16)]
        plsc.addupdate_scatter(hist, [idx], ones16)
        return 0

    lax.fori_loop(0, _EC // 16, _h, 0)

    pltpu.sync_copy(hist, hist_sh.at[sid])
    plsc.subcore_barrier()

    for w in range(_NSUB):
        pltpu.sync_copy(hist_sh.at[w, pl.ds(nb0, _NB)], hcol.at[w])

    def _comb(j, _):
        sl = pl.ds(j * 16, 16)
        acc = jnp.zeros((16,), jnp.int32)
        for w in range(_NSUB):
            prefc[w, sl] = acc
            acc = acc + hcol[w, sl]
        degv[sl] = acc
        return 0

    lax.fori_loop(0, _NB // 16, _comb, 0)

    def _tsum(j, acc):
        return acc + degv[pl.ds(j * 16, 16)]

    tvec = lax.fori_loop(0, _NB // 16, _tsum, jnp.zeros((16,), jnp.int32))
    total = jnp.sum(tvec)
    tfill[...] = jnp.broadcast_to(total, (16,)).astype(jnp.int32)
    pltpu.sync_copy(tfill, tot_sh.at[sid])
    plsc.subcore_barrier()

    pltpu.sync_copy(tot_sh, totv)
    tv = jnp.zeros((16,), jnp.int32)
    for w in range(_NSUB):
        rw = totv[w, pl.ds(0, 16)]
        tv = tv + jnp.where(iota16 == w, rw, 0)
    base = jnp.sum(jnp.where(iota16 < sid, tv, 0))

    def _off(j, carry):
        sl = pl.ds(j * 16, 16)
        dchunk = degv[sl]
        c = plsc.cumsum(dchunk)
        offv[sl] = carry + (c - dchunk)
        return carry + jnp.sum(dchunk)

    lax.fori_loop(0, _NB // 16, _off, base)

    @pl.when(cid == 0)
    def _():
        pltpu.sync_copy(offv, off_hbm.at[pl.ds(nb0, _NB)])

    def _padd(j, _):
        sl = pl.ds(j * 16, 16)
        o = offv[sl]
        for w in range(_NSUB):
            prefc[w, sl] = prefc[w, sl] + o
        return 0

    lax.fori_loop(0, _NB // 16, _padd, 0)
    for w in range(_NSUB):
        pltpu.sync_copy(prefc.at[w], pref_sh.at[w, pl.ds(nb0, _NB)])
    plsc.subcore_barrier()

    pltpu.sync_copy(pref_sh.at[sid], curv)
    pltpu.sync_copy(dst_hbm.at[pl.ds(ebase, _EC)], dstv)

    def _p2(i, _):
        s16 = srcv[pl.ds(i * 16, 16)]
        key = s16 * 16 + iota16
        skey, sval = plsc.sort_key_val(key, iota16)
        tmp16[...] = skey
        prevk = plsc.load_gather(tmp16, [jnp.maximum(iota16 - 1, 0)])
        run_start = jnp.logical_or(iota16 == 0, (skey >> 4) != (prevk >> 4))
        last_start = plsc.cummax(jnp.where(run_start, iota16, 0))
        rank_sorted = iota16 - last_start
        plsc.store_scatter(tmp16, [sval], rank_sorted)
        rank = tmp16[pl.ds(0, 16)]
        cnt = plsc.load_gather(curv, [s16])
        plsc.addupdate_scatter(curv, [s16], ones16)
        pos = jnp.clip(cnt + rank + _NMSG, 0, _DST2_LEN - 1)
        posv[i >> 3, pl.ds((i & 7) * 16, 16)] = pos
        return 0

    lax.fori_loop(0, _EC // 16, _p2, 0)

    post[...] = posv[_ROWS, pl.ds(0, 16)]

    def _sct(b, _):
        pltpu.sync_copy(dstv.at[pl.ds(b * 128, 128)],
                        dst2_sh.at[posv.at[b]])
        return 0

    lax.fori_loop(0, _ROWS, _sct, 0)
    pltpu.sync_copy(dstv.at[pl.ds(_ROWS * 128, 16)], dst2_sh.at[post])
    plsc.subcore_barrier()

    hb0 = sid * (_DST2_LEN // _NSUB)

    @pl.when(cid == 0)
    def _():
        sl = pl.ds(0, _DST2_LEN // _NSUB)
        pltpu.sync_copy(dst2_sh.at[pl.ds(hb0, _DST2_LEN // _NSUB)],
                        curv.at[sl])
        pltpu.sync_copy(curv.at[sl],
                        dst2_hbm.at[pl.ds(hb0, _DST2_LEN // _NSUB)])


def _sc_adjacency(edge_index):
    src = edge_index[0].astype(jnp.int32)
    dst = edge_index[1].astype(jnp.int32)
    mesh = plsc.VectorSubcoreMesh(core_axis_name="c", subcore_axis_name="s")
    dst2_flat, off_pad = pl.kernel(
        _sc_adjacency_body,
        out_type=(
            jax.ShapeDtypeStruct((_DST2_LEN,), jnp.int32),
            jax.ShapeDtypeStruct((_NPAD,), jnp.int32),
        ),
        mesh=mesh,
        scratch_types=[
            pltpu.VMEM((_EC,), jnp.int32),
            pltpu.VMEM((_EC,), jnp.int32),
            pltpu.VMEM((_NPAD,), jnp.int32),
            pltpu.VMEM((_NPAD,), jnp.int32),
            pltpu.VMEM((_NSUB, _NB), jnp.int32),
            pltpu.VMEM((_NSUB, _NB), jnp.int32),
            pltpu.VMEM((_NB,), jnp.int32),
            pltpu.VMEM((_NB,), jnp.int32),
            pltpu.VMEM((16,), jnp.int32),
            pltpu.VMEM((16,), jnp.int32),
            pltpu.VMEM((_NSUB, 16), jnp.int32),
            pltpu.VMEM((_ROWS + 1, 128), jnp.int32),
            pltpu.VMEM((16,), jnp.int32),
            pltpu.VMEM_SHARED((_NSUB, _NPAD), jnp.int32),
            pltpu.VMEM_SHARED((_NSUB, _NPAD), jnp.int32),
            pltpu.VMEM_SHARED((_NSUB, 16), jnp.int32),
            pltpu.VMEM_SHARED((_DST2_LEN,), jnp.int32),
            pltpu.SemaphoreType.DMA,
        ],
        compiler_params=pltpu.CompilerParams(needs_layout_passes=False),
    )(src, dst)
    dst2 = dst2_flat.reshape(-1, _NMSG)
    off = off_pad[:_N + 1]
    return dst2, off


def _i32_roll(v, shift):
    f = lax.bitcast_convert_type(v, jnp.float32)
    return lax.bitcast_convert_type(pltpu.roll(f, shift, 1), jnp.int32)


def _seq_body(
    x_ref,
    dst2_ref,
    off_ref,
    starts_ref,
    wenc_ref, benc_ref,
    wnst_ref, wnsb_ref, bns_ref,
    wnmt_ref, wnmb_ref, bnm_ref,
    wdec_ref, bdec_ref,
    out_ref,
    ptr_smem,
    qnT_v,
    msgs_v,
    hist_v,
    zbuf_v,
    sem,
):
    n_nodes = x_ref.shape[0]
    n_starts = starts_ref.shape[0]
    lanes = lax.broadcasted_iota(jnp.int32, (1, _NMSG), 1)
    slots = lax.broadcasted_iota(jnp.int32, (_NMSG, 1), 0)
    ident = (lax.broadcasted_iota(jnp.int32, (_NMSG, _NMSG), 0)
             == lax.broadcasted_iota(jnp.int32, (_NMSG, _NMSG), 1)
             ).astype(jnp.float32)

    zbuf_v[...] = jnp.zeros(zbuf_v.shape, jnp.int32)
    cp0 = pltpu.make_async_copy(zbuf_v, ptr_smem, sem)
    cp0.start()
    cp0.wait()

    def _log_softmax_row(z):
        m = jnp.max(z, axis=-1, keepdims=True)
        return z - (m + jnp.log(jnp.sum(jnp.exp(z - m), axis=-1, keepdims=True)))

    base_row = _log_softmax_row(bdec_ref[...])
    rows_per = 80
    blk = jnp.broadcast_to(base_row, (rows_per, base_row.shape[1]))

    def _fill(i, _):
        out_ref[pl.ds(i * rows_per, rows_per), :] = blk
        return 0

    lax.fori_loop(0, n_nodes // rows_per, _fill, 0)

    wenc = wenc_ref[...]
    benc = benc_ref[...]
    wnst = wnst_ref[...]
    wnsb = wnsb_ref[...]
    bns = bns_ref[...]
    wnmt = wnmt_ref[...]
    wnmb = wnmb_ref[...]
    bnm = bnm_ref[...]

    for c in range(n_starts):
        tag = 1 + c * (_NMSG + 2)
        start_c = starts_ref[c]

        qnT_v[...] = jnp.where(slots == 0, start_c * 256, 0).astype(jnp.float32)

        msgs_v[...] = jnp.zeros(msgs_v.shape, jnp.float32)
        msgs_v[pl.ds(0, 1), :] = jnp.ones((1, msgs_v.shape[1]), jnp.float32)

        def _step(t, carry):
            qhead, qtail, mcnt = carry
            active = qhead < qtail
            pk = qnT_v[qhead, 0].astype(jnp.int32)
            node = pk >> 8
            midx = pk & 255
            base = off_ref[node]
            d = off_ref[node + 1] - base
            mnew = mcnt + 1

            qt = jnp.minimum(qtail, _NMSG)
            t0 = _NMSG + base - qt
            r0 = t0 // _NMSG
            ro = t0 - r0 * _NMSG
            rowa = _i32_roll(dst2_ref[pl.ds(r0, 1), :], -ro)
            rowb = _i32_roll(dst2_ref[pl.ds(r0 + 1, 1), :], -ro)
            nbv = jnp.where(lanes < _NMSG - ro, rowa, rowb).astype(jnp.float32)
            nbvT = lax.dot_general(ident, nbv, (((1,), (1,)), ((), ())),
                                   preferred_element_type=jnp.float32)
            condT = jnp.logical_and(
                active,
                jnp.logical_and(slots >= qtail, slots < qtail + d))
            qnT_v[...] = jnp.where(
                condT, nbvT * 256.0 + mnew.astype(jnp.float32), qnT_v[...])

            message = msgs_v[pl.ds(midx, 1), :]
            p = ptr_smem[node]
            valid = p >= tag
            tprev = jnp.maximum(p - tag, 0)
            hrow = hist_v[pl.ds(tprev, 1), :]
            enc = (
                jnp.dot(x_ref[pl.ds(node, 1), :], wenc,
                        preferred_element_type=jnp.float32)
                + benc
            )
            feat = jnp.where(valid, hrow, enc)
            ns = jnp.maximum(
                jnp.dot(feat, wnst, preferred_element_type=jnp.float32)
                + jnp.dot(message, wnsb, preferred_element_type=jnp.float32)
                + bns,
                0.0,
            )
            nm = (
                jnp.dot(ns, wnmt, preferred_element_type=jnp.float32)
                + jnp.dot(message, wnmb, preferred_element_type=jnp.float32)
                + bnm
            )

            mrow = jnp.where(active, mnew, _NMSG + 1)
            hrow_w = jnp.where(active, mcnt, _NMSG + 1)
            pidx = jnp.where(active, node, n_nodes)
            msgs_v[pl.ds(mrow, 1), :] = nm
            hist_v[pl.ds(hrow_w, 1), :] = ns
            ptr_smem[pidx] = tag + mcnt

            qhead = jnp.where(active, qhead + 1, qhead)
            qtail = jnp.where(active, qtail + d, qtail)
            mcnt = jnp.where(active, mnew, mcnt)
            return qhead, qtail, mcnt

        lax.fori_loop(
            0, _NMSG, _step,
            (jnp.int32(0), jnp.int32(1), jnp.int32(0)),
        )

        p = ptr_smem[start_c]
        tprev = jnp.maximum(p - tag, 0)
        final = hist_v[pl.ds(tprev, 1), :]
        z = (
            jnp.dot(final, wdec_ref[...], preferred_element_type=jnp.float32)
            + bdec_ref[...]
        )
        out_ref[pl.ds(start_c, 1), :] = _log_softmax_row(z)


def _build_adjacency(edge_index, n_nodes):
    src = edge_index[0]
    dst = edge_index[1]
    order = jnp.argsort(src, stable=True)
    dst_sorted = jnp.take(dst, order).astype(jnp.int32)
    deg = jnp.zeros((n_nodes,), jnp.int32).at[src].add(1)
    off = jnp.concatenate(
        [jnp.zeros((1,), jnp.int32), jnp.cumsum(deg).astype(jnp.int32)]
    )
    dst2 = jnp.concatenate(
        [jnp.zeros((_NMSG,), jnp.int32), dst_sorted,
         jnp.zeros((_NMSG,), jnp.int32)]
    ).reshape(-1, _NMSG)
    return dst2, off


@jax.jit
def kernel(x, edge_index, starts, W_enc, b_enc, W_ns, b_ns, W_nm, b_nm,
           W_dec, b_dec):
    n_nodes, in_f = x.shape
    hidden = W_enc.shape[1]
    msg = W_nm.shape[1]
    out_f = W_dec.shape[1]
    n_ptr = n_nodes + 112

    dst2, off = _sc_adjacency(edge_index)

    smem = functools.partial(pl.BlockSpec, memory_space=pltpu.SMEM)
    vmem = functools.partial(pl.BlockSpec, memory_space=pltpu.VMEM)

    grid_args = dict(
        out_shape=jax.ShapeDtypeStruct((n_nodes, out_f), jnp.float32),
        in_specs=[
            vmem(), vmem(), smem(), smem(),
            vmem(), vmem(),
            vmem(), vmem(), vmem(),
            vmem(), vmem(), vmem(),
            vmem(), vmem(),
        ],
        out_specs=vmem(),
        scratch_shapes=[
            pltpu.SMEM((n_ptr,), jnp.int32),
            pltpu.VMEM((_NMSG, 1), jnp.float32),
            pltpu.VMEM((_NMSG + 2, msg), jnp.float32),
            pltpu.VMEM((_NMSG + 2, hidden), jnp.float32),
            pltpu.VMEM((n_ptr,), jnp.int32),
            pltpu.SemaphoreType.DMA,
        ],
    )

    return pl.pallas_call(_seq_body, **grid_args)(
        x, dst2, off, starts.astype(jnp.int32),
        W_enc, b_enc.reshape(1, hidden),
        W_ns[:hidden], W_ns[hidden:], b_ns.reshape(1, hidden),
        W_nm[:hidden], W_nm[hidden:], b_nm.reshape(1, msg),
        W_dec, b_dec.reshape(1, out_f),
    )

# --- scband reference (transcript-rebuilt; emitter-appended) ---
"""Pipeline reference for scband-gw-acnode-28123445854595 (READ-ONLY COPY).

The authoritative reference and input builder live on the scoring server;
editing this copy changes nothing except your own understanding.
"""

import jax, jax.numpy as jnp
import numpy as np

N_NODES = 10000
N_EDGES = 160000
IN_F = 128
HIDDEN = 128
OUT_F = 128
MSG = 32
NUM_MESSAGES = 128
N_STARTS = 4


def _linear_params(key, fan_in, fan_out):
    k1, k2 = jax.random.split(key)
    bound = 1.0 / np.sqrt(fan_in)
    W = jax.random.uniform(k1, (fan_in, fan_out), minval=-bound, maxval=bound, dtype=jnp.float32)
    b = jax.random.uniform(k2, (fan_out,), minval=-bound, maxval=bound, dtype=jnp.float32)
    return W, b


def setup_inputs(seed: int = 0):
    key = jax.random.key(seed)
    ks = jax.random.split(key, 8)
    x = jax.random.normal(ks[0], (N_NODES, IN_F), dtype=jnp.float32)
    edge_index = jax.random.randint(ks[1], (2, N_EDGES), 0, N_NODES)
    starts = jax.random.randint(ks[2], (N_STARTS,), 0, N_NODES)
    W_enc, b_enc = _linear_params(ks[3], IN_F, HIDDEN)
    W_ns, b_ns = _linear_params(ks[4], HIDDEN + MSG, HIDDEN)
    W_nm, b_nm = _linear_params(ks[5], HIDDEN + MSG, MSG)
    W_dec, b_dec = _linear_params(ks[6], HIDDEN, OUT_F)
    return {"x": x, "edge_index": edge_index, "starts": starts,
            "W_enc": W_enc, "b_enc": b_enc, "W_ns": W_ns, "b_ns": b_ns,
            "W_nm": W_nm, "b_nm": b_nm, "W_dec": W_dec, "b_dec": b_dec}


def _build_neighbors(edge_index):
    # CSR adjacency: stable sort by source preserves per-source edge insertion order.
    src = edge_index[0]
    dst = edge_index[1]
    order = jnp.argsort(src, stable=True)
    dst_sorted = dst[order]
    deg = jnp.zeros((N_NODES,), dtype=jnp.int32).at[src].add(1)
    offsets = jnp.concatenate(
        [jnp.zeros((1,), dtype=jnp.int32), jnp.cumsum(deg)[:-1].astype(jnp.int32)]
    )
    return dst_sorted, offsets, deg


def _run(x, starts, nbrs, W_enc, b_enc, W_ns, b_ns, W_nm, b_nm, W_dec, b_dec):
    # Faithful port of GwACNode.run_on_graph with graph_class=False, use_skip=False.
    dst_sorted, offsets, deg = nbrs
    QCAP = NUM_MESSAGES  # only the first NUM_MESSAGES queue slots can ever be dequeued
    k = jnp.arange(NUM_MESSAGES, dtype=jnp.int32)
    nodestates = jnp.zeros((N_NODES, HIDDEN), dtype=jnp.float32)

    def cond(carry):
        messages, qhead, qtail = carry[0], carry[1], carry[2]
        return jnp.logical_and(messages < NUM_MESSAGES, qhead < qtail)

    def body(carry):
        messages, qhead, qtail, qnodes, qmsg, msgs, states = carry
        messages = messages + 1
        node = qnodes[qhead]
        midx = qmsg[qhead]
        message = jax.lax.dynamic_slice(msgs, (midx, 0), (1, MSG))
        features = jax.lax.dynamic_slice(states, (node, 0), (1, HIDDEN))
        newstate = jax.nn.relu(jnp.concatenate([features, message], axis=1) @ W_ns + b_ns)
        newmessage = jnp.concatenate([newstate, message], axis=1) @ W_nm + b_nm
        msgs = jax.lax.dynamic_update_slice(msgs, newmessage, (messages, 0))
        d = deg[node]
        base = offsets[node]
        nb_vals = dst_sorted[jnp.clip(base + k, 0, N_EDGES - 1)]
        pos = jnp.where(k < d, qtail + k, QCAP)
        qnodes = qnodes.at[pos].set(nb_vals, mode='drop')
        qmsg = qmsg.at[pos].set(messages, mode='drop')
        qtail = qtail + d
        states = jax.lax.dynamic_update_slice(states, newstate, (node, 0))
        qhead = qhead + 1
        return (messages, qhead, qtail, qnodes, qmsg, msgs, states)

    for si in range(N_STARTS):
        i = starts[si]
        encoded = x @ W_enc + b_enc  # encoder recomputed per start, as in original
        msgs = jnp.zeros((NUM_MESSAGES + 1, MSG), dtype=jnp.float32).at[0, :].set(1.0)
        qnodes = jnp.zeros((QCAP,), dtype=jnp.int32).at[0].set(i)
        qmsg = jnp.zeros((QCAP,), dtype=jnp.int32)
        carry = (jnp.int32(0), jnp.int32(0), jnp.int32(1), qnodes, qmsg, msgs, encoded)
        out = jax.lax.while_loop(cond, body, carry)
        states = out[6]
        final = jax.lax.dynamic_slice(states, (i, 0), (1, HIDDEN))
        nodestates = jax.lax.dynamic_update_slice(nodestates, final, (i, 0))
    logits = jax.nn.log_softmax(nodestates @ W_dec + b_dec, axis=-1)
    return logits


def reference(x, edge_index, starts, W_enc, b_enc, W_ns, b_ns, W_nm, b_nm, W_dec, b_dec):
    nbrs = _build_neighbors(edge_index)
    return _run(x, starts, nbrs, W_enc, b_enc, W_ns, b_ns, W_nm, b_nm, W_dec, b_dec)

if __name__ == "__main__":
    import jax
    _d = setup_inputs()
    print(jax.jit(kernel)(*tuple(_d.values())))

</pallas_src>

<mosaic_0001>
#map = affine_map<(d0, d1) -> (0)>
module attributes {stable_mosaic.version = 14 : i64} {
  func.func @_sc_adjacency_body(%arg0: i32, %arg1: i32, %arg2: memref<160000xi32, #tpu.memory_space<hbm>>, %arg3: memref<160000xi32, #tpu.memory_space<hbm>>, %arg4: memref<160256xi32, #tpu.memory_space<hbm>>, %arg5: memref<10240xi32, #tpu.memory_space<hbm>>, %arg6: memref<10000xi32, #tpu.memory_space<vmem>>, %arg7: memref<10000xi32, #tpu.memory_space<vmem>>, %arg8: memref<10240xi32, #tpu.memory_space<vmem>>, %arg9: memref<10240xi32, #tpu.memory_space<vmem>>, %arg10: memref<16x640xi32, #tpu.memory_space<vmem>>, %arg11: memref<16x640xi32, #tpu.memory_space<vmem>>, %arg12: memref<640xi32, #tpu.memory_space<vmem>>, %arg13: memref<640xi32, #tpu.memory_space<vmem>>, %arg14: memref<16xi32, #tpu.memory_space<vmem>>, %arg15: memref<16xi32, #tpu.memory_space<vmem>>, %arg16: memref<16x16xi32, #tpu.memory_space<vmem>>, %arg17: memref<79x128xi32, #tpu.memory_space<vmem>>, %arg18: memref<16xi32, #tpu.memory_space<vmem>>, %arg19: memref<16x10240xi32, #tpu.memory_space<vmem_shared>>, %arg20: memref<16x10240xi32, #tpu.memory_space<vmem_shared>>, %arg21: memref<16x16xi32, #tpu.memory_space<vmem_shared>>, %arg22: memref<160256xi32, #tpu.memory_space<vmem_shared>>, %arg23: memref<!tpu.dma_semaphore, #tpu.memory_space<semaphore_mem>>) attributes {dimension_semantics = [#tpu.dimension_semantics<core_parallel>, #tpu.dimension_semantics<subcore_parallel>], iteration_bounds = array<i64: 2, 16>, scalar_prefetch = 0 : i64, scratch_operands = 18 : i64, tpu.core_type = #tpu.core_type<sc_vector_subcore>, window_params = [{transform_indices = #map}, {transform_indices = #map}, {transform_indices = #map}, {transform_indices = #map}]} {
    %mul3A = arith.constant 10000 : i32
    %mul3A_0 = arith.muli %arg1, %mul3A : i32
    %mul3A_1 = arith.constant 640 : i32
    %mul3A_2 = arith.muli %arg1, %mul3A_1 : i32
    %iota3A = tpu.iota {dimensions = array<i32: 0>} : vector<16xi32>
    %broadcast_in_dim3A = arith.constant 1 : i32
    %broadcast_in_dim3A_3 = vector.broadcast %broadcast_in_dim3A : i32 to vector<16xi32>
    "tpu.region"() ({
      %run_scoped3A_327 = tpu.sem_alloc : memref<!tpu.dma_semaphore, #tpu.memory_space<semaphore_mem>>
      %dma_start3A = tpu.memref_slice %arg2[%mul3A_0] : memref<160000xi32, #tpu.memory_space<hbm>> -> memref<10000xi32, #tpu.memory_space<hbm>>
      %dma_start3A_328 = tpu.memref_slice %arg2[%mul3A_0] : memref<160000xi32, #tpu.memory_space<hbm>> -> memref<10000xi32, #tpu.memory_space<hbm>>
      tpu.enqueue_dma source(%dma_start3A_328 : memref<10000xi32, #tpu.memory_space<hbm>>) target(%arg6 : memref<10000xi32, #tpu.memory_space<vmem>>) target_semaphore(%run_scoped3A_327 : memref<!tpu.dma_semaphore, #tpu.memory_space<semaphore_mem>>)
      %dma_wait3A = tpu.memref_slice %arg2[%mul3A_0] : memref<160000xi32, #tpu.memory_space<hbm>> -> memref<10000xi32, #tpu.memory_space<hbm>>
      %dma_wait3A_329 = tpu.memref_slice %arg2[%mul3A_0] : memref<160000xi32, #tpu.memory_space<hbm>> -> memref<10000xi32, #tpu.memory_space<hbm>>
      tpu.wait_dma2 semaphore(%run_scoped3A_327 : memref<!tpu.dma_semaphore, #tpu.memory_space<semaphore_mem>>) src(%dma_wait3A_329 : memref<10000xi32, #tpu.memory_space<hbm>>) dst(%arg6 : memref<10000xi32, #tpu.memory_space<vmem>>)
      tpu.yield
    }) : () -> ()
    %scan3A = arith.constant 0 : i32
    %scan3A_4 = arith.constant 0 : i32
    %scan3A_5 = arith.constant 640 : i32
    %scan3A_6 = arith.addi %scan3A_4, %scan3A_5 : i32
    %scan3A_7 = arith.constant 1 : i32
    %scan3A_8 = scf.for %scan3A_327 = %scan3A_4 to %scan3A_6 step %scan3A_7 iter_args(%scan3A_328 = %scan3A) -> (i32)  : i32 {
      %broadcast_in_dim3A_329 = arith.constant 0 : i32
      %broadcast_in_dim3A_330 = vector.broadcast %broadcast_in_dim3A_329 : i32 to vector<16xi32>
      %mul3A_331 = arith.constant 16 : i32
      %mul3A_332 = arith.muli %scan3A_327, %mul3A_331 : i32
      %swap3A_333 = arith.index_cast %mul3A_332 : i32 to index
      %swap3A_334 = tpu.vector_load %arg8[%swap3A_333] {strides = array<i32>} : memref<10240xi32, #tpu.memory_space<vmem>>, vector<16xi32>,
      tpu.vector_store %arg8[%swap3A_333], %broadcast_in_dim3A_330 {strides = array<i32>} : memref<10240xi32, #tpu.memory_space<vmem>>, vector<16xi32>,
      %scan3A_335 = arith.constant 0 : i32
      scf.yield %scan3A_335 : i32
    }
    %scan3A_9 = arith.constant 640 : i32
    %scan3A_10 = arith.constant 0 : i32
    %scan3A_11 = arith.constant 0 : i32
    %scan3A_12 = arith.constant 625 : i32
    %scan3A_13 = arith.addi %scan3A_11, %scan3A_12 : i32
    %scan3A_14 = arith.constant 1 : i32
    %scan3A_15 = scf.for %scan3A_327 = %scan3A_11 to %scan3A_13 step %scan3A_14 iter_args(%scan3A_328 = %scan3A_10) -> (i32)  : i32 {
      %mul3A_329 = arith.constant 16 : i32
      %mul3A_330 = arith.muli %scan3A_327, %mul3A_329 : i32
      %get3A_331 = arith.index_cast %mul3A_330 : i32 to index
      %get3A_332 = tpu.vector_load %arg6[%get3A_331] {strides = array<i32>} : memref<10000xi32, #tpu.memory_space<vmem>>, vector<16xi32>,
      tpu.vector_store_idx %arg8[%get3A_332], %broadcast_in_dim3A_3 {add = true} : memref<10240xi32, #tpu.memory_space<vmem>>[vector<16xi32>], vector<16xi32>,
      %scan3A_333 = arith.constant 0 : i32
      scf.yield %scan3A_333 : i32
    }
    %scan3A_16 = arith.constant 625 : i32
    "tpu.region"() ({
      %run_scoped3A_327 = tpu.sem_alloc : memref<!tpu.dma_semaphore, #tpu.memory_space<semaphore_mem>>
      %dma_start3A = arith.constant 0 : i32
      %dma_start3A_328 = tpu.memref_slice %arg19[%arg1, %dma_start3A] : memref<16x10240xi32, #tpu.memory_space<vmem_shared>> -> memref<1x10240xi32, #tpu.memory_space<vmem_shared>>
      %dma_start3A_329 = tpu.memref_squeeze %dma_start3A_328 : memref<1x10240xi32, #tpu.memory_space<vmem_shared>> -> memref<10240xi32, #tpu.memory_space<vmem_shared>>
      %dma_start3A_330 = arith.constant 0 : i32
      %dma_start3A_331 = tpu.memref_slice %arg19[%arg1, %dma_start3A_330] : memref<16x10240xi32, #tpu.memory_space<vmem_shared>> -> memref<1x10240xi32, #tpu.memory_space<vmem_shared>>
      %dma_start3A_332 = tpu.memref_squeeze %dma_start3A_331 : memref<1x10240xi32, #tpu.memory_space<vmem_shared>> -> memref<10240xi32, #tpu.memory_space<vmem_shared>>
      tpu.enqueue_dma source(%arg8 : memref<10240xi32, #tpu.memory_space<vmem>>) target(%dma_start3A_332 : memref<10240xi32, #tpu.memory_space<vmem_shared>>) target_semaphore(%run_scoped3A_327 : memref<!tpu.dma_semaphore, #tpu.memory_space<semaphore_mem>>)
      %dma_wait3A = arith.constant 0 : i32
      %dma_wait3A_333 = tpu.memref_slice %arg19[%arg1, %dma_wait3A] : memref<16x10240xi32, #tpu.memory_space<vmem_shared>> -> memref<1x10240xi32, #tpu.memory_space<vmem_shared>>
      %dma_wait3A_334 = tpu.memref_squeeze %dma_wait3A_333 : memref<1x10240xi32, #tpu.memory_space<vmem_shared>> -> memref<10240xi32, #tpu.memory_space<vmem_shared>>
      %dma_wait3A_335 = arith.constant 0 : i32
      %dma_wait3A_336 = tpu.memref_slice %arg19[%arg1, %dma_wait3A_335] : memref<16x10240xi32, #tpu.memory_space<vmem_shared>> -> memref<1x10240xi32, #tpu.memory_space<vmem_shared>>
      %dma_wait3A_337 = tpu.memref_squeeze %dma_wait3A_336 : memref<1x10240xi32, #tpu.memory_space<vmem_shared>> -> memref<10240xi32, #tpu.memory_space<vmem_shared>>
      tpu.wait_dma2 semaphore(%run_scoped3A_327 : memref<!tpu.dma_semaphore, #tpu.memory_space<semaphore_mem>>) src(%arg8 : memref<10240xi32, #tpu.memory_space<vmem>>) dst(%dma_wait3A_337 : memref<10240xi32, #tpu.memory_space<vmem_shared>>)
      tpu.yield
    }) : () -> ()
    %barrier3A = arith.constant 0 : index
    tpu.barrier barrier_id(%barrier3A)
    %run_scoped3A = arith.constant 0 : i32
    %run_scoped3A_17 = arith.constant 0 : i32
    "tpu.region"() ({
      %run_scoped3A_327 = tpu.sem_alloc : memref<!tpu.dma_semaphore, #tpu.memory_space<semaphore_mem>>
      %dma_start3A = arith.constant 0 : i32
      %dma_start3A_328 = tpu.memref_slice %arg10[%run_scoped3A_17, %dma_start3A] : memref<16x640xi32, #tpu.memory_space<vmem>> -> memref<1x640xi32, #tpu.memory_space<vmem>>
      %dma_start3A_329 = tpu.memref_squeeze %dma_start3A_328 : memref<1x640xi32, #tpu.memory_space<vmem>> -> memref<640xi32, #tpu.memory_space<vmem>>
      %dma_start3A_330 = tpu.memref_slice %arg19[%run_scoped3A, %mul3A_2] : memref<16x10240xi32, #tpu.memory_space<vmem_shared>> -> memref<1x640xi32, #tpu.memory_space<vmem_shared>>
      %dma_start3A_331 = tpu.memref_squeeze %dma_start3A_330 : memref<1x640xi32, #tpu.memory_space<vmem_shared>> -> memref<640xi32, #tpu.memory_space<vmem_shared>>
      %dma_start3A_332 = arith.constant 0 : i32
      %dma_start3A_333 = tpu.memref_slice %arg10[%run_scoped3A_17, %dma_start3A_332] : memref<16x640xi32, #tpu.memory_space<vmem>> -> memref<1x640xi32, #tpu.memory_space<vmem>>
      %dma_start3A_334 = tpu.memref_squeeze %dma_start3A_333 : memref<1x640xi32, #tpu.memory_space<vmem>> -> memref<640xi32, #tpu.memory_space<vmem>>
      %dma_start3A_335 = tpu.memref_slice %arg19[%run_scoped3A, %mul3A_2] : memref<16x10240xi32, #tpu.memory_space<vmem_shared>> -> memref<1x640xi32, #tpu.memory_space<vmem_shared>>
      %dma_start3A_336 = tpu.memref_squeeze %dma_start3A_335 : memref<1x640xi32, #tpu.memory_space<vmem_shared>> -> memref<640xi32, #tpu.memory_space<vmem_shared>>
      tpu.enqueue_dma source(%dma_start3A_336 : memref<640xi32, #tpu.memory_space<vmem_shared>>) target(%dma_start3A_334 : memref<640xi32, #tpu.memory_space<vmem>>) target_semaphore(%run_scoped3A_327 : memref<!tpu.dma_semaphore, #tpu.memory_space<semaphore_mem>>)
      %dma_wait3A = arith.constant 0 : i32
      %dma_wait3A_337 = tpu.memref_slice %arg10[%run_scoped3A_17, %dma_wait3A] : memref<16x640xi32, #tpu.memory_space<vmem>> -> memref<1x640xi32, #tpu.memory_space<vmem>>
      %dma_wait3A_338 = tpu.memref_squeeze %dma_wait3A_337 : memref<1x640xi32, #tpu.memory_space<vmem>> -> memref<640xi32, #tpu.memory_space<vmem>>
      %dma_wait3A_339 = tpu.memref_slice %arg19[%run_scoped3A, %mul3A_2] : memref<16x10240xi32, #tpu.memory_space<vmem_shared>> -> memref<1x640xi32, #tpu.memory_space<vmem_shared>>
      %dma_wait3A_340 = tpu.memref_squeeze %dma_wait3A_339 : memref<1x640xi32, #tpu.memory_space<vmem_shared>> -> memref<640xi32, #tpu.memory_space<vmem_shared>>
      %dma_wait3A_341 = arith.constant 0 : i32
      %dma_wait3A_342 = tpu.memref_slice %arg10[%run_scoped3A_17, %dma_wait3A_341] : memref<16x640xi32, #tpu.memory_space<vmem>> -> memref<1x640xi32, #tpu.memory_space<vmem>>
      %dma_wait3A_343 = tpu.memref_squeeze %dma_wait3A_342 : memref<1x640xi32, #tpu.memory_space<vmem>> -> memref<640xi32, #tpu.memory_space<vmem>>
      %dma_wait3A_344 = tpu.memref_slice %arg19[%run_scoped3A, %mul3A_2] : memref<16x10240xi32, #tpu.memory_space<vmem_shared>> -> memref<1x640xi32, #tpu.memory_space<vmem_shared>>
      %dma_wait3A_345 = tpu.memref_squeeze %dma_wait3A_344 : memref<1x640xi32, #tpu.memory_space<vmem_shared>> -> memref<640xi32, #tpu.memory_space<vmem_shared>>
      tpu.wait_dma2 semaphore(%run_scoped3A_327 : memref<!tpu.dma_semaphore, #tpu.memory_space<semaphore_mem>>) src(%dma_wait3A_345 : memref<640xi32, #tpu.memory_space<vmem_shared>>) dst(%dma_wait3A_343 : memref<640xi32, #tpu.memory_space<vmem>>)
      tpu.yield
    }) : () -> ()
    %run_scoped3A_18 = arith.constant 1 : i32
    %run_scoped3A_19 = arith.constant 1 : i32
    "tpu.region"() ({
      %run_scoped3A_327 = tpu.sem_alloc : memref<!tpu.dma_semaphore, #tpu.memory_space<semaphore_mem>>
      %dma_start3A = arith.constant 0 : i32
      %dma_start3A_328 = tpu.memref_slice %arg10[%run_scoped3A_19, %dma_start3A] : memref<16x640xi32, #tpu.memory_space<vmem>> -> memref<1x640xi32, #tpu.memory_space<vmem>>
      %dma_start3A_329 = tpu.memref_squeeze %dma_start3A_328 : memref<1x640xi32, #tpu.memory_space<vmem>> -> memref<640xi32, #tpu.memory_space<vmem>>
      %dma_start3A_330 = tpu.memref_slice %arg19[%run_scoped3A_18, %mul3A_2] : memref<16x10240xi32, #tpu.memory_space<vmem_shared>> -> memref<1x640xi32, #tpu.memory_space<vmem_shared>>
      %dma_start3A_331 = tpu.memref_squeeze %dma_start3A_330 : memref<1x640xi32, #tpu.memory_space<vmem_shared>> -> memref<640xi32, #tpu.memory_space<vmem_shared>>
      %dma_start3A_332 = arith.constant 0 : i32
      %dma_start3A_333 = tpu.memref_slice %arg10[%run_scoped3A_19, %dma_start3A_332] : memref<16x640xi32, #tpu.memory_space<vmem>> -> memref<1x640xi32, #tpu.memory_space<vmem>>
      %dma_start3A_334 = tpu.memref_squeeze %dma_start3A_333 : memref<1x640xi32, #tpu.memory_space<vmem>> -> memref<640xi32, #tpu.memory_space<vmem>>
      %dma_start3A_335 = tpu.memref_slice %arg19[%run_scoped3A_18, %mul3A_2] : memref<16x10240xi32, #tpu.memory_space<vmem_shared>> -> memref<1x640xi32, #tpu.memory_space<vmem_shared>>
      %dma_start3A_336 = tpu.memref_squeeze %dma_start3A_335 : memref<1x640xi32, #tpu.memory_space<vmem_shared>> -> memref<640xi32, #tpu.memory_space<vmem_shared>>
      tpu.enqueue_dma source(%dma_start3A_336 : memref<640xi32, #tpu.memory_space<vmem_shared>>) target(%dma_start3A_334 : memref<640xi32, #tpu.memory_space<vmem>>) target_semaphore(%run_scoped3A_327 : memref<!tpu.dma_semaphore, #tpu.memory_space<semaphore_mem>>)
      %dma_wait3A = arith.constant 0 : i32
      %dma_wait3A_337 = tpu.memref_slice %arg10[%run_scoped3A_19, %dma_wait3A] : memref<16x640xi32, #tpu.memory_space<vmem>> -> memref<1x640xi32, #tpu.memory_space<vmem>>
      %dma_wait3A_338 = tpu.memref_squeeze %dma_wait3A_337 : memref<1x640xi32, #tpu.memory_space<vmem>> -> memref<640xi32, #tpu.memory_space<vmem>>
      %dma_wait3A_339 = tpu.memref_slice %arg19[%run_scoped3A_18, %mul3A_2] : memref<16x10240xi32, #tpu.memory_space<vmem_shared>> -> memref<1x640xi32, #tpu.memory_space<vmem_shared>>
      %dma_wait3A_340 = tpu.memref_squeeze %dma_wait3A_339 : memref<1x640xi32, #tpu.memory_space<vmem_shared>> -> memref<640xi32, #tpu.memory_space<vmem_shared>>
      %dma_wait3A_341 = arith.constant 0 : i32
      %dma_wait3A_342 = tpu.memref_slice %arg10[%run_scoped3A_19, %dma_wait3A_341] : memref<16x640xi32, #tpu.memory_space<vmem>> -> memref<1x640xi32, #tpu.memory_space<vmem>>
      %dma_wait3A_343 = tpu.memref_squeeze %dma_wait3A_342 : memref<1x640xi32, #tpu.memory_space<vmem>> -> memref<640xi32, #tpu.memory_space<vmem>>
      %dma_wait3A_344 = tpu.memref_slice %arg19[%run_scoped3A_18, %mul3A_2] : memref<16x10240xi32, #tpu.memory_space<vmem_shared>> -> memref<1x640xi32, #tpu.memory_space<vmem_shared>>
      %dma_wait3A_345 = tpu.memref_squeeze %dma_wait3A_344 : memref<1x640xi32, #tpu.memory_space<vmem_shared>> -> memref<640xi32, #tpu.memory_space<vmem_shared>>
      tpu.wait_dma2 semaphore(%run_scoped3A_327 : memref<!tpu.dma_semaphore, #tpu.memory_space<semaphore_mem>>) src(%dma_wait3A_345 : memref<640xi32, #tpu.memory_space<vmem_shared>>) dst(%dma_wait3A_343 : memref<640xi32, #tpu.memory_space<vmem>>)
      tpu.yield
    }) : () -> ()
    %run_scoped3A_20 = arith.constant 2 : i32
    %run_scoped3A_21 = arith.constant 2 : i32
    "tpu.region"() ({
      %run_scoped3A_327 = tpu.sem_alloc : memref<!tpu.dma_semaphore, #tpu.memory_space<semaphore_mem>>
      %dma_start3A = arith.constant 0 : i32
      %dma_start3A_328 = tpu.memref_slice %arg10[%run_scoped3A_21, %dma_start3A] : memref<16x640xi32, #tpu.memory_space<vmem>> -> memref<1x640xi32, #tpu.memory_space<vmem>>
      %dma_start3A_329 = tpu.memref_squeeze %dma_start3A_328 : memref<1x640xi32, #tpu.memory_space<vmem>> -> memref<640xi32, #tpu.memory_space<vmem>>
      %dma_start3A_330 = tpu.memref_slice %arg19[%run_scoped3A_20, %mul3A_2] : memref<16x10240xi32, #tpu.memory_space<vmem_shared>> -> memref<1x640xi32, #tpu.memory_space<vmem_shared>>
      %dma_start3A_331 = tpu.memref_squeeze %dma_start3A_330 : memref<1x640xi32, #tpu.memory_space<vmem_shared>> -> memref<640xi32, #tpu.memory_space<vmem_shared>>
      %dma_start3A_332 = arith.constant 0 : i32
      %dma_start3A_333 = tpu.memref_slice %arg10[%run_scoped3A_21, %dma_start3A_332] : memref<16x640xi32, #tpu.memory_space<vmem>> -> memref<1x640xi32, #tpu.memory_space<vmem>>
      %dma_start3A_334 = tpu.memref_squeeze %dma_start3A_333 : memref<1x640xi32, #tpu.memory_space<vmem>> -> memref<640xi32, #tpu.memory_space<vmem>>
      %dma_start3A_335 = tpu.memref_slice %arg19[%run_scoped3A_20, %mul3A_2] : memref<16x10240xi32, #tpu.memory_space<vmem_shared>> -> memref<1x640xi32, #tpu.memory_space<vmem_shared>>
      %dma_start3A_336 = tpu.memref_squeeze %dma_start3A_335 : memref<1x640xi32, #tpu.memory_space<vmem_shared>> -> memref<640xi32, #tpu.memory_space<vmem_shared>>
      tpu.enqueue_dma source(%dma_start3A_336 : memref<640xi32, #tpu.memory_space<vmem_shared>>) target(%dma_start3A_334 : memref<640xi32, #tpu.memory_space<vmem>>) target_semaphore(%run_scoped3A_327 : memref<!tpu.dma_semaphore, #tpu.memory_space<semaphore_mem>>)
      %dma_wait3A = arith.constant 0 : i32
      %dma_wait3A_337 = tpu.memref_slice %arg10[%run_scoped3A_21, %dma_wait3A] : memref<16x640xi32, #tpu.memory_space<vmem>> -> memref<1x640xi32, #tpu.memory_space<vmem>>
      %dma_wait3A_338 = tpu.memref_squeeze %dma_wait3A_337 : memref<1x640xi32, #tpu.memory_space<vmem>> -> memref<640xi32, #tpu.memory_space<vmem>>
      %dma_wait3A_339 = tpu.memref_slice %arg19[%run_scoped3A_20, %mul3A_2] : memref<16x10240xi32, #tpu.memory_space<vmem_shared>> -> memref<1x640xi32, #tpu.memory_space<vmem_shared>>
      %dma_wait3A_340 = tpu.memref_squeeze %dma_wait3A_339 : memref<1x640xi32, #tpu.memory_space<vmem_shared>> -> memref<640xi32, #tpu.memory_space<vmem_shared>>
      %dma_wait3A_341 = arith.constant 0 : i32
      %dma_wait3A_342 = tpu.memref_slice %arg10[%run_scoped3A_21, %dma_wait3A_341] : memref<16x640xi32, #tpu.memory_space<vmem>> -> memref<1x640xi32, #tpu.memory_space<vmem>>
      %dma_wait3A_343 = tpu.memref_squeeze %dma_wait3A_342 : memref<1x640xi32, #tpu.memory_space<vmem>> -> memref<640xi32, #tpu.memory_space<vmem>>
      %dma_wait3A_344 = tpu.memref_slice %arg19[%run_scoped3A_20, %mul3A_2] : memref<16x10240xi32, #tpu.memory_space<vmem_shared>> -> memref<1x640xi32, #tpu.memory_space<vmem_shared>>
      %dma_wait3A_345 = tpu.memref_squeeze %dma_wait3A_344 : memref<1x640xi32, #tpu.memory_space<vmem_shared>> -> memref<640xi32, #tpu.memory_space<vmem_shared>>
      tpu.wait_dma2 semaphore(%run_scoped3A_327 : memref<!tpu.dma_semaphore, #tpu.memory_space<semaphore_mem>>) src(%dma_wait3A_345 : memref<640xi32, #tpu.memory_space<vmem_shared>>) dst(%dma_wait3A_343 : memref<640xi32, #tpu.memory_space<vmem>>)
      tpu.yield
    }) : () -> ()
    %run_scoped3A_22 = arith.constant 3 : i32
    %run_scoped3A_23 = arith.constant 3 : i32
    "tpu.region"() ({
      %run_scoped3A_327 = tpu.sem_alloc : memref<!tpu.dma_semaphore, #tpu.memory_space<semaphore_mem>>
      %dma_start3A = arith.constant 0 : i32
      %dma_start3A_328 = tpu.memref_slice %arg10[%run_scoped3A_23, %dma_start3A] : memref<16x640xi32, #tpu.memory_space<vmem>> -> memref<1x640xi32, #tpu.memory_space<vmem>>
      %dma_start3A_329 = tpu.memref_squeeze %dma_start3A_328 : memref<1x640xi32, #tpu.memory_space<vmem>> -> memref<640xi32, #tpu.memory_space<vmem>>
      %dma_start3A_330 = tpu.memref_slice %arg19[%run_scoped3A_22, %mul3A_2] : memref<16x10240xi32, #tpu.memory_space<vmem_shared>> -> memref<1x640xi32, #tpu.memory_space<vmem_shared>>
      %dma_start3A_331 = tpu.memref_squeeze %dma_start3A_330 : memref<1x640xi32, #tpu.memory_space<vmem_shared>> -> memref<640xi32, #tpu.memory_space<vmem_shared>>
      %dma_start3A_332 = arith.constant 0 : i32
      %dma_start3A_333 = tpu.memref_slice %arg10[%run_scoped3A_23, %dma_start3A_332] : memref<16x640xi32, #tpu.memory_space<vmem>> -> memref<1x640xi32, #tpu.memory_space<vmem>>
      %dma_start3A_334 = tpu.memref_squeeze %dma_start3A_333 : memref<1x640xi32, #tpu.memory_space<vmem>> -> memref<640xi32, #tpu.memory_space<vmem>>
      %dma_start3A_335 = tpu.memref_slice %arg19[%run_scoped3A_22, %mul3A_2] : memref<16x10240xi32, #tpu.memory_space<vmem_shared>> -> memref<1x640xi32, #tpu.memory_space<vmem_shared>>
      %dma_start3A_336 = tpu.memref_squeeze %dma_start3A_335 : memref<1x640xi32, #tpu.memory_space<vmem_shared>> -> memref<640xi32, #tpu.memory_space<vmem_shared>>
      tpu.enqueue_dma source(%dma_start3A_336 : memref<640xi32, #tpu.memory_space<vmem_shared>>) target(%dma_start3A_334 : memref<640xi32, #tpu.memory_space<vmem>>) target_semaphore(%run_scoped3A_327 : memref<!tpu.dma_semaphore, #tpu.memory_space<semaphore_mem>>)
      %dma_wait3A = arith.constant 0 : i32
      %dma_wait3A_337 = tpu.memref_slice %arg10[%run_scoped3A_23, %dma_wait3A] : memref<16x640xi32, #tpu.memory_space<vmem>> -> memref<1x640xi32, #tpu.memory_space<vmem>>
      %dma_wait3A_338 = tpu.memref_squeeze %dma_wait3A_337 : memref<1x640xi32, #tpu.memory_space<vmem>> -> memref<640xi32, #tpu.memory_space<vmem>>
      %dma_wait3A_339 = tpu.memref_slice %arg19[%run_scoped3A_22, %mul3A_2] : memref<16x10240xi32, #tpu.memory_space<vmem_shared>> -> memref<1x640xi32, #tpu.memory_space<vmem_shared>>
      %dma_wait3A_340 = tpu.memref_squeeze %dma_wait3A_339 : memref<1x640xi32, #tpu.memory_space<vmem_shared>> -> memref<640xi32, #tpu.memory_space<vmem_shared>>
      %dma_wait3A_341 = arith.constant 0 : i32
      %dma_wait3A_342 = tpu.memref_slice %arg10[%run_scoped3A_23, %dma_wait3A_341] : memref<16x640xi32, #tpu.memory_space<vmem>> -> memref<1x640xi32, #tpu.memory_space<vmem>>
      %dma_wait3A_343 = tpu.memref_squeeze %dma_wait3A_342 : memref<1x640xi32, #tpu.memory_space<vmem>> -> memref<640xi32, #tpu.memory_space<vmem>>
      %dma_wait3A_344 = tpu.memref_slice %arg19[%run_scoped3A_22, %mul3A_2] : memref<16x10240xi32, #tpu.memory_space<vmem_shared>> -> memref<1x640xi32, #tpu.memory_space<vmem_shared>>
      %dma_wait3A_345 = tpu.memref_squeeze %dma_wait3A_344 : memref<1x640xi32, #tpu.memory_space<vmem_shared>> -> memref<640xi32, #tpu.memory_space<vmem_shared>>
      tpu.wait_dma2 semaphore(%run_scoped3A_327 : memref<!tpu.dma_semaphore, #tpu.memory_space<semaphore_mem>>) src(%dma_wait3A_345 : memref<640xi32, #tpu.memory_space<vmem_shared>>) dst(%dma_wait3A_343 : memref<640xi32, #tpu.memory_space<vmem>>)
      tpu.yield
    }) : () -> ()
    %run_scoped3A_24 = arith.constant 4 : i32
    %run_scoped3A_25 = arith.constant 4 : i32
    "tpu.region"() ({
      %run_scoped3A_327 = tpu.sem_alloc : memref<!tpu.dma_semaphore, #tpu.memory_space<semaphore_mem>>
      %dma_start3A = arith.constant 0 : i32
      %dma_start3A_328 = tpu.memref_slice %arg10[%run_scoped3A_25, %dma_start3A] : memref<16x640xi32, #tpu.memory_space<vmem>> -> memref<1x640xi32, #tpu.memory_space<vmem>>
      %dma_start3A_329 = tpu.memref_squeeze %dma_start3A_328 : memref<1x640xi32, #tpu.memory_space<vmem>> -> memref<640xi32, #tpu.memory_space<vmem>>
      %dma_start3A_330 = tpu.memref_slice %arg19[%run_scoped3A_24, %mul3A_2] : memref<16x10240xi32, #tpu.memory_space<vmem_shared>> -> memref<1x640xi32, #tpu.memory_space<vmem_shared>>
      %dma_start3A_331 = tpu.memref_squeeze %dma_start3A_330 : memref<1x640xi32, #tpu.memory_space<vmem_shared>> -> memref<640xi32, #tpu.memory_space<vmem_shared>>
      %dma_start3A_332 = arith.constant 0 : i32
      %dma_start3A_333 = tpu.memref_slice %arg10[%run_scoped3A_25, %dma_start3A_332] : memref<16x640xi32, #tpu.memory_space<vmem>> -> memref<1x640xi32, #tpu.memory_space<vmem>>
      %dma_start3A_334 = tpu.memref_squeeze %dma_start3A_333 : memref<1x640xi32, #tpu.memory_space<vmem>> -> memref<640xi32, #tpu.memory_space<vmem>>
      %dma_start3A_335 = tpu.memref_slice %arg19[%run_scoped3A_24, %mul3A_2] : memref<16x10240xi32, #tpu.memory_space<vmem_shared>> -> memref<1x640xi32, #tpu.memory_space<vmem_shared>>
      %dma_start3A_336 = tpu.memref_squeeze %dma_start3A_335 : memref<1x640xi32, #tpu.memory_space<vmem_shared>> -> memref<640xi32, #tpu.memory_space<vmem_shared>>
      tpu.enqueue_dma source(%dma_start3A_336 : memref<640xi32, #tpu.memory_space<vmem_shared>>) target(%dma_start3A_334 : memref<640xi32, #tpu.memory_space<vmem>>) target_semaphore(%run_scoped3A_327 : memref<!tpu.dma_semaphore, #tpu.memory_space<semaphore_mem>>)
      %dma_wait3A = arith.constant 0 : i32
      %dma_wait3A_337 = tpu.memref_slice %arg10[%run_scoped3A_25, %dma_wait3A] : memref<16x640xi32, #tpu.memory_space<vmem>> -> memref<1x640xi32, #tpu.memory_space<vmem>>
      %dma_wait3A_338 = tpu.memref_squeeze %dma_wait3A_337 : memref<1x640xi32, #tpu.memory_space<vmem>> -> memref<640xi32, #tpu.memory_space<vmem>>
      %dma_wait3A_339 = tpu.memref_slice %arg19[%run_scoped3A_24, %mul3A_2] : memref<16x10240xi32, #tpu.memory_space<vmem_shared>> -> memref<1x640xi32, #tpu.memory_space<vmem_shared>>
      %dma_wait3A_340 = tpu.memref_squeeze %dma_wait3A_339 : memref<1x640xi32, #tpu.memory_space<vmem_shared>> -> memref<640xi32, #tpu.memory_space<vmem_shared>>
      %dma_wait3A_341 = arith.constant 0 : i32
      %dma_wait3A_342 = tpu.memref_slice %arg10[%run_scoped3A_25, %dma_wait3A_341] : memref<16x640xi32, #tpu.memory_space<vmem>> -> memref<1x640xi32, #tpu.memory_space<vmem>>
      %dma_wait3A_343 = tpu.memref_squeeze %dma_wait3A_342 : memref<1x640xi32, #tpu.memory_space<vmem>> -> memref<640xi32, #tpu.memory_space<vmem>>
      %dma_wait3A_344 = tpu.memref_slice %arg19[%run_scoped3A_24, %mul3A_2] : memref<16x10240xi32, #tpu.memory_space<vmem_shared>> -> memref<1x640xi32, #tpu.memory_space<vmem_shared>>
      %dma_wait3A_345 = tpu.memref_squeeze %dma_wait3A_344 : memref<1x640xi32, #tpu.memory_space<vmem_shared>> -> memref<640xi32, #tpu.memory_space<vmem_shared>>
      tpu.wait_dma2 semaphore(%run_scoped3A_327 : memref<!tpu.dma_semaphore, #tpu.memory_space<semaphore_mem>>) src(%dma_wait3A_345 : memref<640xi32, #tpu.memory_space<vmem_shared>>) dst(%dma_wait3A_343 : memref<640xi32, #tpu.memory_space<vmem>>)
      tpu.yield
    }) : () -> ()
    %run_scoped3A_26 = arith.constant 5 : i32
    %run_scoped3A_27 = arith.constant 5 : i32
    "tpu.region"() ({
      %run_scoped3A_327 = tpu.sem_alloc : memref<!tpu.dma_semaphore, #tpu.memory_space<semaphore_mem>>
      %dma_start3A = arith.constant 0 : i32
      %dma_start3A_328 = tpu.memref_slice %arg10[%run_scoped3A_27, %dma_start3A] : memref<16x640xi32, #tpu.memory_space<vmem>> -> memref<1x640xi32, #tpu.memory_space<vmem>>
      %dma_start3A_329 = tpu.memref_squeeze %dma_start3A_328 : memref<1x640xi32, #tpu.memory_space<vmem>> -> memref<640xi32, #tpu.memory_space<vmem>>
      %dma_start3A_330 = tpu.memref_slice %arg19[%run_scoped3A_26, %mul3A_2] : memref<16x10240xi32, #tpu.memory_space<vmem_shared>> -> memref<1x640xi32, #tpu.memory_space<vmem_shared>>
      %dma_start3A_331 = tpu.memref_squeeze %dma_start3A_330 : memref<1x640xi32, #tpu.memory_space<vmem_shared>> -> memref<640xi32, #tpu.memory_space<vmem_shared>>
      %dma_start3A_332 = arith.constant 0 : i32
      %dma_start3A_333 = tpu.memref_slice %arg10[%run_scoped3A_27, %dma_start3A_332] : memref<16x640xi32, #tpu.memory_space<vmem>> -> memref<1x640xi32, #tpu.memory_space<vmem>>
      %dma_start3A_334 = tpu.memref_squeeze %dma_start3A_333 : memref<1x640xi32, #tpu.memory_space<vmem>> -> memref<640xi32, #tpu.memory_space<vmem>>
      %dma_start3A_335 = tpu.memref_slice %arg19[%run_scoped3A_26, %mul3A_2] : memref<16x10240xi32, #tpu.memory_space<vmem_shared>> -> memref<1x640xi32, #tpu.memory_space<vmem_shared>>
      %dma_start3A_336 = tpu.memref_squeeze %dma_start3A_335 : memref<1x640xi32, #tpu.memory_space<vmem_shared>> -> memref<640xi32, #tpu.memory_space<vmem_shared>>
      tpu.enqueue_dma source(%dma_start3A_336 : memref<640xi32, #tpu.memory_space<vmem_shared>>) target(%dma_start3A_334 : memref<640xi32, #tpu.memory_space<vmem>>) target_semaphore(%run_scoped3A_327 : memref<!tpu.dma_semaphore, #tpu.memory_space<semaphore_mem>>)
      %dma_wait3A = arith.constant 0 : i32
      %dma_wait3A_337 = tpu.memref_slice %arg10[%run_scoped3A_27, %dma_wait3A] : memref<16x640xi32, #tpu.memory_space<vmem>> -> memref<1x640xi32, #tpu.memory_space<vmem>>
      %dma_wait3A_338 = tpu.memref_squeeze %dma_wait3A_337 : memref<1x640xi32, #tpu.memory_space<vmem>> -> memref<640xi32, #tpu.memory_space<vmem>>
      %dma_wait3A_339 = tpu.memref_slice %arg19[%run_scoped3A_26, %mul3A_2] : memref<16x10240xi32, #tpu.memory_space<vmem_shared>> -> memref<1x640xi32, #tpu.memory_space<vmem_shared>>
      %dma_wait3A_340 = tpu.memref_squeeze %dma_wait3A_339 : memref<1x640xi32, #tpu.memory_space<vmem_shared>> -> memref<640xi32, #tpu.memory_space<vmem_shared>>
      %dma_wait3A_341 = arith.constant 0 : i32
      %dma_wait3A_342 = tpu.memref_slice %arg10[%run_scoped3A_27, %dma_wait3A_341] : memref<16x640xi32, #tpu.memory_space<vmem>> -> memref<1x640xi32, #tpu.memory_space<vmem>>
      %dma_wait3A_343 = tpu.memref_squeeze %dma_wait3A_342 : memref<1x640xi32, #tpu.memory_space<vmem>> -> memref<640xi32, #tpu.memory_space<vmem>>
      %dma_wait3A_344 = tpu.memref_slice %arg19[%run_scoped3A_26, %mul3A_2] : memref<16x10240xi32, #tpu.memory_space<vmem_shared>> -> memref<1x640xi32, #tpu.memory_space<vmem_shared>>
      %dma_wait3A_345 = tpu.memref_squeeze %dma_wait3A_344 : memref<1x640xi32, #tpu.memory_space<vmem_shared>> -> memref<640xi32, #tpu.memory_space<vmem_shared>>
      tpu.wait_dma2 semaphore(%run_scoped3A_327 : memref<!tpu.dma_semaphore, #tpu.memory_space<semaphore_mem>>) src(%dma_wait3A_345 : memref<640xi32, #tpu.memory_space<vmem_shared>>) dst(%dma_wait3A_343 : memref<640xi32, #tpu.memory_space<vmem>>)
      tpu.yield
    }) : () -> ()
    %run_scoped3A_28 = arith.constant 6 : i32
    %run_scoped3A_29 = arith.constant 6 : i32
    "tpu.region"() ({
      %run_scoped3A_327 = tpu.sem_alloc : memref<!tpu.dma_semaphore, #tpu.memory_space<semaphore_mem>>
      %dma_start3A = arith.constant 0 : i32
      %dma_start3A_328 = tpu.memref_slice %arg10[%run_scoped3A_29, %dma_start3A] : memref<16x640xi32, #tpu.memory_space<vmem>> -> memref<1x640xi32, #tpu.memory_space<vmem>>
      %dma_start3A_329 = tpu.memref_squeeze %dma_start3A_328 : memref<1x640xi32, #tpu.memory_space<vmem>> -> memref<640xi32, #tpu.memory_space<vmem>>
      %dma_start3A_330 = tpu.memref_slice %arg19[%run_scoped3A_28, %mul3A_2] : memref<16x10240xi32, #tpu.memory_space<vmem_shared>> -> memref<1x640xi32, #tpu.memory_space<vmem_shared>>
      %dma_start3A_331 = tpu.memref_squeeze %dma_start3A_330 : memref<1x640xi32, #tpu.memory_space<vmem_shared>> -> memref<640xi32, #tpu.memory_space<vmem_shared>>
      %dma_start3A_332 = arith.constant 0 : i32
      %dma_start3A_333 = tpu.memref_slice %arg10[%run_scoped3A_29, %dma_start3A_332] : memref<16x640xi32, #tpu.memory_space<vmem>> -> memref<1x640xi32, #tpu.memory_space<vmem>>
      %dma_start3A_334 = tpu.memref_squeeze %dma_start3A_333 : memref<1x640xi32, #tpu.memory_space<vmem>> -> memref<640xi32, #tpu.memory_space<vmem>>
      %dma_start3A_335 = tpu.memref_slice %arg19[%run_scoped3A_28, %mul3A_2] : memref<16x10240xi32, #tpu.memory_space<vmem_shared>> -> memref<1x640xi32, #tpu.memory_space<vmem_shared>>
      %dma_start3A_336 = tpu.memref_squeeze %dma_start3A_335 : memref<1x640xi32, #tpu.memory_space<vmem_shared>> -> memref<640xi32, #tpu.memory_space<vmem_shared>>
      tpu.enqueue_dma source(%dma_start3A_336 : memref<640xi32, #tpu.memory_space<vmem_shared>>) target(%dma_start3A_334 : memref<640xi32, #tpu.memory_space<vmem>>) target_semaphore(%run_scoped3A_327 : memref<!tpu.dma_semaphore, #tpu.memory_space<semaphore_mem>>)
      %dma_wait3A = arith.constant 0 : i32
      %dma_wait3A_337 = tpu.memref_slice %arg10[%run_scoped3A_29, %dma_wait3A] : memref<16x640xi32, #tpu.memory_space<vmem>> -> memref<1x640xi32, #tpu.memory_space<vmem>>
      %dma_wait3A_338 = tpu.memref_squeeze %dma_wait3A_337 : memref<1x640xi32, #tpu.memory_space<vmem>> -> memref<640xi32, #tpu.memory_space<vmem>>
      %dma_wait3A_339 = tpu.memref_slice %arg19[%run_scoped3A_28, %mul3A_2] : memref<16x10240xi32, #tpu.memory_space<vmem_shared>> -> memref<1x640xi32, #tpu.memory_space<vmem_shared>>
      %dma_wait3A_340 = tpu.memref_squeeze %dma_wait3A_339 : memref<1x640xi32, #tpu.memory_space<vmem_shared>> -> memref<640xi32, #tpu.memory_space<vmem_shared>>
      %dma_wait3A_341 = arith.constant 0 : i32
      %dma_wait3A_342 = tpu.memref_slice %arg10[%run_scoped3A_29, %dma_wait3A_341] : memref<16x640xi32, #tpu.memory_space<vmem>> -> memref<1x640xi32, #tpu.memory_space<vmem>>
      %dma_wait3A_343 = tpu.memref_squeeze %dma_wait3A_342 : memref<1x640xi32, #tpu.memory_space<vmem>> -> memref<640xi32, #tpu.memory_space<vmem>>
      %dma_wait3A_344 = tpu.memref_slice %arg19[%run_scoped3A_28, %mul3A_2] : memref<16x10240xi32, #tpu.memory_space<vmem_shared>> -> memref<1x640xi32, #tpu.memory_space<vmem_shared>>
      %dma_wait3A_345 = tpu.memref_squeeze %dma_wait3A_344 : memref<1x640xi32, #tpu.memory_space<vmem_shared>> -> memref<640xi32, #tpu.memory_space<vmem_shared>>
      tpu.wait_dma2 semaphore(%run_scoped3A_327 : memref<!tpu.dma_semaphore, #tpu.memory_space<semaphore_mem>>) src(%dma_wait3A_345 : memref<640xi32, #tpu.memory_space<vmem_shared>>) dst(%dma_wait3A_343 : memref<640xi32, #tpu.memory_space<vmem>>)
      tpu.yield
    }) : () -> ()
    %run_scoped3A_30 = arith.constant 7 : i32
    %run_scoped3A_31 = arith.constant 7 : i32
    "tpu.region"() ({
      %run_scoped3A_327 = tpu.sem_alloc : memref<!tpu.dma_semaphore, #tpu.memory_space<semaphore_mem>>
      %dma_start3A = arith.constant 0 : i32
      %dma_start3A_328 = tpu.memref_slice %arg10[%run_scoped3A_31, %dma_start3A] : memref<16x640xi32, #tpu.memory_space<vmem>> -> memref<1x640xi32, #tpu.memory_space<vmem>>
      %dma_start3A_329 = tpu.memref_squeeze %dma_start3A_328 : memref<1x640xi32, #tpu.memory_space<vmem>> -> memref<640xi32, #tpu.memory_space<vmem>>
      %dma_start3A_330 = tpu.memref_slice %arg19[%run_scoped3A_30, %mul3A_2] : memref<16x10240xi32, #tpu.memory_space<vmem_shared>> -> memref<1x640xi32, #tpu.memory_space<vmem_shared>>
      %dma_start3A_331 = tpu.memref_squeeze %dma_start3A_330 : memref<1x640xi32, #tpu.memory_space<vmem_shared>> -> memref<640xi32, #tpu.memory_space<vmem_shared>>
      %dma_start3A_332 = arith.constant 0 : i32
      %dma_start3A_333 = tpu.memref_slice %arg10[%run_scoped3A_31, %dma_start3A_332] : memref<16x640xi32, #tpu.memory_space<vmem>> -> memref<1x640xi32, #tpu.memory_space<vmem>>
      %dma_start3A_334 = tpu.memref_squeeze %dma_start3A_333 : memref<1x640xi32, #tpu.memory_space<vmem>> -> memref<640xi32, #tpu.memory_space<vmem>>
      %dma_start3A_335 = tpu.memref_slice %arg19[%run_scoped3A_30, %mul3A_2] : memref<16x10240xi32, #tpu.memory_space<vmem_shared>> -> memref<1x640xi32, #tpu.memory_space<vmem_shared>>
      %dma_start3A_336 = tpu.memref_squeeze %dma_start3A_335 : memref<1x640xi32, #tpu.memory_space<vmem_shared>> -> memref<640xi32, #tpu.memory_space<vmem_shared>>
      tpu.enqueue_dma source(%dma_start3A_336 : memref<640xi32, #tpu.memory_space<vmem_shared>>) target(%dma_start3A_334 : memref<640xi32, #tpu.memory_space<vmem>>) target_semaphore(%run_scoped3A_327 : memref<!tpu.dma_semaphore, #tpu.memory_space<semaphore_mem>>)
      %dma_wait3A = arith.constant 0 : i32
      %dma_wait3A_337 = tpu.memref_slice %arg10[%run_scoped3A_31, %dma_wait3A] : memref<16x640xi32, #tpu.memory_space<vmem>> -> memref<1x640xi32, #tpu.memory_space<vmem>>
      %dma_wait3A_338 = tpu.memref_squeeze %dma_wait3A_337 : memref<1x640xi32, #tpu.memory_space<vmem>> -> memref<640xi32, #tpu.memory_space<vmem>>
      %dma_wait3A_339 = tpu.memref_slice %arg19[%run_scoped3A_30, %mul3A_2] : memref<16x10240xi32, #tpu.memory_space<vmem_shared>> -> memref<1x640xi32, #tpu.memory_space<vmem_shared>>
      %dma_wait3A_340 = tpu.memref_squeeze %dma_wait3A_339 : memref<1x640xi32, #tpu.memory_space<vmem_shared>> -> memref<640xi32, #tpu.memory_space<vmem_shared>>
      %dma_wait3A_341 = arith.constant 0 : i32
      %dma_wait3A_342 = tpu.memref_slice %arg10[%run_scoped3A_31, %dma_wait3A_341] : memref<16x640xi32, #tpu.memory_space<vmem>> -> memref<1x640xi32, #tpu.memory_space<vmem>>
      %dma_wait3A_343 = tpu.memref_squeeze %dma_wait3A_342 : memref<1x640xi32, #tpu.memory_space<vmem>> -> memref<640xi32, #tpu.memory_space<vmem>>
      %dma_wait3A_344 = tpu.memref_slice %arg19[%run_scoped3A_30, %mul3A_2] : memref<16x10240xi32, #tpu.memory_space<vmem_shared>> -> memref<1x640xi32, #tpu.memory_space<vmem_shared>>
      %dma_wait3A_345 = tpu.memref_squeeze %dma_wait3A_344 : memref<1x640xi32, #tpu.memory_space<vmem_shared>> -> memref<640xi32, #tpu.memory_space<vmem_shared>>
      tpu.wait_dma2 semaphore(%run_scoped3A_327 : memref<!tpu.dma_semaphore, #tpu.memory_space<semaphore_mem>>) src(%dma_wait3A_345 : memref<640xi32, #tpu.memory_space<vmem_shared>>) dst(%dma_wait3A_343 : memref<640xi32, #tpu.memory_space<vmem>>)
      tpu.yield
    }) : () -> ()
    %run_scoped3A_32 = arith.constant 8 : i32
    %run_scoped3A_33 = arith.constant 8 : i32
    "tpu.region"() ({
      %run_scoped3A_327 = tpu.sem_alloc : memref<!tpu.dma_semaphore, #tpu.memory_space<semaphore_mem>>
      %dma_start3A = arith.constant 0 : i32
      %dma_start3A_328 = tpu.memref_slice %arg10[%run_scoped3A_33, %dma_start3A] : memref<16x640xi32, #tpu.memory_space<vmem>> -> memref<1x640xi32, #tpu.memory_space<vmem>>
      %dma_start3A_329 = tpu.memref_squeeze %dma_start3A_328 : memref<1x640xi32, #tpu.memory_space<vmem>> -> memref<640xi32, #tpu.memory_space<vmem>>
      %dma_start3A_330 = tpu.memref_slice %arg19[%run_scoped3A_32, %mul3A_2] : memref<16x10240xi32, #tpu.memory_space<vmem_shared>> -> memref<1x640xi32, #tpu.memory_space<vmem_shared>>
      %dma_start3A_331 = tpu.memref_squeeze %dma_start3A_330 : memref<1x640xi32, #tpu.memory_space<vmem_shared>> -> memref<640xi32, #tpu.memory_space<vmem_shared>>
      %dma_start3A_332 = arith.constant 0 : i32
      %dma_start3A_333 = tpu.memref_slice %arg10[%run_scoped3A_33, %dma_start3A_332] : memref<16x640xi32, #tpu.memory_space<vmem>> -> memref<1x640xi32, #tpu.memory_space<vmem>>
      %dma_start3A_334 = tpu.memref_squeeze %dma_start3A_333 : memref<1x640xi32, #tpu.memory_space<vmem>> -> memref<640xi32, #tpu.memory_space<vmem>>
      %dma_start3A_335 = tpu.memref_slice %arg19[%run_scoped3A_32, %mul3A_2] : memref<16x10240xi32, #tpu.memory_space<vmem_shared>> -> memref<1x640xi32, #tpu.memory_space<vmem_shared>>
      %dma_start3A_336 = tpu.memref_squeeze %dma_start3A_335 : memref<1x640xi32, #tpu.memory_space<vmem_shared>> -> memref<640xi32, #tpu.memory_space<vmem_shared>>
      tpu.enqueue_dma source(%dma_start3A_336 : memref<640xi32, #tpu.memory_space<vmem_shared>>) target(%dma_start3A_334 : memref<640xi32, #tpu.memory_space<vmem>>) target_semaphore(%run_scoped3A_327 : memref<!tpu.dma_semaphore, #tpu.memory_space<semaphore_mem>>)
      %dma_wait3A = arith.constant 0 : i32
      %dma_wait3A_337 = tpu.memref_slice %arg10[%run_scoped3A_33, %dma_wait3A] : memref<16x640xi32, #tpu.memory_space<vmem>> -> memref<1x640xi32, #tpu.memory_space<vmem>>
      %dma_wait3A_338 = tpu.memref_squeeze %dma_wait3A_337 : memref<1x640xi32, #tpu.memory_space<vmem>> -> memref<640xi32, #tpu.memory_space<vmem>>
      %dma_wait3A_339 = tpu.memref_slice %arg19[%run_scoped3A_32, %mul3A_2] : memref<16x10240xi32, #tpu.memory_space<vmem_shared>> -> memref<1x640xi32, #tpu.memory_space<vmem_shared>>
      %dma_wait3A_340 = tpu.memref_squeeze %dma_wait3A_339 : memref<1x640xi32, #tpu.memory_space<vmem_shared>> -> memref<640xi32, #tpu.memory_space<vmem_shared>>
      %dma_wait3A_341 = arith.constant 0 : i32
      %dma_wait3A_342 = tpu.memref_slice %arg10[%run_scoped3A_33, %dma_wait3A_341] : memref<16x640xi32, #tpu.memory_space<vmem>> -> memref<1x640xi32, #tpu.memory_space<vmem>>
      %dma_wait3A_343 = tpu.memref_squeeze %dma_wait3A_342 : memref<1x640xi32, #tpu.memory_space<vmem>> -> memref<640xi32, #tpu.memory_space<vmem>>
      %dma_wait3A_344 = tpu.memref_slice %arg19[%run_scoped3A_32, %mul3A_2] : memref<16x10240xi32, #tpu.memory_space<vmem_shared>> -> memref<1x640xi32, #tpu.memory_space<vmem_shared>>
      %dma_wait3A_345 = tpu.memref_squeeze %dma_wait3A_344 : memref<1x640xi32, #tpu.memory_space<vmem_shared>> -> memref<640xi32, #tpu.memory_space<vmem_shared>>
      tpu.wait_dma2 semaphore(%run_scoped3A_327 : memref<!tpu.dma_semaphore, #tpu.memory_space<semaphore_mem>>) src(%dma_wait3A_345 : memref<640xi32, #tpu.memory_space<vmem_shared>>) dst(%dma_wait3A_343 : memref<640xi32, #tpu.memory_space<vmem>>)
      tpu.yield
    }) : () -> ()
    %run_scoped3A_34 = arith.constant 9 : i32
    %run_scoped3A_35 = arith.constant 9 : i32
    "tpu.region"() ({
      %run_scoped3A_327 = tpu.sem_alloc : memref<!tpu.dma_semaphore, #tpu.memory_space<semaphore_mem>>
      %dma_start3A = arith.constant 0 : i32
      %dma_start3A_328 = tpu.memref_slice %arg10[%run_scoped3A_35, %dma_start3A] : memref<16x640xi32, #tpu.memory_space<vmem>> -> memref<1x640xi32, #tpu.memory_space<vmem>>
      %dma_start3A_329 = tpu.memref_squeeze %dma_start3A_328 : memref<1x640xi32, #tpu.memory_space<vmem>> -> memref<640xi32, #tpu.memory_space<vmem>>
      %dma_start3A_330 = tpu.memref_slice %arg19[%run_scoped3A_34, %mul3A_2] : memref<16x10240xi32, #tpu.memory_space<vmem_shared>> -> memref<1x640xi32, #tpu.memory_space<vmem_shared>>
      %dma_start3A_331 = tpu.memref_squeeze %dma_start3A_330 : memref<1x640xi32, #tpu.memory_space<vmem_shared>> -> memref<640xi32, #tpu.memory_space<vmem_shared>>
      %dma_start3A_332 = arith.constant 0 : i32
      %dma_start3A_333 = tpu.memref_slice %arg10[%run_scoped3A_35, %dma_start3A_332] : memref<16x640xi32, #tpu.memory_space<vmem>> -> memref<1x640xi32, #tpu.memory_space<vmem>>
      %dma_start3A_334 = tpu.memref_squeeze %dma_start3A_333 : memref<1x640xi32, #tpu.memory_space<vmem>> -> memref<640xi32, #tpu.memory_space<vmem>>
      %dma_start3A_335 = tpu.memref_slice %arg19[%run_scoped3A_34, %mul3A_2] : memref<16x10240xi32, #tpu.memory_space<vmem_shared>> -> memref<1x640xi32, #tpu.memory_space<vmem_shared>>
      %dma_start3A_336 = tpu.memref_squeeze %dma_start3A_335 : memref<1x640xi32, #tpu.memory_space<vmem_shared>> -> memref<640xi32, #tpu.memory_space<vmem_shared>>
      tpu.enqueue_dma source(%dma_start3A_336 : memref<640xi32, #tpu.memory_space<vmem_shared>>) target(%dma_start3A_334 : memref<640xi32, #tpu.memory_space<vmem>>) target_semaphore(%run_scoped3A_327 : memref<!tpu.dma_semaphore, #tpu.memory_space<semaphore_mem>>)
      %dma_wait3A = arith.constant 0 : i32
      %dma_wait3A_337 = tpu.memref_slice %arg10[%run_scoped3A_35, %dma_wait3A] : memref<16x640xi32, #tpu.memory_space<vmem>> -> memref<1x640xi32, #tpu.memory_space<vmem>>
      %dma_wait3A_338 = tpu.memref_squeeze %dma_wait3A_337 : memref<1x640xi32, #tpu.memory_space<vmem>> -> memref<640xi32, #tpu.memory_space<vmem>>
      %dma_wait3A_339 = tpu.memref_slice %arg19[%run_scoped3A_34, %mul3A_2] : memref<16x10240xi32, #tpu.memory_space<vmem_shared>> -> memref<1x640xi32, #tpu.memory_space<vmem_shared>>
      %dma_wait3A_340 = tpu.memref_squeeze %dma_wait3A_339 : memref<1x640xi32, #tpu.memory_space<vmem_shared>> -> memref<640xi32, #tpu.memory_space<vmem_shared>>
      %dma_wait3A_341 = arith.constant 0 : i32
      %dma_wait3A_342 = tpu.memref_slice %arg10[%run_scoped3A_35, %dma_wait3A_341] : memref<16x640xi32, #tpu.memory_space<vmem>> -> memref<1x640xi32, #tpu.memory_space<vmem>>
      %dma_wait3A_343 = tpu.memref_squeeze %dma_wait3A_342 : memref<1x640xi32, #tpu.memory_space<vmem>> -> memref<640xi32, #tpu.memory_space<vmem>>
      %dma_wait3A_344 = tpu.memref_slice %arg19[%run_scoped3A_34, %mul3A_2] : memref<16x10240xi32, #tpu.memory_space<vmem_shared>> -> memref<1x640xi32, #tpu.memory_space<vmem_shared>>
      %dma_wait3A_345 = tpu.memref_squeeze %dma_wait3A_344 : memref<1x640xi32, #tpu.memory_space<vmem_shared>> -> memref<640xi32, #tpu.memory_space<vmem_shared>>
      tpu.wait_dma2 semaphore(%run_scoped3A_327 : memref<!tpu.dma_semaphore, #tpu.memory_space<semaphore_mem>>) src(%dma_wait3A_345 : memref<640xi32, #tpu.memory_space<vmem_shared>>) dst(%dma_wait3A_343 : memref<640xi32, #tpu.memory_space<vmem>>)
      tpu.yield
    }) : () -> ()
    %run_scoped3A_36 = arith.constant 10 : i32
    %run_scoped3A_37 = arith.constant 10 : i32
    "tpu.region"() ({
      %run_scoped3A_327 = tpu.sem_alloc : memref<!tpu.dma_semaphore, #tpu.memory_space<semaphore_mem>>
      %dma_start3A = arith.constant 0 : i32
      %dma_start3A_328 = tpu.memref_slice %arg10[%run_scoped3A_37, %dma_start3A] : memref<16x640xi32, #tpu.memory_space<vmem>> -> memref<1x640xi32, #tpu.memory_space<vmem>>
      %dma_start3A_329 = tpu.memref_squeeze %dma_start3A_328 : memref<1x640xi32, #tpu.memory_space<vmem>> -> memref<640xi32, #tpu.memory_space<vmem>>
      %dma_start3A_330 = tpu.memref_slice %arg19[%run_scoped3A_36, %mul3A_2] : memref<16x10240xi32, #tpu.memory_space<vmem_shared>> -> memref<1x640xi32, #tpu.memory_space<vmem_shared>>
      %dma_start3A_331 = tpu.memref_squeeze %dma_start3A_330 : memref<1x640xi32, #tpu.memory_space<vmem_shared>> -> memref<640xi32, #tpu.memory_space<vmem_shared>>
      %dma_start3A_332 = arith.constant 0 : i32
      %dma_start3A_333 = tpu.memref_slice %arg10[%run_scoped3A_37, %dma_start3A_332] : memref<16x640xi32, #tpu.memory_space<vmem>> -> memref<1x640xi32, #tpu.memory_space<vmem>>
      %dma_start3A_334 = tpu.memref_squeeze %dma_start3A_333 : memref<1x640xi32, #tpu.memory_space<vmem>> -> memref<640xi32, #tpu.memory_space<vmem>>
      %dma_start3A_335 = tpu.memref_slice %arg19[%run_scoped3A_36, %mul3A_2] : memref<16x10240xi32, #tpu.memory_space<vmem_shared>> -> memref<1x640xi32, #tpu.memory_space<vmem_shared>>
      %dma_start3A_336 = tpu.memref_squeeze %dma_start3A_335 : memref<1x640xi32, #tpu.memory_space<vmem_shared>> -> memref<640xi32, #tpu.memory_space<vmem_shared>>
      tpu.enqueue_dma source(%dma_start3A_336 : memref<640xi32, #tpu.memory_space<vmem_shared>>) target(%dma_start3A_334 : memref<640xi32, #tpu.memory_space<vmem>>) target_semaphore(%run_scoped3A_327 : memref<!tpu.dma_semaphore, #tpu.memory_space<semaphore_mem>>)
      %dma_wait3A = arith.constant 0 : i32
      %dma_wait3A_337 = tpu.memref_slice %arg10[%run_scoped3A_37, %dma_wait3A] : memref<16x640xi32, #tpu.memory_space<vmem>> -> memref<1x640xi32, #tpu.memory_space<vmem>>
      %dma_wait3A_338 = tpu.memref_squeeze %dma_wait3A_337 : memref<1x640xi32, #tpu.memory_space<vmem>> -> memref<640xi32, #tpu.memory_space<vmem>>
      %dma_wait3A_339 = tpu.memref_slice %arg19[%run_scoped3A_36, %mul3A_2] : memref<16x10240xi32, #tpu.memory_space<vmem_shared>> -> memref<1x640xi32, #tpu.memory_space<vmem_shared>>
      %dma_wait3A_340 = tpu.memref_squeeze %dma_wait3A_339 : memref<1x640xi32, #tpu.memory_space<vmem_shared>> -> memref<640xi32, #tpu.memory_space<vmem_shared>>
      %dma_wait3A_341 = arith.constant 0 : i32
      %dma_wait3A_342 = tpu.memref_slice %arg10[%run_scoped3A_37, %dma_wait3A_341] : memref<16x640xi32, #tpu.memory_space<vmem>> -> memref<1x640xi32, #tpu.memory_space<vmem>>
      %dma_wait3A_343 = tpu.memref_squeeze %dma_wait3A_342 : memref<1x640xi32, #tpu.memory_space<vmem>> -> memref<640xi32, #tpu.memory_space<vmem>>
      %dma_wait3A_344 = tpu.memref_slice %arg19[%run_scoped3A_36, %mul3A_2] : memref<16x10240xi32, #tpu.memory_space<vmem_shared>> -> memref<1x640xi32, #tpu.memory_space<vmem_shared>>
      %dma_wait3A_345 = tpu.memref_squeeze %dma_wait3A_344 : memref<1x640xi32, #tpu.memory_space<vmem_shared>> -> memref<640xi32, #tpu.memory_space<vmem_shared>>
      tpu.wait_dma2 semaphore(%run_scoped3A_327 : memref<!tpu.dma_semaphore, #tpu.memory_space<semaphore_mem>>) src(%dma_wait3A_345 : memref<640xi32, #tpu.memory_space<vmem_shared>>) dst(%dma_wait3A_343 : memref<640xi32, #tpu.memory_space<vmem>>)
      tpu.yield
    }) : () -> ()
    %run_scoped3A_38 = arith.constant 11 : i32
    %run_scoped3A_39 = arith.constant 11 : i32
    "tpu.region"() ({
      %run_scoped3A_327 = tpu.sem_alloc : memref<!tpu.dma_semaphore, #tpu.memory_space<semaphore_mem>>
      %dma_start3A = arith.constant 0 : i32
      %dma_start3A_328 = tpu.memref_slice %arg10[%run_scoped3A_39, %dma_start3A] : memref<16x640xi32, #tpu.memory_space<vmem>> -> memref<1x640xi32, #tpu.memory_space<vmem>>
      %dma_start3A_329 = tpu.memref_squeeze %dma_start3A_328 : memref<1x640xi32, #tpu.memory_space<vmem>> -> memref<640xi32, #tpu.memory_space<vmem>>
      %dma_start3A_330 = tpu.memref_slice %arg19[%run_scoped3A_38, %mul3A_2] : memref<16x10240xi32, #tpu.memory_space<vmem_shared>> -> memref<1x640xi32, #tpu.memory_space<vmem_shared>>
      %dma_start3A_331 = tpu.memref_squeeze %dma_start3A_330 : memref<1x640xi32, #tpu.memory_space<vmem_shared>> -> memref<640xi32, #tpu.memory_space<vmem_shared>>
      %dma_start3A_332 = arith.constant 0 : i32
      %dma_start3A_333 = tpu.memref_slice %arg10[%run_scoped3A_39, %dma_start3A_332] : memref<16x640xi32, #tpu.memory_space<vmem>> -> memref<1x640xi32, #tpu.memory_space<vmem>>
      %dma_start3A_334 = tpu.memref_squeeze %dma_start3A_333 : memref<1x640xi32, #tpu.memory_space<vmem>> -> memref<640xi32, #tpu.memory_space<vmem>>
      %dma_start3A_335 = tpu.memref_slice %arg19[%run_scoped3A_38, %mul3A_2] : memref<16x10240xi32, #tpu.memory_space<vmem_shared>> -> memref<1x640xi32, #tpu.memory_space<vmem_shared>>
      %dma_start3A_336 = tpu.memref_squeeze %dma_start3A_335 : memref<1x640xi32, #tpu.memory_space<vmem_shared>> -> memref<640xi32, #tpu.memory_space<vmem_shared>>
      tpu.enqueue_dma source(%dma_start3A_336 : memref<640xi32, #tpu.memory_space<vmem_shared>>) target(%dma_start3A_334 : memref<640xi32, #tpu.memory_space<vmem>>) target_semaphore(%run_scoped3A_327 : memref<!tpu.dma_semaphore, #tpu.memory_space<semaphore_mem>>)
      %dma_wait3A = arith.constant 0 : i32
      %dma_wait3A_337 = tpu.memref_slice %arg10[%run_scoped3A_39, %dma_wait3A] : memref<16x640xi32, #tpu.memory_space<vmem>> -> memref<1x640xi32, #tpu.memory_space<vmem>>
      %dma_wait3A_338 = tpu.memref_squeeze %dma_wait3A_337 : memref<1x640xi32, #tpu.memory_space<vmem>> -> memref<640xi32, #tpu.memory_space<vmem>>
      %dma_wait3A_339 = tpu.memref_slice %arg19[%run_scoped3A_38, %mul3A_2] : memref<16x10240xi32, #tpu.memory_space<vmem_shared>> -> memref<1x640xi32, #tpu.memory_space<vmem_shared>>
      %dma_wait3A_340 = tpu.memref_squeeze %dma_wait3A_339 : memref<1x640xi32, #tpu.memory_space<vmem_shared>> -> memref<640xi32, #tpu.memory_space<vmem_shared>>
      %dma_wait3A_341 = arith.constant 0 : i32
      %dma_wait3A_342 = tpu.memref_slice %arg10[%run_scoped3A_39, %dma_wait3A_341] : memref<16x640xi32, #tpu.memory_space<vmem>> -> memref<1x640xi32, #tpu.memory_space<vmem>>
      %dma_wait3A_343 = tpu.memref_squeeze %dma_wait3A_342 : memref<1x640xi32, #tpu.memory_space<vmem>> -> memref<640xi32, #tpu.memory_space<vmem>>
      %dma_wait3A_344 = tpu.memref_slice %arg19[%run_scoped3A_38, %mul3A_2] : memref<16x10240xi32, #tpu.memory_space<vmem_shared>> -> memref<1x640xi32, #tpu.memory_space<vmem_shared>>
      %dma_wait3A_345 = tpu.memref_squeeze %dma_wait3A_344 : memref<1x640xi32, #tpu.memory_space<vmem_shared>> -> memref<640xi32, #tpu.memory_space<vmem_shared>>
      tpu.wait_dma2 semaphore(%run_scoped3A_327 : memref<!tpu.dma_semaphore, #tpu.memory_space<semaphore_mem>>) src(%dma_wait3A_345 : memref<640xi32, #tpu.memory_space<vmem_shared>>) dst(%dma_wait3A_343 : memref<640xi32, #tpu.memory_space<vmem>>)
      tpu.yield
    }) : () -> ()
    %run_scoped3A_40 = arith.constant 12 : i32
    %run_scoped3A_41 = arith.constant 12 : i32
    "tpu.region"() ({
      %run_scoped3A_327 = tpu.sem_alloc : memref<!tpu.dma_semaphore, #tpu.memory_space<semaphore_mem>>
      %dma_start3A = arith.constant 0 : i32
      %dma_start3A_328 = tpu.memref_slice %arg10[%run_scoped3A_41, %dma_start3A] : memref<16x640xi32, #tpu.memory_space<vmem>> -> memref<1x640xi32, #tpu.memory_space<vmem>>
      %dma_start3A_329 = tpu.memref_squeeze %dma_start3A_328 : memref<1x640xi32, #tpu.memory_space<vmem>> -> memref<640xi32, #tpu.memory_space<vmem>>
      %dma_start3A_330 = tpu.memref_slice %arg19[%run_scoped3A_40, %mul3A_2] : memref<16x10240xi32, #tpu.memory_space<vmem_shared>> -> memref<1x640xi32, #tpu.memory_space<vmem_shared>>
      %dma_start3A_331 = tpu.memref_squeeze %dma_start3A_330 : memref<1x640xi32, #tpu.memory_space<vmem_shared>> -> memref<640xi32, #tpu.memory_space<vmem_shared>>
      %dma_start3A_332 = arith.constant 0 : i32
      %dma_start3A_333 = tpu.memref_slice %arg10[%run_scoped3A_41, %dma_start3A_332] : memref<16x640xi32, #tpu.memory_space<vmem>> -> memref<1x640xi32, #tpu.memory_space<vmem>>
      %dma_start3A_334 = tpu.memref_squeeze %dma_start3A_333 : memref<1x640xi32, #tpu.memory_space<vmem>> -> memref<640xi32, #tpu.memory_space<vmem>>
      %dma_start3A_335 = tpu.memref_slice %arg19[%run_scoped3A_40, %mul3A_2] : memref<16x10240xi32, #tpu.memory_space<vmem_shared>> -> memref<1x640xi32, #tpu.memory_space<vmem_shared>>
      %dma_start3A_336 = tpu.memref_squeeze %dma_start3A_335 : memref<1x640xi32, #tpu.memory_space<vmem_shared>> -> memref<640xi32, #tpu.memory_space<vmem_shared>>
      tpu.enqueue_dma source(%dma_start3A_336 : memref<640xi32, #tpu.memory_space<vmem_shared>>) target(%dma_start3A_334 : memref<640xi32, #tpu.memory_space<vmem>>) target_semaphore(%run_scoped3A_327 : memref<!tpu.dma_semaphore, #tpu.memory_space<semaphore_mem>>)
      %dma_wait3A = arith.constant 0 : i32
      %dma_wait3A_337 = tpu.memref_slice %arg10[%run_scoped3A_41, %dma_wait3A] : memref<16x640xi32, #tpu.memory_space<vmem>> -> memref<1x640xi32, #tpu.memory_space<vmem>>
      %dma_wait3A_338 = tpu.memref_squeeze %dma_wait3A_337 : memref<1x640xi32, #tpu.memory_space<vmem>> -> memref<640xi32, #tpu.memory_space<vmem>>
      %dma_wait3A_339 = tpu.memref_slice %arg19[%run_scoped3A_40, %mul3A_2] : memref<16x10240xi32, #tpu.memory_space<vmem_shared>> -> memref<1x640xi32, #tpu.memory_space<vmem_shared>>
      %dma_wait3A_340 = tpu.memref_squeeze %dma_wait3A_339 : memref<1x640xi32, #tpu.memory_space<vmem_shared>> -> memref<640xi32, #tpu.memory_space<vmem_shared>>
      %dma_wait3A_341 = arith.constant 0 : i32
      %dma_wait3A_342 = tpu.memref_slice %arg10[%run_scoped3A_41, %dma_wait3A_341] : memref<16x640xi32, #tpu.memory_space<vmem>> -> memref<1x640xi32, #tpu.memory_space<vmem>>
      %dma_wait3A_343 = tpu.memref_squeeze %dma_wait3A_342 : memref<1x640xi32, #tpu.memory_space<vmem>> -> memref<640xi32, #tpu.memory_space<vmem>>
      %dma_wait3A_344 = tpu.memref_slice %arg19[%run_scoped3A_40, %mul3A_2] : memref<16x10240xi32, #tpu.memory_space<vmem_shared>> -> memref<1x640xi32, #tpu.memory_space<vmem_shared>>
      %dma_wait3A_345 = tpu.memref_squeeze %dma_wait3A_344 : memref<1x640xi32, #tpu.memory_space<vmem_shared>> -> memref<640xi32, #tpu.memory_space<vmem_shared>>
      tpu.wait_dma2 semaphore(%run_scoped3A_327 : memref<!tpu.dma_semaphore, #tpu.memory_space<semaphore_mem>>) src(%dma_wait3A_345 : memref<640xi32, #tpu.memory_space<vmem_shared>>) dst(%dma_wait3A_343 : memref<640xi32, #tpu.memory_space<vmem>>)
      tpu.yield
    }) : () -> ()
    %run_scoped3A_42 = arith.constant 13 : i32
    %run_scoped3A_43 = arith.constant 13 : i32
    "tpu.region"() ({
      %run_scoped3A_327 = tpu.sem_alloc : memref<!tpu.dma_semaphore, #tpu.memory_space<semaphore_mem>>
      %dma_start3A = arith.constant 0 : i32
      %dma_start3A_328 = tpu.memref_slice %arg10[%run_scoped3A_43, %dma_start3A] : memref<16x640xi32, #tpu.memory_space<vmem>> -> memref<1x640xi32, #tpu.memory_space<vmem>>
      %dma_start3A_329 = tpu.memref_squeeze %dma_start3A_328 : memref<1x640xi32, #tpu.memory_space<vmem>> -> memref<640xi32, #tpu.memory_space<vmem>>
      %dma_start3A_330 = tpu.memref_slice %arg19[%run_scoped3A_42, %mul3A_2] : memref<16x10240xi32, #tpu.memory_space<vmem_shared>> -> memref<1x640xi32, #tpu.memory_space<vmem_shared>>
      %dma_start3A_331 = tpu.memref_squeeze %dma_start3A_330 : memref<1x640xi32, #tpu.memory_space<vmem_shared>> -> memref<640xi32, #tpu.memory_space<vmem_shared>>
      %dma_start3A_332 = arith.constant 0 : i32
      %dma_start3A_333 = tpu.memref_slice %arg10[%run_scoped3A_43, %dma_start3A_332] : memref<16x640xi32, #tpu.memory_space<vmem>> -> memref<1x640xi32, #tpu.memory_space<vmem>>
      %dma_start3A_334 = tpu.memref_squeeze %dma_start3A_333 : memref<1x640xi32, #tpu.memory_space<vmem>> -> memref<640xi32, #tpu.memory_space<vmem>>
      %dma_start3A_335 = tpu.memref_slice %arg19[%run_scoped3A_42, %mul3A_2] : memref<16x10240xi32, #tpu.memory_space<vmem_shared>> -> memref<1x640xi32, #tpu.memory_space<vmem_shared>>
      %dma_start3A_336 = tpu.memref_squeeze %dma_start3A_335 : memref<1x640xi32, #tpu.memory_space<vmem_shared>> -> memref<640xi32, #tpu.memory_space<vmem_shared>>
      tpu.enqueue_dma source(%dma_start3A_336 : memref<640xi32, #tpu.memory_space<vmem_shared>>) target(%dma_start3A_334 : memref<640xi32, #tpu.memory_space<vmem>>) target_semaphore(%run_scoped3A_327 : memref<!tpu.dma_semaphore, #tpu.memory_space<semaphore_mem>>)
      %dma_wait3A = arith.constant 0 : i32
      %dma_wait3A_337 = tpu.memref_slice %arg10[%run_scoped3A_43, %dma_wait3A] : memref<16x640xi32, #tpu.memory_space<vmem>> -> memref<1x640xi32, #tpu.memory_space<vmem>>
      %dma_wait3A_338 = tpu.memref_squeeze %dma_wait3A_337 : memref<1x640xi32, #tpu.memory_space<vmem>> -> memref<640xi32, #tpu.memory_space<vmem>>
      %dma_wait3A_339 = tpu.memref_slice %arg19[%run_scoped3A_42, %mul3A_2] : memref<16x10240xi32, #tpu.memory_space<vmem_shared>> -> memref<1x640xi32, #tpu.memory_space<vmem_shared>>
      %dma_wait3A_340 = tpu.memref_squeeze %dma_wait3A_339 : memref<1x640xi32, #tpu.memory_space<vmem_shared>> -> memref<640xi32, #tpu.memory_space<vmem_shared>>
      %dma_wait3A_341 = arith.constant 0 : i32
      %dma_wait3A_342 = tpu.memref_slice %arg10[%run_scoped3A_43, %dma_wait3A_341] : memref<16x640xi32, #tpu.memory_space<vmem>> -> memref<1x640xi32, #tpu.memory_space<vmem>>
      %dma_wait3A_343 = tpu.memref_squeeze %dma_wait3A_342 : memref<1x640xi32, #tpu.memory_space<vmem>> -> memref<640xi32, #tpu.memory_space<vmem>>
      %dma_wait3A_344 = tpu.memref_slice %arg19[%run_scoped3A_42, %mul3A_2] : memref<16x10240xi32, #tpu.memory_space<vmem_shared>> -> memref<1x640xi32, #tpu.memory_space<vmem_shared>>
      %dma_wait3A_345 = tpu.memref_squeeze %dma_wait3A_344 : memref<1x640xi32, #tpu.memory_space<vmem_shared>> -> memref<640xi32, #tpu.memory_space<vmem_shared>>
      tpu.wait_dma2 semaphore(%run_scoped3A_327 : memref<!tpu.dma_semaphore, #tpu.memory_space<semaphore_mem>>) src(%dma_wait3A_345 : memref<640xi32, #tpu.memory_space<vmem_shared>>) dst(%dma_wait3A_343 : memref<640xi32, #tpu.memory_space<vmem>>)
      tpu.yield
    }) : () -> ()
    %run_scoped3A_44 = arith.constant 14 : i32
    %run_scoped3A_45 = arith.constant 14 : i32
    "tpu.region"() ({
      %run_scoped3A_327 = tpu.sem_alloc : memref<!tpu.dma_semaphore, #tpu.memory_space<semaphore_mem>>
      %dma_start3A = arith.constant 0 : i32
      %dma_start3A_328 = tpu.memref_slice %arg10[%run_scoped3A_45, %dma_start3A] : memref<16x640xi32, #tpu.memory_space<vmem>> -> memref<1x640xi32, #tpu.memory_space<vmem>>
      %dma_start3A_329 = tpu.memref_squeeze %dma_start3A_328 : memref<1x640xi32, #tpu.memory_space<vmem>> -> memref<640xi32, #tpu.memory_space<vmem>>
      %dma_start3A_330 = tpu.memref_slice %arg19[%run_scoped3A_44, %mul3A_2] : memref<16x10240xi32, #tpu.memory_space<vmem_shared>> -> memref<1x640xi32, #tpu.memory_space<vmem_shared>>
      %dma_start3A_331 = tpu.memref_squeeze %dma_start3A_330 : memref<1x640xi32, #tpu.memory_space<vmem_shared>> -> memref<640xi32, #tpu.memory_space<vmem_shared>>
      %dma_start3A_332 = arith.constant 0 : i32
      %dma_start3A_333 = tpu.memref_slice %arg10[%run_scoped3A_45, %dma_start3A_332] : memref<16x640xi32, #tpu.memory_space<vmem>> -> memref<1x640xi32, #tpu.memory_space<vmem>>
      %dma_start3A_334 = tpu.memref_squeeze %dma_start3A_333 : memref<1x640xi32, #tpu.memory_space<vmem>> -> memref<640xi32, #tpu.memory_space<vmem>>
      %dma_start3A_335 = tpu.memref_slice %arg19[%run_scoped3A_44, %mul3A_2] : memref<16x10240xi32, #tpu.memory_space<vmem_shared>> -> memref<1x640xi32, #tpu.memory_space<vmem_shared>>
      %dma_start3A_336 = tpu.memref_squeeze %dma_start3A_335 : memref<1x640xi32, #tpu.memory_space<vmem_shared>> -> memref<640xi32, #tpu.memory_space<vmem_shared>>
      tpu.enqueue_dma source(%dma_start3A_336 : memref<640xi32, #tpu.memory_space<vmem_shared>>) target(%dma_start3A_334 : memref<640xi32, #tpu.memory_space<vmem>>) target_semaphore(%run_scoped3A_327 : memref<!tpu.dma_semaphore, #tpu.memory_space<semaphore_mem>>)
      %dma_wait3A = arith.constant 0 : i32
      %dma_wait3A_337 = tpu.memref_slice %arg10[%run_scoped3A_45, %dma_wait3A] : memref<16x640xi32, #tpu.memory_space<vmem>> -> memref<1x640xi32, #tpu.memory_space<vmem>>
      %dma_wait3A_338 = tpu.memref_squeeze %dma_wait3A_337 : memref<1x640xi32, #tpu.memory_space<vmem>> -> memref<640xi32, #tpu.memory_space<vmem>>
      %dma_wait3A_339 = tpu.memref_slice %arg19[%run_scoped3A_44, %mul3A_2] : memref<16x10240xi32, #tpu.memory_space<vmem_shared>> -> memref<1x640xi32, #tpu.memory_space<vmem_shared>>
      %dma_wait3A_340 = tpu.memref_squeeze %dma_wait3A_339 : memref<1x640xi32, #tpu.memory_space<vmem_shared>> -> memref<640xi32, #tpu.memory_space<vmem_shared>>
      %dma_wait3A_341 = arith.constant 0 : i32
      %dma_wait3A_342 = tpu.memref_slice %arg10[%run_scoped3A_45, %dma_wait3A_341] : memref<16x640xi32, #tpu.memory_space<vmem>> -> memref<1x640xi32, #tpu.memory_space<vmem>>
      %dma_wait3A_343 = tpu.memref_squeeze %dma_wait3A_342 : memref<1x640xi32, #tpu.memory_space<vmem>> -> memref<640xi32, #tpu.memory_space<vmem>>
      %dma_wait3A_344 = tpu.memref_slice %arg19[%run_scoped3A_44, %mul3A_2] : memref<16x10240xi32, #tpu.memory_space<vmem_shared>> -> memref<1x640xi32, #tpu.memory_space<vmem_shared>>
      %dma_wait3A_345 = tpu.memref_squeeze %dma_wait3A_344 : memref<1x640xi32, #tpu.memory_space<vmem_shared>> -> memref<640xi32, #tpu.memory_space<vmem_shared>>
      tpu.wait_dma2 semaphore(%run_scoped3A_327 : memref<!tpu.dma_semaphore, #tpu.memory_space<semaphore_mem>>) src(%dma_wait3A_345 : memref<640xi32, #tpu.memory_space<vmem_shared>>) dst(%dma_wait3A_343 : memref<640xi32, #tpu.memory_space<vmem>>)
      tpu.yield
    }) : () -> ()
    %run_scoped3A_46 = arith.constant 15 : i32
    %run_scoped3A_47 = arith.constant 15 : i32
    "tpu.region"() ({
      %run_scoped3A_327 = tpu.sem_alloc : memref<!tpu.dma_semaphore, #tpu.memory_space<semaphore_mem>>
      %dma_start3A = arith.constant 0 : i32
      %dma_start3A_328 = tpu.memref_slice %arg10[%run_scoped3A_47, %dma_start3A] : memref<16x640xi32, #tpu.memory_space<vmem>> -> memref<1x640xi32, #tpu.memory_space<vmem>>
      %dma_start3A_329 = tpu.memref_squeeze %dma_start3A_328 : memref<1x640xi32, #tpu.memory_space<vmem>> -> memref<640xi32, #tpu.memory_space<vmem>>
      %dma_start3A_330 = tpu.memref_slice %arg19[%run_scoped3A_46, %mul3A_2] : memref<16x10240xi32, #tpu.memory_space<vmem_shared>> -> memref<1x640xi32, #tpu.memory_space<vmem_shared>>
      %dma_start3A_331 = tpu.memref_squeeze %dma_start3A_330 : memref<1x640xi32, #tpu.memory_space<vmem_shared>> -> memref<640xi32, #tpu.memory_space<vmem_shared>>
      %dma_start3A_332 = arith.constant 0 : i32
      %dma_start3A_333 = tpu.memref_slice %arg10[%run_scoped3A_47, %dma_start3A_332] : memref<16x640xi32, #tpu.memory_space<vmem>> -> memref<1x640xi32, #tpu.memory_space<vmem>>
      %dma_start3A_334 = tpu.memref_squeeze %dma_start3A_333 : memref<1x640xi32, #tpu.memory_space<vmem>> -> memref<640xi32, #tpu.memory_space<vmem>>
      %dma_start3A_335 = tpu.memref_slice %arg19[%run_scoped3A_46, %mul3A_2] : memref<16x10240xi32, #tpu.memory_space<vmem_shared>> -> memref<1x640xi32, #tpu.memory_space<vmem_shared>>
      %dma_start3A_336 = tpu.memref_squeeze %dma_start3A_335 : memref<1x640xi32, #tpu.memory_space<vmem_shared>> -> memref<640xi32, #tpu.memory_space<vmem_shared>>
      tpu.enqueue_dma source(%dma_start3A_336 : memref<640xi32, #tpu.memory_space<vmem_shared>>) target(%dma_start3A_334 : memref<640xi32, #tpu.memory_space<vmem>>) target_semaphore(%run_scoped3A_327 : memref<!tpu.dma_semaphore, #tpu.memory_space<semaphore_mem>>)
      %dma_wait3A = arith.constant 0 : i32
      %dma_wait3A_337 = tpu.memref_slice %arg10[%run_scoped3A_47, %dma_wait3A] : memref<16x640xi32, #tpu.memory_space<vmem>> -> memref<1x640xi32, #tpu.memory_space<vmem>>
      %dma_wait3A_338 = tpu.memref_squeeze %dma_wait3A_337 : memref<1x640xi32, #tpu.memory_space<vmem>> -> memref<640xi32, #tpu.memory_space<vmem>>
      %dma_wait3A_339 = tpu.memref_slice %arg19[%run_scoped3A_46, %mul3A_2] : memref<16x10240xi32, #tpu.memory_space<vmem_shared>> -> memref<1x640xi32, #tpu.memory_space<vmem_shared>>
      %dma_wait3A_340 = tpu.memref_squeeze %dma_wait3A_339 : memref<1x640xi32, #tpu.memory_space<vmem_shared>> -> memref<640xi32, #tpu.memory_space<vmem_shared>>
      %dma_wait3A_341 = arith.constant 0 : i32
      %dma_wait3A_342 = tpu.memref_slice %arg10[%run_scoped3A_47, %dma_wait3A_341] : memref<16x640xi32, #tpu.memory_space<vmem>> -> memref<1x640xi32, #tpu.memory_space<vmem>>
      %dma_wait3A_343 = tpu.memref_squeeze %dma_wait3A_342 : memref<1x640xi32, #tpu.memory_space<vmem>> -> memref<640xi32, #tpu.memory_space<vmem>>
      %dma_wait3A_344 = tpu.memref_slice %arg19[%run_scoped3A_46, %mul3A_2] : memref<16x10240xi32, #tpu.memory_space<vmem_shared>> -> memref<1x640xi32, #tpu.memory_space<vmem_shared>>
      %dma_wait3A_345 = tpu.memref_squeeze %dma_wait3A_344 : memref<1x640xi32, #tpu.memory_space<vmem_shared>> -> memref<640xi32, #tpu.memory_space<vmem_shared>>
      tpu.wait_dma2 semaphore(%run_scoped3A_327 : memref<!tpu.dma_semaphore, #tpu.memory_space<semaphore_mem>>) src(%dma_wait3A_345 : memref<640xi32, #tpu.memory_space<vmem_shared>>) dst(%dma_wait3A_343 : memref<640xi32, #tpu.memory_space<vmem>>)
      tpu.yield
    }) : () -> ()
    %scan3A_48 = arith.constant 0 : i32
    %scan3A_49 = arith.constant 0 : i32
    %scan3A_50 = arith.constant 40 : i32
    %scan3A_51 = arith.addi %scan3A_49, %scan3A_50 : i32
    %scan3A_52 = arith.constant 1 : i32
    %scan3A_53 = scf.for %scan3A_327 = %scan3A_49 to %scan3A_51 step %scan3A_52 iter_args(%scan3A_328 = %scan3A_48) -> (i32)  : i32 {
      %mul3A_329 = arith.constant 16 : i32
      %mul3A_330 = arith.muli %scan3A_327, %mul3A_329 : i32
      %broadcast_in_dim3A_331 = arith.constant 0 : i32
      %broadcast_in_dim3A_332 = vector.broadcast %broadcast_in_dim3A_331 : i32 to vector<16xi32>
      %swap3A_333 = arith.constant 0 : i32
      %swap3A_334 = arith.index_cast %swap3A_333 : i32 to index
      %swap3A_335 = arith.index_cast %mul3A_330 : i32 to index
      %swap3A_336 = tpu.vector_load %arg11[%swap3A_334, %swap3A_335] {strides = array<i32>} : memref<16x640xi32, #tpu.memory_space<vmem>>, vector<16xi32>,
      tpu.vector_store %arg11[%swap3A_334, %swap3A_335], %broadcast_in_dim3A_332 {strides = array<i32>} : memref<16x640xi32, #tpu.memory_space<vmem>>, vector<16xi32>,
      %get3A_337 = arith.constant 0 : i32
      %get3A_338 = arith.index_cast %get3A_337 : i32 to index
      %get3A_339 = arith.index_cast %mul3A_330 : i32 to index
      %get3A_340 = tpu.vector_load %arg10[%get3A_338, %get3A_339] {strides = array<i32>} : memref<16x640xi32, #tpu.memory_space<vmem>>, vector<16xi32>,
      %add3A_341 = arith.addi %broadcast_in_dim3A_332, %get3A_340 : vector<16xi32>
      %swap3A_342 = arith.constant 1 : i32
      %swap3A_343 = arith.index_cast %swap3A_342 : i32 to index
      %swap3A_344 = arith.index_cast %mul3A_330 : i32 to index
      %swap3A_345 = tpu.vector_load %arg11[%swap3A_343, %swap3A_344] {strides = array<i32>} : memref<16x640xi32, #tpu.memory_space<vmem>>, vector<16xi32>,
      tpu.vector_store %arg11[%swap3A_343, %swap3A_344], %add3A_341 {strides = array<i32>} : memref<16x640xi32, #tpu.memory_space<vmem>>, vector<16xi32>,
      %get3A_346 = arith.constant 1 : i32
      %get3A_347 = arith.index_cast %get3A_346 : i32 to index
      %get3A_348 = arith.index_cast %mul3A_330 : i32 to index
      %get3A_349 = tpu.vector_load %arg10[%get3A_347, %get3A_348] {strides = array<i32>} : memref<16x640xi32, #tpu.memory_space<vmem>>, vector<16xi32>,
      %add3A_350 = arith.addi %add3A_341, %get3A_349 : vector<16xi32>
      %swap3A_351 = arith.constant 2 : i32
      %swap3A_352 = arith.index_cast %swap3A_351 : i32 to index
      %swap3A_353 = arith.index_cast %mul3A_330 : i32 to index
      %swap3A_354 = tpu.vector_load %arg11[%swap3A_352, %swap3A_353] {strides = array<i32>} : memref<16x640xi32, #tpu.memory_space<vmem>>, vector<16xi32>,
      tpu.vector_store %arg11[%swap3A_352, %swap3A_353], %add3A_350 {strides = array<i32>} : memref<16x640xi32, #tpu.memory_space<vmem>>, vector<16xi32>,
      %get3A_355 = arith.constant 2 : i32
      %get3A_356 = arith.index_cast %get3A_355 : i32 to index
      %get3A_357 = arith.index_cast %mul3A_330 : i32 to index
      %get3A_358 = tpu.vector_load %arg10[%get3A_356, %get3A_357] {strides = array<i32>} : memref<16x640xi32, #tpu.memory_space<vmem>>, vector<16xi32>,
      %add3A_359 = arith.addi %add3A_350, %get3A_358 : vector<16xi32>
      %swap3A_360 = arith.constant 3 : i32
      %swap3A_361 = arith.index_cast %swap3A_360 : i32 to index
      %swap3A_362 = arith.index_cast %mul3A_330 : i32 to index
      %swap3A_363 = tpu.vector_load %arg11[%swap3A_361, %swap3A_362] {strides = array<i32>} : memref<16x640xi32, #tpu.memory_space<vmem>>, vector<16xi32>,
      tpu.vector_store %arg11[%swap3A_361, %swap3A_362], %add3A_359 {strides = array<i32>} : memref<16x640xi32, #tpu.memory_space<vmem>>, vector<16xi32>,
      %get3A_364 = arith.constant 3 : i32
      %get3A_365 = arith.index_cast %get3A_364 : i32 to index
      %get3A_366 = arith.index_cast %mul3A_330 : i32 to index
      %get3A_367 = tpu.vector_load %arg10[%get3A_365, %get3A_366] {strides = array<i32>} : memref<16x640xi32, #tpu.memory_space<vmem>>, vector<16xi32>,
      %add3A_368 = arith.addi %add3A_359, %get3A_367 : vector<16xi32>
      %swap3A_369 = arith.constant 4 : i32
      %swap3A_370 = arith.index_cast %swap3A_369 : i32 to index
      %swap3A_371 = arith.index_cast %mul3A_330 : i32 to index
      %swap3A_372 = tpu.vector_load %arg11[%swap3A_370, %swap3A_371] {strides = array<i32>} : memref<16x640xi32, #tpu.memory_space<vmem>>, vector<16xi32>,
      tpu.vector_store %arg11[%swap3A_370, %swap3A_371], %add3A_368 {strides = array<i32>} : memref<16x640xi32, #tpu.memory_space<vmem>>, vector<16xi32>,
      %get3A_373 = arith.constant 4 : i32
      %get3A_374 = arith.index_cast %get3A_373 : i32 to index
      %get3A_375 = arith.index_cast %mul3A_330 : i32 to index
      %get3A_376 = tpu.vector_load %arg10[%get3A_374, %get3A_375] {strides = array<i32>} : memref<16x640xi32, #tpu.memory_space<vmem>>, vector<16xi32>,
      %add3A_377 = arith.addi %add3A_368, %get3A_376 : vector<16xi32>
      %swap3A_378 = arith.constant 5 : i32
      %swap3A_379 = arith.index_cast %swap3A_378 : i32 to index
      %swap3A_380 = arith.index_cast %mul3A_330 : i32 to index
      %swap3A_381 = tpu.vector_load %arg11[%swap3A_379, %swap3A_380] {strides = array<i32>} : memref<16x640xi32, #tpu.memory_space<vmem>>, vector<16xi32>,
      tpu.vector_store %arg11[%swap3A_379, %swap3A_380], %add3A_377 {strides = array<i32>} : memref<16x640xi32, #tpu.memory_space<vmem>>, vector<16xi32>,
      %get3A_382 = arith.constant 5 : i32
      %get3A_383 = arith.index_cast %get3A_382 : i32 to index
      %get3A_384 = arith.index_cast %mul3A_330 : i32 to index
      %get3A_385 = tpu.vector_load %arg10[%get3A_383, %get3A_384] {strides = array<i32>} : memref<16x640xi32, #tpu.memory_space<vmem>>, vector<16xi32>,
      %add3A_386 = arith.addi %add3A_377, %get3A_385 : vector<16xi32>
      %swap3A_387 = arith.constant 6 : i32
      %swap3A_388 = arith.index_cast %swap3A_387 : i32 to index
      %swap3A_389 = arith.index_cast %mul3A_330 : i32 to index
      %swap3A_390 = tpu.vector_load %arg11[%swap3A_388, %swap3A_389] {strides = array<i32>} : memref<16x640xi32, #tpu.memory_space<vmem>>, vector<16xi32>,
      tpu.vector_store %arg11[%swap3A_388, %swap3A_389], %add3A_386 {strides = array<i32>} : memref<16x640xi32, #tpu.memory_space<vmem>>, vector<16xi32>,
      %get3A_391 = arith.constant 6 : i32
      %get3A_392 = arith.index_cast %get3A_391 : i32 to index
      %get3A_393 = arith.index_cast %mul3A_330 : i32 to index
      %get3A_394 = tpu.vector_load %arg10[%get3A_392, %get3A_393] {strides = array<i32>} : memref<16x640xi32, #tpu.memory_space<vmem>>, vector<16xi32>,
      %add3A_395 = arith.addi %add3A_386, %get3A_394 : vector<16xi32>
      %swap3A_396 = arith.constant 7 : i32
      %swap3A_397 = arith.index_cast %swap3A_396 : i32 to index
      %swap3A_398 = arith.index_cast %mul3A_330 : i32 to index
      %swap3A_399 = tpu.vector_load %arg11[%swap3A_397, %swap3A_398] {strides = array<i32>} : memref<16x640xi32, #tpu.memory_space<vmem>>, vector<16xi32>,
      tpu.vector_store %arg11[%swap3A_397, %swap3A_398], %add3A_395 {strides = array<i32>} : memref<16x640xi32, #tpu.memory_space<vmem>>, vector<16xi32>,
      %get3A_400 = arith.constant 7 : i32
      %get3A_401 = arith.index_cast %get3A_400 : i32 to index
      %get3A_402 = arith.index_cast %mul3A_330 : i32 to index
      %get3A_403 = tpu.vector_load %arg10[%get3A_401, %get3A_402] {strides = array<i32>} : memref<16x640xi32, #tpu.memory_space<vmem>>, vector<16xi32>,
      %add3A_404 = arith.addi %add3A_395, %get3A_403 : vector<16xi32>
      %swap3A_405 = arith.constant 8 : i32
      %swap3A_406 = arith.index_cast %swap3A_405 : i32 to index
      %swap3A_407 = arith.index_cast %mul3A_330 : i32 to index
      %swap3A_408 = tpu.vector_load %arg11[%swap3A_406, %swap3A_407] {strides = array<i32>} : memref<16x640xi32, #tpu.memory_space<vmem>>, vector<16xi32>,
      tpu.vector_store %arg11[%swap3A_406, %swap3A_407], %add3A_404 {strides = array<i32>} : memref<16x640xi32, #tpu.memory_space<vmem>>, vector<16xi32>,
      %get3A_409 = arith.constant 8 : i32
      %get3A_410 = arith.index_cast %get3A_409 : i32 to index
      %get3A_411 = arith.index_cast %mul3A_330 : i32 to index
      %get3A_412 = tpu.vector_load %arg10[%get3A_410, %get3A_411] {strides = array<i32>} : memref<16x640xi32, #tpu.memory_space<vmem>>, vector<16xi32>,
      %add3A_413 = arith.addi %add3A_404, %get3A_412 : vector<16xi32>
      %swap3A_414 = arith.constant 9 : i32
      %swap3A_415 = arith.index_cast %swap3A_414 : i32 to index
      %swap3A_416 = arith.index_cast %mul3A_330 : i32 to index
      %swap3A_417 = tpu.vector_load %arg11[%swap3A_415, %swap3A_416] {strides = array<i32>} : memref<16x640xi32, #tpu.memory_space<vmem>>, vector<16xi32>,
      tpu.vector_store %arg11[%swap3A_415, %swap3A_416], %add3A_413 {strides = array<i32>} : memref<16x640xi32, #tpu.memory_space<vmem>>, vector<16xi32>,
      %get3A_418 = arith.constant 9 : i32
      %get3A_419 = arith.index_cast %get3A_418 : i32 to index
      %get3A_420 = arith.index_cast %mul3A_330 : i32 to index
      %get3A_421 = tpu.vector_load %arg10[%get3A_419, %get3A_420] {strides = array<i32>} : memref<16x640xi32, #tpu.memory_space<vmem>>, vector<16xi32>,
      %add3A_422 = arith.addi %add3A_413, %get3A_421 : vector<16xi32>
      %swap3A_423 = arith.constant 10 : i32
      %swap3A_424 = arith.index_cast %swap3A_423 : i32 to index
      %swap3A_425 = arith.index_cast %mul3A_330 : i32 to index
      %swap3A_426 = tpu.vector_load %arg11[%swap3A_424, %swap3A_425] {strides = array<i32>} : memref<16x640xi32, #tpu.memory_space<vmem>>, vector<16xi32>,
      tpu.vector_store %arg11[%swap3A_424, %swap3A_425], %add3A_422 {strides = array<i32>} : memref<16x640xi32, #tpu.memory_space<vmem>>, vector<16xi32>,
      %get3A_427 = arith.constant 10 : i32
      %get3A_428 = arith.index_cast %get3A_427 : i32 to index
      %get3A_429 = arith.index_cast %mul3A_330 : i32 to index
      %get3A_430 = tpu.vector_load %arg10[%get3A_428, %get3A_429] {strides = array<i32>} : memref<16x640xi32, #tpu.memory_space<vmem>>, vector<16xi32>,
      %add3A_431 = arith.addi %add3A_422, %get3A_430 : vector<16xi32>
      %swap3A_432 = arith.constant 11 : i32
      %swap3A_433 = arith.index_cast %swap3A_432 : i32 to index
      %swap3A_434 = arith.index_cast %mul3A_330 : i32 to index
      %swap3A_435 = tpu.vector_load %arg11[%swap3A_433, %swap3A_434] {strides = array<i32>} : memref<16x640xi32, #tpu.memory_space<vmem>>, vector<16xi32>,
      tpu.vector_store %arg11[%swap3A_433, %swap3A_434], %add3A_431 {strides = array<i32>} : memref<16x640xi32, #tpu.memory_space<vmem>>, vector<16xi32>,
      %get3A_436 = arith.constant 11 : i32
      %get3A_437 = arith.index_cast %get3A_436 : i32 to index
      %get3A_438 = arith.index_cast %mul3A_330 : i32 to index
      %get3A_439 = tpu.vector_load %arg10[%get3A_437, %get3A_438] {strides = array<i32>} : memref<16x640xi32, #tpu.memory_space<vmem>>, vector<16xi32>,
      %add3A_440 = arith.addi %add3A_431, %get3A_439 : vector<16xi32>
      %swap3A_441 = arith.constant 12 : i32
      %swap3A_442 = arith.index_cast %swap3A_441 : i32 to index
      %swap3A_443 = arith.index_cast %mul3A_330 : i32 to index
      %swap3A_444 = tpu.vector_load %arg11[%swap3A_442, %swap3A_443] {strides = array<i32>} : memref<16x640xi32, #tpu.memory_space<vmem>>, vector<16xi32>,
      tpu.vector_store %arg11[%swap3A_442, %swap3A_443], %add3A_440 {strides = array<i32>} : memref<16x640xi32, #tpu.memory_space<vmem>>, vector<16xi32>,
      %get3A_445 = arith.constant 12 : i32
      %get3A_446 = arith.index_cast %get3A_445 : i32 to index
      %get3A_447 = arith.index_cast %mul3A_330 : i32 to index
      %get3A_448 = tpu.vector_load %arg10[%get3A_446, %get3A_447] {strides = array<i32>} : memref<16x640xi32, #tpu.memory_space<vmem>>, vector<16xi32>,
      %add3A_449 = arith.addi %add3A_440, %get3A_448 : vector<16xi32>
      %swap3A_450 = arith.constant 13 : i32
      %swap3A_451 = arith.index_cast %swap3A_450 : i32 to index
      %swap3A_452 = arith.index_cast %mul3A_330 : i32 to index
      %swap3A_453 = tpu.vector_load %arg11[%swap3A_451, %swap3A_452] {strides = array<i32>} : memref<16x640xi32, #tpu.memory_space<vmem>>, vector<16xi32>,
      tpu.vector_store %arg11[%swap3A_451, %swap3A_452], %add3A_449 {strides = array<i32>} : memref<16x640xi32, #tpu.memory_space<vmem>>, vector<16xi32>,
      %get3A_454 = arith.constant 13 : i32
      %get3A_455 = arith.index_cast %get3A_454 : i32 to index
      %get3A_456 = arith.index_cast %mul3A_330 : i32 to index
      %get3A_457 = tpu.vector_load %arg10[%get3A_455, %get3A_456] {strides = array<i32>} : memref<16x640xi32, #tpu.memory_space<vmem>>, vector<16xi32>,
      %add3A_458 = arith.addi %add3A_449, %get3A_457 : vector<16xi32>
      %swap3A_459 = arith.constant 14 : i32
      %swap3A_460 = arith.index_cast %swap3A_459 : i32 to index
      %swap3A_461 = arith.index_cast %mul3A_330 : i32 to index
      %swap3A_462 = tpu.vector_load %arg11[%swap3A_460, %swap3A_461] {strides = array<i32>} : memref<16x640xi32, #tpu.memory_space<vmem>>, vector<16xi32>,
      tpu.vector_store %arg11[%swap3A_460, %swap3A_461], %add3A_458 {strides = array<i32>} : memref<16x640xi32, #tpu.memory_space<vmem>>, vector<16xi32>,
      %get3A_463 = arith.constant 14 : i32
      %get3A_464 = arith.index_cast %get3A_463 : i32 to index
      %get3A_465 = arith.index_cast %mul3A_330 : i32 to index
      %get3A_466 = tpu.vector_load %arg10[%get3A_464, %get3A_465] {strides = array<i32>} : memref<16x640xi32, #tpu.memory_space<vmem>>, vector<16xi32>,
      %add3A_467 = arith.addi %add3A_458, %get3A_466 : vector<16xi32>
      %swap3A_468 = arith.constant 15 : i32
      %swap3A_469 = arith.index_cast %swap3A_468 : i32 to index
      %swap3A_470 = arith.index_cast %mul3A_330 : i32 to index
      %swap3A_471 = tpu.vector_load %arg11[%swap3A_469, %swap3A_470] {strides = array<i32>} : memref<16x640xi32, #tpu.memory_space<vmem>>, vector<16xi32>,
      tpu.vector_store %arg11[%swap3A_469, %swap3A_470], %add3A_467 {strides = array<i32>} : memref<16x640xi32, #tpu.memory_space<vmem>>, vector<16xi32>,
      %get3A_472 = arith.constant 15 : i32
      %get3A_473 = arith.index_cast %get3A_472 : i32 to index
      %get3A_474 = arith.index_cast %mul3A_330 : i32 to index
      %get3A_475 = tpu.vector_load %arg10[%get3A_473, %get3A_474] {strides = array<i32>} : memref<16x640xi32, #tpu.memory_space<vmem>>, vector<16xi32>,
      %add3A_476 = arith.addi %add3A_467, %get3A_475 : vector<16xi32>
      %swap3A_477 = arith.index_cast %mul3A_330 : i32 to index
      %swap3A_478 = tpu.vector_load %arg12[%swap3A_477] {strides = array<i32>} : memref<640xi32, #tpu.memory_space<vmem>>, vector<16xi32>,
      tpu.vector_store %arg12[%swap3A_477], %add3A_476 {strides = array<i32>} : memref<640xi32, #tpu.memory_space<vmem>>, vector<16xi32>,
      %scan3A_479 = arith.constant 0 : i32
      scf.yield %scan3A_479 : i32
    }
    %scan3A_54 = arith.constant 40 : i32
    %broadcast_in_dim3A_55 = arith.constant 0 : i32
    %broadcast_in_dim3A_56 = vector.broadcast %broadcast_in_dim3A_55 : i32 to vector<16xi32>
    %scan3A_57 = arith.constant 0 : i32
    %scan3A_58 = arith.constant 40 : i32
    %scan3A_59 = arith.addi %scan3A_57, %scan3A_58 : i32
    %scan3A_60 = arith.constant 1 : i32
    %scan3A_61 = scf.for %scan3A_327 = %scan3A_57 to %scan3A_59 step %scan3A_60 iter_args(%scan3A_328 = %broadcast_in_dim3A_56) -> (vector<16xi32>)  : i32 {
      %mul3A_329 = arith.constant 16 : i32
      %mul3A_330 = arith.muli %scan3A_327, %mul3A_329 : i32
      %get3A_331 = arith.index_cast %mul3A_330 : i32 to index
      %get3A_332 = tpu.vector_load %arg12[%get3A_331] {strides = array<i32>} : memref<640xi32, #tpu.memory_space<vmem>>, vector<16xi32>,
      %add3A_333 = arith.addi %scan3A_328, %get3A_332 : vector<16xi32>
      scf.yield %add3A_333 : vector<16xi32>
    }
    %scan3A_62 = arith.constant 40 : i32
    %reduce_sum3A = arith.constant true
    %reduce_sum3A_63 = vector.broadcast %reduce_sum3A : i1 to vector<16xi1>
    %reduce_sum3A_64 = tpu.scan <sum>, %scan3A_61 masked %reduce_sum3A_63 : vector<16xi32>, vector<16xi1> -> vector<16xi32>
    %reduce_sum3A_65 = vector.extract %reduce_sum3A_64[15] : i32 from vector<16xi32>
    %broadcast_in_dim3A_66 = vector.broadcast %reduce_sum3A_65 : i32 to vector<16xi32>
    %swap3A = arith.constant 0 : index
    %swap3A_67 = tpu.vector_load %arg15[%swap3A] {strides = array<i32>} : memref<16xi32, #tpu.memory_space<vmem>>, vector<16xi32>,
    tpu.vector_store %arg15[%swap3A], %broadcast_in_dim3A_66 {strides = array<i32>} : memref<16xi32, #tpu.memory_space<vmem>>, vector<16xi32>,
    "tpu.region"() ({
      %run_scoped3A_327 = tpu.sem_alloc : memref<!tpu.dma_semaphore, #tpu.memory_space<semaphore_mem>>
      %dma_start3A = arith.constant 0 : i32
      %dma_start3A_328 = tpu.memref_slice %arg21[%arg1, %dma_start3A] : memref<16x16xi32, #tpu.memory_space<vmem_shared>> -> memref<1x16xi32, #tpu.memory_space<vmem_shared>>
      %dma_start3A_329 = tpu.memref_squeeze %dma_start3A_328 : memref<1x16xi32, #tpu.memory_space<vmem_shared>> -> memref<16xi32, #tpu.memory_space<vmem_shared>>
      %dma_start3A_330 = arith.constant 0 : i32
      %dma_start3A_331 = tpu.memref_slice %arg21[%arg1, %dma_start3A_330] : memref<16x16xi32, #tpu.memory_space<vmem_shared>> -> memref<1x16xi32, #tpu.memory_space<vmem_shared>>
      %dma_start3A_332 = tpu.memref_squeeze %dma_start3A_331 : memref<1x16xi32, #tpu.memory_space<vmem_shared>> -> memref<16xi32, #tpu.memory_space<vmem_shared>>
      tpu.enqueue_dma source(%arg15 : memref<16xi32, #tpu.memory_space<vmem>>) target(%dma_start3A_332 : memref<16xi32, #tpu.memory_space<vmem_shared>>) target_semaphore(%run_scoped3A_327 : memref<!tpu.dma_semaphore, #tpu.memory_space<semaphore_mem>>)
      %dma_wait3A = arith.constant 0 : i32
      %dma_wait3A_333 = tpu.memref_slice %arg21[%arg1, %dma_wait3A] : memref<16x16xi32, #tpu.memory_space<vmem_shared>> -> memref<1x16xi32, #tpu.memory_space<vmem_shared>>
      %dma_wait3A_334 = tpu.memref_squeeze %dma_wait3A_333 : memref<1x16xi32, #tpu.memory_space<vmem_shared>> -> memref<16xi32, #tpu.memory_space<vmem_shared>>
      %dma_wait3A_335 = arith.constant 0 : i32
      %dma_wait3A_336 = tpu.memref_slice %arg21[%arg1, %dma_wait3A_335] : memref<16x16xi32, #tpu.memory_space<vmem_shared>> -> memref<1x16xi32, #tpu.memory_space<vmem_shared>>
      %dma_wait3A_337 = tpu.memref_squeeze %dma_wait3A_336 : memref<1x16xi32, #tpu.memory_space<vmem_shared>> -> memref<16xi32, #tpu.memory_space<vmem_shared>>
      tpu.wait_dma2 semaphore(%run_scoped3A_327 : memref<!tpu.dma_semaphore, #tpu.memory_space<semaphore_mem>>) src(%arg15 : memref<16xi32, #tpu.memory_space<vmem>>) dst(%dma_wait3A_337 : memref<16xi32, #tpu.memory_space<vmem_shared>>)
      tpu.yield
    }) : () -> ()
    %barrier3A_68 = arith.constant 0 : index
    tpu.barrier barrier_id(%barrier3A_68)
    "tpu.region"() ({
      %run_scoped3A_327 = tpu.sem_alloc : memref<!tpu.dma_semaphore, #tpu.memory_space<semaphore_mem>>
      tpu.enqueue_dma source(%arg21 : memref<16x16xi32, #tpu.memory_space<vmem_shared>>) target(%arg16 : memref<16x16xi32, #tpu.memory_space<vmem>>) target_semaphore(%run_scoped3A_327 : memref<!tpu.dma_semaphore, #tpu.memory_space<semaphore_mem>>)
      tpu.wait_dma2 semaphore(%run_scoped3A_327 : memref<!tpu.dma_semaphore, #tpu.memory_space<semaphore_mem>>) src(%arg21 : memref<16x16xi32, #tpu.memory_space<vmem_shared>>) dst(%arg16 : memref<16x16xi32, #tpu.memory_space<vmem>>)
      tpu.yield
    }) : () -> ()
    %broadcast_in_dim3A_69 = arith.constant 0 : i32
    %broadcast_in_dim3A_70 = vector.broadcast %broadcast_in_dim3A_69 : i32 to vector<16xi32>
    %get3A = arith.constant 0 : i32
    %get3A_71 = arith.index_cast %get3A : i32 to index
    %get3A_72 = arith.constant 0 : index
    %get3A_73 = tpu.vector_load %arg16[%get3A_71, %get3A_72] {strides = array<i32>} : memref<16x16xi32, #tpu.memory_space<vmem>>, vector<16xi32>,
    %eq3A = arith.constant 0 : i32
    %eq3A_74 = vector.broadcast %eq3A : i32 to vector<16xi32>
    %eq3A_75 = arith.cmpi eq, %iota3A, %eq3A_74 : vector<16xi32>
    %jit3A = arith.constant 0 : i32
    %broadcast_in_dim3A_76 = vector.broadcast %jit3A : i32 to vector<16xi32>
    %select_n3A = arith.select %eq3A_75, %get3A_73, %broadcast_in_dim3A_76 : vector<16xi1>, vector<16xi32>
    %add3A = arith.addi %broadcast_in_dim3A_70, %select_n3A : vector<16xi32>
    %get3A_77 = arith.constant 1 : i32
    %get3A_78 = arith.index_cast %get3A_77 : i32 to index
    %get3A_79 = arith.constant 0 : index
    %get3A_80 = tpu.vector_load %arg16[%get3A_78, %get3A_79] {strides = array<i32>} : memref<16x16xi32, #tpu.memory_space<vmem>>, vector<16xi32>,
    %eq3A_81 = arith.constant 1 : i32
    %eq3A_82 = vector.broadcast %eq3A_81 : i32 to vector<16xi32>
    %eq3A_83 = arith.cmpi eq, %iota3A, %eq3A_82 : vector<16xi32>
    %jit3A_84 = arith.constant 0 : i32
    %broadcast_in_dim3A_85 = vector.broadcast %jit3A_84 : i32 to vector<16xi32>
    %select_n3A_86 = arith.select %eq3A_83, %get3A_80, %broadcast_in_dim3A_85 : vector<16xi1>, vector<16xi32>
    %add3A_87 = arith.addi %add3A, %select_n3A_86 : vector<16xi32>
    %get3A_88 = arith.constant 2 : i32
    %get3A_89 = arith.index_cast %get3A_88 : i32 to index
    %get3A_90 = arith.constant 0 : index
    %get3A_91 = tpu.vector_load %arg16[%get3A_89, %get3A_90] {strides = array<i32>} : memref<16x16xi32, #tpu.memory_space<vmem>>, vector<16xi32>,
    %eq3A_92 = arith.constant 2 : i32
    %eq3A_93 = vector.broadcast %eq3A_92 : i32 to vector<16xi32>
    %eq3A_94 = arith.cmpi eq, %iota3A, %eq3A_93 : vector<16xi32>
    %jit3A_95 = arith.constant 0 : i32
    %broadcast_in_dim3A_96 = vector.broadcast %jit3A_95 : i32 to vector<16xi32>
    %select_n3A_97 = arith.select %eq3A_94, %get3A_91, %broadcast_in_dim3A_96 : vector<16xi1>, vector<16xi32>
    %add3A_98 = arith.addi %add3A_87, %select_n3A_97 : vector<16xi32>
    %get3A_99 = arith.constant 3 : i32
    %get3A_100 = arith.index_cast %get3A_99 : i32 to index
    %get3A_101 = arith.constant 0 : index
    %get3A_102 = tpu.vector_load %arg16[%get3A_100, %get3A_101] {strides = array<i32>} : memref<16x16xi32, #tpu.memory_space<vmem>>, vector<16xi32>,
    %eq3A_103 = arith.constant 3 : i32
    %eq3A_104 = vector.broadcast %eq3A_103 : i32 to vector<16xi32>
    %eq3A_105 = arith.cmpi eq, %iota3A, %eq3A_104 : vector<16xi32>
    %jit3A_106 = arith.constant 0 : i32
    %broadcast_in_dim3A_107 = vector.broadcast %jit3A_106 : i32 to vector<16xi32>
    %select_n3A_108 = arith.select %eq3A_105, %get3A_102, %broadcast_in_dim3A_107 : vector<16xi1>, vector<16xi32>
    %add3A_109 = arith.addi %add3A_98, %select_n3A_108 : vector<16xi32>
    %get3A_110 = arith.constant 4 : i32
    %get3A_111 = arith.index_cast %get3A_110 : i32 to index
    %get3A_112 = arith.constant 0 : index
    %get3A_113 = tpu.vector_load %arg16[%get3A_111, %get3A_112] {strides = array<i32>} : memref<16x16xi32, #tpu.memory_space<vmem>>, vector<16xi32>,
    %eq3A_114 = arith.constant 4 : i32
    %eq3A_115 = vector.broadcast %eq3A_114 : i32 to vector<16xi32>
    %eq3A_116 = arith.cmpi eq, %iota3A, %eq3A_115 : vector<16xi32>
    %jit3A_117 = arith.constant 0 : i32
    %broadcast_in_dim3A_118 = vector.broadcast %jit3A_117 : i32 to vector<16xi32>
    %select_n3A_119 = arith.select %eq3A_116, %get3A_113, %broadcast_in_dim3A_118 : vector<16xi1>, vector<16xi32>
    %add3A_120 = arith.addi %add3A_109, %select_n3A_119 : vector<16xi32>
    %get3A_121 = arith.constant 5 : i32
    %get3A_122 = arith.index_cast %get3A_121 : i32 to index
    %get3A_123 = arith.constant 0 : index
    %get3A_124 = tpu.vector_load %arg16[%get3A_122, %get3A_123] {strides = array<i32>} : memref<16x16xi32, #tpu.memory_space<vmem>>, vector<16xi32>,
    %eq3A_125 = arith.constant 5 : i32
    %eq3A_126 = vector.broadcast %eq3A_125 : i32 to vector<16xi32>
    %eq3A_127 = arith.cmpi eq, %iota3A, %eq3A_126 : vector<16xi32>
    %jit3A_128 = arith.constant 0 : i32
    %broadcast_in_dim3A_129 = vector.broadcast %jit3A_128 : i32 to vector<16xi32>
    %select_n3A_130 = arith.select %eq3A_127, %get3A_124, %broadcast_in_dim3A_129 : vector<16xi1>, vector<16xi32>
    %add3A_131 = arith.addi %add3A_120, %select_n3A_130 : vector<16xi32>
    %get3A_132 = arith.constant 6 : i32
    %get3A_133 = arith.index_cast %get3A_132 : i32 to index
    %get3A_134 = arith.constant 0 : index
    %get3A_135 = tpu.vector_load %arg16[%get3A_133, %get3A_134] {strides = array<i32>} : memref<16x16xi32, #tpu.memory_space<vmem>>, vector<16xi32>,
    %eq3A_136 = arith.constant 6 : i32
    %eq3A_137 = vector.broadcast %eq3A_136 : i32 to vector<16xi32>
    %eq3A_138 = arith.cmpi eq, %iota3A, %eq3A_137 : vector<16xi32>
    %jit3A_139 = arith.constant 0 : i32
    %broadcast_in_dim3A_140 = vector.broadcast %jit3A_139 : i32 to vector<16xi32>
    %select_n3A_141 = arith.select %eq3A_138, %get3A_135, %broadcast_in_dim3A_140 : vector<16xi1>, vector<16xi32>
    %add3A_142 = arith.addi %add3A_131, %select_n3A_141 : vector<16xi32>
    %get3A_143 = arith.constant 7 : i32
    %get3A_144 = arith.index_cast %get3A_143 : i32 to index
    %get3A_145 = arith.constant 0 : index
    %get3A_146 = tpu.vector_load %arg16[%get3A_144, %get3A_145] {strides = array<i32>} : memref<16x16xi32, #tpu.memory_space<vmem>>, vector<16xi32>,
    %eq3A_147 = arith.constant 7 : i32
    %eq3A_148 = vector.broadcast %eq3A_147 : i32 to vector<16xi32>
    %eq3A_149 = arith.cmpi eq, %iota3A, %eq3A_148 : vector<16xi32>
    %jit3A_150 = arith.constant 0 : i32
    %broadcast_in_dim3A_151 = vector.broadcast %jit3A_150 : i32 to vector<16xi32>
    %select_n3A_152 = arith.select %eq3A_149, %get3A_146, %broadcast_in_dim3A_151 : vector<16xi1>, vector<16xi32>
    %add3A_153 = arith.addi %add3A_142, %select_n3A_152 : vector<16xi32>
    %get3A_154 = arith.constant 8 : i32
    %get3A_155 = arith.index_cast %get3A_154 : i32 to index
    %get3A_156 = arith.constant 0 : index
    %get3A_157 = tpu.vector_load %arg16[%get3A_155, %get3A_156] {strides = array<i32>} : memref<16x16xi32, #tpu.memory_space<vmem>>, vector<16xi32>,
    %eq3A_158 = arith.constant 8 : i32
    %eq3A_159 = vector.broadcast %eq3A_158 : i32 to vector<16xi32>
    %eq3A_160 = arith.cmpi eq, %iota3A, %eq3A_159 : vector<16xi32>
    %jit3A_161 = arith.constant 0 : i32
    %broadcast_in_dim3A_162 = vector.broadcast %jit3A_161 : i32 to vector<16xi32>
    %select_n3A_163 = arith.select %eq3A_160, %get3A_157, %broadcast_in_dim3A_162 : vector<16xi1>, vector<16xi32>
    %add3A_164 = arith.addi %add3A_153, %select_n3A_163 : vector<16xi32>
    %get3A_165 = arith.constant 9 : i32
    %get3A_166 = arith.index_cast %get3A_165 : i32 to index
    %get3A_167 = arith.constant 0 : index
    %get3A_168 = tpu.vector_load %arg16[%get3A_166, %get3A_167] {strides = array<i32>} : memref<16x16xi32, #tpu.memory_space<vmem>>, vector<16xi32>,
    %eq3A_169 = arith.constant 9 : i32
    %eq3A_170 = vector.broadcast %eq3A_169 : i32 to vector<16xi32>
    %eq3A_171 = arith.cmpi eq, %iota3A, %eq3A_170 : vector<16xi32>
    %jit3A_172 = arith.constant 0 : i32
    %broadcast_in_dim3A_173 = vector.broadcast %jit3A_172 : i32 to vector<16xi32>
    %select_n3A_174 = arith.select %eq3A_171, %get3A_168, %broadcast_in_dim3A_173 : vector<16xi1>, vector<16xi32>
    %add3A_175 = arith.addi %add3A_164, %select_n3A_174 : vector<16xi32>
    %get3A_176 = arith.constant 10 : i32
    %get3A_177 = arith.index_cast %get3A_176 : i32 to index
    %get3A_178 = arith.constant 0 : index
    %get3A_179 = tpu.vector_load %arg16[%get3A_177, %get3A_178] {strides = array<i32>} : memref<16x16xi32, #tpu.memory_space<vmem>>, vector<16xi32>,
    %eq3A_180 = arith.constant 10 : i32
    %eq3A_181 = vector.broadcast %eq3A_180 : i32 to vector<16xi32>
    %eq3A_182 = arith.cmpi eq, %iota3A, %eq3A_181 : vector<16xi32>
    %jit3A_183 = arith.constant 0 : i32
    %broadcast_in_dim3A_184 = vector.broadcast %jit3A_183 : i32 to vector<16xi32>
    %select_n3A_185 = arith.select %eq3A_182, %get3A_179, %broadcast_in_dim3A_184 : vector<16xi1>, vector<16xi32>
    %add3A_186 = arith.addi %add3A_175, %select_n3A_185 : vector<16xi32>
    %get3A_187 = arith.constant 11 : i32
    %get3A_188 = arith.index_cast %get3A_187 : i32 to index
    %get3A_189 = arith.constant 0 : index
    %get3A_190 = tpu.vector_load %arg16[%get3A_188, %get3A_189] {strides = array<i32>} : memref<16x16xi32, #tpu.memory_space<vmem>>, vector<16xi32>,
    %eq3A_191 = arith.constant 11 : i32
    %eq3A_192 = vector.broadcast %eq3A_191 : i32 to vector<16xi32>
    %eq3A_193 = arith.cmpi eq, %iota3A, %eq3A_192 : vector<16xi32>
    %jit3A_194 = arith.constant 0 : i32
    %broadcast_in_dim3A_195 = vector.broadcast %jit3A_194 : i32 to vector<16xi32>
    %select_n3A_196 = arith.select %eq3A_193, %get3A_190, %broadcast_in_dim3A_195 : vector<16xi1>, vector<16xi32>
    %add3A_197 = arith.addi %add3A_186, %select_n3A_196 : vector<16xi32>
    %get3A_198 = arith.constant 12 : i32
    %get3A_199 = arith.index_cast %get3A_198 : i32 to index
    %get3A_200 = arith.constant 0 : index
    %get3A_201 = tpu.vector_load %arg16[%get3A_199, %get3A_200] {strides = array<i32>} : memref<16x16xi32, #tpu.memory_space<vmem>>, vector<16xi32>,
    %eq3A_202 = arith.constant 12 : i32
    %eq3A_203 = vector.broadcast %eq3A_202 : i32 to vector<16xi32>
    %eq3A_204 = arith.cmpi eq, %iota3A, %eq3A_203 : vector<16xi32>
    %jit3A_205 = arith.constant 0 : i32
    %broadcast_in_dim3A_206 = vector.broadcast %jit3A_205 : i32 to vector<16xi32>
    %select_n3A_207 = arith.select %eq3A_204, %get3A_201, %broadcast_in_dim3A_206 : vector<16xi1>, vector<16xi32>
    %add3A_208 = arith.addi %add3A_197, %select_n3A_207 : vector<16xi32>
    %get3A_209 = arith.constant 13 : i32
    %get3A_210 = arith.index_cast %get3A_209 : i32 to index
    %get3A_211 = arith.constant 0 : index
    %get3A_212 = tpu.vector_load %arg16[%get3A_210, %get3A_211] {strides = array<i32>} : memref<16x16xi32, #tpu.memory_space<vmem>>, vector<16xi32>,
    %eq3A_213 = arith.constant 13 : i32
    %eq3A_214 = vector.broadcast %eq3A_213 : i32 to vector<16xi32>
    %eq3A_215 = arith.cmpi eq, %iota3A, %eq3A_214 : vector<16xi32>
    %jit3A_216 = arith.constant 0 : i32
    %broadcast_in_dim3A_217 = vector.broadcast %jit3A_216 : i32 to vector<16xi32>
    %select_n3A_218 = arith.select %eq3A_215, %get3A_212, %broadcast_in_dim3A_217 : vector<16xi1>, vector<16xi32>
    %add3A_219 = arith.addi %add3A_208, %select_n3A_218 : vector<16xi32>
    %get3A_220 = arith.constant 14 : i32
    %get3A_221 = arith.index_cast %get3A_220 : i32 to index
    %get3A_222 = arith.constant 0 : index
    %get3A_223 = tpu.vector_load %arg16[%get3A_221, %get3A_222] {strides = array<i32>} : memref<16x16xi32, #tpu.memory_space<vmem>>, vector<16xi32>,
    %eq3A_224 = arith.constant 14 : i32
    %eq3A_225 = vector.broadcast %eq3A_224 : i32 to vector<16xi32>
    %eq3A_226 = arith.cmpi eq, %iota3A, %eq3A_225 : vector<16xi32>
    %jit3A_227 = arith.constant 0 : i32
    %broadcast_in_dim3A_228 = vector.broadcast %jit3A_227 : i32 to vector<16xi32>
    %select_n3A_229 = arith.select %eq3A_226, %get3A_223, %broadcast_in_dim3A_228 : vector<16xi1>, vector<16xi32>
    %add3A_230 = arith.addi %add3A_219, %select_n3A_229 : vector<16xi32>
    %get3A_231 = arith.constant 15 : i32
    %get3A_232 = arith.index_cast %get3A_231 : i32 to index
    %get3A_233 = arith.constant 0 : index
    %get3A_234 = tpu.vector_load %arg16[%get3A_232, %get3A_233] {strides = array<i32>} : memref<16x16xi32, #tpu.memory_space<vmem>>, vector<16xi32>,
    %eq3A_235 = arith.constant 15 : i32
    %eq3A_236 = vector.broadcast %eq3A_235 : i32 to vector<16xi32>
    %eq3A_237 = arith.cmpi eq, %iota3A, %eq3A_236 : vector<16xi32>
    %jit3A_238 = arith.constant 0 : i32
    %broadcast_in_dim3A_239 = vector.broadcast %jit3A_238 : i32 to vector<16xi32>
    %select_n3A_240 = arith.select %eq3A_237, %get3A_234, %broadcast_in_dim3A_239 : vector<16xi1>, vector<16xi32>
    %add3A_241 = arith.addi %add3A_230, %select_n3A_240 : vector<16xi32>
    %lt3A = vector.broadcast %arg1 : i32 to vector<16xi32>
    %lt3A_242 = arith.cmpi slt, %iota3A, %lt3A : vector<16xi32>
    %jit3A_243 = arith.constant 0 : i32
    %broadcast_in_dim3A_244 = vector.broadcast %jit3A_243 : i32 to vector<16xi32>
    %select_n3A_245 = arith.select %lt3A_242, %add3A_241, %broadcast_in_dim3A_244 : vector<16xi1>, vector<16xi32>
    %reduce_sum3A_246 = arith.constant true
    %reduce_sum3A_247 = vector.broadcast %reduce_sum3A_246 : i1 to vector<16xi1>
    %reduce_sum3A_248 = tpu.scan <sum>, %select_n3A_245 masked %reduce_sum3A_247 : vector<16xi32>, vector<16xi1> -> vector<16xi32>
    %reduce_sum3A_249 = vector.extract %reduce_sum3A_248[15] : i32 from vector<16xi32>
    %scan3A_250 = arith.constant 0 : i32
    %scan3A_251 = arith.constant 40 : i32
    %scan3A_252 = arith.addi %scan3A_250, %scan3A_251 : i32
    %scan3A_253 = arith.constant 1 : i32
    %scan3A_254 = scf.for %scan3A_327 = %scan3A_250 to %scan3A_252 step %scan3A_253 iter_args(%scan3A_328 = %reduce_sum3A_249) -> (i32)  : i32 {
      %mul3A_329 = arith.constant 16 : i32
      %mul3A_330 = arith.muli %scan3A_327, %mul3A_329 : i32
      %get3A_331 = arith.index_cast %mul3A_330 : i32 to index
      %get3A_332 = tpu.vector_load %arg12[%get3A_331] {strides = array<i32>} : memref<640xi32, #tpu.memory_space<vmem>>, vector<16xi32>,
      %broadcast_in_dim3A_333 = arith.constant true
      %broadcast_in_dim3A_334 = vector.broadcast %broadcast_in_dim3A_333 : i1 to vector<16xi1>
      %masked_cumsum3A = tpu.scan <sum>, %get3A_332 masked %broadcast_in_dim3A_334 : vector<16xi32>, vector<16xi1> -> vector<16xi32>
      %sub3A = arith.subi %masked_cumsum3A, %get3A_332 : vector<16xi32>
      %add3A_335 = vector.broadcast %scan3A_328 : i32 to vector<16xi32>
      %add3A_336 = arith.addi %add3A_335, %sub3A : vector<16xi32>
      %swap3A_337 = arith.index_cast %mul3A_330 : i32 to index
      %swap3A_338 = tpu.vector_load %arg13[%swap3A_337] {strides = array<i32>} : memref<640xi32, #tpu.memory_space<vmem>>, vector<16xi32>,
      tpu.vector_store %arg13[%swap3A_337], %add3A_336 {strides = array<i32>} : memref<640xi32, #tpu.memory_space<vmem>>, vector<16xi32>,
      %reduce_sum3A_339 = arith.constant true
      %reduce_sum3A_340 = vector.broadcast %reduce_sum3A_339 : i1 to vector<16xi1>
      %reduce_sum3A_341 = tpu.scan <sum>, %get3A_332 masked %reduce_sum3A_340 : vector<16xi32>, vector<16xi1> -> vector<16xi32>
      %reduce_sum3A_342 = vector.extract %reduce_sum3A_341[15] : i32 from vector<16xi32>
      %add3A_343 = arith.addi %scan3A_328, %reduce_sum3A_342 : i32
      scf.yield %add3A_343 : i32
    }
    %scan3A_255 = arith.constant 40 : i32
    %eq3A_256 = arith.constant 0 : i32
    %eq3A_257 = arith.cmpi eq, %arg0, %eq3A_256 : i32
    %convert_element_type3A = arith.extui %eq3A_257 : i1 to i32
    %cond3A = arith.constant 0 : i32
    %cond3A_258 = arith.cmpi ne, %convert_element_type3A, %cond3A : i32
    scf.if %cond3A_258 {
      "tpu.region"() ({
        %run_scoped3A_327 = tpu.sem_alloc : memref<!tpu.dma_semaphore, #tpu.memory_space<semaphore_mem>>
        %dma_start3A = tpu.memref_slice %arg5[%mul3A_2] : memref<10240xi32, #tpu.memory_space<hbm>> -> memref<640xi32, #tpu.memory_space<hbm>>
        %dma_start3A_328 = tpu.memref_slice %arg5[%mul3A_2] : memref<10240xi32, #tpu.memory_space<hbm>> -> memref<640xi32, #tpu.memory_space<hbm>>
        tpu.enqueue_dma source(%arg13 : memref<640xi32, #tpu.memory_space<vmem>>) target(%dma_start3A_328 : memref<640xi32, #tpu.memory_space<hbm>>) target_semaphore(%run_scoped3A_327 : memref<!tpu.dma_semaphore, #tpu.memory_space<semaphore_mem>>)
        %dma_wait3A = tpu.memref_slice %arg5[%mul3A_2] : memref<10240xi32, #tpu.memory_space<hbm>> -> memref<640xi32, #tpu.memory_space<hbm>>
        %dma_wait3A_329 = tpu.memref_slice %arg5[%mul3A_2] : memref<10240xi32, #tpu.memory_space<hbm>> -> memref<640xi32, #tpu.memory_space<hbm>>
        tpu.wait_dma2 semaphore(%run_scoped3A_327 : memref<!tpu.dma_semaphore, #tpu.memory_space<semaphore_mem>>) src(%arg13 : memref<640xi32, #tpu.memory_space<vmem>>) dst(%dma_wait3A_329 : memref<640xi32, #tpu.memory_space<hbm>>)
        tpu.yield
      }) : () -> ()
    } else {
    }
    %scan3A_259 = arith.constant 0 : i32
    %scan3A_260 = arith.constant 0 : i32
    %scan3A_261 = arith.constant 40 : i32
    %scan3A_262 = arith.addi %scan3A_260, %scan3A_261 : i32
    %scan3A_263 = arith.constant 1 : i32
    %scan3A_264 = scf.for %scan3A_327 = %scan3A_260 to %scan3A_262 step %scan3A_263 iter_args(%scan3A_328 = %scan3A_259) -> (i32)  : i32 {
      %mul3A_329 = arith.constant 16 : i32
      %mul3A_330 = arith.muli %scan3A_327, %mul3A_329 : i32
      %get3A_331 = arith.index_cast %mul3A_330 : i32 to index
      %get3A_332 = tpu.vector_load %arg13[%get3A_331] {strides = array<i32>} : memref<640xi32, #tpu.memory_space<vmem>>, vector<16xi32>,
      %get3A_333 = arith.constant 0 : i32
      %get3A_334 = arith.index_cast %get3A_333 : i32 to index
      %get3A_335 = arith.index_cast %mul3A_330 : i32 to index
      %get3A_336 = tpu.vector_load %arg11[%get3A_334, %get3A_335] {strides = array<i32>} : memref<16x640xi32, #tpu.memory_space<vmem>>, vector<16xi32>,
      %add3A_337 = arith.addi %get3A_336, %get3A_332 : vector<16xi32>
      %swap3A_338 = arith.constant 0 : i32
      %swap3A_339 = arith.index_cast %swap3A_338 : i32 to index
      %swap3A_340 = arith.index_cast %mul3A_330 : i32 to index
      %swap3A_341 = tpu.vector_load %arg11[%swap3A_339, %swap3A_340] {strides = array<i32>} : memref<16x640xi32, #tpu.memory_space<vmem>>, vector<16xi32>,
      tpu.vector_store %arg11[%swap3A_339, %swap3A_340], %add3A_337 {strides = array<i32>} : memref<16x640xi32, #tpu.memory_space<vmem>>, vector<16xi32>,
      %get3A_342 = arith.constant 1 : i32
      %get3A_343 = arith.index_cast %get3A_342 : i32 to index
      %get3A_344 = arith.index_cast %mul3A_330 : i32 to index
      %get3A_345 = tpu.vector_load %arg11[%get3A_343, %get3A_344] {strides = array<i32>} : memref<16x640xi32, #tpu.memory_space<vmem>>, vector<16xi32>,
      %add3A_346 = arith.addi %get3A_345, %get3A_332 : vector<16xi32>
      %swap3A_347 = arith.constant 1 : i32
      %swap3A_348 = arith.index_cast %swap3A_347 : i32 to index
      %swap3A_349 = arith.index_cast %mul3A_330 : i32 to index
      %swap3A_350 = tpu.vector_load %arg11[%swap3A_348, %swap3A_349] {strides = array<i32>} : memref<16x640xi32, #tpu.memory_space<vmem>>, vector<16xi32>,
      tpu.vector_store %arg11[%swap3A_348, %swap3A_349], %add3A_346 {strides = array<i32>} : memref<16x640xi32, #tpu.memory_space<vmem>>, vector<16xi32>,
      %get3A_351 = arith.constant 2 : i32
      %get3A_352 = arith.index_cast %get3A_351 : i32 to index
      %get3A_353 = arith.index_cast %mul3A_330 : i32 to index
      %get3A_354 = tpu.vector_load %arg11[%get3A_352, %get3A_353] {strides = array<i32>} : memref<16x640xi32, #tpu.memory_space<vmem>>, vector<16xi32>,
      %add3A_355 = arith.addi %get3A_354, %get3A_332 : vector<16xi32>
      %swap3A_356 = arith.constant 2 : i32
      %swap3A_357 = arith.index_cast %swap3A_356 : i32 to index
      %swap3A_358 = arith.index_cast %mul3A_330 : i32 to index
      %swap3A_359 = tpu.vector_load %arg11[%swap3A_357, %swap3A_358] {strides = array<i32>} : memref<16x640xi32, #tpu.memory_space<vmem>>, vector<16xi32>,
      tpu.vector_store %arg11[%swap3A_357, %swap3A_358], %add3A_355 {strides = array<i32>} : memref<16x640xi32, #tpu.memory_space<vmem>>, vector<16xi32>,
      %get3A_360 = arith.constant 3 : i32
      %get3A_361 = arith.index_cast %get3A_360 : i32 to index
      %get3A_362 = arith.index_cast %mul3A_330 : i32 to index
      %get3A_363 = tpu.vector_load %arg11[%get3A_361, %get3A_362] {strides = array<i32>} : memref<16x640xi32, #tpu.memory_space<vmem>>, vector<16xi32>,
      %add3A_364 = arith.addi %get3A_363, %get3A_332 : vector<16xi32>
      %swap3A_365 = arith.constant 3 : i32
      %swap3A_366 = arith.index_cast %swap3A_365 : i32 to index
      %swap3A_367 = arith.index_cast %mul3A_330 : i32 to index
      %swap3A_368 = tpu.vector_load %arg11[%swap3A_366, %swap3A_367] {strides = array<i32>} : memref<16x640xi32, #tpu.memory_space<vmem>>, vector<16xi32>,
      tpu.vector_store %arg11[%swap3A_366, %swap3A_367], %add3A_364 {strides = array<i32>} : memref<16x640xi32, #tpu.memory_space<vmem>>, vector<16xi32>,
      %get3A_369 = arith.constant 4 : i32
      %get3A_370 = arith.index_cast %get3A_369 : i32 to index
      %get3A_371 = arith.index_cast %mul3A_330 : i32 to index
      %get3A_372 = tpu.vector_load %arg11[%get3A_370, %get3A_371] {strides = array<i32>} : memref<16x640xi32, #tpu.memory_space<vmem>>, vector<16xi32>,
      %add3A_373 = arith.addi %get3A_372, %get3A_332 : vector<16xi32>
      %swap3A_374 = arith.constant 4 : i32
      %swap3A_375 = arith.index_cast %swap3A_374 : i32 to index
      %swap3A_376 = arith.index_cast %mul3A_330 : i32 to index
      %swap3A_377 = tpu.vector_load %arg11[%swap3A_375, %swap3A_376] {strides = array<i32>} : memref<16x640xi32, #tpu.memory_space<vmem>>, vector<16xi32>,
      tpu.vector_store %arg11[%swap3A_375, %swap3A_376], %add3A_373 {strides = array<i32>} : memref<16x640xi32, #tpu.memory_space<vmem>>, vector<16xi32>,
      %get3A_378 = arith.constant 5 : i32
      %get3A_379 = arith.index_cast %get3A_378 : i32 to index
      %get3A_380 = arith.index_cast %mul3A_330 : i32 to index
      %get3A_381 = tpu.vector_load %arg11[%get3A_379, %get3A_380] {strides = array<i32>} : memref<16x640xi32, #tpu.memory_space<vmem>>, vector<16xi32>,
      %add3A_382 = arith.addi %get3A_381, %get3A_332 : vector<16xi32>
      %swap3A_383 = arith.constant 5 : i32
      %swap3A_384 = arith.index_cast %swap3A_383 : i32 to index
      %swap3A_385 = arith.index_cast %mul3A_330 : i32 to index
      %swap3A_386 = tpu.vector_load %arg11[%swap3A_384, %swap3A_385] {strides = array<i32>} : memref<16x640xi32, #tpu.memory_space<vmem>>, vector<16xi32>,
      tpu.vector_store %arg11[%swap3A_384, %swap3A_385], %add3A_382 {strides = array<i32>} : memref<16x640xi32, #tpu.memory_space<vmem>>, vector<16xi32>,
      %get3A_387 = arith.constant 6 : i32
      %get3A_388 = arith.index_cast %get3A_387 : i32 to index
      %get3A_389 = arith.index_cast %mul3A_330 : i32 to index
      %get3A_390 = tpu.vector_load %arg11[%get3A_388, %get3A_389] {strides = array<i32>} : memref<16x640xi32, #tpu.memory_space<vmem>>, vector<16xi32>,
      %add3A_391 = arith.addi %get3A_390, %get3A_332 : vector<16xi32>
      %swap3A_392 = arith.constant 6 : i32
      %swap3A_393 = arith.index_cast %swap3A_392 : i32 to index
      %swap3A_394 = arith.index_cast %mul3A_330 : i32 to index
      %swap3A_395 = tpu.vector_load %arg11[%swap3A_393, %swap3A_394] {strides = array<i32>} : memref<16x640xi32, #tpu.memory_space<vmem>>, vector<16xi32>,
      tpu.vector_store %arg11[%swap3A_393, %swap3A_394], %add3A_391 {strides = array<i32>} : memref<16x640xi32, #tpu.memory_space<vmem>>, vector<16xi32>,
      %get3A_396 = arith.constant 7 : i32
      %get3A_397 = arith.index_cast %get3A_396 : i32 to index
      %get3A_398 = arith.index_cast %mul3A_330 : i32 to index
      %get3A_399 = tpu.vector_load %arg11[%get3A_397, %get3A_398] {strides = array<i32>} : memref<16x640xi32, #tpu.memory_space<vmem>>, vector<16xi32>,
      %add3A_400 = arith.addi %get3A_399, %get3A_332 : vector<16xi32>
      %swap3A_401 = arith.constant 7 : i32
      %swap3A_402 = arith.index_cast %swap3A_401 : i32 to index
      %swap3A_403 = arith.index_cast %mul3A_330 : i32 to index
      %swap3A_404 = tpu.vector_load %arg11[%swap3A_402, %swap3A_403] {strides = array<i32>} : memref<16x640xi32, #tpu.memory_space<vmem>>, vector<16xi32>,
      tpu.vector_store %arg11[%swap3A_402, %swap3A_403], %add3A_400 {strides = array<i32>} : memref<16x640xi32, #tpu.memory_space<vmem>>, vector<16xi32>,
      %get3A_405 = arith.constant 8 : i32
      %get3A_406 = arith.index_cast %get3A_405 : i32 to index
      %get3A_407 = arith.index_cast %mul3A_330 : i32 to index
      %get3A_408 = tpu.vector_load %arg11[%get3A_406, %get3A_407] {strides = array<i32>} : memref<16x640xi32, #tpu.memory_space<vmem>>, vector<16xi32>,
      %add3A_409 = arith.addi %get3A_408, %get3A_332 : vector<16xi32>
      %swap3A_410 = arith.constant 8 : i32
      %swap3A_411 = arith.index_cast %swap3A_410 : i32 to index
      %swap3A_412 = arith.index_cast %mul3A_330 : i32 to index
      %swap3A_413 = tpu.vector_load %arg11[%swap3A_411, %swap3A_412] {strides = array<i32>} : memref<16x640xi32, #tpu.memory_space<vmem>>, vector<16xi32>,
      tpu.vector_store %arg11[%swap3A_411, %swap3A_412], %add3A_409 {strides = array<i32>} : memref<16x640xi32, #tpu.memory_space<vmem>>, vector<16xi32>,
      %get3A_414 = arith.constant 9 : i32
      %get3A_415 = arith.index_cast %get3A_414 : i32 to index
      %get3A_416 = arith.index_cast %mul3A_330 : i32 to index
      %get3A_417 = tpu.vector_load %arg11[%get3A_415, %get3A_416] {strides = array<i32>} : memref<16x640xi32, #tpu.memory_space<vmem>>, vector<16xi32>,
      %add3A_418 = arith.addi %get3A_417, %get3A_332 : vector<16xi32>
      %swap3A_419 = arith.constant 9 : i32
      %swap3A_420 = arith.index_cast %swap3A_419 : i32 to index
      %swap3A_421 = arith.index_cast %mul3A_330 : i32 to index
      %swap3A_422 = tpu.vector_load %arg11[%swap3A_420, %swap3A_421] {strides = array<i32>} : memref<16x640xi32, #tpu.memory_space<vmem>>, vector<16xi32>,
      tpu.vector_store %arg11[%swap3A_420, %swap3A_421], %add3A_418 {strides = array<i32>} : memref<16x640xi32, #tpu.memory_space<vmem>>, vector<16xi32>,
      %get3A_423 = arith.constant 10 : i32
      %get3A_424 = arith.index_cast %get3A_423 : i32 to index
      %get3A_425 = arith.index_cast %mul3A_330 : i32 to index
      %get3A_426 = tpu.vector_load %arg11[%get3A_424, %get3A_425] {strides = array<i32>} : memref<16x640xi32, #tpu.memory_space<vmem>>, vector<16xi32>,
      %add3A_427 = arith.addi %get3A_426, %get3A_332 : vector<16xi32>
      %swap3A_428 = arith.constant 10 : i32
      %swap3A_429 = arith.index_cast %swap3A_428 : i32 to index
      %swap3A_430 = arith.index_cast %mul3A_330 : i32 to index
      %swap3A_431 = tpu.vector_load %arg11[%swap3A_429, %swap3A_430] {strides = array<i32>} : memref<16x640xi32, #tpu.memory_space<vmem>>, vector<16xi32>,
      tpu.vector_store %arg11[%swap3A_429, %swap3A_430], %add3A_427 {strides = array<i32>} : memref<16x640xi32, #tpu.memory_space<vmem>>, vector<16xi32>,
      %get3A_432 = arith.constant 11 : i32
      %get3A_433 = arith.index_cast %get3A_432 : i32 to index
      %get3A_434 = arith.index_cast %mul3A_330 : i32 to index
      %get3A_435 = tpu.vector_load %arg11[%get3A_433, %get3A_434] {strides = array<i32>} : memref<16x640xi32, #tpu.memory_space<vmem>>, vector<16xi32>,
      %add3A_436 = arith.addi %get3A_435, %get3A_332 : vector<16xi32>
      %swap3A_437 = arith.constant 11 : i32
      %swap3A_438 = arith.index_cast %swap3A_437 : i32 to index
      %swap3A_439 = arith.index_cast %mul3A_330 : i32 to index
      %swap3A_440 = tpu.vector_load %arg11[%swap3A_438, %swap3A_439] {strides = array<i32>} : memref<16x640xi32, #tpu.memory_space<vmem>>, vector<16xi32>,
      tpu.vector_store %arg11[%swap3A_438, %swap3A_439], %add3A_436 {strides = array<i32>} : memref<16x640xi32, #tpu.memory_space<vmem>>, vector<16xi32>,
      %get3A_441 = arith.constant 12 : i32
      %get3A_442 = arith.index_cast %get3A_441 : i32 to index
      %get3A_443 = arith.index_cast %mul3A_330 : i32 to index
      %get3A_444 = tpu.vector_load %arg11[%get3A_442, %get3A_443] {strides = array<i32>} : memref<16x640xi32, #tpu.memory_space<vmem>>, vector<16xi32>,
      %add3A_445 = arith.addi %get3A_444, %get3A_332 : vector<16xi32>
      %swap3A_446 = arith.constant 12 : i32
      %swap3A_447 = arith.index_cast %swap3A_446 : i32 to index
      %swap3A_448 = arith.index_cast %mul3A_330 : i32 to index
      %swap3A_449 = tpu.vector_load %arg11[%swap3A_447, %swap3A_448] {strides = array<i32>} : memref<16x640xi32, #tpu.memory_space<vmem>>, vector<16xi32>,
      tpu.vector_store %arg11[%swap3A_447, %swap3A_448], %add3A_445 {strides = array<i32>} : memref<16x640xi32, #tpu.memory_space<vmem>>, vector<16xi32>,
      %get3A_450 = arith.constant 13 : i32
      %get3A_451 = arith.index_cast %get3A_450 : i32 to index
      %get3A_452 = arith.index_cast %mul3A_330 : i32 to index
      %get3A_453 = tpu.vector_load %arg11[%get3A_451, %get3A_452] {strides = array<i32>} : memref<16x640xi32, #tpu.memory_space<vmem>>, vector<16xi32>,
      %add3A_454 = arith.addi %get3A_453, %get3A_332 : vector<16xi32>
      %swap3A_455 = arith.constant 13 : i32
      %swap3A_456 = arith.index_cast %swap3A_455 : i32 to index
      %swap3A_457 = arith.index_cast %mul3A_330 : i32 to index
      %swap3A_458 = tpu.vector_load %arg11[%swap3A_456, %swap3A_457] {strides = array<i32>} : memref<16x640xi32, #tpu.memory_space<vmem>>, vector<16xi32>,
      tpu.vector_store %arg11[%swap3A_456, %swap3A_457], %add3A_454 {strides = array<i32>} : memref<16x640xi32, #tpu.memory_space<vmem>>, vector<16xi32>,
      %get3A_459 = arith.constant 14 : i32
      %get3A_460 = arith.index_cast %get3A_459 : i32 to index
      %get3A_461 = arith.index_cast %mul3A_330 : i32 to index
      %get3A_462 = tpu.vector_load %arg11[%get3A_460, %get3A_461] {strides = array<i32>} : memref<16x640xi32, #tpu.memory_space<vmem>>, vector<16xi32>,
      %add3A_463 = arith.addi %get3A_462, %get3A_332 : vector<16xi32>
      %swap3A_464 = arith.constant 14 : i32
      %swap3A_465 = arith.index_cast %swap3A_464 : i32 to index
      %swap3A_466 = arith.index_cast %mul3A_330 : i32 to index
      %swap3A_467 = tpu.vector_load %arg11[%swap3A_465, %swap3A_466] {strides = array<i32>} : memref<16x640xi32, #tpu.memory_space<vmem>>, vector<16xi32>,
      tpu.vector_store %arg11[%swap3A_465, %swap3A_466], %add3A_463 {strides = array<i32>} : memref<16x640xi32, #tpu.memory_space<vmem>>, vector<16xi32>,
      %get3A_468 = arith.constant 15 : i32
      %get3A_469 = arith.index_cast %get3A_468 : i32 to index
      %get3A_470 = arith.index_cast %mul3A_330 : i32 to index
      %get3A_471 = tpu.vector_load %arg11[%get3A_469, %get3A_470] {strides = array<i32>} : memref<16x640xi32, #tpu.memory_space<vmem>>, vector<16xi32>,
      %add3A_472 = arith.addi %get3A_471, %get3A_332 : vector<16xi32>
      %swap3A_473 = arith.constant 15 : i32
      %swap3A_474 = arith.index_cast %swap3A_473 : i32 to index
      %swap3A_475 = arith.index_cast %mul3A_330 : i32 to index
      %swap3A_476 = tpu.vector_load %arg11[%swap3A_474, %swap3A_475] {strides = array<i32>} : memref<16x640xi32, #tpu.memory_space<vmem>>, vector<16xi32>,
      tpu.vector_store %arg11[%swap3A_474, %swap3A_475], %add3A_472 {strides = array<i32>} : memref<16x640xi32, #tpu.memory_space<vmem>>, vector<16xi32>,
      %scan3A_477 = arith.constant 0 : i32
      scf.yield %scan3A_477 : i32
    }
    %scan3A_265 = arith.constant 40 : i32
    %run_scoped3A_266 = arith.constant 0 : i32
    %run_scoped3A_267 = arith.constant 0 : i32
    "tpu.region"() ({
      %run_scoped3A_327 = tpu.sem_alloc : memref<!tpu.dma_semaphore, #tpu.memory_space<semaphore_mem>>
      %dma_start3A = arith.constant 0 : i32
      %dma_start3A_328 = tpu.memref_slice %arg11[%run_scoped3A_266, %dma_start3A] : memref<16x640xi32, #tpu.memory_space<vmem>> -> memref<1x640xi32, #tpu.memory_space<vmem>>
      %dma_start3A_329 = tpu.memref_squeeze %dma_start3A_328 : memref<1x640xi32, #tpu.memory_space<vmem>> -> memref<640xi32, #tpu.memory_space<vmem>>
      %dma_start3A_330 = tpu.memref_slice %arg20[%run_scoped3A_267, %mul3A_2] : memref<16x10240xi32, #tpu.memory_space<vmem_shared>> -> memref<1x640xi32, #tpu.memory_space<vmem_shared>>
      %dma_start3A_331 = tpu.memref_squeeze %dma_start3A_330 : memref<1x640xi32, #tpu.memory_space<vmem_shared>> -> memref<640xi32, #tpu.memory_space<vmem_shared>>
      %dma_start3A_332 = tpu.memref_slice %arg20[%run_scoped3A_267, %mul3A_2] : memref<16x10240xi32, #tpu.memory_space<vmem_shared>> -> memref<1x640xi32, #tpu.memory_space<vmem_shared>>
      %dma_start3A_333 = tpu.memref_squeeze %dma_start3A_332 : memref<1x640xi32, #tpu.memory_space<vmem_shared>> -> memref<640xi32, #tpu.memory_space<vmem_shared>>
      %dma_start3A_334 = arith.constant 0 : i32
      %dma_start3A_335 = tpu.memref_slice %arg11[%run_scoped3A_266, %dma_start3A_334] : memref<16x640xi32, #tpu.memory_space<vmem>> -> memref<1x640xi32, #tpu.memory_space<vmem>>
      %dma_start3A_336 = tpu.memref_squeeze %dma_start3A_335 : memref<1x640xi32, #tpu.memory_space<vmem>> -> memref<640xi32, #tpu.memory_space<vmem>>
      tpu.enqueue_dma source(%dma_start3A_336 : memref<640xi32, #tpu.memory_space<vmem>>) target(%dma_start3A_333 : memref<640xi32, #tpu.memory_space<vmem_shared>>) target_semaphore(%run_scoped3A_327 : memref<!tpu.dma_semaphore, #tpu.memory_space<semaphore_mem>>)
      %dma_wait3A = arith.constant 0 : i32
      %dma_wait3A_337 = tpu.memref_slice %arg11[%run_scoped3A_266, %dma_wait3A] : memref<16x640xi32, #tpu.memory_space<vmem>> -> memref<1x640xi32, #tpu.memory_space<vmem>>
      %dma_wait3A_338 = tpu.memref_squeeze %dma_wait3A_337 : memref<1x640xi32, #tpu.memory_space<vmem>> -> memref<640xi32, #tpu.memory_space<vmem>>
      %dma_wait3A_339 = tpu.memref_slice %arg20[%run_scoped3A_267, %mul3A_2] : memref<16x10240xi32, #tpu.memory_space<vmem_shared>> -> memref<1x640xi32, #tpu.memory_space<vmem_shared>>
      %dma_wait3A_340 = tpu.memref_squeeze %dma_wait3A_339 : memref<1x640xi32, #tpu.memory_space<vmem_shared>> -> memref<640xi32, #tpu.memory_space<vmem_shared>>
      %dma_wait3A_341 = tpu.memref_slice %arg20[%run_scoped3A_267, %mul3A_2] : memref<16x10240xi32, #tpu.memory_space<vmem_shared>> -> memref<1x640xi32, #tpu.memory_space<vmem_shared>>
      %dma_wait3A_342 = tpu.memref_squeeze %dma_wait3A_341 : memref<1x640xi32, #tpu.memory_space<vmem_shared>> -> memref<640xi32, #tpu.memory_space<vmem_shared>>
      %dma_wait3A_343 = arith.constant 0 : i32
      %dma_wait3A_344 = tpu.memref_slice %arg11[%run_scoped3A_266, %dma_wait3A_343] : memref<16x640xi32, #tpu.memory_space<vmem>> -> memref<1x640xi32, #tpu.memory_space<vmem>>
      %dma_wait3A_345 = tpu.memref_squeeze %dma_wait3A_344 : memref<1x640xi32, #tpu.memory_space<vmem>> -> memref<640xi32, #tpu.memory_space<vmem>>
      tpu.wait_dma2 semaphore(%run_scoped3A_327 : memref<!tpu.dma_semaphore, #tpu.memory_space<semaphore_mem>>) src(%dma_wait3A_345 : memref<640xi32, #tpu.memory_space<vmem>>) dst(%dma_wait3A_342 : memref<640xi32, #tpu.memory_space<vmem_shared>>)
      tpu.yield
    }) : () -> ()
    %run_scoped3A_268 = arith.constant 1 : i32
    %run_scoped3A_269 = arith.constant 1 : i32
    "tpu.region"() ({
      %run_scoped3A_327 = tpu.sem_alloc : memref<!tpu.dma_semaphore, #tpu.memory_space<semaphore_mem>>
      %dma_start3A = arith.constant 0 : i32
      %dma_start3A_328 = tpu.memref_slice %arg11[%run_scoped3A_268, %dma_start3A] : memref<16x640xi32, #tpu.memory_space<vmem>> -> memref<1x640xi32, #tpu.memory_space<vmem>>
      %dma_start3A_329 = tpu.memref_squeeze %dma_start3A_328 : memref<1x640xi32, #tpu.memory_space<vmem>> -> memref<640xi32, #tpu.memory_space<vmem>>
      %dma_start3A_330 = tpu.memref_slice %arg20[%run_scoped3A_269, %mul3A_2] : memref<16x10240xi32, #tpu.memory_space<vmem_shared>> -> memref<1x640xi32, #tpu.memory_space<vmem_shared>>
      %dma_start3A_331 = tpu.memref_squeeze %dma_start3A_330 : memref<1x640xi32, #tpu.memory_space<vmem_shared>> -> memref<640xi32, #tpu.memory_space<vmem_shared>>
      %dma_start3A_332 = tpu.memref_slice %arg20[%run_scoped3A_269, %mul3A_2] : memref<16x10240xi32, #tpu.memory_space<vmem_shared>> -> memref<1x640xi32, #tpu.memory_space<vmem_shared>>
      %dma_start3A_333 = tpu.memref_squeeze %dma_start3A_332 : memref<1x640xi32, #tpu.memory_space<vmem_shared>> -> memref<640xi32, #tpu.memory_space<vmem_shared>>
      %dma_start3A_334 = arith.constant 0 : i32
      %dma_start3A_335 = tpu.memref_slice %arg11[%run_scoped3A_268, %dma_start3A_334] : memref<16x640xi32, #tpu.memory_space<vmem>> -> memref<1x640xi32, #tpu.memory_space<vmem>>
      %dma_start3A_336 = tpu.memref_squeeze %dma_start3A_335 : memref<1x640xi32, #tpu.memory_space<vmem>> -> memref<640xi32, #tpu.memory_space<vmem>>
      tpu.enqueue_dma source(%dma_start3A_336 : memref<640xi32, #tpu.memory_space<vmem>>) target(%dma_start3A_333 : memref<640xi32, #tpu.memory_space<vmem_shared>>) target_semaphore(%run_scoped3A_327 : memref<!tpu.dma_semaphore, #tpu.memory_space<semaphore_mem>>)
      %dma_wait3A = arith.constant 0 : i32
      %dma_wait3A_337 = tpu.memref_slice %arg11[%run_scoped3A_268, %dma_wait3A] : memref<16x640xi32, #tpu.memory_space<vmem>> -> memref<1x640xi32, #tpu.memory_space<vmem>>
      %dma_wait3A_338 = tpu.memref_squeeze %dma_wait3A_337 : memref<1x640xi32, #tpu.memory_space<vmem>> -> memref<640xi32, #tpu.memory_space<vmem>>
      %dma_wait3A_339 = tpu.memref_slice %arg20[%run_scoped3A_269, %mul3A_2] : memref<16x10240xi32, #tpu.memory_space<vmem_shared>> -> memref<1x640xi32, #tpu.memory_space<vmem_shared>>
      %dma_wait3A_340 = tpu.memref_squeeze %dma_wait3A_339 : memref<1x640xi32, #tpu.memory_space<vmem_shared>> -> memref<640xi32, #tpu.memory_space<vmem_shared>>
      %dma_wait3A_341 = tpu.memref_slice %arg20[%run_scoped3A_269, %mul3A_2] : memref<16x10240xi32, #tpu.memory_space<vmem_shared>> -> memref<1x640xi32, #tpu.memory_space<vmem_shared>>
      %dma_wait3A_342 = tpu.memref_squeeze %dma_wait3A_341 : memref<1x640xi32, #tpu.memory_space<vmem_shared>> -> memref<640xi32, #tpu.memory_space<vmem_shared>>
      %dma_wait3A_343 = arith.constant 0 : i32
      %dma_wait3A_344 = tpu.memref_slice %arg11[%run_scoped3A_268, %dma_wait3A_343] : memref<16x640xi32, #tpu.memory_space<vmem>> -> memref<1x640xi32, #tpu.memory_space<vmem>>
      %dma_wait3A_345 = tpu.memref_squeeze %dma_wait3A_344 : memref<1x640xi32, #tpu.memory_space<vmem>> -> memref<640xi32, #tpu.memory_space<vmem>>
      tpu.wait_dma2 semaphore(%run_scoped3A_327 : memref<!tpu.dma_semaphore, #tpu.memory_space<semaphore_mem>>) src(%dma_wait3A_345 : memref<640xi32, #tpu.memory_space<vmem>>) dst(%dma_wait3A_342 : memref<640xi32, #tpu.memory_space<vmem_shared>>)
      tpu.yield
    }) : () -> ()
    %run_scoped3A_270 = arith.constant 2 : i32
    %run_scoped3A_271 = arith.constant 2 : i32
    "tpu.region"() ({
      %run_scoped3A_327 = tpu.sem_alloc : memref<!tpu.dma_semaphore, #tpu.memory_space<semaphore_mem>>
      %dma_start3A = arith.constant 0 : i32
      %dma_start3A_328 = tpu.memref_slice %arg11[%run_scoped3A_270, %dma_start3A] : memref<16x640xi32, #tpu.memory_space<vmem>> -> memref<1x640xi32, #tpu.memory_space<vmem>>
      %dma_start3A_329 = tpu.memref_squeeze %dma_start3A_328 : memref<1x640xi32, #tpu.memory_space<vmem>> -> memref<640xi32, #tpu.memory_space<vmem>>
      %dma_start3A_330 = tpu.memref_slice %arg20[%run_scoped3A_271, %mul3A_2] : memref<16x10240xi32, #tpu.memory_space<vmem_shared>> -> memref<1x640xi32, #tpu.memory_space<vmem_shared>>
      %dma_start3A_331 = tpu.memref_squeeze %dma_start3A_330 : memref<1x640xi32, #tpu.memory_space<vmem_shared>> -> memref<640xi32, #tpu.memory_space<vmem_shared>>
      %dma_start3A_332 = tpu.memref_slice %arg20[%run_scoped3A_271, %mul3A_2] : memref<16x10240xi32, #tpu.memory_space<vmem_shared>> -> memref<1x640xi32, #tpu.memory_space<vmem_shared>>
      %dma_start3A_333 = tpu.memref_squeeze %dma_start3A_332 : memref<1x640xi32, #tpu.memory_space<vmem_shared>> -> memref<640xi32, #tpu.memory_space<vmem_shared>>
      %dma_start3A_334 = arith.constant 0 : i32
      %dma_start3A_335 = tpu.memref_slice %arg11[%run_scoped3A_270, %dma_start3A_334] : memref<16x640xi32, #tpu.memory_space<vmem>> -> memref<1x640xi32, #tpu.memory_space<vmem>>
      %dma_start3A_336 = tpu.memref_squeeze %dma_start3A_335 : memref<1x640xi32, #tpu.memory_space<vmem>> -> memref<640xi32, #tpu.memory_space<vmem>>
      tpu.enqueue_dma source(%dma_start3A_336 : memref<640xi32, #tpu.memory_space<vmem>>) target(%dma_start3A_333 : memref<640xi32, #tpu.memory_space<vmem_shared>>) target_semaphore(%run_scoped3A_327 : memref<!tpu.dma_semaphore, #tpu.memory_space<semaphore_mem>>)
      %dma_wait3A = arith.constant 0 : i32
      %dma_wait3A_337 = tpu.memref_slice %arg11[%run_scoped3A_270, %dma_wait3A] : memref<16x640xi32, #tpu.memory_space<vmem>> -> memref<1x640xi32, #tpu.memory_space<vmem>>
      %dma_wait3A_338 = tpu.memref_squeeze %dma_wait3A_337 : memref<1x640xi32, #tpu.memory_space<vmem>> -> memref<640xi32, #tpu.memory_space<vmem>>
      %dma_wait3A_339 = tpu.memref_slice %arg20[%run_scoped3A_271, %mul3A_2] : memref<16x10240xi32, #tpu.memory_space<vmem_shared>> -> memref<1x640xi32, #tpu.memory_space<vmem_shared>>
      %dma_wait3A_340 = tpu.memref_squeeze %dma_wait3A_339 : memref<1x640xi32, #tpu.memory_space<vmem_shared>> -> memref<640xi32, #tpu.memory_space<vmem_shared>>
      %dma_wait3A_341 = tpu.memref_slice %arg20[%run_scoped3A_271, %mul3A_2] : memref<16x10240xi32, #tpu.memory_space<vmem_shared>> -> memref<1x640xi32, #tpu.memory_space<vmem_shared>>
      %dma_wait3A_342 = tpu.memref_squeeze %dma_wait3A_341 : memref<1x640xi32, #tpu.memory_space<vmem_shared>> -> memref<640xi32, #tpu.memory_space<vmem_shared>>
      %dma_wait3A_343 = arith.constant 0 : i32
      %dma_wait3A_344 = tpu.memref_slice %arg11[%run_scoped3A_270, %dma_wait3A_343] : memref<16x640xi32, #tpu.memory_space<vmem>> -> memref<1x640xi32, #tpu.memory_space<vmem>>
      %dma_wait3A_345 = tpu.memref_squeeze %dma_wait3A_344 : memref<1x640xi32, #tpu.memory_space<vmem>> -> memref<640xi32, #tpu.memory_space<vmem>>
      tpu.wait_dma2 semaphore(%run_scoped3A_327 : memref<!tpu.dma_semaphore, #tpu.memory_space<semaphore_mem>>) src(%dma_wait3A_345 : memref<640xi32, #tpu.memory_space<vmem>>) dst(%dma_wait3A_342 : memref<640xi32, #tpu.memory_space<vmem_shared>>)
      tpu.yield
    }) : () -> ()
    %run_scoped3A_272 = arith.constant 3 : i32
    %run_scoped3A_273 = arith.constant 3 : i32
    "tpu.region"() ({
      %run_scoped3A_327 = tpu.sem_alloc : memref<!tpu.dma_semaphore, #tpu.memory_space<semaphore_mem>>
      %dma_start3A = arith.constant 0 : i32
      %dma_start3A_328 = tpu.memref_slice %arg11[%run_scoped3A_272, %dma_start3A] : memref<16x640xi32, #tpu.memory_space<vmem>> -> memref<1x640xi32, #tpu.memory_space<vmem>>
      %dma_start3A_329 = tpu.memref_squeeze %dma_start3A_328 : memref<1x640xi32, #tpu.memory_space<vmem>> -> memref<640xi32, #tpu.memory_space<vmem>>
      %dma_start3A_330 = tpu.memref_slice %arg20[%run_scoped3A_273, %mul3A_2] : memref<16x10240xi32, #tpu.memory_space<vmem_shared>> -> memref<1x640xi32, #tpu.memory_space<vmem_shared>>
      %dma_start3A_331 = tpu.memref_squeeze %dma_start3A_330 : memref<1x640xi32, #tpu.memory_space<vmem_shared>> -> memref<640xi32, #tpu.memory_space<vmem_shared>>
      %dma_start3A_332 = tpu.memref_slice %arg20[%run_scoped3A_273, %mul3A_2] : memref<16x10240xi32, #tpu.memory_space<vmem_shared>> -> memref<1x640xi32, #tpu.memory_space<vmem_shared>>
      %dma_start3A_333 = tpu.memref_squeeze %dma_start3A_332 : memref<1x640xi32, #tpu.memory_space<vmem_shared>> -> memref<640xi32, #tpu.memory_space<vmem_shared>>
      %dma_start3A_334 = arith.constant 0 : i32
      %dma_start3A_335 = tpu.memref_slice %arg11[%run_scoped3A_272, %dma_start3A_334] : memref<16x640xi32, #tpu.memory_space<vmem>> -> memref<1x640xi32, #tpu.memory_space<vmem>>
      %dma_start3A_336 = tpu.memref_squeeze %dma_start3A_335 : memref<1x640xi32, #tpu.memory_space<vmem>> -> memref<640xi32, #tpu.memory_space<vmem>>
      tpu.enqueue_dma source(%dma_start3A_336 : memref<640xi32, #tpu.memory_space<vmem>>) target(%dma_start3A_333 : memref<640xi32, #tpu.memory_space<vmem_shared>>) target_semaphore(%run_scoped3A_327 : memref<!tpu.dma_semaphore, #tpu.memory_space<semaphore_mem>>)
      %dma_wait3A = arith.constant 0 : i32
      %dma_wait3A_337 = tpu.memref_slice %arg11[%run_scoped3A_272, %dma_wait3A] : memref<16x640xi32, #tpu.memory_space<vmem>> -> memref<1x640xi32, #tpu.memory_space<vmem>>
      %dma_wait3A_338 = tpu.memref_squeeze %dma_wait3A_337 : memref<1x640xi32, #tpu.memory_space<vmem>> -> memref<640xi32, #tpu.memory_space<vmem>>
      %dma_wait3A_339 = tpu.memref_slice %arg20[%run_scoped3A_273, %mul3A_2] : memref<16x10240xi32, #tpu.memory_space<vmem_shared>> -> memref<1x640xi32, #tpu.memory_space<vmem_shared>>
      %dma_wait3A_340 = tpu.memref_squeeze %dma_wait3A_339 : memref<1x640xi32, #tpu.memory_space<vmem_shared>> -> memref<640xi32, #tpu.memory_space<vmem_shared>>
      %dma_wait3A_341 = tpu.memref_slice %arg20[%run_scoped3A_273, %mul3A_2] : memref<16x10240xi32, #tpu.memory_space<vmem_shared>> -> memref<1x640xi32, #tpu.memory_space<vmem_shared>>
      %dma_wait3A_342 = tpu.memref_squeeze %dma_wait3A_341 : memref<1x640xi32, #tpu.memory_space<vmem_shared>> -> memref<640xi32, #tpu.memory_space<vmem_shared>>
      %dma_wait3A_343 = arith.constant 0 : i32
      %dma_wait3A_344 = tpu.memref_slice %arg11[%run_scoped3A_272, %dma_wait3A_343] : memref<16x640xi32, #tpu.memory_space<vmem>> -> memref<1x640xi32, #tpu.memory_space<vmem>>
      %dma_wait3A_345 = tpu.memref_squeeze %dma_wait3A_344 : memref<1x640xi32, #tpu.memory_space<vmem>> -> memref<640xi32, #tpu.memory_space<vmem>>
      tpu.wait_dma2 semaphore(%run_scoped3A_327 : memref<!tpu.dma_semaphore, #tpu.memory_space<semaphore_mem>>) src(%dma_wait3A_345 : memref<640xi32, #tpu.memory_space<vmem>>) dst(%dma_wait3A_342 : memref<640xi32, #tpu.memory_space<vmem_shared>>)
      tpu.yield
    }) : () -> ()
    %run_scoped3A_274 = arith.constant 4 : i32
    %run_scoped3A_275 = arith.constant 4 : i32
    "tpu.region"() ({
      %run_scoped3A_327 = tpu.sem_alloc : memref<!tpu.dma_semaphore, #tpu.memory_space<semaphore_mem>>
      %dma_start3A = arith.constant 0 : i32
      %dma_start3A_328 = tpu.memref_slice %arg11[%run_scoped3A_274, %dma_start3A] : memref<16x640xi32, #tpu.memory_space<vmem>> -> memref<1x640xi32, #tpu.memory_space<vmem>>
      %dma_start3A_329 = tpu.memref_squeeze %dma_start3A_328 : memref<1x640xi32, #tpu.memory_space<vmem>> -> memref<640xi32, #tpu.memory_space<vmem>>
      %dma_start3A_330 = tpu.memref_slice %arg20[%run_scoped3A_275, %mul3A_2] : memref<16x10240xi32, #tpu.memory_space<vmem_shared>> -> memref<1x640xi32, #tpu.memory_space<vmem_shared>>
      %dma_start3A_331 = tpu.memref_squeeze %dma_start3A_330 : memref<1x640xi32, #tpu.memory_space<vmem_shared>> -> memref<640xi32, #tpu.memory_space<vmem_shared>>
      %dma_start3A_332 = tpu.memref_slice %arg20[%run_scoped3A_275, %mul3A_2] : memref<16x10240xi32, #tpu.memory_space<vmem_shared>> -> memref<1x640xi32, #tpu.memory_space<vmem_shared>>
      %dma_start3A_333 = tpu.memref_squeeze %dma_start3A_332 : memref<1x640xi32, #tpu.memory_space<vmem_shared>> -> memref<640xi32, #tpu.memory_space<vmem_shared>>
      %dma_start3A_334 = arith.constant 0 : i32
      %dma_start3A_335 = tpu.memref_slice %arg11[%run_scoped3A_274, %dma_start3A_334] : memref<16x640xi32, #tpu.memory_space<vmem>> -> memref<1x640xi32, #tpu.memory_space<vmem>>
      %dma_start3A_336 = tpu.memref_squeeze %dma_start3A_335 : memref<1x640xi32, #tpu.memory_space<vmem>> -> memref<640xi32, #tpu.memory_space<vmem>>
      tpu.enqueue_dma source(%dma_start3A_336 : memref<640xi32, #tpu.memory_space<vmem>>) target(%dma_start3A_333 : memref<640xi32, #tpu.memory_space<vmem_shared>>) target_semaphore(%run_scoped3A_327 : memref<!tpu.dma_semaphore, #tpu.memory_space<semaphore_mem>>)
      %dma_wait3A = arith.constant 0 : i32
      %dma_wait3A_337 = tpu.memref_slice %arg11[%run_scoped3A_274, %dma_wait3A] : memref<16x640xi32, #tpu.memory_space<vmem>> -> memref<1x640xi32, #tpu.memory_space<vmem>>
      %dma_wait3A_338 = tpu.memref_squeeze %dma_wait3A_337 : memref<1x640xi32, #tpu.memory_space<vmem>> -> memref<640xi32, #tpu.memory_space<vmem>>
      %dma_wait3A_339 = tpu.memref_slice %arg20[%run_scoped3A_275, %mul3A_2] : memref<16x10240xi32, #tpu.memory_space<vmem_shared>> -> memref<1x640xi32, #tpu.memory_space<vmem_shared>>
      %dma_wait3A_340 = tpu.memref_squeeze %dma_wait3A_339 : memref<1x640xi32, #tpu.memory_space<vmem_shared>> -> memref<640xi32, #tpu.memory_space<vmem_shared>>
      %dma_wait3A_341 = tpu.memref_slice %arg20[%run_scoped3A_275, %mul3A_2] : memref<16x10240xi32, #tpu.memory_space<vmem_shared>> -> memref<1x640xi32, #tpu.memory_space<vmem_shared>>
      %dma_wait3A_342 = tpu.memref_squeeze %dma_wait3A_341 : memref<1x640xi32, #tpu.memory_space<vmem_shared>> -> memref<640xi32, #tpu.memory_space<vmem_shared>>
      %dma_wait3A_343 = arith.constant 0 : i32
      %dma_wait3A_344 = tpu.memref_slice %arg11[%run_scoped3A_274, %dma_wait3A_343] : memref<16x640xi32, #tpu.memory_space<vmem>> -> memref<1x640xi32, #tpu.memory_space<vmem>>
      %dma_wait3A_345 = tpu.memref_squeeze %dma_wait3A_344 : memref<1x640xi32, #tpu.memory_space<vmem>> -> memref<640xi32, #tpu.memory_space<vmem>>
      tpu.wait_dma2 semaphore(%run_scoped3A_327 : memref<!tpu.dma_semaphore, #tpu.memory_space<semaphore_mem>>) src(%dma_wait3A_345 : memref<640xi32, #tpu.memory_space<vmem>>) dst(%dma_wait3A_342 : memref<640xi32, #tpu.memory_space<vmem_shared>>)
      tpu.yield
    }) : () -> ()
    %run_scoped3A_276 = arith.constant 5 : i32
    %run_scoped3A_277 = arith.constant 5 : i32
    "tpu.region"() ({
      %run_scoped3A_327 = tpu.sem_alloc : memref<!tpu.dma_semaphore, #tpu.memory_space<semaphore_mem>>
      %dma_start3A = arith.constant 0 : i32
      %dma_start3A_328 = tpu.memref_slice %arg11[%run_scoped3A_276, %dma_start3A] : memref<16x640xi32, #tpu.memory_space<vmem>> -> memref<1x640xi32, #tpu.memory_space<vmem>>
      %dma_start3A_329 = tpu.memref_squeeze %dma_start3A_328 : memref<1x640xi32, #tpu.memory_space<vmem>> -> memref<640xi32, #tpu.memory_space<vmem>>
      %dma_start3A_330 = tpu.memref_slice %arg20[%run_scoped3A_277, %mul3A_2] : memref<16x10240xi32, #tpu.memory_space<vmem_shared>> -> memref<1x640xi32, #tpu.memory_space<vmem_shared>>
      %dma_start3A_331 = tpu.memref_squeeze %dma_start3A_330 : memref<1x640xi32, #tpu.memory_space<vmem_shared>> -> memref<640xi32, #tpu.memory_space<vmem_shared>>
      %dma_start3A_332 = tpu.memref_slice %arg20[%run_scoped3A_277, %mul3A_2] : memref<16x10240xi32, #tpu.memory_space<vmem_shared>> -> memref<1x640xi32, #tpu.memory_space<vmem_shared>>
      %dma_start3A_333 = tpu.memref_squeeze %dma_start3A_332 : memref<1x640xi32, #tpu.memory_space<vmem_shared>> -> memref<640xi32, #tpu.memory_space<vmem_shared>>
      %dma_start3A_334 = arith.constant 0 : i32
      %dma_start3A_335 = tpu.memref_slice %arg11[%run_scoped3A_276, %dma_start3A_334] : memref<16x640xi32, #tpu.memory_space<vmem>> -> memref<1x640xi32, #tpu.memory_space<vmem>>
      %dma_start3A_336 = tpu.memref_squeeze %dma_start3A_335 : memref<1x640xi32, #tpu.memory_space<vmem>> -> memref<640xi32, #tpu.memory_space<vmem>>
      tpu.enqueue_dma source(%dma_start3A_336 : memref<640xi32, #tpu.memory_space<vmem>>) target(%dma_start3A_333 : memref<640xi32, #tpu.memory_space<vmem_shared>>) target_semaphore(%run_scoped3A_327 : memref<!tpu.dma_semaphore, #tpu.memory_space<semaphore_mem>>)
      %dma_wait3A = arith.constant 0 : i32
      %dma_wait3A_337 = tpu.memref_slice %arg11[%run_scoped3A_276, %dma_wait3A] : memref<16x640xi32, #tpu.memory_space<vmem>> -> memref<1x640xi32, #tpu.memory_space<vmem>>
      %dma_wait3A_338 = tpu.memref_squeeze %dma_wait3A_337 : memref<1x640xi32, #tpu.memory_space<vmem>> -> memref<640xi32, #tpu.memory_space<vmem>>
      %dma_wait3A_339 = tpu.memref_slice %arg20[%run_scoped3A_277, %mul3A_2] : memref<16x10240xi32, #tpu.memory_space<vmem_shared>> -> memref<1x640xi32, #tpu.memory_space<vmem_shared>>
      %dma_wait3A_340 = tpu.memref_squeeze %dma_wait3A_339 : memref<1x640xi32, #tpu.memory_space<vmem_shared>> -> memref<640xi32, #tpu.memory_space<vmem_shared>>
      %dma_wait3A_341 = tpu.memref_slice %arg20[%run_scoped3A_277, %mul3A_2] : memref<16x10240xi32, #tpu.memory_space<vmem_shared>> -> memref<1x640xi32, #tpu.memory_space<vmem_shared>>
      %dma_wait3A_342 = tpu.memref_squeeze %dma_wait3A_341 : memref<1x640xi32, #tpu.memory_space<vmem_shared>> -> memref<640xi32, #tpu.memory_space<vmem_shared>>
      %dma_wait3A_343 = arith.constant 0 : i32
      %dma_wait3A_344 = tpu.memref_slice %arg11[%run_scoped3A_276, %dma_wait3A_343] : memref<16x640xi32, #tpu.memory_space<vmem>> -> memref<1x640xi32, #tpu.memory_space<vmem>>
      %dma_wait3A_345 = tpu.memref_squeeze %dma_wait3A_344 : memref<1x640xi32, #tpu.memory_space<vmem>> -> memref<640xi32, #tpu.memory_space<vmem>>
      tpu.wait_dma2 semaphore(%run_scoped3A_327 : memref<!tpu.dma_semaphore, #tpu.memory_space<semaphore_mem>>) src(%dma_wait3A_345 : memref<640xi32, #tpu.memory_space<vmem>>) dst(%dma_wait3A_342 : memref<640xi32, #tpu.memory_space<vmem_shared>>)
      tpu.yield
    }) : () -> ()
    %run_scoped3A_278 = arith.constant 6 : i32
    %run_scoped3A_279 = arith.constant 6 : i32
    "tpu.region"() ({
      %run_scoped3A_327 = tpu.sem_alloc : memref<!tpu.dma_semaphore, #tpu.memory_space<semaphore_mem>>
      %dma_start3A = arith.constant 0 : i32
      %dma_start3A_328 = tpu.memref_slice %arg11[%run_scoped3A_278, %dma_start3A] : memref<16x640xi32, #tpu.memory_space<vmem>> -> memref<1x640xi32, #tpu.memory_space<vmem>>
      %dma_start3A_329 = tpu.memref_squeeze %dma_start3A_328 : memref<1x640xi32, #tpu.memory_space<vmem>> -> memref<640xi32, #tpu.memory_space<vmem>>
      %dma_start3A_330 = tpu.memref_slice %arg20[%run_scoped3A_279, %mul3A_2] : memref<16x10240xi32, #tpu.memory_space<vmem_shared>> -> memref<1x640xi32, #tpu.memory_space<vmem_shared>>
      %dma_start3A_331 = tpu.memref_squeeze %dma_start3A_330 : memref<1x640xi32, #tpu.memory_space<vmem_shared>> -> memref<640xi32, #tpu.memory_space<vmem_shared>>
      %dma_start3A_332 = tpu.memref_slice %arg20[%run_scoped3A_279, %mul3A_2] : memref<16x10240xi32, #tpu.memory_space<vmem_shared>> -> memref<1x640xi32, #tpu.memory_space<vmem_shared>>
      %dma_start3A_333 = tpu.memref_squeeze %dma_start3A_332 : memref<1x640xi32, #tpu.memory_space<vmem_shared>> -> memref<640xi32, #tpu.memory_space<vmem_shared>>
      %dma_start3A_334 = arith.constant 0 : i32
      %dma_start3A_335 = tpu.memref_slice %arg11[%run_scoped3A_278, %dma_start3A_334] : memref<16x640xi32, #tpu.memory_space<vmem>> -> memref<1x640xi32, #tpu.memory_space<vmem>>
      %dma_start3A_336 = tpu.memref_squeeze %dma_start3A_335 : memref<1x640xi32, #tpu.memory_space<vmem>> -> memref<640xi32, #tpu.memory_space<vmem>>
      tpu.enqueue_dma source(%dma_start3A_336 : memref<640xi32, #tpu.memory_space<vmem>>) target(%dma_start3A_333 : memref<640xi32, #tpu.memory_space<vmem_shared>>) target_semaphore(%run_scoped3A_327 : memref<!tpu.dma_semaphore, #tpu.memory_space<semaphore_mem>>)
      %dma_wait3A = arith.constant 0 : i32
      %dma_wait3A_337 = tpu.memref_slice %arg11[%run_scoped3A_278, %dma_wait3A] : memref<16x640xi32, #tpu.memory_space<vmem>> -> memref<1x640xi32, #tpu.memory_space<vmem>>
      %dma_wait3A_338 = tpu.memref_squeeze %dma_wait3A_337 : memref<1x640xi32, #tpu.memory_space<vmem>> -> memref<640xi32, #tpu.memory_space<vmem>>
      %dma_wait3A_339 = tpu.memref_slice %arg20[%run_scoped3A_279, %mul3A_2] : memref<16x10240xi32, #tpu.memory_space<vmem_shared>> -> memref<1x640xi32, #tpu.memory_space<vmem_shared>>
      %dma_wait3A_340 = tpu.memref_squeeze %dma_wait3A_339 : memref<1x640xi32, #tpu.memory_space<vmem_shared>> -> memref<640xi32, #tpu.memory_space<vmem_shared>>
      %dma_wait3A_341 = tpu.memref_slice %arg20[%run_scoped3A_279, %mul3A_2] : memref<16x10240xi32, #tpu.memory_space<vmem_shared>> -> memref<1x640xi32, #tpu.memory_space<vmem_shared>>
      %dma_wait3A_342 = tpu.memref_squeeze %dma_wait3A_341 : memref<1x640xi32, #tpu.memory_space<vmem_shared>> -> memref<640xi32, #tpu.memory_space<vmem_shared>>
      %dma_wait3A_343 = arith.constant 0 : i32
      %dma_wait3A_344 = tpu.memref_slice %arg11[%run_scoped3A_278, %dma_wait3A_343] : memref<16x640xi32, #tpu.memory_space<vmem>> -> memref<1x640xi32, #tpu.memory_space<vmem>>
      %dma_wait3A_345 = tpu.memref_squeeze %dma_wait3A_344 : memref<1x640xi32, #tpu.memory_space<vmem>> -> memref<640xi32, #tpu.memory_space<vmem>>
      tpu.wait_dma2 semaphore(%run_scoped3A_327 : memref<!tpu.dma_semaphore, #tpu.memory_space<semaphore_mem>>) src(%dma_wait3A_345 : memref<640xi32, #tpu.memory_space<vmem>>) dst(%dma_wait3A_342 : memref<640xi32, #tpu.memory_space<vmem_shared>>)
      tpu.yield
    }) : () -> ()
    %run_scoped3A_280 = arith.constant 7 : i32
    %run_scoped3A_281 = arith.constant 7 : i32
    "tpu.region"() ({
      %run_scoped3A_327 = tpu.sem_alloc : memref<!tpu.dma_semaphore, #tpu.memory_space<semaphore_mem>>
      %dma_start3A = arith.constant 0 : i32
      %dma_start3A_328 = tpu.memref_slice %arg11[%run_scoped3A_280, %dma_start3A] : memref<16x640xi32, #tpu.memory_space<vmem>> -> memref<1x640xi32, #tpu.memory_space<vmem>>
      %dma_start3A_329 = tpu.memref_squeeze %dma_start3A_328 : memref<1x640xi32, #tpu.memory_space<vmem>> -> memref<640xi32, #tpu.memory_space<vmem>>
      %dma_start3A_330 = tpu.memref_slice %arg20[%run_scoped3A_281, %mul3A_2] : memref<16x10240xi32, #tpu.memory_space<vmem_shared>> -> memref<1x640xi32, #tpu.memory_space<vmem_shared>>
      %dma_start3A_331 = tpu.memref_squeeze %dma_start3A_330 : memref<1x640xi32, #tpu.memory_space<vmem_shared>> -> memref<640xi32, #tpu.memory_space<vmem_shared>>
      %dma_start3A_332 = tpu.memref_slice %arg20[%run_scoped3A_281, %mul3A_2] : memref<16x10240xi32, #tpu.memory_space<vmem_shared>> -> memref<1x640xi32, #tpu.memory_space<vmem_shared>>
      %dma_start3A_333 = tpu.memref_squeeze %dma_start3A_332 : memref<1x640xi32, #tpu.memory_space<vmem_shared>> -> memref<640xi32, #tpu.memory_space<vmem_shared>>
      %dma_start3A_334 = arith.constant 0 : i32
      %dma_start3A_335 = tpu.memref_slice %arg11[%run_scoped3A_280, %dma_start3A_334] : memref<16x640xi32, #tpu.memory_space<vmem>> -> memref<1x640xi32, #tpu.memory_space<vmem>>
      %dma_start3A_336 = tpu.memref_squeeze %dma_start3A_335 : memref<1x640xi32, #tpu.memory_space<vmem>> -> memref<640xi32, #tpu.memory_space<vmem>>
      tpu.enqueue_dma source(%dma_start3A_336 : memref<640xi32, #tpu.memory_space<vmem>>) target(%dma_start3A_333 : memref<640xi32, #tpu.memory_space<vmem_shared>>) target_semaphore(%run_scoped3A_327 : memref<!tpu.dma_semaphore, #tpu.memory_space<semaphore_mem>>)
      %dma_wait3A = arith.constant 0 : i32
      %dma_wait3A_337 = tpu.memref_slice %arg11[%run_scoped3A_280, %dma_wait3A] : memref<16x640xi32, #tpu.memory_space<vmem>> -> memref<1x640xi32, #tpu.memory_space<vmem>>
      %dma_wait3A_338 = tpu.memref_squeeze %dma_wait3A_337 : memref<1x640xi32, #tpu.memory_space<vmem>> -> memref<640xi32, #tpu.memory_space<vmem>>
      %dma_wait3A_339 = tpu.memref_slice %arg20[%run_scoped3A_281, %mul3A_2] : memref<16x10240xi32, #tpu.memory_space<vmem_shared>> -> memref<1x640xi32, #tpu.memory_space<vmem_shared>>
      %dma_wait3A_340 = tpu.memref_squeeze %dma_wait3A_339 : memref<1x640xi32, #tpu.memory_space<vmem_shared>> -> memref<640xi32, #tpu.memory_space<vmem_shared>>
      %dma_wait3A_341 = tpu.memref_slice %arg20[%run_scoped3A_281, %mul3A_2] : memref<16x10240xi32, #tpu.memory_space<vmem_shared>> -> memref<1x640xi32, #tpu.memory_space<vmem_shared>>
      %dma_wait3A_342 = tpu.memref_squeeze %dma_wait3A_341 : memref<1x640xi32, #tpu.memory_space<vmem_shared>> -> memref<640xi32, #tpu.memory_space<vmem_shared>>
      %dma_wait3A_343 = arith.constant 0 : i32
      %dma_wait3A_344 = tpu.memref_slice %arg11[%run_scoped3A_280, %dma_wait3A_343] : memref<16x640xi32, #tpu.memory_space<vmem>> -> memref<1x640xi32, #tpu.memory_space<vmem>>
      %dma_wait3A_345 = tpu.memref_squeeze %dma_wait3A_344 : memref<1x640xi32, #tpu.memory_space<vmem>> -> memref<640xi32, #tpu.memory_space<vmem>>
      tpu.wait_dma2 semaphore(%run_scoped3A_327 : memref<!tpu.dma_semaphore, #tpu.memory_space<semaphore_mem>>) src(%dma_wait3A_345 : memref<640xi32, #tpu.memory_space<vmem>>) dst(%dma_wait3A_342 : memref<640xi32, #tpu.memory_space<vmem_shared>>)
      tpu.yield
    }) : () -> ()
    %run_scoped3A_282 = arith.constant 8 : i32
    %run_scoped3A_283 = arith.constant 8 : i32
    "tpu.region"() ({
      %run_scoped3A_327 = tpu.sem_alloc : memref<!tpu.dma_semaphore, #tpu.memory_space<semaphore_mem>>
      %dma_start3A = arith.constant 0 : i32
      %dma_start3A_328 = tpu.memref_slice %arg11[%run_scoped3A_282, %dma_start3A] : memref<16x640xi32, #tpu.memory_space<vmem>> -> memref<1x640xi32, #tpu.memory_space<vmem>>
      %dma_start3A_329 = tpu.memref_squeeze %dma_start3A_328 : memref<1x640xi32, #tpu.memory_space<vmem>> -> memref<640xi32, #tpu.memory_space<vmem>>
      %dma_start3A_330 = tpu.memref_slice %arg20[%run_scoped3A_283, %mul3A_2] : memref<16x10240xi32, #tpu.memory_space<vmem_shared>> -> memref<1x640xi32, #tpu.memory_space<vmem_shared>>
      %dma_start3A_331 = tpu.memref_squeeze %dma_start3A_330 : memref<1x640xi32, #tpu.memory_space<vmem_shared>> -> memref<640xi32, #tpu.memory_space<vmem_shared>>
      %dma_start3A_332 = tpu.memref_slice %arg20[%run_scoped3A_283, %mul3A_2] : memref<16x10240xi32, #tpu.memory_space<vmem_shared>> -> memref<1x640xi32, #tpu.memory_space<vmem_shared>>
      %dma_start3A_333 = tpu.memref_squeeze %dma_start3A_332 : memref<1x640xi32, #tpu.memory_space<vmem_shared>> -> memref<640xi32, #tpu.memory_space<vmem_shared>>
      %dma_start3A_334 = arith.constant 0 : i32
      %dma_start3A_335 = tpu.memref_slice %arg11[%run_scoped3A_282, %dma_start3A_334] : memref<16x640xi32, #tpu.memory_space<vmem>> -> memref<1x640xi32, #tpu.memory_space<vmem>>
      %dma_start3A_336 = tpu.memref_squeeze %dma_start3A_335 : memref<1x640xi32, #tpu.memory_space<vmem>> -> memref<640xi32, #tpu.memory_space<vmem>>
      tpu.enqueue_dma source(%dma_start3A_336 : memref<640xi32, #tpu.memory_space<vmem>>) target(%dma_start3A_333 : memref<640xi32, #tpu.memory_space<vmem_shared>>) target_semaphore(%run_scoped3A_327 : memref<!tpu.dma_semaphore, #tpu.memory_space<semaphore_mem>>)
      %dma_wait3A = arith.constant 0 : i32
      %dma_wait3A_337 = tpu.memref_slice %arg11[%run_scoped3A_282, %dma_wait3A] : memref<16x640xi32, #tpu.memory_space<vmem>> -> memref<1x640xi32, #tpu.memory_space<vmem>>
      %dma_wait3A_338 = tpu.memref_squeeze %dma_wait3A_337 : memref<1x640xi32, #tpu.memory_space<vmem>> -> memref<640xi32, #tpu.memory_space<vmem>>
      %dma_wait3A_339 = tpu.memref_slice %arg20[%run_scoped3A_283, %mul3A_2] : memref<16x10240xi32, #tpu.memory_space<vmem_shared>> -> memref<1x640xi32, #tpu.memory_space<vmem_shared>>
      %dma_wait3A_340 = tpu.memref_squeeze %dma_wait3A_339 : memref<1x640xi32, #tpu.memory_space<vmem_shared>> -> memref<640xi32, #tpu.memory_space<vmem_shared>>
      %dma_wait3A_341 = tpu.memref_slice %arg20[%run_scoped3A_283, %mul3A_2] : memref<16x10240xi32, #tpu.memory_space<vmem_shared>> -> memref<1x640xi32, #tpu.memory_space<vmem_shared>>
      %dma_wait3A_342 = tpu.memref_squeeze %dma_wait3A_341 : memref<1x640xi32, #tpu.memory_space<vmem_shared>> -> memref<640xi32, #tpu.memory_space<vmem_shared>>
      %dma_wait3A_343 = arith.constant 0 : i32
      %dma_wait3A_344 = tpu.memref_slice %arg11[%run_scoped3A_282, %dma_wait3A_343] : memref<16x640xi32, #tpu.memory_space<vmem>> -> memref<1x640xi32, #tpu.memory_space<vmem>>
      %dma_wait3A_345 = tpu.memref_squeeze %dma_wait3A_344 : memref<1x640xi32, #tpu.memory_space<vmem>> -> memref<640xi32, #tpu.memory_space<vmem>>
      tpu.wait_dma2 semaphore(%run_scoped3A_327 : memref<!tpu.dma_semaphore, #tpu.memory_space<semaphore_mem>>) src(%dma_wait3A_345 : memref<640xi32, #tpu.memory_space<vmem>>) dst(%dma_wait3A_342 : memref<640xi32, #tpu.memory_space<vmem_shared>>)
      tpu.yield
    }) : () -> ()
    %run_scoped3A_284 = arith.constant 9 : i32
    %run_scoped3A_285 = arith.constant 9 : i32
    "tpu.region"() ({
      %run_scoped3A_327 = tpu.sem_alloc : memref<!tpu.dma_semaphore, #tpu.memory_space<semaphore_mem>>
      %dma_start3A = arith.constant 0 : i32
      %dma_start3A_328 = tpu.memref_slice %arg11[%run_scoped3A_284, %dma_start3A] : memref<16x640xi32, #tpu.memory_space<vmem>> -> memref<1x640xi32, #tpu.memory_space<vmem>>
      %dma_start3A_329 = tpu.memref_squeeze %dma_start3A_328 : memref<1x640xi32, #tpu.memory_space<vmem>> -> memref<640xi32, #tpu.memory_space<vmem>>
      %dma_start3A_330 = tpu.memref_slice %arg20[%run_scoped3A_285, %mul3A_2] : memref<16x10240xi32, #tpu.memory_space<vmem_shared>> -> memref<1x640xi32, #tpu.memory_space<vmem_shared>>
      %dma_start3A_331 = tpu.memref_squeeze %dma_start3A_330 : memref<1x640xi32, #tpu.memory_space<vmem_shared>> -> memref<640xi32, #tpu.memory_space<vmem_shared>>
      %dma_start3A_332 = tpu.memref_slice %arg20[%run_scoped3A_285, %mul3A_2] : memref<16x10240xi32, #tpu.memory_space<vmem_shared>> -> memref<1x640xi32, #tpu.memory_space<vmem_shared>>
      %dma_start3A_333 = tpu.memref_squeeze %dma_start3A_332 : memref<1x640xi32, #tpu.memory_space<vmem_shared>> -> memref<640xi32, #tpu.memory_space<vmem_shared>>
      %dma_start3A_334 = arith.constant 0 : i32
      %dma_start3A_335 = tpu.memref_slice %arg11[%run_scoped3A_284, %dma_start3A_334] : memref<16x640xi32, #tpu.memory_space<vmem>> -> memref<1x640xi32, #tpu.memory_space<vmem>>
      %dma_start3A_336 = tpu.memref_squeeze %dma_start3A_335 : memref<1x640xi32, #tpu.memory_space<vmem>> -> memref<640xi32, #tpu.memory_space<vmem>>
      tpu.enqueue_dma source(%dma_start3A_336 : memref<640xi32, #tpu.memory_space<vmem>>) target(%dma_start3A_333 : memref<640xi32, #tpu.memory_space<vmem_shared>>) target_semaphore(%run_scoped3A_327 : memref<!tpu.dma_semaphore, #tpu.memory_space<semaphore_mem>>)
      %dma_wait3A = arith.constant 0 : i32
      %dma_wait3A_337 = tpu.memref_slice %arg11[%run_scoped3A_284, %dma_wait3A] : memref<16x640xi32, #tpu.memory_space<vmem>> -> memref<1x640xi32, #tpu.memory_space<vmem>>
      %dma_wait3A_338 = tpu.memref_squeeze %dma_wait3A_337 : memref<1x640xi32, #tpu.memory_space<vmem>> -> memref<640xi32, #tpu.memory_space<vmem>>
      %dma_wait3A_339 = tpu.memref_slice %arg20[%run_scoped3A_285, %mul3A_2] : memref<16x10240xi32, #tpu.memory_space<vmem_shared>> -> memref<1x640xi32, #tpu.memory_space<vmem_shared>>
      %dma_wait3A_340 = tpu.memref_squeeze %dma_wait3A_339 : memref<1x640xi32, #tpu.memory_space<vmem_shared>> -> memref<640xi32, #tpu.memory_space<vmem_shared>>
      %dma_wait3A_341 = tpu.memref_slice %arg20[%run_scoped3A_285, %mul3A_2] : memref<16x10240xi32, #tpu.memory_space<vmem_shared>> -> memref<1x640xi32, #tpu.memory_space<vmem_shared>>
      %dma_wait3A_342 = tpu.memref_squeeze %dma_wait3A_341 : memref<1x640xi32, #tpu.memory_space<vmem_shared>> -> memref<640xi32, #tpu.memory_space<vmem_shared>>
      %dma_wait3A_343 = arith.constant 0 : i32
      %dma_wait3A_344 = tpu.memref_slice %arg11[%run_scoped3A_284, %dma_wait3A_343] : memref<16x640xi32, #tpu.memory_space<vmem>> -> memref<1x640xi32, #tpu.memory_space<vmem>>
      %dma_wait3A_345 = tpu.memref_squeeze %dma_wait3A_344 : memref<1x640xi32, #tpu.memory_space<vmem>> -> memref<640xi32, #tpu.memory_space<vmem>>
      tpu.wait_dma2 semaphore(%run_scoped3A_327 : memref<!tpu.dma_semaphore, #tpu.memory_space<semaphore_mem>>) src(%dma_wait3A_345 : memref<640xi32, #tpu.memory_space<vmem>>) dst(%dma_wait3A_342 : memref<640xi32, #tpu.memory_space<vmem_shared>>)
      tpu.yield
    }) : () -> ()
    %run_scoped3A_286 = arith.constant 10 : i32
    %run_scoped3A_287 = arith.constant 10 : i32
    "tpu.region"() ({
      %run_scoped3A_327 = tpu.sem_alloc : memref<!tpu.dma_semaphore, #tpu.memory_space<semaphore_mem>>
      %dma_start3A = arith.constant 0 : i32
      %dma_start3A_328 = tpu.memref_slice %arg11[%run_scoped3A_286, %dma_start3A] : memref<16x640xi32, #tpu.memory_space<vmem>> -> memref<1x640xi32, #tpu.memory_space<vmem>>
      %dma_start3A_329 = tpu.memref_squeeze %dma_start3A_328 : memref<1x640xi32, #tpu.memory_space<vmem>> -> memref<640xi32, #tpu.memory_space<vmem>>
      %dma_start3A_330 = tpu.memref_slice %arg20[%run_scoped3A_287, %mul3A_2] : memref<16x10240xi32, #tpu.memory_space<vmem_shared>> -> memref<1x640xi32, #tpu.memory_space<vmem_shared>>
      %dma_start3A_331 = tpu.memref_squeeze %dma_start3A_330 : memref<1x640xi32, #tpu.memory_space<vmem_shared>> -> memref<640xi32, #tpu.memory_space<vmem_shared>>
      %dma_start3A_332 = tpu.memref_slice %arg20[%run_scoped3A_287, %mul3A_2] : memref<16x10240xi32, #tpu.memory_space<vmem_shared>> -> memref<1x640xi32, #tpu.memory_space<vmem_shared>>
      %dma_start3A_333 = tpu.memref_squeeze %dma_start3A_332 : memref<1x640xi32, #tpu.memory_space<vmem_shared>> -> memref<640xi32, #tpu.memory_space<vmem_shared>>
      %dma_start3A_334 = arith.constant 0 : i32
      %dma_start3A_335 = tpu.memref_slice %arg11[%run_scoped3A_286, %dma_start3A_334] : memref<16x640xi32, #tpu.memory_space<vmem>> -> memref<1x640xi32, #tpu.memory_space<vmem>>
      %dma_start3A_336 = tpu.memref_squeeze %dma_start3A_335 : memref<1x640xi32, #tpu.memory_space<vmem>> -> memref<640xi32, #tpu.memory_space<vmem>>
      tpu.enqueue_dma source(%dma_start3A_336 : memref<640xi32, #tpu.memory_space<vmem>>) target(%dma_start3A_333 : memref<640xi32, #tpu.memory_space<vmem_shared>>) target_semaphore(%run_scoped3A_327 : memref<!tpu.dma_semaphore, #tpu.memory_space<semaphore_mem>>)
      %dma_wait3A = arith.constant 0 : i32
      %dma_wait3A_337 = tpu.memref_slice %arg11[%run_scoped3A_286, %dma_wait3A] : memref<16x640xi32, #tpu.memory_space<vmem>> -> memref<1x640xi32, #tpu.memory_space<vmem>>
      %dma_wait3A_338 = tpu.memref_squeeze %dma_wait3A_337 : memref<1x640xi32, #tpu.memory_space<vmem>> -> memref<640xi32, #tpu.memory_space<vmem>>
      %dma_wait3A_339 = tpu.memref_slice %arg20[%run_scoped3A_287, %mul3A_2] : memref<16x10240xi32, #tpu.memory_space<vmem_shared>> -> memref<1x640xi32, #tpu.memory_space<vmem_shared>>
      %dma_wait3A_340 = tpu.memref_squeeze %dma_wait3A_339 : memref<1x640xi32, #tpu.memory_space<vmem_shared>> -> memref<640xi32, #tpu.memory_space<vmem_shared>>
      %dma_wait3A_341 = tpu.memref_slice %arg20[%run_scoped3A_287, %mul3A_2] : memref<16x10240xi32, #tpu.memory_space<vmem_shared>> -> memref<1x640xi32, #tpu.memory_space<vmem_shared>>
      %dma_wait3A_342 = tpu.memref_squeeze %dma_wait3A_341 : memref<1x640xi32, #tpu.memory_space<vmem_shared>> -> memref<640xi32, #tpu.memory_space<vmem_shared>>
      %dma_wait3A_343 = arith.constant 0 : i32
      %dma_wait3A_344 = tpu.memref_slice %arg11[%run_scoped3A_286, %dma_wait3A_343] : memref<16x640xi32, #tpu.memory_space<vmem>> -> memref<1x640xi32, #tpu.memory_space<vmem>>
      %dma_wait3A_345 = tpu.memref_squeeze %dma_wait3A_344 : memref<1x640xi32, #tpu.memory_space<vmem>> -> memref<640xi32, #tpu.memory_space<vmem>>
      tpu.wait_dma2 semaphore(%run_scoped3A_327 : memref<!tpu.dma_semaphore, #tpu.memory_space<semaphore_mem>>) src(%dma_wait3A_345 : memref<640xi32, #tpu.memory_space<vmem>>) dst(%dma_wait3A_342 : memref<640xi32, #tpu.memory_space<vmem_shared>>)
      tpu.yield
    }) : () -> ()
    %run_scoped3A_288 = arith.constant 11 : i32
    %run_scoped3A_289 = arith.constant 11 : i32
    "tpu.region"() ({
      %run_scoped3A_327 = tpu.sem_alloc : memref<!tpu.dma_semaphore, #tpu.memory_space<semaphore_mem>>
      %dma_start3A = arith.constant 0 : i32
      %dma_start3A_328 = tpu.memref_slice %arg11[%run_scoped3A_288, %dma_start3A] : memref<16x640xi32, #tpu.memory_space<vmem>> -> memref<1x640xi32, #tpu.memory_space<vmem>>
      %dma_start3A_329 = tpu.memref_squeeze %dma_start3A_328 : memref<1x640xi32, #tpu.memory_space<vmem>> -> memref<640xi32, #tpu.memory_space<vmem>>
      %dma_start3A_330 = tpu.memref_slice %arg20[%run_scoped3A_289, %mul3A_2] : memref<16x10240xi32, #tpu.memory_space<vmem_shared>> -> memref<1x640xi32, #tpu.memory_space<vmem_shared>>
      %dma_start3A_331 = tpu.memref_squeeze %dma_start3A_330 : memref<1x640xi32, #tpu.memory_space<vmem_shared>> -> memref<640xi32, #tpu.memory_space<vmem_shared>>
      %dma_start3A_332 = tpu.memref_slice %arg20[%run_scoped3A_289, %mul3A_2] : memref<16x10240xi32, #tpu.memory_space<vmem_shared>> -> memref<1x640xi32, #tpu.memory_space<vmem_shared>>
      %dma_start3A_333 = tpu.memref_squeeze %dma_start3A_332 : memref<1x640xi32, #tpu.memory_space<vmem_shared>> -> memref<640xi32, #tpu.memory_space<vmem_shared>>
      %dma_start3A_334 = arith.constant 0 : i32
      %dma_start3A_335 = tpu.memref_slice %arg11[%run_scoped3A_288, %dma_start3A_334] : memref<16x640xi32, #tpu.memory_space<vmem>> -> memref<1x640xi32, #tpu.memory_space<vmem>>
      %dma_start3A_336 = tpu.memref_squeeze %dma_start3A_335 : memref<1x640xi32, #tpu.memory_space<vmem>> -> memref<640xi32, #tpu.memory_space<vmem>>
      tpu.enqueue_dma source(%dma_start3A_336 : memref<640xi32, #tpu.memory_space<vmem>>) target(%dma_start3A_333 : memref<640xi32, #tpu.memory_space<vmem_shared>>) target_semaphore(%run_scoped3A_327 : memref<!tpu.dma_semaphore, #tpu.memory_space<semaphore_mem>>)
      %dma_wait3A = arith.constant 0 : i32
      %dma_wait3A_337 = tpu.memref_slice %arg11[%run_scoped3A_288, %dma_wait3A] : memref<16x640xi32, #tpu.memory_space<vmem>> -> memref<1x640xi32, #tpu.memory_space<vmem>>
      %dma_wait3A_338 = tpu.memref_squeeze %dma_wait3A_337 : memref<1x640xi32, #tpu.memory_space<vmem>> -> memref<640xi32, #tpu.memory_space<vmem>>
      %dma_wait3A_339 = tpu.memref_slice %arg20[%run_scoped3A_289, %mul3A_2] : memref<16x10240xi32, #tpu.memory_space<vmem_shared>> -> memref<1x640xi32, #tpu.memory_space<vmem_shared>>
      %dma_wait3A_340 = tpu.memref_squeeze %dma_wait3A_339 : memref<1x640xi32, #tpu.memory_space<vmem_shared>> -> memref<640xi32, #tpu.memory_space<vmem_shared>>
      %dma_wait3A_341 = tpu.memref_slice %arg20[%run_scoped3A_289, %mul3A_2] : memref<16x10240xi32, #tpu.memory_space<vmem_shared>> -> memref<1x640xi32, #tpu.memory_space<vmem_shared>>
      %dma_wait3A_342 = tpu.memref_squeeze %dma_wait3A_341 : memref<1x640xi32, #tpu.memory_space<vmem_shared>> -> memref<640xi32, #tpu.memory_space<vmem_shared>>
      %dma_wait3A_343 = arith.constant 0 : i32
      %dma_wait3A_344 = tpu.memref_slice %arg11[%run_scoped3A_288, %dma_wait3A_343] : memref<16x640xi32, #tpu.memory_space<vmem>> -> memref<1x640xi32, #tpu.memory_space<vmem>>
      %dma_wait3A_345 = tpu.memref_squeeze %dma_wait3A_344 : memref<1x640xi32, #tpu.memory_space<vmem>> -> memref<640xi32, #tpu.memory_space<vmem>>
      tpu.wait_dma2 semaphore(%run_scoped3A_327 : memref<!tpu.dma_semaphore, #tpu.memory_space<semaphore_mem>>) src(%dma_wait3A_345 : memref<640xi32, #tpu.memory_space<vmem>>) dst(%dma_wait3A_342 : memref<640xi32, #tpu.memory_space<vmem_shared>>)
      tpu.yield
    }) : () -> ()
    %run_scoped3A_290 = arith.constant 12 : i32
    %run_scoped3A_291 = arith.constant 12 : i32
    "tpu.region"() ({
      %run_scoped3A_327 = tpu.sem_alloc : memref<!tpu.dma_semaphore, #tpu.memory_space<semaphore_mem>>
      %dma_start3A = arith.constant 0 : i32
      %dma_start3A_328 = tpu.memref_slice %arg11[%run_scoped3A_290, %dma_start3A] : memref<16x640xi32, #tpu.memory_space<vmem>> -> memref<1x640xi32, #tpu.memory_space<vmem>>
      %dma_start3A_329 = tpu.memref_squeeze %dma_start3A_328 : memref<1x640xi32, #tpu.memory_space<vmem>> -> memref<640xi32, #tpu.memory_space<vmem>>
      %dma_start3A_330 = tpu.memref_slice %arg20[%run_scoped3A_291, %mul3A_2] : memref<16x10240xi32, #tpu.memory_space<vmem_shared>> -> memref<1x640xi32, #tpu.memory_space<vmem_shared>>
      %dma_start3A_331 = tpu.memref_squeeze %dma_start3A_330 : memref<1x640xi32, #tpu.memory_space<vmem_shared>> -> memref<640xi32, #tpu.memory_space<vmem_shared>>
      %dma_start3A_332 = tpu.memref_slice %arg20[%run_scoped3A_291, %mul3A_2] : memref<16x10240xi32, #tpu.memory_space<vmem_shared>> -> memref<1x640xi32, #tpu.memory_space<vmem_shared>>
      %dma_start3A_333 = tpu.memref_squeeze %dma_start3A_332 : memref<1x640xi32, #tpu.memory_space<vmem_shared>> -> memref<640xi32, #tpu.memory_space<vmem_shared>>
      %dma_start3A_334 = arith.constant 0 : i32
      %dma_start3A_335 = tpu.memref_slice %arg11[%run_scoped3A_290, %dma_start3A_334] : memref<16x640xi32, #tpu.memory_space<vmem>> -> memref<1x640xi32, #tpu.memory_space<vmem>>
      %dma_start3A_336 = tpu.memref_squeeze %dma_start3A_335 : memref<1x640xi32, #tpu.memory_space<vmem>> -> memref<640xi32, #tpu.memory_space<vmem>>
      tpu.enqueue_dma source(%dma_start3A_336 : memref<640xi32, #tpu.memory_space<vmem>>) target(%dma_start3A_333 : memref<640xi32, #tpu.memory_space<vmem_shared>>) target_semaphore(%run_scoped3A_327 : memref<!tpu.dma_semaphore, #tpu.memory_space<semaphore_mem>>)
      %dma_wait3A = arith.constant 0 : i32
      %dma_wait3A_337 = tpu.memref_slice %arg11[%run_scoped3A_290, %dma_wait3A] : memref<16x640xi32, #tpu.memory_space<vmem>> -> memref<1x640xi32, #tpu.memory_space<vmem>>
      %dma_wait3A_338 = tpu.memref_squeeze %dma_wait3A_337 : memref<1x640xi32, #tpu.memory_space<vmem>> -> memref<640xi32, #tpu.memory_space<vmem>>
      %dma_wait3A_339 = tpu.memref_slice %arg20[%run_scoped3A_291, %mul3A_2] : memref<16x10240xi32, #tpu.memory_space<vmem_shared>> -> memref<1x640xi32, #tpu.memory_space<vmem_shared>>
      %dma_wait3A_340 = tpu.memref_squeeze %dma_wait3A_339 : memref<1x640xi32, #tpu.memory_space<vmem_shared>> -> memref<640xi32, #tpu.memory_space<vmem_shared>>
      %dma_wait3A_341 = tpu.memref_slice %arg20[%run_scoped3A_291, %mul3A_2] : memref<16x10240xi32, #tpu.memory_space<vmem_shared>> -> memref<1x640xi32, #tpu.memory_space<vmem_shared>>
      %dma_wait3A_342 = tpu.memref_squeeze %dma_wait3A_341 : memref<1x640xi32, #tpu.memory_space<vmem_shared>> -> memref<640xi32, #tpu.memory_space<vmem_shared>>
      %dma_wait3A_343 = arith.constant 0 : i32
      %dma_wait3A_344 = tpu.memref_slice %arg11[%run_scoped3A_290, %dma_wait3A_343] : memref<16x640xi32, #tpu.memory_space<vmem>> -> memref<1x640xi32, #tpu.memory_space<vmem>>
      %dma_wait3A_345 = tpu.memref_squeeze %dma_wait3A_344 : memref<1x640xi32, #tpu.memory_space<vmem>> -> memref<640xi32, #tpu.memory_space<vmem>>
      tpu.wait_dma2 semaphore(%run_scoped3A_327 : memref<!tpu.dma_semaphore, #tpu.memory_space<semaphore_mem>>) src(%dma_wait3A_345 : memref<640xi32, #tpu.memory_space<vmem>>) dst(%dma_wait3A_342 : memref<640xi32, #tpu.memory_space<vmem_shared>>)
      tpu.yield
    }) : () -> ()
    %run_scoped3A_292 = arith.constant 13 : i32
    %run_scoped3A_293 = arith.constant 13 : i32
    "tpu.region"() ({
      %run_scoped3A_327 = tpu.sem_alloc : memref<!tpu.dma_semaphore, #tpu.memory_space<semaphore_mem>>
      %dma_start3A = arith.constant 0 : i32
      %dma_start3A_328 = tpu.memref_slice %arg11[%run_scoped3A_292, %dma_start3A] : memref<16x640xi32, #tpu.memory_space<vmem>> -> memref<1x640xi32, #tpu.memory_space<vmem>>
      %dma_start3A_329 = tpu.memref_squeeze %dma_start3A_328 : memref<1x640xi32, #tpu.memory_space<vmem>> -> memref<640xi32, #tpu.memory_space<vmem>>
      %dma_start3A_330 = tpu.memref_slice %arg20[%run_scoped3A_293, %mul3A_2] : memref<16x10240xi32, #tpu.memory_space<vmem_shared>> -> memref<1x640xi32, #tpu.memory_space<vmem_shared>>
      %dma_start3A_331 = tpu.memref_squeeze %dma_start3A_330 : memref<1x640xi32, #tpu.memory_space<vmem_shared>> -> memref<640xi32, #tpu.memory_space<vmem_shared>>
      %dma_start3A_332 = tpu.memref_slice %arg20[%run_scoped3A_293, %mul3A_2] : memref<16x10240xi32, #tpu.memory_space<vmem_shared>> -> memref<1x640xi32, #tpu.memory_space<vmem_shared>>
      %dma_start3A_333 = tpu.memref_squeeze %dma_start3A_332 : memref<1x640xi32, #tpu.memory_space<vmem_shared>> -> memref<640xi32, #tpu.memory_space<vmem_shared>>
      %dma_start3A_334 = arith.constant 0 : i32
      %dma_start3A_335 = tpu.memref_slice %arg11[%run_scoped3A_292, %dma_start3A_334] : memref<16x640xi32, #tpu.memory_space<vmem>> -> memref<1x640xi32, #tpu.memory_space<vmem>>
      %dma_start3A_336 = tpu.memref_squeeze %dma_start3A_335 : memref<1x640xi32, #tpu.memory_space<vmem>> -> memref<640xi32, #tpu.memory_space<vmem>>
      tpu.enqueue_dma source(%dma_start3A_336 : memref<640xi32, #tpu.memory_space<vmem>>) target(%dma_start3A_333 : memref<640xi32, #tpu.memory_space<vmem_shared>>) target_semaphore(%run_scoped3A_327 : memref<!tpu.dma_semaphore, #tpu.memory_space<semaphore_mem>>)
      %dma_wait3A = arith.constant 0 : i32
      %dma_wait3A_337 = tpu.memref_slice %arg11[%run_scoped3A_292, %dma_wait3A] : memref<16x640xi32, #tpu.memory_space<vmem>> -> memref<1x640xi32, #tpu.memory_space<vmem>>
      %dma_wait3A_338 = tpu.memref_squeeze %dma_wait3A_337 : memref<1x640xi32, #tpu.memory_space<vmem>> -> memref<640xi32, #tpu.memory_space<vmem>>
      %dma_wait3A_339 = tpu.memref_slice %arg20[%run_scoped3A_293, %mul3A_2] : memref<16x10240xi32, #tpu.memory_space<vmem_shared>> -> memref<1x640xi32, #tpu.memory_space<vmem_shared>>
      %dma_wait3A_340 = tpu.memref_squeeze %dma_wait3A_339 : memref<1x640xi32, #tpu.memory_space<vmem_shared>> -> memref<640xi32, #tpu.memory_space<vmem_shared>>
      %dma_wait3A_341 = tpu.memref_slice %arg20[%run_scoped3A_293, %mul3A_2] : memref<16x10240xi32, #tpu.memory_space<vmem_shared>> -> memref<1x640xi32, #tpu.memory_space<vmem_shared>>
      %dma_wait3A_342 = tpu.memref_squeeze %dma_wait3A_341 : memref<1x640xi32, #tpu.memory_space<vmem_shared>> -> memref<640xi32, #tpu.memory_space<vmem_shared>>
      %dma_wait3A_343 = arith.constant 0 : i32
      %dma_wait3A_344 = tpu.memref_slice %arg11[%run_scoped3A_292, %dma_wait3A_343] : memref<16x640xi32, #tpu.memory_space<vmem>> -> memref<1x640xi32, #tpu.memory_space<vmem>>
      %dma_wait3A_345 = tpu.memref_squeeze %dma_wait3A_344 : memref<1x640xi32, #tpu.memory_space<vmem>> -> memref<640xi32, #tpu.memory_space<vmem>>
      tpu.wait_dma2 semaphore(%run_scoped3A_327 : memref<!tpu.dma_semaphore, #tpu.memory_space<semaphore_mem>>) src(%dma_wait3A_345 : memref<640xi32, #tpu.memory_space<vmem>>) dst(%dma_wait3A_342 : memref<640xi32, #tpu.memory_space<vmem_shared>>)
      tpu.yield
    }) : () -> ()
    %run_scoped3A_294 = arith.constant 14 : i32
    %run_scoped3A_295 = arith.constant 14 : i32
    "tpu.region"() ({
      %run_scoped3A_327 = tpu.sem_alloc : memref<!tpu.dma_semaphore, #tpu.memory_space<semaphore_mem>>
      %dma_start3A = arith.constant 0 : i32
      %dma_start3A_328 = tpu.memref_slice %arg11[%run_scoped3A_294, %dma_start3A] : memref<16x640xi32, #tpu.memory_space<vmem>> -> memref<1x640xi32, #tpu.memory_space<vmem>>
      %dma_start3A_329 = tpu.memref_squeeze %dma_start3A_328 : memref<1x640xi32, #tpu.memory_space<vmem>> -> memref<640xi32, #tpu.memory_space<vmem>>
      %dma_start3A_330 = tpu.memref_slice %arg20[%run_scoped3A_295, %mul3A_2] : memref<16x10240xi32, #tpu.memory_space<vmem_shared>> -> memref<1x640xi32, #tpu.memory_space<vmem_shared>>
      %dma_start3A_331 = tpu.memref_squeeze %dma_start3A_330 : memref<1x640xi32, #tpu.memory_space<vmem_shared>> -> memref<640xi32, #tpu.memory_space<vmem_shared>>
      %dma_start3A_332 = tpu.memref_slice %arg20[%run_scoped3A_295, %mul3A_2] : memref<16x10240xi32, #tpu.memory_space<vmem_shared>> -> memref<1x640xi32, #tpu.memory_space<vmem_shared>>
      %dma_start3A_333 = tpu.memref_squeeze %dma_start3A_332 : memref<1x640xi32, #tpu.memory_space<vmem_shared>> -> memref<640xi32, #tpu.memory_space<vmem_shared>>
      %dma_start3A_334 = arith.constant 0 : i32
      %dma_start3A_335 = tpu.memref_slice %arg11[%run_scoped3A_294, %dma_start3A_334] : memref<16x640xi32, #tpu.memory_space<vmem>> -> memref<1x640xi32, #tpu.memory_space<vmem>>
      %dma_start3A_336 = tpu.memref_squeeze %dma_start3A_335 : memref<1x640xi32, #tpu.memory_space<vmem>> -> memref<640xi32, #tpu.memory_space<vmem>>
      tpu.enqueue_dma source(%dma_start3A_336 : memref<640xi32, #tpu.memory_space<vmem>>) target(%dma_start3A_333 : memref<640xi32, #tpu.memory_space<vmem_shared>>) target_semaphore(%run_scoped3A_327 : memref<!tpu.dma_semaphore, #tpu.memory_space<semaphore_mem>>)
      %dma_wait3A = arith.constant 0 : i32
      %dma_wait3A_337 = tpu.memref_slice %arg11[%run_scoped3A_294, %dma_wait3A] : memref<16x640xi32, #tpu.memory_space<vmem>> -> memref<1x640xi32, #tpu.memory_space<vmem>>
      %dma_wait3A_338 = tpu.memref_squeeze %dma_wait3A_337 : memref<1x640xi32, #tpu.memory_space<vmem>> -> memref<640xi32, #tpu.memory_space<vmem>>
      %dma_wait3A_339 = tpu.memref_slice %arg20[%run_scoped3A_295, %mul3A_2] : memref<16x10240xi32, #tpu.memory_space<vmem_shared>> -> memref<1x640xi32, #tpu.memory_space<vmem_shared>>
      %dma_wait3A_340 = tpu.memref_squeeze %dma_wait3A_339 : memref<1x640xi32, #tpu.memory_space<vmem_shared>> -> memref<640xi32, #tpu.memory_space<vmem_shared>>
      %dma_wait3A_341 = tpu.memref_slice %arg20[%run_scoped3A_295, %mul3A_2] : memref<16x10240xi32, #tpu.memory_space<vmem_shared>> -> memref<1x640xi32, #tpu.memory_space<vmem_shared>>
      %dma_wait3A_342 = tpu.memref_squeeze %dma_wait3A_341 : memref<1x640xi32, #tpu.memory_space<vmem_shared>> -> memref<640xi32, #tpu.memory_space<vmem_shared>>
      %dma_wait3A_343 = arith.constant 0 : i32
      %dma_wait3A_344 = tpu.memref_slice %arg11[%run_scoped3A_294, %dma_wait3A_343] : memref<16x640xi32, #tpu.memory_space<vmem>> -> memref<1x640xi32, #tpu.memory_space<vmem>>
      %dma_wait3A_345 = tpu.memref_squeeze %dma_wait3A_344 : memref<1x640xi32, #tpu.memory_space<vmem>> -> memref<640xi32, #tpu.memory_space<vmem>>
      tpu.wait_dma2 semaphore(%run_scoped3A_327 : memref<!tpu.dma_semaphore, #tpu.memory_space<semaphore_mem>>) src(%dma_wait3A_345 : memref<640xi32, #tpu.memory_space<vmem>>) dst(%dma_wait3A_342 : memref<640xi32, #tpu.memory_space<vmem_shared>>)
      tpu.yield
    }) : () -> ()
    %run_scoped3A_296 = arith.constant 15 : i32
    %run_scoped3A_297 = arith.constant 15 : i32
    "tpu.region"() ({
      %run_scoped3A_327 = tpu.sem_alloc : memref<!tpu.dma_semaphore, #tpu.memory_space<semaphore_mem>>
      %dma_start3A = arith.constant 0 : i32
      %dma_start3A_328 = tpu.memref_slice %arg11[%run_scoped3A_296, %dma_start3A] : memref<16x640xi32, #tpu.memory_space<vmem>> -> memref<1x640xi32, #tpu.memory_space<vmem>>
      %dma_start3A_329 = tpu.memref_squeeze %dma_start3A_328 : memref<1x640xi32, #tpu.memory_space<vmem>> -> memref<640xi32, #tpu.memory_space<vmem>>
      %dma_start3A_330 = tpu.memref_slice %arg20[%run_scoped3A_297, %mul3A_2] : memref<16x10240xi32, #tpu.memory_space<vmem_shared>> -> memref<1x640xi32, #tpu.memory_space<vmem_shared>>
      %dma_start3A_331 = tpu.memref_squeeze %dma_start3A_330 : memref<1x640xi32, #tpu.memory_space<vmem_shared>> -> memref<640xi32, #tpu.memory_space<vmem_shared>>
      %dma_start3A_332 = tpu.memref_slice %arg20[%run_scoped3A_297, %mul3A_2] : memref<16x10240xi32, #tpu.memory_space<vmem_shared>> -> memref<1x640xi32, #tpu.memory_space<vmem_shared>>
      %dma_start3A_333 = tpu.memref_squeeze %dma_start3A_332 : memref<1x640xi32, #tpu.memory_space<vmem_shared>> -> memref<640xi32, #tpu.memory_space<vmem_shared>>
      %dma_start3A_334 = arith.constant 0 : i32
      %dma_start3A_335 = tpu.memref_slice %arg11[%run_scoped3A_296, %dma_start3A_334] : memref<16x640xi32, #tpu.memory_space<vmem>> -> memref<1x640xi32, #tpu.memory_space<vmem>>
      %dma_start3A_336 = tpu.memref_squeeze %dma_start3A_335 : memref<1x640xi32, #tpu.memory_space<vmem>> -> memref<640xi32, #tpu.memory_space<vmem>>
      tpu.enqueue_dma source(%dma_start3A_336 : memref<640xi32, #tpu.memory_space<vmem>>) target(%dma_start3A_333 : memref<640xi32, #tpu.memory_space<vmem_shared>>) target_semaphore(%run_scoped3A_327 : memref<!tpu.dma_semaphore, #tpu.memory_space<semaphore_mem>>)
      %dma_wait3A = arith.constant 0 : i32
      %dma_wait3A_337 = tpu.memref_slice %arg11[%run_scoped3A_296, %dma_wait3A] : memref<16x640xi32, #tpu.memory_space<vmem>> -> memref<1x640xi32, #tpu.memory_space<vmem>>
      %dma_wait3A_338 = tpu.memref_squeeze %dma_wait3A_337 : memref<1x640xi32, #tpu.memory_space<vmem>> -> memref<640xi32, #tpu.memory_space<vmem>>
      %dma_wait3A_339 = tpu.memref_slice %arg20[%run_scoped3A_297, %mul3A_2] : memref<16x10240xi32, #tpu.memory_space<vmem_shared>> -> memref<1x640xi32, #tpu.memory_space<vmem_shared>>
      %dma_wait3A_340 = tpu.memref_squeeze %dma_wait3A_339 : memref<1x640xi32, #tpu.memory_space<vmem_shared>> -> memref<640xi32, #tpu.memory_space<vmem_shared>>
      %dma_wait3A_341 = tpu.memref_slice %arg20[%run_scoped3A_297, %mul3A_2] : memref<16x10240xi32, #tpu.memory_space<vmem_shared>> -> memref<1x640xi32, #tpu.memory_space<vmem_shared>>
      %dma_wait3A_342 = tpu.memref_squeeze %dma_wait3A_341 : memref<1x640xi32, #tpu.memory_space<vmem_shared>> -> memref<640xi32, #tpu.memory_space<vmem_shared>>
      %dma_wait3A_343 = arith.constant 0 : i32
      %dma_wait3A_344 = tpu.memref_slice %arg11[%run_scoped3A_296, %dma_wait3A_343] : memref<16x640xi32, #tpu.memory_space<vmem>> -> memref<1x640xi32, #tpu.memory_space<vmem>>
      %dma_wait3A_345 = tpu.memref_squeeze %dma_wait3A_344 : memref<1x640xi32, #tpu.memory_space<vmem>> -> memref<640xi32, #tpu.memory_space<vmem>>
      tpu.wait_dma2 semaphore(%run_scoped3A_327 : memref<!tpu.dma_semaphore, #tpu.memory_space<semaphore_mem>>) src(%dma_wait3A_345 : memref<640xi32, #tpu.memory_space<vmem>>) dst(%dma_wait3A_342 : memref<640xi32, #tpu.memory_space<vmem_shared>>)
      tpu.yield
    }) : () -> ()
    %barrier3A_298 = arith.constant 0 : index
    tpu.barrier barrier_id(%barrier3A_298)
    "tpu.region"() ({
      %run_scoped3A_327 = tpu.sem_alloc : memref<!tpu.dma_semaphore, #tpu.memory_space<semaphore_mem>>
      %dma_start3A = arith.constant 0 : i32
      %dma_start3A_328 = tpu.memref_slice %arg20[%arg1, %dma_start3A] : memref<16x10240xi32, #tpu.memory_space<vmem_shared>> -> memref<1x10240xi32, #tpu.memory_space<vmem_shared>>
      %dma_start3A_329 = tpu.memref_squeeze %dma_start3A_328 : memref<1x10240xi32, #tpu.memory_space<vmem_shared>> -> memref<10240xi32, #tpu.memory_space<vmem_shared>>
      %dma_start3A_330 = arith.constant 0 : i32
      %dma_start3A_331 = tpu.memref_slice %arg20[%arg1, %dma_start3A_330] : memref<16x10240xi32, #tpu.memory_space<vmem_shared>> -> memref<1x10240xi32, #tpu.memory_space<vmem_shared>>
      %dma_start3A_332 = tpu.memref_squeeze %dma_start3A_331 : memref<1x10240xi32, #tpu.memory_space<vmem_shared>> -> memref<10240xi32, #tpu.memory_space<vmem_shared>>
      tpu.enqueue_dma source(%dma_start3A_332 : memref<10240xi32, #tpu.memory_space<vmem_shared>>) target(%arg9 : memref<10240xi32, #tpu.memory_space<vmem>>) target_semaphore(%run_scoped3A_327 : memref<!tpu.dma_semaphore, #tpu.memory_space<semaphore_mem>>)
      %dma_wait3A = arith.constant 0 : i32
      %dma_wait3A_333 = tpu.memref_slice %arg20[%arg1, %dma_wait3A] : memref<16x10240xi32, #tpu.memory_space<vmem_shared>> -> memref<1x10240xi32, #tpu.memory_space<vmem_shared>>
      %dma_wait3A_334 = tpu.memref_squeeze %dma_wait3A_333 : memref<1x10240xi32, #tpu.memory_space<vmem_shared>> -> memref<10240xi32, #tpu.memory_space<vmem_shared>>
      %dma_wait3A_335 = arith.constant 0 : i32
      %dma_wait3A_336 = tpu.memref_slice %arg20[%arg1, %dma_wait3A_335] : memref<16x10240xi32, #tpu.memory_space<vmem_shared>> -> memref<1x10240xi32, #tpu.memory_space<vmem_shared>>
      %dma_wait3A_337 = tpu.memref_squeeze %dma_wait3A_336 : memref<1x10240xi32, #tpu.memory_space<vmem_shared>> -> memref<10240xi32, #tpu.memory_space<vmem_shared>>
      tpu.wait_dma2 semaphore(%run_scoped3A_327 : memref<!tpu.dma_semaphore, #tpu.memory_space<semaphore_mem>>) src(%dma_wait3A_337 : memref<10240xi32, #tpu.memory_space<vmem_shared>>) dst(%arg9 : memref<10240xi32, #tpu.memory_space<vmem>>)
      tpu.yield
    }) : () -> ()
    "tpu.region"() ({
      %run_scoped3A_327 = tpu.sem_alloc : memref<!tpu.dma_semaphore, #tpu.memory_space<semaphore_mem>>
      %dma_start3A = tpu.memref_slice %arg3[%mul3A_0] : memref<160000xi32, #tpu.memory_space<hbm>> -> memref<10000xi32, #tpu.memory_space<hbm>>
      %dma_start3A_328 = tpu.memref_slice %arg3[%mul3A_0] : memref<160000xi32, #tpu.memory_space<hbm>> -> memref<10000xi32, #tpu.memory_space<hbm>>
      tpu.enqueue_dma source(%dma_start3A_328 : memref<10000xi32, #tpu.memory_space<hbm>>) target(%arg7 : memref<10000xi32, #tpu.memory_space<vmem>>) target_semaphore(%run_scoped3A_327 : memref<!tpu.dma_semaphore, #tpu.memory_space<semaphore_mem>>)
      %dma_wait3A = tpu.memref_slice %arg3[%mul3A_0] : memref<160000xi32, #tpu.memory_space<hbm>> -> memref<10000xi32, #tpu.memory_space<hbm>>
      %dma_wait3A_329 = tpu.memref_slice %arg3[%mul3A_0] : memref<160000xi32, #tpu.memory_space<hbm>> -> memref<10000xi32, #tpu.memory_space<hbm>>
      tpu.wait_dma2 semaphore(%run_scoped3A_327 : memref<!tpu.dma_semaphore, #tpu.memory_space<semaphore_mem>>) src(%dma_wait3A_329 : memref<10000xi32, #tpu.memory_space<hbm>>) dst(%arg7 : memref<10000xi32, #tpu.memory_space<vmem>>)
      tpu.yield
    }) : () -> ()
    %scan3A_299 = arith.constant 0 : i32
    %scan3A_300 = arith.constant 0 : i32
    %scan3A_301 = arith.constant 625 : i32
    %scan3A_302 = arith.addi %scan3A_300, %scan3A_301 : i32
    %scan3A_303 = arith.constant 1 : i32
    %scan3A_304 = scf.for %scan3A_327 = %scan3A_300 to %scan3A_302 step %scan3A_303 iter_args(%scan3A_328 = %scan3A_299) -> (i32)  : i32 {
      %mul3A_329 = arith.constant 16 : i32
      %mul3A_330 = arith.muli %scan3A_327, %mul3A_329 : i32
      %get3A_331 = arith.index_cast %mul3A_330 : i32 to index
      %get3A_332 = tpu.vector_load %arg6[%get3A_331] {strides = array<i32>} : memref<10000xi32, #tpu.memory_space<vmem>>, vector<16xi32>,
      %mul3A_333 = arith.constant 16 : i32
      %mul3A_334 = vector.broadcast %mul3A_333 : i32 to vector<16xi32>
      %mul3A_335 = arith.muli %get3A_332, %mul3A_334 : vector<16xi32>
      %add3A_336 = arith.addi %mul3A_335, %iota3A : vector<16xi32>
      %masked_sort3A = arith.constant dense<true> : vector<16xi1>
      %masked_sort3A_337 = arith.constant -2147483648 : i32
      %masked_sort3A_338 = vector.broadcast %masked_sort3A_337 : i32 to vector<16xi32>
      %masked_sort3A_339 = arith.xori %add3A_336, %masked_sort3A_338 : vector<16xi32>
      %masked_sort3A_340, %masked_sort3A_341, %masked_sort3A_342 = tpu.sort %masked_sort3A_339, %iota3A masked %masked_sort3A : (vector<16xi32>, vector<16xi32>, vector<16xi1>) -> (vector<16xi1>, vector<16xi32>, vector<16xi32>)
      %masked_sort3A_343 = arith.xori %masked_sort3A_341, %masked_sort3A_338 : vector<16xi32>
      %swap3A_344 = arith.constant 0 : index
      %swap3A_345 = tpu.vector_load %arg14[%swap3A_344] {strides = array<i32>} : memref<16xi32, #tpu.memory_space<vmem>>, vector<16xi32>,
      tpu.vector_store %arg14[%swap3A_344], %masked_sort3A_343 {strides = array<i32>} : memref<16xi32, #tpu.memory_space<vmem>>, vector<16xi32>,
      %sub3A = arith.constant 1 : i32
      %sub3A_346 = vector.broadcast %sub3A : i32 to vector<16xi32>
      %sub3A_347 = arith.subi %iota3A, %sub3A_346 : vector<16xi32>
      %max3A = arith.constant 0 : i32
      %max3A_348 = vector.broadcast %max3A : i32 to vector<16xi32>
      %max3A_349 = arith.maxsi %sub3A_347, %max3A_348 : vector<16xi32>
      %gather3A = tpu.vector_load_idx %arg14[%max3A_349] : memref<16xi32, #tpu.memory_space<vmem>>[vector<16xi32>], vector<16xi32>,
      %eq3A_350 = arith.constant 0 : i32
      %eq3A_351 = vector.broadcast %eq3A_350 : i32 to vector<16xi32>
      %eq3A_352 = arith.cmpi eq, %iota3A, %eq3A_351 : vector<16xi32>
      %shift_right_arithmetic3A = arith.constant 4 : i32
      %shift_right_arithmetic3A_353 = vector.broadcast %shift_right_arithmetic3A : i32 to vector<16xi32>
      %shift_right_arithmetic3A_354 = arith.shrsi %masked_sort3A_343, %shift_right_arithmetic3A_353 : vector<16xi32>
      %shift_right_arithmetic3A_355 = arith.constant 4 : i32
      %shift_right_arithmetic3A_356 = vector.broadcast %shift_right_arithmetic3A_355 : i32 to vector<16xi32>
      %shift_right_arithmetic3A_357 = arith.shrsi %gather3A, %shift_right_arithmetic3A_356 : vector<16xi32>
      %ne3A = arith.cmpi ne, %shift_right_arithmetic3A_354, %shift_right_arithmetic3A_357 : vector<16xi32>
      %or3A = arith.ori %eq3A_352, %ne3A : vector<16xi1>
      %jit3A_358 = arith.constant 0 : i32
      %broadcast_in_dim3A_359 = vector.broadcast %jit3A_358 : i32 to vector<16xi32>
      %select_n3A_360 = arith.select %or3A, %iota3A, %broadcast_in_dim3A_359 : vector<16xi1>, vector<16xi32>
      %broadcast_in_dim3A_361 = arith.constant true
      %broadcast_in_dim3A_362 = vector.broadcast %broadcast_in_dim3A_361 : i1 to vector<16xi1>
      %masked_cummax3A = arith.constant -2147483648 : i32
      %masked_cummax3A_363 = vector.broadcast %masked_cummax3A : i32 to vector<16xi32>
      %masked_cummax3A_364 = arith.xori %select_n3A_360, %masked_cummax3A_363 : vector<16xi32>
      %masked_cummax3A_365 = tpu.scan <max>, %masked_cummax3A_364 masked %broadcast_in_dim3A_362 : vector<16xi32>, vector<16xi1> -> vector<16xi32>
      %masked_cummax3A_366 = arith.xori %masked_cummax3A_365, %masked_cummax3A_363 : vector<16xi32>
      %sub3A_367 = arith.subi %iota3A, %masked_cummax3A_366 : vector<16xi32>
      tpu.vector_store_idx %arg14[%masked_sort3A_342], %sub3A_367 : memref<16xi32, #tpu.memory_space<vmem>>[vector<16xi32>], vector<16xi32>,
      %get3A_368 = arith.constant 0 : index
      %get3A_369 = tpu.vector_load %arg14[%get3A_368] {strides = array<i32>} : memref<16xi32, #tpu.memory_space<vmem>>, vector<16xi32>,
      %gather3A_370 = tpu.vector_load_idx %arg9[%get3A_332] : memref<10240xi32, #tpu.memory_space<vmem>>[vector<16xi32>], vector<16xi32>,
      tpu.vector_store_idx %arg9[%get3A_332], %broadcast_in_dim3A_3 {add = true} : memref<10240xi32, #tpu.memory_space<vmem>>[vector<16xi32>], vector<16xi32>,
      %add3A_371 = arith.addi %gather3A_370, %get3A_369 : vector<16xi32>
      %add3A_372 = arith.constant 128 : i32
      %add3A_373 = vector.broadcast %add3A_372 : i32 to vector<16xi32>
      %add3A_374 = arith.addi %add3A_371, %add3A_373 : vector<16xi32>
      %jit3A_375 = arith.constant 0 : i32
      %jit3A_376 = arith.constant 160255 : i32
      %max3A_377 = vector.broadcast %jit3A_375 : i32 to vector<16xi32>
      %max3A_378 = arith.maxsi %max3A_377, %add3A_374 : vector<16xi32>
      %min3A = vector.broadcast %jit3A_376 : i32 to vector<16xi32>
      %min3A_379 = arith.minsi %min3A, %max3A_378 : vector<16xi32>
      %shift_right_arithmetic3A_380 = arith.constant 3 : i32
      %shift_right_arithmetic3A_381 = arith.shrsi %scan3A_327, %shift_right_arithmetic3A_380 : i32
      %and3A = arith.constant 7 : i32
      %and3A_382 = arith.andi %scan3A_327, %and3A : i32
      %mul3A_383 = arith.constant 16 : i32
      %mul3A_384 = arith.muli %and3A_382, %mul3A_383 : i32
      %swap3A_385 = arith.index_cast %shift_right_arithmetic3A_381 : i32 to index
      %swap3A_386 = arith.index_cast %mul3A_384 : i32 to index
      %swap3A_387 = tpu.vector_load %arg17[%swap3A_385, %swap3A_386] {strides = array<i32>} : memref<79x128xi32, #tpu.memory_space<vmem>>, vector<16xi32>,
      tpu.vector_store %arg17[%swap3A_385, %swap3A_386], %min3A_379 {strides = array<i32>} : memref<79x128xi32, #tpu.memory_space<vmem>>, vector<16xi32>,
      %scan3A_388 = arith.constant 0 : i32
      scf.yield %scan3A_388 : i32
    }
    %scan3A_305 = arith.constant 625 : i32
    %get3A_306 = arith.constant 78 : i32
    %get3A_307 = arith.index_cast %get3A_306 : i32 to index
    %get3A_308 = arith.constant 0 : index
    %get3A_309 = tpu.vector_load %arg17[%get3A_307, %get3A_308] {strides = array<i32>} : memref<79x128xi32, #tpu.memory_space<vmem>>, vector<16xi32>,
    %swap3A_310 = arith.constant 0 : index
    %swap3A_311 = tpu.vector_load %arg18[%swap3A_310] {strides = array<i32>} : memref<16xi32, #tpu.memory_space<vmem>>, vector<16xi32>,
    tpu.vector_store %arg18[%swap3A_310], %get3A_309 {strides = array<i32>} : memref<16xi32, #tpu.memory_space<vmem>>, vector<16xi32>,
    %scan3A_312 = arith.constant 0 : i32
    %scan3A_313 = arith.constant 0 : i32
    %scan3A_314 = arith.constant 78 : i32
    %scan3A_315 = arith.addi %scan3A_313, %scan3A_314 : i32
    %scan3A_316 = arith.constant 1 : i32
    %scan3A_317 = scf.for %scan3A_327 = %scan3A_313 to %scan3A_315 step %scan3A_316 iter_args(%scan3A_328 = %scan3A_312) -> (i32)  : i32 {
      %mul3A_329 = arith.constant 128 : i32
      %mul3A_330 = arith.muli %scan3A_327, %mul3A_329 : i32
      "tpu.region"() ({
        %run_scoped3A_332 = tpu.sem_alloc : memref<!tpu.dma_semaphore, #tpu.memory_space<semaphore_mem>>
        %dma_start3A = tpu.memref_slice %arg7[%mul3A_330] : memref<10000xi32, #tpu.memory_space<vmem>> -> memref<128xi32, #tpu.memory_space<vmem>>
        %dma_start3A_333 = arith.constant 0 : i32
        %dma_start3A_334 = tpu.memref_slice %arg17[%scan3A_327, %dma_start3A_333] : memref<79x128xi32, #tpu.memory_space<vmem>> -> memref<1x128xi32, #tpu.memory_space<vmem>>
        %dma_start3A_335 = tpu.memref_squeeze %dma_start3A_334 : memref<1x128xi32, #tpu.memory_space<vmem>> -> memref<128xi32, #tpu.memory_space<vmem>>
        %dma_start3A_336 = arith.constant 0 : i32
        %dma_start3A_337 = tpu.memref_slice %arg22[%dma_start3A_336] : memref<160256xi32, #tpu.memory_space<vmem_shared>> -> memref<160256xi32, #tpu.memory_space<vmem_shared>>
        tpu.enqueue_indirect_dma source(%dma_start3A : memref<128xi32, #tpu.memory_space<vmem>>) target(%dma_start3A_337 : memref<160256xi32, #tpu.memory_space<vmem_shared>>) offsets(%dma_start3A_335 : memref<128xi32, #tpu.memory_space<vmem>>) semaphore(%run_scoped3A_332 : memref<!tpu.dma_semaphore, #tpu.memory_space<semaphore_mem>>)
        %dma_wait3A = tpu.memref_slice %arg7[%mul3A_330] : memref<10000xi32, #tpu.memory_space<vmem>> -> memref<128xi32, #tpu.memory_space<vmem>>
        %dma_wait3A_338 = arith.constant 0 : i32
        %dma_wait3A_339 = tpu.memref_slice %arg17[%scan3A_327, %dma_wait3A_338] : memref<79x128xi32, #tpu.memory_space<vmem>> -> memref<1x128xi32, #tpu.memory_space<vmem>>
        %dma_wait3A_340 = tpu.memref_squeeze %dma_wait3A_339 : memref<1x128xi32, #tpu.memory_space<vmem>> -> memref<128xi32, #tpu.memory_space<vmem>>
        %dma_wait3A_341 = arith.constant 0 : i32
        %dma_wait3A_342 = tpu.memref_slice %arg22[%dma_wait3A_341] : memref<160256xi32, #tpu.memory_space<vmem_shared>> -> memref<160256xi32, #tpu.memory_space<vmem_shared>>
        tpu.wait_indirect_dma semaphore(%run_scoped3A_332 : memref<!tpu.dma_semaphore, #tpu.memory_space<semaphore_mem>>) src(%dma_wait3A : memref<128xi32, #tpu.memory_space<vmem>>) dst(%dma_wait3A_342 : memref<160256xi32, #tpu.memory_space<vmem_shared>>)
        tpu.yield
      }) : () -> ()
      %scan3A_331 = arith.constant 0 : i32
      scf.yield %scan3A_331 : i32
    }
    %scan3A_318 = arith.constant 78 : i32
    "tpu.region"() ({
      %run_scoped3A_327 = tpu.sem_alloc : memref<!tpu.dma_semaphore, #tpu.memory_space<semaphore_mem>>
      %dma_start3A = arith.constant 9984 : i32
      %dma_start3A_328 = tpu.memref_slice %arg7[%dma_start3A] : memref<10000xi32, #tpu.memory_space<vmem>> -> memref<16xi32, #tpu.memory_space<vmem>>
      %dma_start3A_329 = arith.constant 0 : i32
      %dma_start3A_330 = tpu.memref_slice %arg22[%dma_start3A_329] : memref<160256xi32, #tpu.memory_space<vmem_shared>> -> memref<160256xi32, #tpu.memory_space<vmem_shared>>
      tpu.enqueue_indirect_dma source(%dma_start3A_328 : memref<16xi32, #tpu.memory_space<vmem>>) target(%dma_start3A_330 : memref<160256xi32, #tpu.memory_space<vmem_shared>>) offsets(%arg18 : memref<16xi32, #tpu.memory_space<vmem>>) semaphore(%run_scoped3A_327 : memref<!tpu.dma_semaphore, #tpu.memory_space<semaphore_mem>>)
      %dma_wait3A = arith.constant 9984 : i32
      %dma_wait3A_331 = tpu.memref_slice %arg7[%dma_wait3A] : memref<10000xi32, #tpu.memory_space<vmem>> -> memref<16xi32, #tpu.memory_space<vmem>>
      %dma_wait3A_332 = arith.constant 0 : i32
      %dma_wait3A_333 = tpu.memref_slice %arg22[%dma_wait3A_332] : memref<160256xi32, #tpu.memory_space<vmem_shared>> -> memref<160256xi32, #tpu.memory_space<vmem_shared>>
      tpu.wait_indirect_dma semaphore(%run_scoped3A_327 : memref<!tpu.dma_semaphore, #tpu.memory_space<semaphore_mem>>) src(%dma_wait3A_331 : memref<16xi32, #tpu.memory_space<vmem>>) dst(%dma_wait3A_333 : memref<160256xi32, #tpu.memory_space<vmem_shared>>)
      tpu.yield
    }) : () -> ()
    %barrier3A_319 = arith.constant 0 : index
    tpu.barrier barrier_id(%barrier3A_319)
    %mul3A_320 = arith.constant 10016 : i32
    %mul3A_321 = arith.muli %arg1, %mul3A_320 : i32
    %eq3A_322 = arith.constant 0 : i32
    %eq3A_323 = arith.cmpi eq, %arg0, %eq3A_322 : i32
    %convert_element_type3A_324 = arith.extui %eq3A_323 : i1 to i32
    %cond3A_325 = arith.constant 0 : i32
    %cond3A_326 = arith.cmpi ne, %convert_element_type3A_324, %cond3A_325 : i32
    scf.if %cond3A_326 {
      "tpu.region"() ({
        %run_scoped3A_327 = tpu.sem_alloc : memref<!tpu.dma_semaphore, #tpu.memory_space<semaphore_mem>>
        %dma_start3A = arith.constant 0 : i32
        %dma_start3A_328 = tpu.memref_slice %arg9[%dma_start3A] : memref<10240xi32, #tpu.memory_space<vmem>> -> memref<10016xi32, #tpu.memory_space<vmem>>
        %dma_start3A_329 = tpu.memref_slice %arg22[%mul3A_321] : memref<160256xi32, #tpu.memory_space<vmem_shared>> -> memref<10016xi32, #tpu.memory_space<vmem_shared>>
        %dma_start3A_330 = arith.constant 0 : i32
        %dma_start3A_331 = tpu.memref_slice %arg9[%dma_start3A_330] : memref<10240xi32, #tpu.memory_space<vmem>> -> memref<10016xi32, #tpu.memory_space<vmem>>
        %dma_start3A_332 = tpu.memref_slice %arg22[%mul3A_321] : memref<160256xi32, #tpu.memory_space<vmem_shared>> -> memref<10016xi32, #tpu.memory_space<vmem_shared>>
        tpu.enqueue_dma source(%dma_start3A_332 : memref<10016xi32, #tpu.memory_space<vmem_shared>>) target(%dma_start3A_331 : memref<10016xi32, #tpu.memory_space<vmem>>) target_semaphore(%run_scoped3A_327 : memref<!tpu.dma_semaphore, #tpu.memory_space<semaphore_mem>>)
        %dma_wait3A = arith.constant 0 : i32
        %dma_wait3A_333 = tpu.memref_slice %arg9[%dma_wait3A] : memref<10240xi32, #tpu.memory_space<vmem>> -> memref<10016xi32, #tpu.memory_space<vmem>>
        %dma_wait3A_334 = tpu.memref_slice %arg22[%mul3A_321] : memref<160256xi32, #tpu.memory_space<vmem_shared>> -> memref<10016xi32, #tpu.memory_space<vmem_shared>>
        %dma_wait3A_335 = arith.constant 0 : i32
        %dma_wait3A_336 = tpu.memref_slice %arg9[%dma_wait3A_335] : memref<10240xi32, #tpu.memory_space<vmem>> -> memref<10016xi32, #tpu.memory_space<vmem>>
        %dma_wait3A_337 = tpu.memref_slice %arg22[%mul3A_321] : memref<160256xi32, #tpu.memory_space<vmem_shared>> -> memref<10016xi32, #tpu.memory_space<vmem_shared>>
        tpu.wait_dma2 semaphore(%run_scoped3A_327 : memref<!tpu.dma_semaphore, #tpu.memory_space<semaphore_mem>>) src(%dma_wait3A_337 : memref<10016xi32, #tpu.memory_space<vmem_shared>>) dst(%dma_wait3A_336 : memref<10016xi32, #tpu.memory_space<vmem>>)
        tpu.yield
      }) : () -> ()
      "tpu.region"() ({
        %run_scoped3A_327 = tpu.sem_alloc : memref<!tpu.dma_semaphore, #tpu.memory_space<semaphore_mem>>
        %dma_start3A = arith.constant 0 : i32
        %dma_start3A_328 = tpu.memref_slice %arg9[%dma_start3A] : memref<10240xi32, #tpu.memory_space<vmem>> -> memref<10016xi32, #tpu.memory_space<vmem>>
        %dma_start3A_329 = tpu.memref_slice %arg4[%mul3A_321] : memref<160256xi32, #tpu.memory_space<hbm>> -> memref<10016xi32, #tpu.memory_space<hbm>>
        %dma_start3A_330 = tpu.memref_slice %arg4[%mul3A_321] : memref<160256xi32, #tpu.memory_space<hbm>> -> memref<10016xi32, #tpu.memory_space<hbm>>
        %dma_start3A_331 = arith.constant 0 : i32
        %dma_start3A_332 = tpu.memref_slice %arg9[%dma_start3A_331] : memref<10240xi32, #tpu.memory_space<vmem>> -> memref<10016xi32, #tpu.memory_space<vmem>>
        tpu.enqueue_dma source(%dma_start3A_332 : memref<10016xi32, #tpu.memory_space<vmem>>) target(%dma_start3A_330 : memref<10016xi32, #tpu.memory_space<hbm>>) target_semaphore(%run_scoped3A_327 : memref<!tpu.dma_semaphore, #tpu.memory_space<semaphore_mem>>)
        %dma_wait3A = arith.constant 0 : i32
        %dma_wait3A_333 = tpu.memref_slice %arg9[%dma_wait3A] : memref<10240xi32, #tpu.memory_space<vmem>> -> memref<10016xi32, #tpu.memory_space<vmem>>
        %dma_wait3A_334 = tpu.memref_slice %arg4[%mul3A_321] : memref<160256xi32, #tpu.memory_space<hbm>> -> memref<10016xi32, #tpu.memory_space<hbm>>
        %dma_wait3A_335 = tpu.memref_slice %arg4[%mul3A_321] : memref<160256xi32, #tpu.memory_space<hbm>> -> memref<10016xi32, #tpu.memory_space<hbm>>
        %dma_wait3A_336 = arith.constant 0 : i32
        %dma_wait3A_337 = tpu.memref_slice %arg9[%dma_wait3A_336] : memref<10240xi32, #tpu.memory_space<vmem>> -> memref<10016xi32, #tpu.memory_space<vmem>>
        tpu.wait_dma2 semaphore(%run_scoped3A_327 : memref<!tpu.dma_semaphore, #tpu.memory_space<semaphore_mem>>) src(%dma_wait3A_337 : memref<10016xi32, #tpu.memory_space<vmem>>) dst(%dma_wait3A_335 : memref<10016xi32, #tpu.memory_space<hbm>>)
        tpu.yield
      }) : () -> ()
    } else {
    }
    return
  }
}

module attributes {stable_mosaic.version = 14 : i64} {
  func.func @_seq_body(%arg0: memref<10000x128xf32, #tpu.memory_space<vmem>>, %arg1: memref<1252x128xi32, #tpu.memory_space<vmem>>, %arg2: memref<10001xi32, #tpu.memory_space<smem>>, %arg3: memref<4xi32, #tpu.memory_space<smem>>, %arg4: memref<128x128xf32, #tpu.memory_space<vmem>>, %arg5: memref<1x128xf32, #tpu.memory_space<vmem>>, %arg6: memref<128x128xf32, #tpu.memory_space<vmem>>, %arg7: memref<32x128xf32, #tpu.memory_space<vmem>>, %arg8: memref<1x128xf32, #tpu.memory_space<vmem>>, %arg9: memref<128x32xf32, #tpu.memory_space<vmem>>, %arg10: memref<32x32xf32, #tpu.memory_space<vmem>>, %arg11: memref<1x32xf32, #tpu.memory_space<vmem>>, %arg12: memref<128x128xf32, #tpu.memory_space<vmem>>, %arg13: memref<1x128xf32, #tpu.memory_space<vmem>>, %arg14: memref<10000x128xf32, #tpu.memory_space<vmem>>, %arg15: memref<10112xi32, #tpu.memory_space<smem>>, %arg16: memref<128x1xf32, #tpu.memory_space<vmem>>, %arg17: memref<130x32xf32, #tpu.memory_space<vmem>>, %arg18: memref<130x128xf32, #tpu.memory_space<vmem>>, %arg19: memref<10112xi32, #tpu.memory_space<vmem>>, %arg20: memref<!tpu.dma_semaphore, #tpu.memory_space<semaphore_mem>>) attributes {dimension_semantics = [], scalar_prefetch = 0 : i64, scratch_operands = 6 : i64, tpu.core_type = #tpu.core_type<tc>} {
    %iota3A = tpu.iota {dimensions = array<i32: 1>} : vector<1x128xi32>
    %iota3A_0 = tpu.iota {dimensions = array<i32: 0>} : vector<128x1xi32>
    %iota3A_1 = tpu.iota {dimensions = array<i32: 0>} : vector<128x128xi32>
    %iota3A_2 = tpu.iota {dimensions = array<i32: 1>} : vector<128x128xi32>
    %eq3A = arith.cmpi eq, %iota3A_1, %iota3A_2 : vector<128x128xi32>
    %convert_element_type3A = arith.extui %eq3A : vector<128x128xi1> to vector<128x128xi32>
    %convert_element_type3A_3 = arith.sitofp %convert_element_type3A : vector<128x128xi32> to vector<128x128xf32>
    %broadcast_in_dim3A = arith.constant 0 : i32
    %broadcast_in_dim3A_4 = vector.broadcast %broadcast_in_dim3A : i32 to vector<10112xi32>
    %swap3A = arith.constant 0 : index
    %swap3A_5 = vector.load %arg19[%swap3A] : memref<10112xi32, #tpu.memory_space<vmem>>, vector<10112xi32>
    tpu.vector_store %arg19[%swap3A], %broadcast_in_dim3A_4 {strides = array<i32>} : memref<10112xi32, #tpu.memory_space<vmem>>, vector<10112xi32>,
    tpu.enqueue_dma source(%arg19 : memref<10112xi32, #tpu.memory_space<vmem>>) target(%arg15 : memref<10112xi32, #tpu.memory_space<smem>>) target_semaphore(%arg20 : memref<!tpu.dma_semaphore, #tpu.memory_space<semaphore_mem>>)
    tpu.wait_dma2 semaphore(%arg20 : memref<!tpu.dma_semaphore, #tpu.memory_space<semaphore_mem>>) src(%arg19 : memref<10112xi32, #tpu.memory_space<vmem>>) dst(%arg15 : memref<10112xi32, #tpu.memory_space<smem>>)
    %get3A = arith.constant 0 : index
    %get3A_6 = arith.constant 0 : index
    %get3A_7 = vector.load %arg13[%get3A, %get3A_6] : memref<1x128xf32, #tpu.memory_space<vmem>>, vector<1x128xf32>
    %reduce_max3A = arith.constant dense<0xFF800000> : vector<1xf32>
    %reduce_max3A_8 = vector.multi_reduction <maximumf>, %get3A_7, %reduce_max3A [1] : vector<1x128xf32> to vector<1xf32>
    %broadcast_in_dim3A_9 = vector.shape_cast %reduce_max3A_8 : vector<1xf32> to vector<1x1xf32>
    %sub3A = vector.broadcast %broadcast_in_dim3A_9 : vector<1x1xf32> to vector<1x128xf32>
    %sub3A_10 = arith.subf %get3A_7, %sub3A : vector<1x128xf32>
    %exp3A = math.exp %sub3A_10 : vector<1x128xf32>
    %reduce_sum3A = arith.constant dense<0.000000e+00> : vector<1xf32>
    %reduce_sum3A_11 = vector.multi_reduction <add>, %exp3A, %reduce_sum3A [1] : vector<1x128xf32> to vector<1xf32>
    %broadcast_in_dim3A_12 = vector.shape_cast %reduce_sum3A_11 : vector<1xf32> to vector<1x1xf32>
    %log3A = math.log %broadcast_in_dim3A_12 : vector<1x1xf32>
    %add3A = arith.addf %broadcast_in_dim3A_9, %log3A : vector<1x1xf32>
    %sub3A_13 = vector.broadcast %add3A : vector<1x1xf32> to vector<1x128xf32>
    %sub3A_14 = arith.subf %get3A_7, %sub3A_13 : vector<1x128xf32>
    %broadcast_in_dim3A_15 = vector.shape_cast %sub3A_14 : vector<1x128xf32> to vector<1x128xf32>
    %broadcast_in_dim3A_16 = vector.broadcast %broadcast_in_dim3A_15 : vector<1x128xf32> to vector<80x128xf32>
    %scan3A = arith.constant 0 : i32
    %scan3A_17 = arith.constant 125 : i32
    %scan3A_18 = arith.addi %scan3A, %scan3A_17 : i32
    %scan3A_19 = arith.constant 1 : i32
    scf.for %scan3A_308 = %scan3A to %scan3A_18 step %scan3A_19  : i32 {
      %mul3A_309 = arith.constant 80 : i32
      %mul3A_310 = arith.muli %scan3A_308, %mul3A_309 : i32
      %swap3A_311 = arith.index_cast %mul3A_310 : i32 to index
      %swap3A_312 = arith.constant 0 : index
      %swap3A_313 = vector.load %arg14[%swap3A_311, %swap3A_312] : memref<10000x128xf32, #tpu.memory_space<vmem>>, vector<80x128xf32>
      tpu.vector_store %arg14[%swap3A_311, %swap3A_312], %broadcast_in_dim3A_16 {strides = array<i32>} : memref<10000x128xf32, #tpu.memory_space<vmem>>, vector<80x128xf32>,
    }
    %scan3A_20 = arith.constant 125 : i32
    %get3A_21 = arith.constant 0 : index
    %get3A_22 = arith.constant 0 : index
    %get3A_23 = vector.load %arg4[%get3A_21, %get3A_22] : memref<128x128xf32, #tpu.memory_space<vmem>>, vector<128x128xf32>
    %get3A_24 = arith.constant 0 : index
    %get3A_25 = arith.constant 0 : index
    %get3A_26 = vector.load %arg5[%get3A_24, %get3A_25] : memref<1x128xf32, #tpu.memory_space<vmem>>, vector<1x128xf32>
    %get3A_27 = arith.constant 0 : index
    %get3A_28 = arith.constant 0 : index
    %get3A_29 = vector.load %arg6[%get3A_27, %get3A_28] : memref<128x128xf32, #tpu.memory_space<vmem>>, vector<128x128xf32>
    %get3A_30 = arith.constant 0 : index
    %get3A_31 = arith.constant 0 : index
    %get3A_32 = vector.load %arg7[%get3A_30, %get3A_31] : memref<32x128xf32, #tpu.memory_space<vmem>>, vector<32x128xf32>
    %get3A_33 = arith.constant 0 : index
    %get3A_34 = arith.constant 0 : index
    %get3A_35 = vector.load %arg8[%get3A_33, %get3A_34] : memref<1x128xf32, #tpu.memory_space<vmem>>, vector<1x128xf32>
    %get3A_36 = arith.constant 0 : index
    %get3A_37 = arith.constant 0 : index
    %get3A_38 = vector.load %arg9[%get3A_36, %get3A_37] : memref<128x32xf32, #tpu.memory_space<vmem>>, vector<128x32xf32>
    %get3A_39 = arith.constant 0 : index
    %get3A_40 = arith.constant 0 : index
    %get3A_41 = vector.load %arg10[%get3A_39, %get3A_40] : memref<32x32xf32, #tpu.memory_space<vmem>>, vector<32x32xf32>
    %get3A_42 = arith.constant 0 : index
    %get3A_43 = arith.constant 0 : index
    %get3A_44 = vector.load %arg11[%get3A_42, %get3A_43] : memref<1x32xf32, #tpu.memory_space<vmem>>, vector<1x32xf32>
    %get3A_45 = arith.constant 0 : index
    %get3A_46 = memref.load %arg3[%get3A_45] : memref<4xi32, #tpu.memory_space<smem>>
    %eq3A_47 = arith.constant 0 : i32
    %eq3A_48 = vector.broadcast %eq3A_47 : i32 to vector<128x1xi32>
    %eq3A_49 = arith.cmpi eq, %iota3A_0, %eq3A_48 : vector<128x1xi32>
    %mul3A = arith.constant 256 : i32
    %mul3A_50 = arith.muli %get3A_46, %mul3A : i32
    %jit3A = arith.constant 0 : i32
    %broadcast_in_dim3A_51 = vector.broadcast %mul3A_50 : i32 to vector<128x1xi32>
    %broadcast_in_dim3A_52 = vector.broadcast %jit3A : i32 to vector<128x1xi32>
    %select_n3A = arith.select %eq3A_49, %broadcast_in_dim3A_51, %broadcast_in_dim3A_52 : vector<128x1xi1>, vector<128x1xi32>
    %convert_element_type3A_53 = arith.sitofp %select_n3A : vector<128x1xi32> to vector<128x1xf32>
    %swap3A_54 = arith.constant 0 : index
    %swap3A_55 = arith.constant 0 : index
    %swap3A_56 = vector.load %arg16[%swap3A_54, %swap3A_55] : memref<128x1xf32, #tpu.memory_space<vmem>>, vector<128x1xf32>
    tpu.vector_store %arg16[%swap3A_54, %swap3A_55], %convert_element_type3A_53 {strides = array<i32>} : memref<128x1xf32, #tpu.memory_space<vmem>>, vector<128x1xf32>,
    %broadcast_in_dim3A_57 = arith.constant 0.000000e+00 : f32
    %broadcast_in_dim3A_58 = vector.broadcast %broadcast_in_dim3A_57 : f32 to vector<130x32xf32>
    %swap3A_59 = arith.constant 0 : index
    %swap3A_60 = arith.constant 0 : index
    %swap3A_61 = vector.load %arg17[%swap3A_59, %swap3A_60] : memref<130x32xf32, #tpu.memory_space<vmem>>, vector<130x32xf32>
    tpu.vector_store %arg17[%swap3A_59, %swap3A_60], %broadcast_in_dim3A_58 {strides = array<i32>} : memref<130x32xf32, #tpu.memory_space<vmem>>, vector<130x32xf32>,
    %broadcast_in_dim3A_62 = arith.constant 1.000000e+00 : f32
    %broadcast_in_dim3A_63 = vector.broadcast %broadcast_in_dim3A_62 : f32 to vector<1x32xf32>
    %swap3A_64 = arith.constant 0 : index
    %swap3A_65 = arith.constant 0 : index
    %swap3A_66 = vector.load %arg17[%swap3A_64, %swap3A_65] : memref<130x32xf32, #tpu.memory_space<vmem>>, vector<1x32xf32>
    tpu.vector_store %arg17[%swap3A_64, %swap3A_65], %broadcast_in_dim3A_63 {strides = array<i32>} : memref<130x32xf32, #tpu.memory_space<vmem>>, vector<1x32xf32>,
    %scan3A_67 = arith.constant 0 : i32
    %scan3A_68 = arith.constant 1 : i32
    %scan3A_69 = arith.constant 0 : i32
    %scan3A_70 = arith.constant 0 : i32
    %scan3A_71 = arith.constant 128 : i32
    %scan3A_72 = arith.addi %scan3A_70, %scan3A_71 : i32
    %scan3A_73 = arith.constant 1 : i32
    %scan3A_74:3 = scf.for %scan3A_308 = %scan3A_70 to %scan3A_72 step %scan3A_73 iter_args(%scan3A_309 = %scan3A_67, %scan3A_310 = %scan3A_68, %scan3A_311 = %scan3A_69) -> (i32, i32, i32)  : i32 {
      %lt3A = arith.cmpi slt, %scan3A_309, %scan3A_310 : i32
      %get3A_312 = arith.index_cast %scan3A_309 : i32 to index
      %get3A_313 = arith.constant 0 : index
      %get3A_314 = vector.load %arg16[%get3A_312, %get3A_313] : memref<128x1xf32, #tpu.memory_space<vmem>>, vector<1x1xf32>
      %get3A_315 = vector.extract %get3A_314[0, 0] : f32 from vector<1x1xf32>
      %convert_element_type3A_316 = arith.fptosi %get3A_315 : f32 to i32
      %shift_right_arithmetic3A = arith.constant 8 : i32
      %shift_right_arithmetic3A_317 = arith.shrsi %convert_element_type3A_316, %shift_right_arithmetic3A : i32
      %and3A = arith.constant 255 : i32
      %and3A_318 = arith.andi %convert_element_type3A_316, %and3A : i32
      %get3A_319 = arith.index_cast %shift_right_arithmetic3A_317 : i32 to index
      %get3A_320 = memref.load %arg2[%get3A_319] : memref<10001xi32, #tpu.memory_space<smem>>
      %add3A_321 = arith.constant 1 : i32
      %add3A_322 = arith.addi %shift_right_arithmetic3A_317, %add3A_321 : i32
      %get3A_323 = arith.index_cast %add3A_322 : i32 to index
      %get3A_324 = memref.load %arg2[%get3A_323] : memref<10001xi32, #tpu.memory_space<smem>>
      %sub3A_325 = arith.subi %get3A_324, %get3A_320 : i32
      %add3A_326 = arith.constant 1 : i32
      %add3A_327 = arith.addi %scan3A_311, %add3A_326 : i32
      %min3A = arith.constant 128 : i32
      %min3A_328 = arith.minsi %scan3A_310, %min3A : i32
      %add3A_329 = arith.constant 128 : i32
      %add3A_330 = arith.addi %add3A_329, %get3A_320 : i32
      %sub3A_331 = arith.subi %add3A_330, %min3A_328 : i32
      %jit3A_332 = arith.constant 128 : i32
      %div3A = arith.divsi %sub3A_331, %jit3A_332 : i32
      %sign3A = arith.constant 0 : i32
      %sign3A_333 = arith.cmpi sgt, %sub3A_331, %sign3A : i32
      %sign3A_334 = arith.extui %sign3A_333 : i1 to i32
      %sign3A_335 = arith.constant 0 : i32
      %sign3A_336 = arith.cmpi slt, %sub3A_331, %sign3A_335 : i32
      %sign3A_337 = arith.extui %sign3A_336 : i1 to i32
      %sign3A_338 = arith.subi %sign3A_334, %sign3A_337 : i32
      %sign3A_339 = arith.constant 0 : i32
      %sign3A_340 = arith.cmpi sgt, %jit3A_332, %sign3A_339 : i32
      %sign3A_341 = arith.extui %sign3A_340 : i1 to i32
      %sign3A_342 = arith.constant 0 : i32
      %sign3A_343 = arith.cmpi slt, %jit3A_332, %sign3A_342 : i32
      %sign3A_344 = arith.extui %sign3A_343 : i1 to i32
      %sign3A_345 = arith.subi %sign3A_341, %sign3A_344 : i32
      %ne3A = arith.cmpi ne, %sign3A_338, %sign3A_345 : i32
      %rem3A = arith.remsi %sub3A_331, %jit3A_332 : i32
      %ne3A_346 = arith.constant 0 : i32
      %ne3A_347 = arith.cmpi ne, %rem3A, %ne3A_346 : i32
      %and3A_348 = arith.andi %ne3A, %ne3A_347 : i1
      %sub3A_349 = arith.constant 1 : i32
      %sub3A_350 = arith.subi %div3A, %sub3A_349 : i32
      %select_n3A_351 = arith.select %and3A_348, %sub3A_350, %div3A : i32
      %mul3A_352 = arith.constant 128 : i32
      %mul3A_353 = arith.muli %select_n3A_351, %mul3A_352 : i32
      %sub3A_354 = arith.subi %sub3A_331, %mul3A_353 : i32
      %get3A_355 = arith.index_cast %select_n3A_351 : i32 to index
      %get3A_356 = arith.constant 0 : index
      %get3A_357 = vector.load %arg1[%get3A_355, %get3A_356] : memref<1252x128xi32, #tpu.memory_space<vmem>>, vector<1x128xi32>
      %neg3A = arith.constant 0 : i32
      %neg3A_358 = arith.subi %neg3A, %sub3A_354 : i32
      %bitcast_convert_type3A = tpu.bitcast %get3A_357 : vector<1x128xi32> -> vector<1x128xf32>
      %roll3A = tpu.dynamic_rotate %bitcast_convert_type3A by %neg3A_358 dim 1 : vector<1x128xf32>, i32 -> vector<1x128xf32>
      %bitcast_convert_type3A_359 = tpu.bitcast %roll3A : vector<1x128xf32> -> vector<1x128xi32>
      %add3A_360 = arith.constant 1 : i32
      %add3A_361 = arith.addi %select_n3A_351, %add3A_360 : i32
      %get3A_362 = arith.index_cast %add3A_361 : i32 to index
      %get3A_363 = arith.constant 0 : index
      %get3A_364 = vector.load %arg1[%get3A_362, %get3A_363] : memref<1252x128xi32, #tpu.memory_space<vmem>>, vector<1x128xi32>
      %neg3A_365 = arith.constant 0 : i32
      %neg3A_366 = arith.subi %neg3A_365, %sub3A_354 : i32
      %bitcast_convert_type3A_367 = tpu.bitcast %get3A_364 : vector<1x128xi32> -> vector<1x128xf32>
      %roll3A_368 = tpu.dynamic_rotate %bitcast_convert_type3A_367 by %neg3A_366 dim 1 : vector<1x128xf32>, i32 -> vector<1x128xf32>
      %bitcast_convert_type3A_369 = tpu.bitcast %roll3A_368 : vector<1x128xf32> -> vector<1x128xi32>
      %sub3A_370 = arith.constant 128 : i32
      %sub3A_371 = arith.subi %sub3A_370, %sub3A_354 : i32
      %lt3A_372 = vector.broadcast %sub3A_371 : i32 to vector<1x128xi32>
      %lt3A_373 = arith.cmpi slt, %iota3A, %lt3A_372 : vector<1x128xi32>
      %select_n3A_374 = arith.select %lt3A_373, %bitcast_convert_type3A_359, %bitcast_convert_type3A_369 : vector<1x128xi1>, vector<1x128xi32>
      %convert_element_type3A_375 = arith.sitofp %select_n3A_374 : vector<1x128xi32> to vector<1x128xf32>
      %dot_general3A_376 = arith.constant dense<0.000000e+00> : vector<128x1xf32>
      %dot_general3A_377 = tpu.matmul %convert_element_type3A_3, %convert_element_type3A_375, %dot_general3A_376 {dimension_numbers = #tpu.dot_dimension_numbers<[1], [1], [0], [0], [0, 0, 1, 0], [], []>, transpose_lhs_hint = false} : vector<128x128xf32>, vector<1x128xf32>, vector<128x1xf32> -> vector<128x1xf32>
      %ge3A = vector.broadcast %scan3A_310 : i32 to vector<128x1xi32>
      %ge3A_378 = arith.cmpi sge, %iota3A_0, %ge3A : vector<128x1xi32>
      %add3A_379 = arith.addi %scan3A_310, %sub3A_325 : i32
      %lt3A_380 = vector.broadcast %add3A_379 : i32 to vector<128x1xi32>
      %lt3A_381 = arith.cmpi slt, %iota3A_0, %lt3A_380 : vector<128x1xi32>
      %and3A_382 = arith.andi %ge3A_378, %lt3A_381 : vector<128x1xi1>
      %and3A_383 = vector.broadcast %lt3A : i1 to vector<128x1xi1>
      %and3A_384 = arith.andi %and3A_383, %and3A_382 : vector<128x1xi1>
      %mul3A_385 = arith.constant 2.560000e+02 : f32
      %mul3A_386 = vector.broadcast %mul3A_385 : f32 to vector<128x1xf32>
      %mul3A_387 = arith.mulf %dot_general3A_377, %mul3A_386 : vector<128x1xf32>
      %convert_element_type3A_388 = arith.sitofp %add3A_327 : i32 to f32
      %add3A_389 = vector.broadcast %convert_element_type3A_388 : f32 to vector<128x1xf32>
      %add3A_390 = arith.addf %mul3A_387, %add3A_389 : vector<128x1xf32>
      %get3A_391 = arith.constant 0 : index
      %get3A_392 = arith.constant 0 : index
      %get3A_393 = vector.load %arg16[%get3A_391, %get3A_392] : memref<128x1xf32, #tpu.memory_space<vmem>>, vector<128x1xf32>
      %select_n3A_394 = arith.select %and3A_384, %add3A_390, %get3A_393 : vector<128x1xi1>, vector<128x1xf32>
      %swap3A_395 = arith.constant 0 : index
      %swap3A_396 = arith.constant 0 : index
      %swap3A_397 = vector.load %arg16[%swap3A_395, %swap3A_396] : memref<128x1xf32, #tpu.memory_space<vmem>>, vector<128x1xf32>
      tpu.vector_store %arg16[%swap3A_395, %swap3A_396], %select_n3A_394 {strides = array<i32>} : memref<128x1xf32, #tpu.memory_space<vmem>>, vector<128x1xf32>,
      %get3A_398 = arith.index_cast %and3A_318 : i32 to index
      %get3A_399 = arith.constant 0 : index
      %get3A_400 = vector.load %arg17[%get3A_398, %get3A_399] : memref<130x32xf32, #tpu.memory_space<vmem>>, vector<1x32xf32>
      %get3A_401 = arith.index_cast %shift_right_arithmetic3A_317 : i32 to index
      %get3A_402 = memref.load %arg15[%get3A_401] : memref<10112xi32, #tpu.memory_space<smem>>
      %ge3A_403 = arith.constant 1 : i32
      %ge3A_404 = arith.cmpi sge, %get3A_402, %ge3A_403 : i32
      %sub3A_405 = arith.constant 1 : i32
      %sub3A_406 = arith.subi %get3A_402, %sub3A_405 : i32
      %max3A_407 = arith.constant 0 : i32
      %max3A_408 = arith.maxsi %sub3A_406, %max3A_407 : i32
      %get3A_409 = arith.index_cast %max3A_408 : i32 to index
      %get3A_410 = arith.constant 0 : index
      %get3A_411 = vector.load %arg18[%get3A_409, %get3A_410] : memref<130x128xf32, #tpu.memory_space<vmem>>, vector<1x128xf32>
      %get3A_412 = arith.index_cast %shift_right_arithmetic3A_317 : i32 to index
      %get3A_413 = arith.constant 0 : index
      %get3A_414 = vector.load %arg0[%get3A_412, %get3A_413] : memref<10000x128xf32, #tpu.memory_space<vmem>>, vector<1x128xf32>
      %dot_general3A_415 = arith.constant dense<0.000000e+00> : vector<1x128xf32>
      %dot_general3A_416 = tpu.matmul %get3A_414, %get3A_23, %dot_general3A_415 {dimension_numbers = #tpu.dot_dimension_numbers<[1], [0], [0], [1], [0, 0, 1, 1], [], []>, transpose_lhs_hint = false} : vector<1x128xf32>, vector<128x128xf32>, vector<1x128xf32> -> vector<1x128xf32>
      %add3A_417 = arith.addf %dot_general3A_416, %get3A_26 : vector<1x128xf32>
      %select_n3A_418 = arith.select %ge3A_404, %get3A_411, %add3A_417 : vector<1x128xf32>
      %dot_general3A_419 = arith.constant dense<0.000000e+00> : vector<1x128xf32>
      %dot_general3A_420 = tpu.matmul %select_n3A_418, %get3A_29, %dot_general3A_419 {dimension_numbers = #tpu.dot_dimension_numbers<[1], [0], [0], [1], [0, 0, 1, 1], [], []>, transpose_lhs_hint = false} : vector<1x128xf32>, vector<128x128xf32>, vector<1x128xf32> -> vector<1x128xf32>
      %dot_general3A_421 = arith.constant dense<0.000000e+00> : vector<1x128xf32>
      %dot_general3A_422 = tpu.matmul %get3A_400, %get3A_32, %dot_general3A_421 {dimension_numbers = #tpu.dot_dimension_numbers<[1], [0], [0], [1], [0, 0, 1, 1], [], []>, transpose_lhs_hint = false} : vector<1x32xf32>, vector<32x128xf32>, vector<1x128xf32> -> vector<1x128xf32>
      %add3A_423 = arith.addf %dot_general3A_420, %dot_general3A_422 : vector<1x128xf32>
      %add3A_424 = arith.addf %add3A_423, %get3A_35 : vector<1x128xf32>
      %max3A_425 = arith.constant 0.000000e+00 : f32
      %max3A_426 = vector.broadcast %max3A_425 : f32 to vector<1x128xf32>
      %max3A_427 = arith.maximumf %add3A_424, %max3A_426 : vector<1x128xf32>
      %dot_general3A_428 = arith.constant dense<0.000000e+00> : vector<1x32xf32>
      %dot_general3A_429 = tpu.matmul %max3A_427, %get3A_38, %dot_general3A_428 {dimension_numbers = #tpu.dot_dimension_numbers<[1], [0], [0], [1], [0, 0, 1, 1], [], []>, transpose_lhs_hint = false} : vector<1x128xf32>, vector<128x32xf32>, vector<1x32xf32> -> vector<1x32xf32>
      %dot_general3A_430 = arith.constant dense<0.000000e+00> : vector<1x32xf32>
      %dot_general3A_431 = tpu.matmul %get3A_400, %get3A_41, %dot_general3A_430 {dimension_numbers = #tpu.dot_dimension_numbers<[1], [0], [0], [1], [0, 0, 1, 1], [], []>, transpose_lhs_hint = false} : vector<1x32xf32>, vector<32x32xf32>, vector<1x32xf32> -> vector<1x32xf32>
      %add3A_432 = arith.addf %dot_general3A_429, %dot_general3A_431 : vector<1x32xf32>
      %add3A_433 = arith.addf %add3A_432, %get3A_44 : vector<1x32xf32>
      %jit3A_434 = arith.constant 129 : i32
      %select_n3A_435 = arith.select %lt3A, %add3A_327, %jit3A_434 : i32
      %jit3A_436 = arith.constant 129 : i32
      %select_n3A_437 = arith.select %lt3A, %scan3A_311, %jit3A_436 : i32
      %jit3A_438 = arith.constant 10000 : i32
      %select_n3A_439 = arith.select %lt3A, %shift_right_arithmetic3A_317, %jit3A_438 : i32
      %swap3A_440 = arith.index_cast %select_n3A_435 : i32 to index
      %swap3A_441 = arith.constant 0 : index
      %swap3A_442 = vector.load %arg17[%swap3A_440, %swap3A_441] : memref<130x32xf32, #tpu.memory_space<vmem>>, vector<1x32xf32>
      tpu.vector_store %arg17[%swap3A_440, %swap3A_441], %add3A_433 {strides = array<i32>} : memref<130x32xf32, #tpu.memory_space<vmem>>, vector<1x32xf32>,
      %swap3A_443 = arith.index_cast %select_n3A_437 : i32 to index
      %swap3A_444 = arith.constant 0 : index
      %swap3A_445 = vector.load %arg18[%swap3A_443, %swap3A_444] : memref<130x128xf32, #tpu.memory_space<vmem>>, vector<1x128xf32>
      tpu.vector_store %arg18[%swap3A_443, %swap3A_444], %max3A_427 {strides = array<i32>} : memref<130x128xf32, #tpu.memory_space<vmem>>, vector<1x128xf32>,
      %add3A_446 = arith.constant 1 : i32
      %add3A_447 = arith.addi %add3A_446, %scan3A_311 : i32
      %swap3A_448 = arith.index_cast %select_n3A_439 : i32 to index
      %swap3A_449 = memref.load %arg15[%swap3A_448] : memref<10112xi32, #tpu.memory_space<smem>>
      memref.store %add3A_447, %arg15[%swap3A_448] : memref<10112xi32, #tpu.memory_space<smem>>
      %add3A_450 = arith.constant 1 : i32
      %add3A_451 = arith.addi %scan3A_309, %add3A_450 : i32
      %select_n3A_452 = arith.select %lt3A, %add3A_451, %scan3A_309 : i32
      %add3A_453 = arith.addi %scan3A_310, %sub3A_325 : i32
      %select_n3A_454 = arith.select %lt3A, %add3A_453, %scan3A_310 : i32
      %select_n3A_455 = arith.select %lt3A, %add3A_327, %scan3A_311 : i32
      scf.yield %select_n3A_452, %select_n3A_454, %select_n3A_455 : i32, i32, i32
    }
    %get3A_75 = arith.index_cast %get3A_46 : i32 to index
    %get3A_76 = memref.load %arg15[%get3A_75] : memref<10112xi32, #tpu.memory_space<smem>>
    %sub3A_77 = arith.constant 1 : i32
    %sub3A_78 = arith.subi %get3A_76, %sub3A_77 : i32
    %max3A = arith.constant 0 : i32
    %max3A_79 = arith.maxsi %sub3A_78, %max3A : i32
    %get3A_80 = arith.index_cast %max3A_79 : i32 to index
    %get3A_81 = arith.constant 0 : index
    %get3A_82 = vector.load %arg18[%get3A_80, %get3A_81] : memref<130x128xf32, #tpu.memory_space<vmem>>, vector<1x128xf32>
    %get3A_83 = arith.constant 0 : index
    %get3A_84 = arith.constant 0 : index
    %get3A_85 = vector.load %arg12[%get3A_83, %get3A_84] : memref<128x128xf32, #tpu.memory_space<vmem>>, vector<128x128xf32>
    %dot_general3A = arith.constant dense<0.000000e+00> : vector<1x128xf32>
    %dot_general3A_86 = tpu.matmul %get3A_82, %get3A_85, %dot_general3A {dimension_numbers = #tpu.dot_dimension_numbers<[1], [0], [0], [1], [0, 0, 1, 1], [], []>, transpose_lhs_hint = false} : vector<1x128xf32>, vector<128x128xf32>, vector<1x128xf32> -> vector<1x128xf32>
    %get3A_87 = arith.constant 0 : index
    %get3A_88 = arith.constant 0 : index
    %get3A_89 = vector.load %arg13[%get3A_87, %get3A_88] : memref<1x128xf32, #tpu.memory_space<vmem>>, vector<1x128xf32>
    %add3A_90 = arith.addf %dot_general3A_86, %get3A_89 : vector<1x128xf32>
    %reduce_max3A_91 = arith.constant dense<0xFF800000> : vector<1xf32>
    %reduce_max3A_92 = vector.multi_reduction <maximumf>, %add3A_90, %reduce_max3A_91 [1] : vector<1x128xf32> to vector<1xf32>
    %broadcast_in_dim3A_93 = vector.shape_cast %reduce_max3A_92 : vector<1xf32> to vector<1x1xf32>
    %sub3A_94 = vector.broadcast %broadcast_in_dim3A_93 : vector<1x1xf32> to vector<1x128xf32>
    %sub3A_95 = arith.subf %add3A_90, %sub3A_94 : vector<1x128xf32>
    %exp3A_96 = math.exp %sub3A_95 : vector<1x128xf32>
    %reduce_sum3A_97 = arith.constant dense<0.000000e+00> : vector<1xf32>
    %reduce_sum3A_98 = vector.multi_reduction <add>, %exp3A_96, %reduce_sum3A_97 [1] : vector<1x128xf32> to vector<1xf32>
    %broadcast_in_dim3A_99 = vector.shape_cast %reduce_sum3A_98 : vector<1xf32> to vector<1x1xf32>
    %log3A_100 = math.log %broadcast_in_dim3A_99 : vector<1x1xf32>
    %add3A_101 = arith.addf %broadcast_in_dim3A_93, %log3A_100 : vector<1x1xf32>
    %sub3A_102 = vector.broadcast %add3A_101 : vector<1x1xf32> to vector<1x128xf32>
    %sub3A_103 = arith.subf %add3A_90, %sub3A_102 : vector<1x128xf32>
    %swap3A_104 = arith.index_cast %get3A_46 : i32 to index
    %swap3A_105 = arith.constant 0 : index
    %swap3A_106 = vector.load %arg14[%swap3A_104, %swap3A_105] : memref<10000x128xf32, #tpu.memory_space<vmem>>, vector<1x128xf32>
    tpu.vector_store %arg14[%swap3A_104, %swap3A_105], %sub3A_103 {strides = array<i32>} : memref<10000x128xf32, #tpu.memory_space<vmem>>, vector<1x128xf32>,
    %get3A_107 = arith.constant 1 : index
    %get3A_108 = memref.load %arg3[%get3A_107] : memref<4xi32, #tpu.memory_space<smem>>
    %eq3A_109 = arith.constant 0 : i32
    %eq3A_110 = vector.broadcast %eq3A_109 : i32 to vector<128x1xi32>
    %eq3A_111 = arith.cmpi eq, %iota3A_0, %eq3A_110 : vector<128x1xi32>
    %mul3A_112 = arith.constant 256 : i32
    %mul3A_113 = arith.muli %get3A_108, %mul3A_112 : i32
    %jit3A_114 = arith.constant 0 : i32
    %broadcast_in_dim3A_115 = vector.broadcast %mul3A_113 : i32 to vector<128x1xi32>
    %broadcast_in_dim3A_116 = vector.broadcast %jit3A_114 : i32 to vector<128x1xi32>
    %select_n3A_117 = arith.select %eq3A_111, %broadcast_in_dim3A_115, %broadcast_in_dim3A_116 : vector<128x1xi1>, vector<128x1xi32>
    %convert_element_type3A_118 = arith.sitofp %select_n3A_117 : vector<128x1xi32> to vector<128x1xf32>
    %swap3A_119 = arith.constant 0 : index
    %swap3A_120 = arith.constant 0 : index
    %swap3A_121 = vector.load %arg16[%swap3A_119, %swap3A_120] : memref<128x1xf32, #tpu.memory_space<vmem>>, vector<128x1xf32>
    tpu.vector_store %arg16[%swap3A_119, %swap3A_120], %convert_element_type3A_118 {strides = array<i32>} : memref<128x1xf32, #tpu.memory_space<vmem>>, vector<128x1xf32>,
    %broadcast_in_dim3A_122 = arith.constant 0.000000e+00 : f32
    %broadcast_in_dim3A_123 = vector.broadcast %broadcast_in_dim3A_122 : f32 to vector<130x32xf32>
    %swap3A_124 = arith.constant 0 : index
    %swap3A_125 = arith.constant 0 : index
    %swap3A_126 = vector.load %arg17[%swap3A_124, %swap3A_125] : memref<130x32xf32, #tpu.memory_space<vmem>>, vector<130x32xf32>
    tpu.vector_store %arg17[%swap3A_124, %swap3A_125], %broadcast_in_dim3A_123 {strides = array<i32>} : memref<130x32xf32, #tpu.memory_space<vmem>>, vector<130x32xf32>,
    %broadcast_in_dim3A_127 = arith.constant 1.000000e+00 : f32
    %broadcast_in_dim3A_128 = vector.broadcast %broadcast_in_dim3A_127 : f32 to vector<1x32xf32>
    %swap3A_129 = arith.constant 0 : index
    %swap3A_130 = arith.constant 0 : index
    %swap3A_131 = vector.load %arg17[%swap3A_129, %swap3A_130] : memref<130x32xf32, #tpu.memory_space<vmem>>, vector<1x32xf32>
    tpu.vector_store %arg17[%swap3A_129, %swap3A_130], %broadcast_in_dim3A_128 {strides = array<i32>} : memref<130x32xf32, #tpu.memory_space<vmem>>, vector<1x32xf32>,
    %scan3A_132 = arith.constant 0 : i32
    %scan3A_133 = arith.constant 1 : i32
    %scan3A_134 = arith.constant 0 : i32
    %scan3A_135 = arith.constant 0 : i32
    %scan3A_136 = arith.constant 128 : i32
    %scan3A_137 = arith.addi %scan3A_135, %scan3A_136 : i32
    %scan3A_138 = arith.constant 1 : i32
    %scan3A_139:3 = scf.for %scan3A_308 = %scan3A_135 to %scan3A_137 step %scan3A_138 iter_args(%scan3A_309 = %scan3A_132, %scan3A_310 = %scan3A_133, %scan3A_311 = %scan3A_134) -> (i32, i32, i32)  : i32 {
      %lt3A = arith.cmpi slt, %scan3A_309, %scan3A_310 : i32
      %get3A_312 = arith.index_cast %scan3A_309 : i32 to index
      %get3A_313 = arith.constant 0 : index
      %get3A_314 = vector.load %arg16[%get3A_312, %get3A_313] : memref<128x1xf32, #tpu.memory_space<vmem>>, vector<1x1xf32>
      %get3A_315 = vector.extract %get3A_314[0, 0] : f32 from vector<1x1xf32>
      %convert_element_type3A_316 = arith.fptosi %get3A_315 : f32 to i32
      %shift_right_arithmetic3A = arith.constant 8 : i32
      %shift_right_arithmetic3A_317 = arith.shrsi %convert_element_type3A_316, %shift_right_arithmetic3A : i32
      %and3A = arith.constant 255 : i32
      %and3A_318 = arith.andi %convert_element_type3A_316, %and3A : i32
      %get3A_319 = arith.index_cast %shift_right_arithmetic3A_317 : i32 to index
      %get3A_320 = memref.load %arg2[%get3A_319] : memref<10001xi32, #tpu.memory_space<smem>>
      %add3A_321 = arith.constant 1 : i32
      %add3A_322 = arith.addi %shift_right_arithmetic3A_317, %add3A_321 : i32
      %get3A_323 = arith.index_cast %add3A_322 : i32 to index
      %get3A_324 = memref.load %arg2[%get3A_323] : memref<10001xi32, #tpu.memory_space<smem>>
      %sub3A_325 = arith.subi %get3A_324, %get3A_320 : i32
      %add3A_326 = arith.constant 1 : i32
      %add3A_327 = arith.addi %scan3A_311, %add3A_326 : i32
      %min3A = arith.constant 128 : i32
      %min3A_328 = arith.minsi %scan3A_310, %min3A : i32
      %add3A_329 = arith.constant 128 : i32
      %add3A_330 = arith.addi %add3A_329, %get3A_320 : i32
      %sub3A_331 = arith.subi %add3A_330, %min3A_328 : i32
      %jit3A_332 = arith.constant 128 : i32
      %div3A = arith.divsi %sub3A_331, %jit3A_332 : i32
      %sign3A = arith.constant 0 : i32
      %sign3A_333 = arith.cmpi sgt, %sub3A_331, %sign3A : i32
      %sign3A_334 = arith.extui %sign3A_333 : i1 to i32
      %sign3A_335 = arith.constant 0 : i32
      %sign3A_336 = arith.cmpi slt, %sub3A_331, %sign3A_335 : i32
      %sign3A_337 = arith.extui %sign3A_336 : i1 to i32
      %sign3A_338 = arith.subi %sign3A_334, %sign3A_337 : i32
      %sign3A_339 = arith.constant 0 : i32
      %sign3A_340 = arith.cmpi sgt, %jit3A_332, %sign3A_339 : i32
      %sign3A_341 = arith.extui %sign3A_340 : i1 to i32
      %sign3A_342 = arith.constant 0 : i32
      %sign3A_343 = arith.cmpi slt, %jit3A_332, %sign3A_342 : i32
      %sign3A_344 = arith.extui %sign3A_343 : i1 to i32
      %sign3A_345 = arith.subi %sign3A_341, %sign3A_344 : i32
      %ne3A = arith.cmpi ne, %sign3A_338, %sign3A_345 : i32
      %rem3A = arith.remsi %sub3A_331, %jit3A_332 : i32
      %ne3A_346 = arith.constant 0 : i32
      %ne3A_347 = arith.cmpi ne, %rem3A, %ne3A_346 : i32
      %and3A_348 = arith.andi %ne3A, %ne3A_347 : i1
      %sub3A_349 = arith.constant 1 : i32
      %sub3A_350 = arith.subi %div3A, %sub3A_349 : i32
      %select_n3A_351 = arith.select %and3A_348, %sub3A_350, %div3A : i32
      %mul3A_352 = arith.constant 128 : i32
      %mul3A_353 = arith.muli %select_n3A_351, %mul3A_352 : i32
      %sub3A_354 = arith.subi %sub3A_331, %mul3A_353 : i32
      %get3A_355 = arith.index_cast %select_n3A_351 : i32 to index
      %get3A_356 = arith.constant 0 : index
      %get3A_357 = vector.load %arg1[%get3A_355, %get3A_356] : memref<1252x128xi32, #tpu.memory_space<vmem>>, vector<1x128xi32>
      %neg3A = arith.constant 0 : i32
      %neg3A_358 = arith.subi %neg3A, %sub3A_354 : i32
      %bitcast_convert_type3A = tpu.bitcast %get3A_357 : vector<1x128xi32> -> vector<1x128xf32>
      %roll3A = tpu.dynamic_rotate %bitcast_convert_type3A by %neg3A_358 dim 1 : vector<1x128xf32>, i32 -> vector<1x128xf32>
      %bitcast_convert_type3A_359 = tpu.bitcast %roll3A : vector<1x128xf32> -> vector<1x128xi32>
      %add3A_360 = arith.constant 1 : i32
      %add3A_361 = arith.addi %select_n3A_351, %add3A_360 : i32
      %get3A_362 = arith.index_cast %add3A_361 : i32 to index
      %get3A_363 = arith.constant 0 : index
      %get3A_364 = vector.load %arg1[%get3A_362, %get3A_363] : memref<1252x128xi32, #tpu.memory_space<vmem>>, vector<1x128xi32>
      %neg3A_365 = arith.constant 0 : i32
      %neg3A_366 = arith.subi %neg3A_365, %sub3A_354 : i32
      %bitcast_convert_type3A_367 = tpu.bitcast %get3A_364 : vector<1x128xi32> -> vector<1x128xf32>
      %roll3A_368 = tpu.dynamic_rotate %bitcast_convert_type3A_367 by %neg3A_366 dim 1 : vector<1x128xf32>, i32 -> vector<1x128xf32>
      %bitcast_convert_type3A_369 = tpu.bitcast %roll3A_368 : vector<1x128xf32> -> vector<1x128xi32>
      %sub3A_370 = arith.constant 128 : i32
      %sub3A_371 = arith.subi %sub3A_370, %sub3A_354 : i32
      %lt3A_372 = vector.broadcast %sub3A_371 : i32 to vector<1x128xi32>
      %lt3A_373 = arith.cmpi slt, %iota3A, %lt3A_372 : vector<1x128xi32>
      %select_n3A_374 = arith.select %lt3A_373, %bitcast_convert_type3A_359, %bitcast_convert_type3A_369 : vector<1x128xi1>, vector<1x128xi32>
      %convert_element_type3A_375 = arith.sitofp %select_n3A_374 : vector<1x128xi32> to vector<1x128xf32>
      %dot_general3A_376 = arith.constant dense<0.000000e+00> : vector<128x1xf32>
      %dot_general3A_377 = tpu.matmul %convert_element_type3A_3, %convert_element_type3A_375, %dot_general3A_376 {dimension_numbers = #tpu.dot_dimension_numbers<[1], [1], [0], [0], [0, 0, 1, 0], [], []>, transpose_lhs_hint = false} : vector<128x128xf32>, vector<1x128xf32>, vector<128x1xf32> -> vector<128x1xf32>
      %ge3A = vector.broadcast %scan3A_310 : i32 to vector<128x1xi32>
      %ge3A_378 = arith.cmpi sge, %iota3A_0, %ge3A : vector<128x1xi32>
      %add3A_379 = arith.addi %scan3A_310, %sub3A_325 : i32
      %lt3A_380 = vector.broadcast %add3A_379 : i32 to vector<128x1xi32>
      %lt3A_381 = arith.cmpi slt, %iota3A_0, %lt3A_380 : vector<128x1xi32>
      %and3A_382 = arith.andi %ge3A_378, %lt3A_381 : vector<128x1xi1>
      %and3A_383 = vector.broadcast %lt3A : i1 to vector<128x1xi1>
      %and3A_384 = arith.andi %and3A_383, %and3A_382 : vector<128x1xi1>
      %mul3A_385 = arith.constant 2.560000e+02 : f32
      %mul3A_386 = vector.broadcast %mul3A_385 : f32 to vector<128x1xf32>
      %mul3A_387 = arith.mulf %dot_general3A_377, %mul3A_386 : vector<128x1xf32>
      %convert_element_type3A_388 = arith.sitofp %add3A_327 : i32 to f32
      %add3A_389 = vector.broadcast %convert_element_type3A_388 : f32 to vector<128x1xf32>
      %add3A_390 = arith.addf %mul3A_387, %add3A_389 : vector<128x1xf32>
      %get3A_391 = arith.constant 0 : index
      %get3A_392 = arith.constant 0 : index
      %get3A_393 = vector.load %arg16[%get3A_391, %get3A_392] : memref<128x1xf32, #tpu.memory_space<vmem>>, vector<128x1xf32>
      %select_n3A_394 = arith.select %and3A_384, %add3A_390, %get3A_393 : vector<128x1xi1>, vector<128x1xf32>
      %swap3A_395 = arith.constant 0 : index
      %swap3A_396 = arith.constant 0 : index
      %swap3A_397 = vector.load %arg16[%swap3A_395, %swap3A_396] : memref<128x1xf32, #tpu.memory_space<vmem>>, vector<128x1xf32>
      tpu.vector_store %arg16[%swap3A_395, %swap3A_396], %select_n3A_394 {strides = array<i32>} : memref<128x1xf32, #tpu.memory_space<vmem>>, vector<128x1xf32>,
      %get3A_398 = arith.index_cast %and3A_318 : i32 to index
      %get3A_399 = arith.constant 0 : index
      %get3A_400 = vector.load %arg17[%get3A_398, %get3A_399] : memref<130x32xf32, #tpu.memory_space<vmem>>, vector<1x32xf32>
      %get3A_401 = arith.index_cast %shift_right_arithmetic3A_317 : i32 to index
      %get3A_402 = memref.load %arg15[%get3A_401] : memref<10112xi32, #tpu.memory_space<smem>>
      %ge3A_403 = arith.constant 131 : i32
      %ge3A_404 = arith.cmpi sge, %get3A_402, %ge3A_403 : i32
      %sub3A_405 = arith.constant 131 : i32
      %sub3A_406 = arith.subi %get3A_402, %sub3A_405 : i32
      %max3A_407 = arith.constant 0 : i32
      %max3A_408 = arith.maxsi %sub3A_406, %max3A_407 : i32
      %get3A_409 = arith.index_cast %max3A_408 : i32 to index
      %get3A_410 = arith.constant 0 : index
      %get3A_411 = vector.load %arg18[%get3A_409, %get3A_410] : memref<130x128xf32, #tpu.memory_space<vmem>>, vector<1x128xf32>
      %get3A_412 = arith.index_cast %shift_right_arithmetic3A_317 : i32 to index
      %get3A_413 = arith.constant 0 : index
      %get3A_414 = vector.load %arg0[%get3A_412, %get3A_413] : memref<10000x128xf32, #tpu.memory_space<vmem>>, vector<1x128xf32>
      %dot_general3A_415 = arith.constant dense<0.000000e+00> : vector<1x128xf32>
      %dot_general3A_416 = tpu.matmul %get3A_414, %get3A_23, %dot_general3A_415 {dimension_numbers = #tpu.dot_dimension_numbers<[1], [0], [0], [1], [0, 0, 1, 1], [], []>, transpose_lhs_hint = false} : vector<1x128xf32>, vector<128x128xf32>, vector<1x128xf32> -> vector<1x128xf32>
      %add3A_417 = arith.addf %dot_general3A_416, %get3A_26 : vector<1x128xf32>
      %select_n3A_418 = arith.select %ge3A_404, %get3A_411, %add3A_417 : vector<1x128xf32>
      %dot_general3A_419 = arith.constant dense<0.000000e+00> : vector<1x128xf32>
      %dot_general3A_420 = tpu.matmul %select_n3A_418, %get3A_29, %dot_general3A_419 {dimension_numbers = #tpu.dot_dimension_numbers<[1], [0], [0], [1], [0, 0, 1, 1], [], []>, transpose_lhs_hint = false} : vector<1x128xf32>, vector<128x128xf32>, vector<1x128xf32> -> vector<1x128xf32>
      %dot_general3A_421 = arith.constant dense<0.000000e+00> : vector<1x128xf32>
      %dot_general3A_422 = tpu.matmul %get3A_400, %get3A_32, %dot_general3A_421 {dimension_numbers = #tpu.dot_dimension_numbers<[1], [0], [0], [1], [0, 0, 1, 1], [], []>, transpose_lhs_hint = false} : vector<1x32xf32>, vector<32x128xf32>, vector<1x128xf32> -> vector<1x128xf32>
      %add3A_423 = arith.addf %dot_general3A_420, %dot_general3A_422 : vector<1x128xf32>
      %add3A_424 = arith.addf %add3A_423, %get3A_35 : vector<1x128xf32>
      %max3A_425 = arith.constant 0.000000e+00 : f32
      %max3A_426 = vector.broadcast %max3A_425 : f32 to vector<1x128xf32>
      %max3A_427 = arith.maximumf %add3A_424, %max3A_426 : vector<1x128xf32>
      %dot_general3A_428 = arith.constant dense<0.000000e+00> : vector<1x32xf32>
      %dot_general3A_429 = tpu.matmul %max3A_427, %get3A_38, %dot_general3A_428 {dimension_numbers = #tpu.dot_dimension_numbers<[1], [0], [0], [1], [0, 0, 1, 1], [], []>, transpose_lhs_hint = false} : vector<1x128xf32>, vector<128x32xf32>, vector<1x32xf32> -> vector<1x32xf32>
      %dot_general3A_430 = arith.constant dense<0.000000e+00> : vector<1x32xf32>
      %dot_general3A_431 = tpu.matmul %get3A_400, %get3A_41, %dot_general3A_430 {dimension_numbers = #tpu.dot_dimension_numbers<[1], [0], [0], [1], [0, 0, 1, 1], [], []>, transpose_lhs_hint = false} : vector<1x32xf32>, vector<32x32xf32>, vector<1x32xf32> -> vector<1x32xf32>
      %add3A_432 = arith.addf %dot_general3A_429, %dot_general3A_431 : vector<1x32xf32>
      %add3A_433 = arith.addf %add3A_432, %get3A_44 : vector<1x32xf32>
      %jit3A_434 = arith.constant 129 : i32
      %select_n3A_435 = arith.select %lt3A, %add3A_327, %jit3A_434 : i32
      %jit3A_436 = arith.constant 129 : i32
      %select_n3A_437 = arith.select %lt3A, %scan3A_311, %jit3A_436 : i32
      %jit3A_438 = arith.constant 10000 : i32
      %select_n3A_439 = arith.select %lt3A, %shift_right_arithmetic3A_317, %jit3A_438 : i32
      %swap3A_440 = arith.index_cast %select_n3A_435 : i32 to index
      %swap3A_441 = arith.constant 0 : index
      %swap3A_442 = vector.load %arg17[%swap3A_440, %swap3A_441] : memref<130x32xf32, #tpu.memory_space<vmem>>, vector<1x32xf32>
      tpu.vector_store %arg17[%swap3A_440, %swap3A_441], %add3A_433 {strides = array<i32>} : memref<130x32xf32, #tpu.memory_space<vmem>>, vector<1x32xf32>,
      %swap3A_443 = arith.index_cast %select_n3A_437 : i32 to index
      %swap3A_444 = arith.constant 0 : index
      %swap3A_445 = vector.load %arg18[%swap3A_443, %swap3A_444] : memref<130x128xf32, #tpu.memory_space<vmem>>, vector<1x128xf32>
      tpu.vector_store %arg18[%swap3A_443, %swap3A_444], %max3A_427 {strides = array<i32>} : memref<130x128xf32, #tpu.memory_space<vmem>>, vector<1x128xf32>,
      %add3A_446 = arith.constant 131 : i32
      %add3A_447 = arith.addi %add3A_446, %scan3A_311 : i32
      %swap3A_448 = arith.index_cast %select_n3A_439 : i32 to index
      %swap3A_449 = memref.load %arg15[%swap3A_448] : memref<10112xi32, #tpu.memory_space<smem>>
      memref.store %add3A_447, %arg15[%swap3A_448] : memref<10112xi32, #tpu.memory_space<smem>>
      %add3A_450 = arith.constant 1 : i32
      %add3A_451 = arith.addi %scan3A_309, %add3A_450 : i32
      %select_n3A_452 = arith.select %lt3A, %add3A_451, %scan3A_309 : i32
      %add3A_453 = arith.addi %scan3A_310, %sub3A_325 : i32
      %select_n3A_454 = arith.select %lt3A, %add3A_453, %scan3A_310 : i32
      %select_n3A_455 = arith.select %lt3A, %add3A_327, %scan3A_311 : i32
      scf.yield %select_n3A_452, %select_n3A_454, %select_n3A_455 : i32, i32, i32
    }
    %get3A_140 = arith.index_cast %get3A_108 : i32 to index
    %get3A_141 = memref.load %arg15[%get3A_140] : memref<10112xi32, #tpu.memory_space<smem>>
    %sub3A_142 = arith.constant 131 : i32
    %sub3A_143 = arith.subi %get3A_141, %sub3A_142 : i32
    %max3A_144 = arith.constant 0 : i32
    %max3A_145 = arith.maxsi %sub3A_143, %max3A_144 : i32
    %get3A_146 = arith.index_cast %max3A_145 : i32 to index
    %get3A_147 = arith.constant 0 : index
    %get3A_148 = vector.load %arg18[%get3A_146, %get3A_147] : memref<130x128xf32, #tpu.memory_space<vmem>>, vector<1x128xf32>
    %get3A_149 = arith.constant 0 : index
    %get3A_150 = arith.constant 0 : index
    %get3A_151 = vector.load %arg12[%get3A_149, %get3A_150] : memref<128x128xf32, #tpu.memory_space<vmem>>, vector<128x128xf32>
    %dot_general3A_152 = arith.constant dense<0.000000e+00> : vector<1x128xf32>
    %dot_general3A_153 = tpu.matmul %get3A_148, %get3A_151, %dot_general3A_152 {dimension_numbers = #tpu.dot_dimension_numbers<[1], [0], [0], [1], [0, 0, 1, 1], [], []>, transpose_lhs_hint = false} : vector<1x128xf32>, vector<128x128xf32>, vector<1x128xf32> -> vector<1x128xf32>
    %get3A_154 = arith.constant 0 : index
    %get3A_155 = arith.constant 0 : index
    %get3A_156 = vector.load %arg13[%get3A_154, %get3A_155] : memref<1x128xf32, #tpu.memory_space<vmem>>, vector<1x128xf32>
    %add3A_157 = arith.addf %dot_general3A_153, %get3A_156 : vector<1x128xf32>
    %reduce_max3A_158 = arith.constant dense<0xFF800000> : vector<1xf32>
    %reduce_max3A_159 = vector.multi_reduction <maximumf>, %add3A_157, %reduce_max3A_158 [1] : vector<1x128xf32> to vector<1xf32>
    %broadcast_in_dim3A_160 = vector.shape_cast %reduce_max3A_159 : vector<1xf32> to vector<1x1xf32>
    %sub3A_161 = vector.broadcast %broadcast_in_dim3A_160 : vector<1x1xf32> to vector<1x128xf32>
    %sub3A_162 = arith.subf %add3A_157, %sub3A_161 : vector<1x128xf32>
    %exp3A_163 = math.exp %sub3A_162 : vector<1x128xf32>
    %reduce_sum3A_164 = arith.constant dense<0.000000e+00> : vector<1xf32>
    %reduce_sum3A_165 = vector.multi_reduction <add>, %exp3A_163, %reduce_sum3A_164 [1] : vector<1x128xf32> to vector<1xf32>
    %broadcast_in_dim3A_166 = vector.shape_cast %reduce_sum3A_165 : vector<1xf32> to vector<1x1xf32>
    %log3A_167 = math.log %broadcast_in_dim3A_166 : vector<1x1xf32>
    %add3A_168 = arith.addf %broadcast_in_dim3A_160, %log3A_167 : vector<1x1xf32>
    %sub3A_169 = vector.broadcast %add3A_168 : vector<1x1xf32> to vector<1x128xf32>
    %sub3A_170 = arith.subf %add3A_157, %sub3A_169 : vector<1x128xf32>
    %swap3A_171 = arith.index_cast %get3A_108 : i32 to index
    %swap3A_172 = arith.constant 0 : index
    %swap3A_173 = vector.load %arg14[%swap3A_171, %swap3A_172] : memref<10000x128xf32, #tpu.memory_space<vmem>>, vector<1x128xf32>
    tpu.vector_store %arg14[%swap3A_171, %swap3A_172], %sub3A_170 {strides = array<i32>} : memref<10000x128xf32, #tpu.memory_space<vmem>>, vector<1x128xf32>,
    %get3A_174 = arith.constant 2 : index
    %get3A_175 = memref.load %arg3[%get3A_174] : memref<4xi32, #tpu.memory_space<smem>>
    %eq3A_176 = arith.constant 0 : i32
    %eq3A_177 = vector.broadcast %eq3A_176 : i32 to vector<128x1xi32>
    %eq3A_178 = arith.cmpi eq, %iota3A_0, %eq3A_177 : vector<128x1xi32>
    %mul3A_179 = arith.constant 256 : i32
    %mul3A_180 = arith.muli %get3A_175, %mul3A_179 : i32
    %jit3A_181 = arith.constant 0 : i32
    %broadcast_in_dim3A_182 = vector.broadcast %mul3A_180 : i32 to vector<128x1xi32>
    %broadcast_in_dim3A_183 = vector.broadcast %jit3A_181 : i32 to vector<128x1xi32>
    %select_n3A_184 = arith.select %eq3A_178, %broadcast_in_dim3A_182, %broadcast_in_dim3A_183 : vector<128x1xi1>, vector<128x1xi32>
    %convert_element_type3A_185 = arith.sitofp %select_n3A_184 : vector<128x1xi32> to vector<128x1xf32>
    %swap3A_186 = arith.constant 0 : index
    %swap3A_187 = arith.constant 0 : index
    %swap3A_188 = vector.load %arg16[%swap3A_186, %swap3A_187] : memref<128x1xf32, #tpu.memory_space<vmem>>, vector<128x1xf32>
    tpu.vector_store %arg16[%swap3A_186, %swap3A_187], %convert_element_type3A_185 {strides = array<i32>} : memref<128x1xf32, #tpu.memory_space<vmem>>, vector<128x1xf32>,
    %broadcast_in_dim3A_189 = arith.constant 0.000000e+00 : f32
    %broadcast_in_dim3A_190 = vector.broadcast %broadcast_in_dim3A_189 : f32 to vector<130x32xf32>
    %swap3A_191 = arith.constant 0 : index
    %swap3A_192 = arith.constant 0 : index
    %swap3A_193 = vector.load %arg17[%swap3A_191, %swap3A_192] : memref<130x32xf32, #tpu.memory_space<vmem>>, vector<130x32xf32>
    tpu.vector_store %arg17[%swap3A_191, %swap3A_192], %broadcast_in_dim3A_190 {strides = array<i32>} : memref<130x32xf32, #tpu.memory_space<vmem>>, vector<130x32xf32>,
    %broadcast_in_dim3A_194 = arith.constant 1.000000e+00 : f32
    %broadcast_in_dim3A_195 = vector.broadcast %broadcast_in_dim3A_194 : f32 to vector<1x32xf32>
    %swap3A_196 = arith.constant 0 : index
    %swap3A_197 = arith.constant 0 : index
    %swap3A_198 = vector.load %arg17[%swap3A_196, %swap3A_197] : memref<130x32xf32, #tpu.memory_space<vmem>>, vector<1x32xf32>
    tpu.vector_store %arg17[%swap3A_196, %swap3A_197], %broadcast_in_dim3A_195 {strides = array<i32>} : memref<130x32xf32, #tpu.memory_space<vmem>>, vector<1x32xf32>,
    %scan3A_199 = arith.constant 0 : i32
    %scan3A_200 = arith.constant 1 : i32
    %scan3A_201 = arith.constant 0 : i32
    %scan3A_202 = arith.constant 0 : i32
    %scan3A_203 = arith.constant 128 : i32
    %scan3A_204 = arith.addi %scan3A_202, %scan3A_203 : i32
    %scan3A_205 = arith.constant 1 : i32
    %scan3A_206:3 = scf.for %scan3A_308 = %scan3A_202 to %scan3A_204 step %scan3A_205 iter_args(%scan3A_309 = %scan3A_199, %scan3A_310 = %scan3A_200, %scan3A_311 = %scan3A_201) -> (i32, i32, i32)  : i32 {
      %lt3A = arith.cmpi slt, %scan3A_309, %scan3A_310 : i32
      %get3A_312 = arith.index_cast %scan3A_309 : i32 to index
      %get3A_313 = arith.constant 0 : index
      %get3A_314 = vector.load %arg16[%get3A_312, %get3A_313] : memref<128x1xf32, #tpu.memory_space<vmem>>, vector<1x1xf32>
      %get3A_315 = vector.extract %get3A_314[0, 0] : f32 from vector<1x1xf32>
      %convert_element_type3A_316 = arith.fptosi %get3A_315 : f32 to i32
      %shift_right_arithmetic3A = arith.constant 8 : i32
      %shift_right_arithmetic3A_317 = arith.shrsi %convert_element_type3A_316, %shift_right_arithmetic3A : i32
      %and3A = arith.constant 255 : i32
      %and3A_318 = arith.andi %convert_element_type3A_316, %and3A : i32
      %get3A_319 = arith.index_cast %shift_right_arithmetic3A_317 : i32 to index
      %get3A_320 = memref.load %arg2[%get3A_319] : memref<10001xi32, #tpu.memory_space<smem>>
      %add3A_321 = arith.constant 1 : i32
      %add3A_322 = arith.addi %shift_right_arithmetic3A_317, %add3A_321 : i32
      %get3A_323 = arith.index_cast %add3A_322 : i32 to index
      %get3A_324 = memref.load %arg2[%get3A_323] : memref<10001xi32, #tpu.memory_space<smem>>
      %sub3A_325 = arith.subi %get3A_324, %get3A_320 : i32
      %add3A_326 = arith.constant 1 : i32
      %add3A_327 = arith.addi %scan3A_311, %add3A_326 : i32
      %min3A = arith.constant 128 : i32
      %min3A_328 = arith.minsi %scan3A_310, %min3A : i32
      %add3A_329 = arith.constant 128 : i32
      %add3A_330 = arith.addi %add3A_329, %get3A_320 : i32
      %sub3A_331 = arith.subi %add3A_330, %min3A_328 : i32
      %jit3A_332 = arith.constant 128 : i32
      %div3A = arith.divsi %sub3A_331, %jit3A_332 : i32
      %sign3A = arith.constant 0 : i32
      %sign3A_333 = arith.cmpi sgt, %sub3A_331, %sign3A : i32
      %sign3A_334 = arith.extui %sign3A_333 : i1 to i32
      %sign3A_335 = arith.constant 0 : i32
      %sign3A_336 = arith.cmpi slt, %sub3A_331, %sign3A_335 : i32
      %sign3A_337 = arith.extui %sign3A_336 : i1 to i32
      %sign3A_338 = arith.subi %sign3A_334, %sign3A_337 : i32
      %sign3A_339 = arith.constant 0 : i32
      %sign3A_340 = arith.cmpi sgt, %jit3A_332, %sign3A_339 : i32
      %sign3A_341 = arith.extui %sign3A_340 : i1 to i32
      %sign3A_342 = arith.constant 0 : i32
      %sign3A_343 = arith.cmpi slt, %jit3A_332, %sign3A_342 : i32
      %sign3A_344 = arith.extui %sign3A_343 : i1 to i32
      %sign3A_345 = arith.subi %sign3A_341, %sign3A_344 : i32
      %ne3A = arith.cmpi ne, %sign3A_338, %sign3A_345 : i32
      %rem3A = arith.remsi %sub3A_331, %jit3A_332 : i32
      %ne3A_346 = arith.constant 0 : i32
      %ne3A_347 = arith.cmpi ne, %rem3A, %ne3A_346 : i32
      %and3A_348 = arith.andi %ne3A, %ne3A_347 : i1
      %sub3A_349 = arith.constant 1 : i32
      %sub3A_350 = arith.subi %div3A, %sub3A_349 : i32
      %select_n3A_351 = arith.select %and3A_348, %sub3A_350, %div3A : i32
      %mul3A_352 = arith.constant 128 : i32
      %mul3A_353 = arith.muli %select_n3A_351, %mul3A_352 : i32
      %sub3A_354 = arith.subi %sub3A_331, %mul3A_353 : i32
      %get3A_355 = arith.index_cast %select_n3A_351 : i32 to index
      %get3A_356 = arith.constant 0 : index
      %get3A_357 = vector.load %arg1[%get3A_355, %get3A_356] : memref<1252x128xi32, #tpu.memory_space<vmem>>, vector<1x128xi32>
      %neg3A = arith.constant 0 : i32
      %neg3A_358 = arith.subi %neg3A, %sub3A_354 : i32
      %bitcast_convert_type3A = tpu.bitcast %get3A_357 : vector<1x128xi32> -> vector<1x128xf32>
      %roll3A = tpu.dynamic_rotate %bitcast_convert_type3A by %neg3A_358 dim 1 : vector<1x128xf32>, i32 -> vector<1x128xf32>
      %bitcast_convert_type3A_359 = tpu.bitcast %roll3A : vector<1x128xf32> -> vector<1x128xi32>
      %add3A_360 = arith.constant 1 : i32
      %add3A_361 = arith.addi %select_n3A_351, %add3A_360 : i32
      %get3A_362 = arith.index_cast %add3A_361 : i32 to index
      %get3A_363 = arith.constant 0 : index
      %get3A_364 = vector.load %arg1[%get3A_362, %get3A_363] : memref<1252x128xi32, #tpu.memory_space<vmem>>, vector<1x128xi32>
      %neg3A_365 = arith.constant 0 : i32
      %neg3A_366 = arith.subi %neg3A_365, %sub3A_354 : i32
      %bitcast_convert_type3A_367 = tpu.bitcast %get3A_364 : vector<1x128xi32> -> vector<1x128xf32>
      %roll3A_368 = tpu.dynamic_rotate %bitcast_convert_type3A_367 by %neg3A_366 dim 1 : vector<1x128xf32>, i32 -> vector<1x128xf32>
      %bitcast_convert_type3A_369 = tpu.bitcast %roll3A_368 : vector<1x128xf32> -> vector<1x128xi32>
      %sub3A_370 = arith.constant 128 : i32
      %sub3A_371 = arith.subi %sub3A_370, %sub3A_354 : i32
      %lt3A_372 = vector.broadcast %sub3A_371 : i32 to vector<1x128xi32>
      %lt3A_373 = arith.cmpi slt, %iota3A, %lt3A_372 : vector<1x128xi32>
      %select_n3A_374 = arith.select %lt3A_373, %bitcast_convert_type3A_359, %bitcast_convert_type3A_369 : vector<1x128xi1>, vector<1x128xi32>
      %convert_element_type3A_375 = arith.sitofp %select_n3A_374 : vector<1x128xi32> to vector<1x128xf32>
      %dot_general3A_376 = arith.constant dense<0.000000e+00> : vector<128x1xf32>
      %dot_general3A_377 = tpu.matmul %convert_element_type3A_3, %convert_element_type3A_375, %dot_general3A_376 {dimension_numbers = #tpu.dot_dimension_numbers<[1], [1], [0], [0], [0, 0, 1, 0], [], []>, transpose_lhs_hint = false} : vector<128x128xf32>, vector<1x128xf32>, vector<128x1xf32> -> vector<128x1xf32>
      %ge3A = vector.broadcast %scan3A_310 : i32 to vector<128x1xi32>
      %ge3A_378 = arith.cmpi sge, %iota3A_0, %ge3A : vector<128x1xi32>
      %add3A_379 = arith.addi %scan3A_310, %sub3A_325 : i32
      %lt3A_380 = vector.broadcast %add3A_379 : i32 to vector<128x1xi32>
      %lt3A_381 = arith.cmpi slt, %iota3A_0, %lt3A_380 : vector<128x1xi32>
      %and3A_382 = arith.andi %ge3A_378, %lt3A_381 : vector<128x1xi1>
      %and3A_383 = vector.broadcast %lt3A : i1 to vector<128x1xi1>
      %and3A_384 = arith.andi %and3A_383, %and3A_382 : vector<128x1xi1>
      %mul3A_385 = arith.constant 2.560000e+02 : f32
      %mul3A_386 = vector.broadcast %mul3A_385 : f32 to vector<128x1xf32>
      %mul3A_387 = arith.mulf %dot_general3A_377, %mul3A_386 : vector<128x1xf32>
      %convert_element_type3A_388 = arith.sitofp %add3A_327 : i32 to f32
      %add3A_389 = vector.broadcast %convert_element_type3A_388 : f32 to vector<128x1xf32>
      %add3A_390 = arith.addf %mul3A_387, %add3A_389 : vector<128x1xf32>
      %get3A_391 = arith.constant 0 : index
      %get3A_392 = arith.constant 0 : index
      %get3A_393 = vector.load %arg16[%get3A_391, %get3A_392] : memref<128x1xf32, #tpu.memory_space<vmem>>, vector<128x1xf32>
      %select_n3A_394 = arith.select %and3A_384, %add3A_390, %get3A_393 : vector<128x1xi1>, vector<128x1xf32>
      %swap3A_395 = arith.constant 0 : index
      %swap3A_396 = arith.constant 0 : index
      %swap3A_397 = vector.load %arg16[%swap3A_395, %swap3A_396] : memref<128x1xf32, #tpu.memory_space<vmem>>, vector<128x1xf32>
      tpu.vector_store %arg16[%swap3A_395, %swap3A_396], %select_n3A_394 {strides = array<i32>} : memref<128x1xf32, #tpu.memory_space<vmem>>, vector<128x1xf32>,
      %get3A_398 = arith.index_cast %and3A_318 : i32 to index
      %get3A_399 = arith.constant 0 : index
      %get3A_400 = vector.load %arg17[%get3A_398, %get3A_399] : memref<130x32xf32, #tpu.memory_space<vmem>>, vector<1x32xf32>
      %get3A_401 = arith.index_cast %shift_right_arithmetic3A_317 : i32 to index
      %get3A_402 = memref.load %arg15[%get3A_401] : memref<10112xi32, #tpu.memory_space<smem>>
      %ge3A_403 = arith.constant 261 : i32
      %ge3A_404 = arith.cmpi sge, %get3A_402, %ge3A_403 : i32
      %sub3A_405 = arith.constant 261 : i32
      %sub3A_406 = arith.subi %get3A_402, %sub3A_405 : i32
      %max3A_407 = arith.constant 0 : i32
      %max3A_408 = arith.maxsi %sub3A_406, %max3A_407 : i32
      %get3A_409 = arith.index_cast %max3A_408 : i32 to index
      %get3A_410 = arith.constant 0 : index
      %get3A_411 = vector.load %arg18[%get3A_409, %get3A_410] : memref<130x128xf32, #tpu.memory_space<vmem>>, vector<1x128xf32>
      %get3A_412 = arith.index_cast %shift_right_arithmetic3A_317 : i32 to index
      %get3A_413 = arith.constant 0 : index
      %get3A_414 = vector.load %arg0[%get3A_412, %get3A_413] : memref<10000x128xf32, #tpu.memory_space<vmem>>, vector<1x128xf32>
      %dot_general3A_415 = arith.constant dense<0.000000e+00> : vector<1x128xf32>
      %dot_general3A_416 = tpu.matmul %get3A_414, %get3A_23, %dot_general3A_415 {dimension_numbers = #tpu.dot_dimension_numbers<[1], [0], [0], [1], [0, 0, 1, 1], [], []>, transpose_lhs_hint = false} : vector<1x128xf32>, vector<128x128xf32>, vector<1x128xf32> -> vector<1x128xf32>
      %add3A_417 = arith.addf %dot_general3A_416, %get3A_26 : vector<1x128xf32>
      %select_n3A_418 = arith.select %ge3A_404, %get3A_411, %add3A_417 : vector<1x128xf32>
      %dot_general3A_419 = arith.constant dense<0.000000e+00> : vector<1x128xf32>
      %dot_general3A_420 = tpu.matmul %select_n3A_418, %get3A_29, %dot_general3A_419 {dimension_numbers = #tpu.dot_dimension_numbers<[1], [0], [0], [1], [0, 0, 1, 1], [], []>, transpose_lhs_hint = false} : vector<1x128xf32>, vector<128x128xf32>, vector<1x128xf32> -> vector<1x128xf32>
      %dot_general3A_421 = arith.constant dense<0.000000e+00> : vector<1x128xf32>
      %dot_general3A_422 = tpu.matmul %get3A_400, %get3A_32, %dot_general3A_421 {dimension_numbers = #tpu.dot_dimension_numbers<[1], [0], [0], [1], [0, 0, 1, 1], [], []>, transpose_lhs_hint = false} : vector<1x32xf32>, vector<32x128xf32>, vector<1x128xf32> -> vector<1x128xf32>
      %add3A_423 = arith.addf %dot_general3A_420, %dot_general3A_422 : vector<1x128xf32>
      %add3A_424 = arith.addf %add3A_423, %get3A_35 : vector<1x128xf32>
      %max3A_425 = arith.constant 0.000000e+00 : f32
      %max3A_426 = vector.broadcast %max3A_425 : f32 to vector<1x128xf32>
      %max3A_427 = arith.maximumf %add3A_424, %max3A_426 : vector<1x128xf32>
      %dot_general3A_428 = arith.constant dense<0.000000e+00> : vector<1x32xf32>
      %dot_general3A_429 = tpu.matmul %max3A_427, %get3A_38, %dot_general3A_428 {dimension_numbers = #tpu.dot_dimension_numbers<[1], [0], [0], [1], [0, 0, 1, 1], [], []>, transpose_lhs_hint = false} : vector<1x128xf32>, vector<128x32xf32>, vector<1x32xf32> -> vector<1x32xf32>
      %dot_general3A_430 = arith.constant dense<0.000000e+00> : vector<1x32xf32>
      %dot_general3A_431 = tpu.matmul %get3A_400, %get3A_41, %dot_general3A_430 {dimension_numbers = #tpu.dot_dimension_numbers<[1], [0], [0], [1], [0, 0, 1, 1], [], []>, transpose_lhs_hint = false} : vector<1x32xf32>, vector<32x32xf32>, vector<1x32xf32> -> vector<1x32xf32>
      %add3A_432 = arith.addf %dot_general3A_429, %dot_general3A_431 : vector<1x32xf32>
      %add3A_433 = arith.addf %add3A_432, %get3A_44 : vector<1x32xf32>
      %jit3A_434 = arith.constant 129 : i32
      %select_n3A_435 = arith.select %lt3A, %add3A_327, %jit3A_434 : i32
      %jit3A_436 = arith.constant 129 : i32
      %select_n3A_437 = arith.select %lt3A, %scan3A_311, %jit3A_436 : i32
      %jit3A_438 = arith.constant 10000 : i32
      %select_n3A_439 = arith.select %lt3A, %shift_right_arithmetic3A_317, %jit3A_438 : i32
      %swap3A_440 = arith.index_cast %select_n3A_435 : i32 to index
      %swap3A_441 = arith.constant 0 : index
      %swap3A_442 = vector.load %arg17[%swap3A_440, %swap3A_441] : memref<130x32xf32, #tpu.memory_space<vmem>>, vector<1x32xf32>
      tpu.vector_store %arg17[%swap3A_440, %swap3A_441], %add3A_433 {strides = array<i32>} : memref<130x32xf32, #tpu.memory_space<vmem>>, vector<1x32xf32>,
      %swap3A_443 = arith.index_cast %select_n3A_437 : i32 to index
      %swap3A_444 = arith.constant 0 : index
      %swap3A_445 = vector.load %arg18[%swap3A_443, %swap3A_444] : memref<130x128xf32, #tpu.memory_space<vmem>>, vector<1x128xf32>
      tpu.vector_store %arg18[%swap3A_443, %swap3A_444], %max3A_427 {strides = array<i32>} : memref<130x128xf32, #tpu.memory_space<vmem>>, vector<1x128xf32>,
      %add3A_446 = arith.constant 261 : i32
      %add3A_447 = arith.addi %add3A_446, %scan3A_311 : i32
      %swap3A_448 = arith.index_cast %select_n3A_439 : i32 to index
      %swap3A_449 = memref.load %arg15[%swap3A_448] : memref<10112xi32, #tpu.memory_space<smem>>
      memref.store %add3A_447, %arg15[%swap3A_448] : memref<10112xi32, #tpu.memory_space<smem>>
      %add3A_450 = arith.constant 1 : i32
      %add3A_451 = arith.addi %scan3A_309, %add3A_450 : i32
      %select_n3A_452 = arith.select %lt3A, %add3A_451, %scan3A_309 : i32
      %add3A_453 = arith.addi %scan3A_310, %sub3A_325 : i32
      %select_n3A_454 = arith.select %lt3A, %add3A_453, %scan3A_310 : i32
      %select_n3A_455 = arith.select %lt3A, %add3A_327, %scan3A_311 : i32
      scf.yield %select_n3A_452, %select_n3A_454, %select_n3A_455 : i32, i32, i32
    }
    %get3A_207 = arith.index_cast %get3A_175 : i32 to index
    %get3A_208 = memref.load %arg15[%get3A_207] : memref<10112xi32, #tpu.memory_space<smem>>
    %sub3A_209 = arith.constant 261 : i32
    %sub3A_210 = arith.subi %get3A_208, %sub3A_209 : i32
    %max3A_211 = arith.constant 0 : i32
    %max3A_212 = arith.maxsi %sub3A_210, %max3A_211 : i32
    %get3A_213 = arith.index_cast %max3A_212 : i32 to index
    %get3A_214 = arith.constant 0 : index
    %get3A_215 = vector.load %arg18[%get3A_213, %get3A_214] : memref<130x128xf32, #tpu.memory_space<vmem>>, vector<1x128xf32>
    %get3A_216 = arith.constant 0 : index
    %get3A_217 = arith.constant 0 : index
    %get3A_218 = vector.load %arg12[%get3A_216, %get3A_217] : memref<128x128xf32, #tpu.memory_space<vmem>>, vector<128x128xf32>
    %dot_general3A_219 = arith.constant dense<0.000000e+00> : vector<1x128xf32>
    %dot_general3A_220 = tpu.matmul %get3A_215, %get3A_218, %dot_general3A_219 {dimension_numbers = #tpu.dot_dimension_numbers<[1], [0], [0], [1], [0, 0, 1, 1], [], []>, transpose_lhs_hint = false} : vector<1x128xf32>, vector<128x128xf32>, vector<1x128xf32> -> vector<1x128xf32>
    %get3A_221 = arith.constant 0 : index
    %get3A_222 = arith.constant 0 : index
    %get3A_223 = vector.load %arg13[%get3A_221, %get3A_222] : memref<1x128xf32, #tpu.memory_space<vmem>>, vector<1x128xf32>
    %add3A_224 = arith.addf %dot_general3A_220, %get3A_223 : vector<1x128xf32>
    %reduce_max3A_225 = arith.constant dense<0xFF800000> : vector<1xf32>
    %reduce_max3A_226 = vector.multi_reduction <maximumf>, %add3A_224, %reduce_max3A_225 [1] : vector<1x128xf32> to vector<1xf32>
    %broadcast_in_dim3A_227 = vector.shape_cast %reduce_max3A_226 : vector<1xf32> to vector<1x1xf32>
    %sub3A_228 = vector.broadcast %broadcast_in_dim3A_227 : vector<1x1xf32> to vector<1x128xf32>
    %sub3A_229 = arith.subf %add3A_224, %sub3A_228 : vector<1x128xf32>
    %exp3A_230 = math.exp %sub3A_229 : vector<1x128xf32>
    %reduce_sum3A_231 = arith.constant dense<0.000000e+00> : vector<1xf32>
    %reduce_sum3A_232 = vector.multi_reduction <add>, %exp3A_230, %reduce_sum3A_231 [1] : vector<1x128xf32> to vector<1xf32>
    %broadcast_in_dim3A_233 = vector.shape_cast %reduce_sum3A_232 : vector<1xf32> to vector<1x1xf32>
    %log3A_234 = math.log %broadcast_in_dim3A_233 : vector<1x1xf32>
    %add3A_235 = arith.addf %broadcast_in_dim3A_227, %log3A_234 : vector<1x1xf32>
    %sub3A_236 = vector.broadcast %add3A_235 : vector<1x1xf32> to vector<1x128xf32>
    %sub3A_237 = arith.subf %add3A_224, %sub3A_236 : vector<1x128xf32>
    %swap3A_238 = arith.index_cast %get3A_175 : i32 to index
    %swap3A_239 = arith.constant 0 : index
    %swap3A_240 = vector.load %arg14[%swap3A_238, %swap3A_239] : memref<10000x128xf32, #tpu.memory_space<vmem>>, vector<1x128xf32>
    tpu.vector_store %arg14[%swap3A_238, %swap3A_239], %sub3A_237 {strides = array<i32>} : memref<10000x128xf32, #tpu.memory_space<vmem>>, vector<1x128xf32>,
    %get3A_241 = arith.constant 3 : index
    %get3A_242 = memref.load %arg3[%get3A_241] : memref<4xi32, #tpu.memory_space<smem>>
    %eq3A_243 = arith.constant 0 : i32
    %eq3A_244 = vector.broadcast %eq3A_243 : i32 to vector<128x1xi32>
    %eq3A_245 = arith.cmpi eq, %iota3A_0, %eq3A_244 : vector<128x1xi32>
    %mul3A_246 = arith.constant 256 : i32
    %mul3A_247 = arith.muli %get3A_242, %mul3A_246 : i32
    %jit3A_248 = arith.constant 0 : i32
    %broadcast_in_dim3A_249 = vector.broadcast %mul3A_247 : i32 to vector<128x1xi32>
    %broadcast_in_dim3A_250 = vector.broadcast %jit3A_248 : i32 to vector<128x1xi32>
    %select_n3A_251 = arith.select %eq3A_245, %broadcast_in_dim3A_249, %broadcast_in_dim3A_250 : vector<128x1xi1>, vector<128x1xi32>
    %convert_element_type3A_252 = arith.sitofp %select_n3A_251 : vector<128x1xi32> to vector<128x1xf32>
    %swap3A_253 = arith.constant 0 : index
    %swap3A_254 = arith.constant 0 : index
    %swap3A_255 = vector.load %arg16[%swap3A_253, %swap3A_254] : memref<128x1xf32, #tpu.memory_space<vmem>>, vector<128x1xf32>
    tpu.vector_store %arg16[%swap3A_253, %swap3A_254], %convert_element_type3A_252 {strides = array<i32>} : memref<128x1xf32, #tpu.memory_space<vmem>>, vector<128x1xf32>,
    %broadcast_in_dim3A_256 = arith.constant 0.000000e+00 : f32
    %broadcast_in_dim3A_257 = vector.broadcast %broadcast_in_dim3A_256 : f32 to vector<130x32xf32>
    %swap3A_258 = arith.constant 0 : index
    %swap3A_259 = arith.constant 0 : index
    %swap3A_260 = vector.load %arg17[%swap3A_258, %swap3A_259] : memref<130x32xf32, #tpu.memory_space<vmem>>, vector<130x32xf32>
    tpu.vector_store %arg17[%swap3A_258, %swap3A_259], %broadcast_in_dim3A_257 {strides = array<i32>} : memref<130x32xf32, #tpu.memory_space<vmem>>, vector<130x32xf32>,
    %broadcast_in_dim3A_261 = arith.constant 1.000000e+00 : f32
    %broadcast_in_dim3A_262 = vector.broadcast %broadcast_in_dim3A_261 : f32 to vector<1x32xf32>
    %swap3A_263 = arith.constant 0 : index
    %swap3A_264 = arith.constant 0 : index
    %swap3A_265 = vector.load %arg17[%swap3A_263, %swap3A_264] : memref<130x32xf32, #tpu.memory_space<vmem>>, vector<1x32xf32>
    tpu.vector_store %arg17[%swap3A_263, %swap3A_264], %broadcast_in_dim3A_262 {strides = array<i32>} : memref<130x32xf32, #tpu.memory_space<vmem>>, vector<1x32xf32>,
    %scan3A_266 = arith.constant 0 : i32
    %scan3A_267 = arith.constant 1 : i32
    %scan3A_268 = arith.constant 0 : i32
    %scan3A_269 = arith.constant 0 : i32
    %scan3A_270 = arith.constant 128 : i32
    %scan3A_271 = arith.addi %scan3A_269, %scan3A_270 : i32
    %scan3A_272 = arith.constant 1 : i32
    %scan3A_273:3 = scf.for %scan3A_308 = %scan3A_269 to %scan3A_271 step %scan3A_272 iter_args(%scan3A_309 = %scan3A_266, %scan3A_310 = %scan3A_267, %scan3A_311 = %scan3A_268) -> (i32, i32, i32)  : i32 {
      %lt3A = arith.cmpi slt, %scan3A_309, %scan3A_310 : i32
      %get3A_312 = arith.index_cast %scan3A_309 : i32 to index
      %get3A_313 = arith.constant 0 : index
      %get3A_314 = vector.load %arg16[%get3A_312, %get3A_313] : memref<128x1xf32, #tpu.memory_space<vmem>>, vector<1x1xf32>
      %get3A_315 = vector.extract %get3A_314[0, 0] : f32 from vector<1x1xf32>
      %convert_element_type3A_316 = arith.fptosi %get3A_315 : f32 to i32
      %shift_right_arithmetic3A = arith.constant 8 : i32
      %shift_right_arithmetic3A_317 = arith.shrsi %convert_element_type3A_316, %shift_right_arithmetic3A : i32
      %and3A = arith.constant 255 : i32
      %and3A_318 = arith.andi %convert_element_type3A_316, %and3A : i32
      %get3A_319 = arith.index_cast %shift_right_arithmetic3A_317 : i32 to index
      %get3A_320 = memref.load %arg2[%get3A_319] : memref<10001xi32, #tpu.memory_space<smem>>
      %add3A_321 = arith.constant 1 : i32
      %add3A_322 = arith.addi %shift_right_arithmetic3A_317, %add3A_321 : i32
      %get3A_323 = arith.index_cast %add3A_322 : i32 to index
      %get3A_324 = memref.load %arg2[%get3A_323] : memref<10001xi32, #tpu.memory_space<smem>>
      %sub3A_325 = arith.subi %get3A_324, %get3A_320 : i32
      %add3A_326 = arith.constant 1 : i32
      %add3A_327 = arith.addi %scan3A_311, %add3A_326 : i32
      %min3A = arith.constant 128 : i32
      %min3A_328 = arith.minsi %scan3A_310, %min3A : i32
      %add3A_329 = arith.constant 128 : i32
      %add3A_330 = arith.addi %add3A_329, %get3A_320 : i32
      %sub3A_331 = arith.subi %add3A_330, %min3A_328 : i32
      %jit3A_332 = arith.constant 128 : i32
      %div3A = arith.divsi %sub3A_331, %jit3A_332 : i32
      %sign3A = arith.constant 0 : i32
      %sign3A_333 = arith.cmpi sgt, %sub3A_331, %sign3A : i32
      %sign3A_334 = arith.extui %sign3A_333 : i1 to i32
      %sign3A_335 = arith.constant 0 : i32
      %sign3A_336 = arith.cmpi slt, %sub3A_331, %sign3A_335 : i32
      %sign3A_337 = arith.extui %sign3A_336 : i1 to i32
      %sign3A_338 = arith.subi %sign3A_334, %sign3A_337 : i32
      %sign3A_339 = arith.constant 0 : i32
      %sign3A_340 = arith.cmpi sgt, %jit3A_332, %sign3A_339 : i32
      %sign3A_341 = arith.extui %sign3A_340 : i1 to i32
      %sign3A_342 = arith.constant 0 : i32
      %sign3A_343 = arith.cmpi slt, %jit3A_332, %sign3A_342 : i32
      %sign3A_344 = arith.extui %sign3A_343 : i1 to i32
      %sign3A_345 = arith.subi %sign3A_341, %sign3A_344 : i32
      %ne3A = arith.cmpi ne, %sign3A_338, %sign3A_345 : i32
      %rem3A = arith.remsi %sub3A_331, %jit3A_332 : i32
      %ne3A_346 = arith.constant 0 : i32
      %ne3A_347 = arith.cmpi ne, %rem3A, %ne3A_346 : i32
      %and3A_348 = arith.andi %ne3A, %ne3A_347 : i1
      %sub3A_349 = arith.constant 1 : i32
      %sub3A_350 = arith.subi %div3A, %sub3A_349 : i32
      %select_n3A_351 = arith.select %and3A_348, %sub3A_350, %div3A : i32
      %mul3A_352 = arith.constant 128 : i32
      %mul3A_353 = arith.muli %select_n3A_351, %mul3A_352 : i32
      %sub3A_354 = arith.subi %sub3A_331, %mul3A_353 : i32
      %get3A_355 = arith.index_cast %select_n3A_351 : i32 to index
      %get3A_356 = arith.constant 0 : index
      %get3A_357 = vector.load %arg1[%get3A_355, %get3A_356] : memref<1252x128xi32, #tpu.memory_space<vmem>>, vector<1x128xi32>
      %neg3A = arith.constant 0 : i32
      %neg3A_358 = arith.subi %neg3A, %sub3A_354 : i32
      %bitcast_convert_type3A = tpu.bitcast %get3A_357 : vector<1x128xi32> -> vector<1x128xf32>
      %roll3A = tpu.dynamic_rotate %bitcast_convert_type3A by %neg3A_358 dim 1 : vector<1x128xf32>, i32 -> vector<1x128xf32>
      %bitcast_convert_type3A_359 = tpu.bitcast %roll3A : vector<1x128xf32> -> vector<1x128xi32>
      %add3A_360 = arith.constant 1 : i32
      %add3A_361 = arith.addi %select_n3A_351, %add3A_360 : i32
      %get3A_362 = arith.index_cast %add3A_361 : i32 to index
      %get3A_363 = arith.constant 0 : index
      %get3A_364 = vector.load %arg1[%get3A_362, %get3A_363] : memref<1252x128xi32, #tpu.memory_space<vmem>>, vector<1x128xi32>
      %neg3A_365 = arith.constant 0 : i32
      %neg3A_366 = arith.subi %neg3A_365, %sub3A_354 : i32
      %bitcast_convert_type3A_367 = tpu.bitcast %get3A_364 : vector<1x128xi32> -> vector<1x128xf32>
      %roll3A_368 = tpu.dynamic_rotate %bitcast_convert_type3A_367 by %neg3A_366 dim 1 : vector<1x128xf32>, i32 -> vector<1x128xf32>
      %bitcast_convert_type3A_369 = tpu.bitcast %roll3A_368 : vector<1x128xf32> -> vector<1x128xi32>
      %sub3A_370 = arith.constant 128 : i32
      %sub3A_371 = arith.subi %sub3A_370, %sub3A_354 : i32
      %lt3A_372 = vector.broadcast %sub3A_371 : i32 to vector<1x128xi32>
      %lt3A_373 = arith.cmpi slt, %iota3A, %lt3A_372 : vector<1x128xi32>
      %select_n3A_374 = arith.select %lt3A_373, %bitcast_convert_type3A_359, %bitcast_convert_type3A_369 : vector<1x128xi1>, vector<1x128xi32>
      %convert_element_type3A_375 = arith.sitofp %select_n3A_374 : vector<1x128xi32> to vector<1x128xf32>
      %dot_general3A_376 = arith.constant dense<0.000000e+00> : vector<128x1xf32>
      %dot_general3A_377 = tpu.matmul %convert_element_type3A_3, %convert_element_type3A_375, %dot_general3A_376 {dimension_numbers = #tpu.dot_dimension_numbers<[1], [1], [0], [0], [0, 0, 1, 0], [], []>, transpose_lhs_hint = false} : vector<128x128xf32>, vector<1x128xf32>, vector<128x1xf32> -> vector<128x1xf32>
      %ge3A = vector.broadcast %scan3A_310 : i32 to vector<128x1xi32>
      %ge3A_378 = arith.cmpi sge, %iota3A_0, %ge3A : vector<128x1xi32>
      %add3A_379 = arith.addi %scan3A_310, %sub3A_325 : i32
      %lt3A_380 = vector.broadcast %add3A_379 : i32 to vector<128x1xi32>
      %lt3A_381 = arith.cmpi slt, %iota3A_0, %lt3A_380 : vector<128x1xi32>
      %and3A_382 = arith.andi %ge3A_378, %lt3A_381 : vector<128x1xi1>
      %and3A_383 = vector.broadcast %lt3A : i1 to vector<128x1xi1>
      %and3A_384 = arith.andi %and3A_383, %and3A_382 : vector<128x1xi1>
      %mul3A_385 = arith.constant 2.560000e+02 : f32
      %mul3A_386 = vector.broadcast %mul3A_385 : f32 to vector<128x1xf32>
      %mul3A_387 = arith.mulf %dot_general3A_377, %mul3A_386 : vector<128x1xf32>
      %convert_element_type3A_388 = arith.sitofp %add3A_327 : i32 to f32
      %add3A_389 = vector.broadcast %convert_element_type3A_388 : f32 to vector<128x1xf32>
      %add3A_390 = arith.addf %mul3A_387, %add3A_389 : vector<128x1xf32>
      %get3A_391 = arith.constant 0 : index
      %get3A_392 = arith.constant 0 : index
      %get3A_393 = vector.load %arg16[%get3A_391, %get3A_392] : memref<128x1xf32, #tpu.memory_space<vmem>>, vector<128x1xf32>
      %select_n3A_394 = arith.select %and3A_384, %add3A_390, %get3A_393 : vector<128x1xi1>, vector<128x1xf32>
      %swap3A_395 = arith.constant 0 : index
      %swap3A_396 = arith.constant 0 : index
      %swap3A_397 = vector.load %arg16[%swap3A_395, %swap3A_396] : memref<128x1xf32, #tpu.memory_space<vmem>>, vector<128x1xf32>
      tpu.vector_store %arg16[%swap3A_395, %swap3A_396], %select_n3A_394 {strides = array<i32>} : memref<128x1xf32, #tpu.memory_space<vmem>>, vector<128x1xf32>,
      %get3A_398 = arith.index_cast %and3A_318 : i32 to index
      %get3A_399 = arith.constant 0 : index
      %get3A_400 = vector.load %arg17[%get3A_398, %get3A_399] : memref<130x32xf32, #tpu.memory_space<vmem>>, vector<1x32xf32>
      %get3A_401 = arith.index_cast %shift_right_arithmetic3A_317 : i32 to index
      %get3A_402 = memref.load %arg15[%get3A_401] : memref<10112xi32, #tpu.memory_space<smem>>
      %ge3A_403 = arith.constant 391 : i32
      %ge3A_404 = arith.cmpi sge, %get3A_402, %ge3A_403 : i32
      %sub3A_405 = arith.constant 391 : i32
      %sub3A_406 = arith.subi %get3A_402, %sub3A_405 : i32
      %max3A_407 = arith.constant 0 : i32
      %max3A_408 = arith.maxsi %sub3A_406, %max3A_407 : i32
      %get3A_409 = arith.index_cast %max3A_408 : i32 to index
      %get3A_410 = arith.constant 0 : index
      %get3A_411 = vector.load %arg18[%get3A_409, %get3A_410] : memref<130x128xf32, #tpu.memory_space<vmem>>, vector<1x128xf32>
      %get3A_412 = arith.index_cast %shift_right_arithmetic3A_317 : i32 to index
      %get3A_413 = arith.constant 0 : index
      %get3A_414 = vector.load %arg0[%get3A_412, %get3A_413] : memref<10000x128xf32, #tpu.memory_space<vmem>>, vector<1x128xf32>
      %dot_general3A_415 = arith.constant dense<0.000000e+00> : vector<1x128xf32>
      %dot_general3A_416 = tpu.matmul %get3A_414, %get3A_23, %dot_general3A_415 {dimension_numbers = #tpu.dot_dimension_numbers<[1], [0], [0], [1], [0, 0, 1, 1], [], []>, transpose_lhs_hint = false} : vector<1x128xf32>, vector<128x128xf32>, vector<1x128xf32> -> vector<1x128xf32>
      %add3A_417 = arith.addf %dot_general3A_416, %get3A_26 : vector<1x128xf32>
      %select_n3A_418 = arith.select %ge3A_404, %get3A_411, %add3A_417 : vector<1x128xf32>
      %dot_general3A_419 = arith.constant dense<0.000000e+00> : vector<1x128xf32>
      %dot_general3A_420 = tpu.matmul %select_n3A_418, %get3A_29, %dot_general3A_419 {dimension_numbers = #tpu.dot_dimension_numbers<[1], [0], [0], [1], [0, 0, 1, 1], [], []>, transpose_lhs_hint = false} : vector<1x128xf32>, vector<128x128xf32>, vector<1x128xf32> -> vector<1x128xf32>
      %dot_general3A_421 = arith.constant dense<0.000000e+00> : vector<1x128xf32>
      %dot_general3A_422 = tpu.matmul %get3A_400, %get3A_32, %dot_general3A_421 {dimension_numbers = #tpu.dot_dimension_numbers<[1], [0], [0], [1], [0, 0, 1, 1], [], []>, transpose_lhs_hint = false} : vector<1x32xf32>, vector<32x128xf32>, vector<1x128xf32> -> vector<1x128xf32>
      %add3A_423 = arith.addf %dot_general3A_420, %dot_general3A_422 : vector<1x128xf32>
      %add3A_424 = arith.addf %add3A_423, %get3A_35 : vector<1x128xf32>
      %max3A_425 = arith.constant 0.000000e+00 : f32
      %max3A_426 = vector.broadcast %max3A_425 : f32 to vector<1x128xf32>
      %max3A_427 = arith.maximumf %add3A_424, %max3A_426 : vector<1x128xf32>
      %dot_general3A_428 = arith.constant dense<0.000000e+00> : vector<1x32xf32>
      %dot_general3A_429 = tpu.matmul %max3A_427, %get3A_38, %dot_general3A_428 {dimension_numbers = #tpu.dot_dimension_numbers<[1], [0], [0], [1], [0, 0, 1, 1], [], []>, transpose_lhs_hint = false} : vector<1x128xf32>, vector<128x32xf32>, vector<1x32xf32> -> vector<1x32xf32>
      %dot_general3A_430 = arith.constant dense<0.000000e+00> : vector<1x32xf32>
      %dot_general3A_431 = tpu.matmul %get3A_400, %get3A_41, %dot_general3A_430 {dimension_numbers = #tpu.dot_dimension_numbers<[1], [0], [0], [1], [0, 0, 1, 1], [], []>, transpose_lhs_hint = false} : vector<1x32xf32>, vector<32x32xf32>, vector<1x32xf32> -> vector<1x32xf32>
      %add3A_432 = arith.addf %dot_general3A_429, %dot_general3A_431 : vector<1x32xf32>
      %add3A_433 = arith.addf %add3A_432, %get3A_44 : vector<1x32xf32>
      %jit3A_434 = arith.constant 129 : i32
      %select_n3A_435 = arith.select %lt3A, %add3A_327, %jit3A_434 : i32
      %jit3A_436 = arith.constant 129 : i32
      %select_n3A_437 = arith.select %lt3A, %scan3A_311, %jit3A_436 : i32
      %jit3A_438 = arith.constant 10000 : i32
      %select_n3A_439 = arith.select %lt3A, %shift_right_arithmetic3A_317, %jit3A_438 : i32
      %swap3A_440 = arith.index_cast %select_n3A_435 : i32 to index
      %swap3A_441 = arith.constant 0 : index
      %swap3A_442 = vector.load %arg17[%swap3A_440, %swap3A_441] : memref<130x32xf32, #tpu.memory_space<vmem>>, vector<1x32xf32>
      tpu.vector_store %arg17[%swap3A_440, %swap3A_441], %add3A_433 {strides = array<i32>} : memref<130x32xf32, #tpu.memory_space<vmem>>, vector<1x32xf32>,
      %swap3A_443 = arith.index_cast %select_n3A_437 : i32 to index
      %swap3A_444 = arith.constant 0 : index
      %swap3A_445 = vector.load %arg18[%swap3A_443, %swap3A_444] : memref<130x128xf32, #tpu.memory_space<vmem>>, vector<1x128xf32>
      tpu.vector_store %arg18[%swap3A_443, %swap3A_444], %max3A_427 {strides = array<i32>} : memref<130x128xf32, #tpu.memory_space<vmem>>, vector<1x128xf32>,
      %add3A_446 = arith.constant 391 : i32
      %add3A_447 = arith.addi %add3A_446, %scan3A_311 : i32
      %swap3A_448 = arith.index_cast %select_n3A_439 : i32 to index
      %swap3A_449 = memref.load %arg15[%swap3A_448] : memref<10112xi32, #tpu.memory_space<smem>>
      memref.store %add3A_447, %arg15[%swap3A_448] : memref<10112xi32, #tpu.memory_space<smem>>
      %add3A_450 = arith.constant 1 : i32
      %add3A_451 = arith.addi %scan3A_309, %add3A_450 : i32
      %select_n3A_452 = arith.select %lt3A, %add3A_451, %scan3A_309 : i32
      %add3A_453 = arith.addi %scan3A_310, %sub3A_325 : i32
      %select_n3A_454 = arith.select %lt3A, %add3A_453, %scan3A_310 : i32
      %select_n3A_455 = arith.select %lt3A, %add3A_327, %scan3A_311 : i32
      scf.yield %select_n3A_452, %select_n3A_454, %select_n3A_455 : i32, i32, i32
    }
    %get3A_274 = arith.index_cast %get3A_242 : i32 to index
    %get3A_275 = memref.load %arg15[%get3A_274] : memref<10112xi32, #tpu.memory_space<smem>>
    %sub3A_276 = arith.constant 391 : i32
    %sub3A_277 = arith.subi %get3A_275, %sub3A_276 : i32
    %max3A_278 = arith.constant 0 : i32
    %max3A_279 = arith.maxsi %sub3A_277, %max3A_278 : i32
    %get3A_280 = arith.index_cast %max3A_279 : i32 to index
    %get3A_281 = arith.constant 0 : index
    %get3A_282 = vector.load %arg18[%get3A_280, %get3A_281] : memref<130x128xf32, #tpu.memory_space<vmem>>, vector<1x128xf32>
    %get3A_283 = arith.constant 0 : index
    %get3A_284 = arith.constant 0 : index
    %get3A_285 = vector.load %arg12[%get3A_283, %get3A_284] : memref<128x128xf32, #tpu.memory_space<vmem>>, vector<128x128xf32>
    %dot_general3A_286 = arith.constant dense<0.000000e+00> : vector<1x128xf32>
    %dot_general3A_287 = tpu.matmul %get3A_282, %get3A_285, %dot_general3A_286 {dimension_numbers = #tpu.dot_dimension_numbers<[1], [0], [0], [1], [0, 0, 1, 1], [], []>, transpose_lhs_hint = false} : vector<1x128xf32>, vector<128x128xf32>, vector<1x128xf32> -> vector<1x128xf32>
    %get3A_288 = arith.constant 0 : index
    %get3A_289 = arith.constant 0 : index
    %get3A_290 = vector.load %arg13[%get3A_288, %get3A_289] : memref<1x128xf32, #tpu.memory_space<vmem>>, vector<1x128xf32>
    %add3A_291 = arith.addf %dot_general3A_287, %get3A_290 : vector<1x128xf32>
    %reduce_max3A_292 = arith.constant dense<0xFF800000> : vector<1xf32>
    %reduce_max3A_293 = vector.multi_reduction <maximumf>, %add3A_291, %reduce_max3A_292 [1] : vector<1x128xf32> to vector<1xf32>
    %broadcast_in_dim3A_294 = vector.shape_cast %reduce_max3A_293 : vector<1xf32> to vector<1x1xf32>
    %sub3A_295 = vector.broadcast %broadcast_in_dim3A_294 : vector<1x1xf32> to vector<1x128xf32>
    %sub3A_296 = arith.subf %add3A_291, %sub3A_295 : vector<1x128xf32>
    %exp3A_297 = math.exp %sub3A_296 : vector<1x128xf32>
    %reduce_sum3A_298 = arith.constant dense<0.000000e+00> : vector<1xf32>
    %reduce_sum3A_299 = vector.multi_reduction <add>, %exp3A_297, %reduce_sum3A_298 [1] : vector<1x128xf32> to vector<1xf32>
    %broadcast_in_dim3A_300 = vector.shape_cast %reduce_sum3A_299 : vector<1xf32> to vector<1x1xf32>
    %log3A_301 = math.log %broadcast_in_dim3A_300 : vector<1x1xf32>
    %add3A_302 = arith.addf %broadcast_in_dim3A_294, %log3A_301 : vector<1x1xf32>
    %sub3A_303 = vector.broadcast %add3A_302 : vector<1x1xf32> to vector<1x128xf32>
    %sub3A_304 = arith.subf %add3A_291, %sub3A_303 : vector<1x128xf32>
    %swap3A_305 = arith.index_cast %get3A_242 : i32 to index
    %swap3A_306 = arith.constant 0 : index
    %swap3A_307 = vector.load %arg14[%swap3A_305, %swap3A_306] : memref<10000x128xf32, #tpu.memory_space<vmem>>, vector<1x128xf32>
    tpu.vector_store %arg14[%swap3A_305, %swap3A_306], %sub3A_304 {strides = array<i32>} : memref<10000x128xf32, #tpu.memory_space<vmem>>, vector<1x128xf32>,
    return
  }
}

</mosaic_0001>

<sc_bundles>
// kernel: kernel.4.cloned.1.call-start
scs
__scs_entry_jumppad:
0x0: {  	(pc) =	sbr.rel $0x88, $3  }
0x1: {  	(tag) =	ssettag $0x0;
	lr =	simm.s32 $0x1  }
0x2: {  	[smem:$0x3F96] =	sst lr;
	_ =	strace $0xD0000000  }
0x3: {  	_ = 	snop  }
0x4: {  	_ = 	snop  }
0x5: {  	_ = 	snop  }
0x6: {  	_ = 	snop  }
0x7: {  	_ = 	snop  }
__scs_overlays_trampoline_lowered:
0x8: {  	[smem:$0x3FA5] =	sst s0  }
0x9: {  	[smem:$0x3FA6] =	sst s1  }
0xa: {  	[smem:$0x3FA7] =	sst s2  }
0xb: {  	[smem:$0x3FA8] =	sst s3  }
0xc: {  	[smem:$0x3FA9] =	sst s4  }
0xd: {  	[smem:$0x3FAA] =	sst s5  }
0xe: {  	[smem:$0x3FAB] =	sst s6  }
0xf: {  	[smem:$0x3FAC] =	sst s7  }
0x10: {  	[smem:$0x3FAD] =	sst s8  }
0x11: {  	[smem:$0x3FAE] =	sst s9;
	s0 =	simm.s32 @!p0 $0x0  }
0x12: {  	s1 =	sld [smem:$0x3F94];
	s0 =	simm.s32 @p0 $0x1  }
0x13: {  	[smem:$0x3FAF] =	sst s0;
	s0 =	simm.s32 @!p1 $0x0  }
0x14: {  	s2 =	sld [smem:$0x3F93];
	s0 =	simm.s32 @p1 $0x1  }
0x15: {  	[smem:$0x3FB0] =	sst s0;
	s0 =	simm.s32 @!p2 $0x0  }
0x16: {  	s3 =	sld [smem:$0x3FDB];
	s0 =	simm.s32 @p2 $0x1  }
0x17: {  	s4 =	simm.s32 $0x1BF5;
	[smem:$0x3FB2] =	sst s0  }
0x18: {  	s0 =	sld [smem:$0x3F95];
	_ =	swait.ge [sflag:s4], $0x0  }
0x19: {  	s7 =	sld [smem:$0x3F96]  }
0x1a: {  	s8 =	sadd.s32 $0xFFFFE003, lr  }
0x1b: {  	s9 =	sadd.s32 $0xFFFFFEF7, lr;
	s5 =	simm.s32 $0xFFFFFFFF;
	p2 =	slt.u32 s8, $0xFFFFF086  }
0x1c: {  	p1 =	slt.u32 s9, $0xF7A;
	s5 =	simm.s32 @!p2 $0x0  }
0x1d: {  	s5 =	simm.s32 @p1 $0x1;
	p0 =	seq.s32 s7, s2  }
0x1e: {  	s7 =	smul.u32 @!p0 $0xF7A, s2;
	p2 =	seq.s32 @!p0 s5, $0x0  }
0x1f: {  	s9 =	smul.u32 $0xF7A, s1;
	s8 =	simm.s32 @!p0 $0x1BF5;
	p2 =	por !p2, p0  }
0x20: {  	[sflag:s8] =	ssyncset.s32 @!p0 $0xFFFFF086;
	s6 =	sadd.s32 @!p0 s3, s7;
	s7 =	simm.s32 @!p0 $0x108  }
0x21: {  	s3 =	sadd.s32 s3, s9;
	s6 =	sadd.s32 @!p0 $0x88, s6;
	s7 =	simm.s32 @p2 $0x1082  }
0x22: {  	[simem:s7], [sflag:s8] =	dma.local @!p0 [hbm:s6], $0xF7A  }
0x23: {  	s9 =	sor.u32 $0xD0000000, s2;
	s6 =	simm.s32 $0x108;
	_ =	swait.ge @!p0 [sflag:s8], $0x0  }
0x24: {  	s3 =	sadd.s32 $0x88, s3;
	s6 =	simm.s32 @!p1 $0x1082;
	[sflag:s4] =	ssyncset.s32 $0xFFFFF086  }
0x25: {  	[simem:s6], [sflag:s4] =	dma.local [hbm:s3], $0xF7A  }
0x26: {  	[smem:$0x3F96] =	sst s1;
	(tag) =	ssettag s2;
	_ =	strace s9  }
0x27: {  	s1 =	sld [smem:$0x3FA6]  }
0x28: {  	s2 =	sld [smem:$0x3FA7]  }
0x29: {  	s4 =	sld [smem:$0x3FA9]  }
0x2a: {  	p0 =	seq.s32 s5, $0x0;
	s5 =	sld [smem:$0x3FAA]  }
0x2b: {  	s6 =	sld [smem:$0x3FAB]  }
0x2c: {  	s7 =	sld [smem:$0x3FAC]  }
0x2d: {  	s3 =	simm.s32 $0x108;
	s8 =	sld [smem:$0x3FAD]  }
0x2e: {  	s3 =	simm.s32 @!p0 $0x1082;
	s9 =	sld [smem:$0x3FAE]  }
0x2f: {  	lr =	sadd.s32 s0, s3;
	s0 =	sld [smem:$0x3FA5]  }
0x30: {  	s3 =	sld [smem:$0x3FA8]  }
0x31: {  	[smem:$0x3FB1] =	sst s10  }
0x32: {  	s10 =	sld [smem:$0x3FAF];
	_ =	sdelay $0x3  }
0x33: {  	p0 =	seq.s32 s10, $0x1;
	s10 =	sld [smem:$0x3FB1];
	_ =	sdelay $0x3  }
0x34: {  	[smem:$0x3FB1] =	sst s10  }
0x35: {  	s10 =	sld [smem:$0x3FB0];
	_ =	sdelay $0x3  }
0x36: {  	p1 =	seq.s32 s10, $0x1;
	s10 =	sld [smem:$0x3FB1];
	_ =	sdelay $0x3  }
0x37: {  	[smem:$0x3FB1] =	sst s10  }
0x38: {  	s10 =	sld [smem:$0x3FB2]  }
0x39: {  	_ = 	snop;
	(pc) =	sbr.ind lr, $3  }
0x3a: {  	_ = 	snop  }
0x3b: {  	_ = 	snop  }
0x3c: {  	p2 =	seq.s32 s10, $0x1;
	s10 =	sld [smem:$0x3FB1]  }
0x3d: {  	_ =	shalt  }
0x3e: {  	_ =	shalt  }
0x3f: {  	_ =	shalt  }
0x40: {  	_ =	shalt  }
0x41: {  	_ =	shalt  }
0x42: {  	_ =	shalt  }
0x43: {  	_ =	shalt  }
0x44: {  	_ =	shalt  }
0x45: {  	_ =	shalt  }
0x46: {  	_ =	shalt  }
0x47: {  	_ =	shalt  }
0x48: {  	_ =	shalt  }
0x49: {  	_ =	shalt  }
0x4a: {  	_ =	shalt  }
0x4b: {  	_ =	shalt  }
0x4c: {  	_ =	shalt  }
0x4d: {  	_ =	shalt  }
0x4e: {  	_ =	shalt  }
0x4f: {  	_ =	shalt  }
0x50: {  	_ =	shalt  }
0x51: {  	_ =	shalt  }
0x52: {  	_ =	shalt  }
0x53: {  	_ =	shalt  }
0x54: {  	_ =	shalt  }
0x55: {  	_ =	shalt  }
0x56: {  	_ =	shalt  }
0x57: {  	_ =	shalt  }
0x58: {  	_ =	shalt  }
0x59: {  	_ =	shalt  }
0x5a: {  	_ =	shalt  }
0x5b: {  	_ =	shalt  }
0x5c: {  	_ =	shalt  }
0x5d: {  	_ =	shalt  }
0x5e: {  	_ =	shalt  }
0x5f: {  	_ =	shalt  }
0x60: {  	_ =	shalt  }
0x61: {  	_ =	shalt  }
0x62: {  	_ =	shalt  }
0x63: {  	_ =	shalt  }
0x64: {  	_ =	shalt  }
0x65: {  	_ =	shalt  }
0x66: {  	_ =	shalt  }
0x67: {  	_ =	shalt  }
0x68: {  	_ =	shalt  }
0x69: {  	_ =	shalt  }
0x6a: {  	_ =	shalt  }
0x6b: {  	_ =	shalt  }
0x6c: {  	_ =	shalt  }
0x6d: {  	_ =	shalt  }
0x6e: {  	_ =	shalt  }
0x6f: {  	_ =	shalt  }
0x70: {  	_ =	shalt  }
0x71: {  	_ =	shalt  }
0x72: {  	_ =	shalt  }
0x73: {  	_ =	shalt  }
0x74: {  	_ =	shalt  }
0x75: {  	_ =	shalt  }
0x76: {  	_ =	shalt  }
0x77: {  	_ =	shalt  }
0x78: {  	_ =	shalt  }
0x79: {  	_ =	shalt  }
0x7a: {  	_ =	shalt  }
0x7b: {  	_ =	shalt  }
0x7c: {  	_ =	shalt  }
0x7d: {  	_ =	shalt  }
0x7e: {  	_ =	shalt  }
0x7f: {  	_ =	shalt  }
0x80: {  	_ =	shalt  }
0x81: {  	_ =	shalt  }
0x82: {  	_ =	shalt  }
0x83: {  	_ =	shalt  }
0x84: {  	_ =	shalt  }
0x85: {  	_ =	shalt  }
0x86: {  	_ =	shalt  }
0x87: {  	_ =	shalt  }
.Lfunc_end0:
.L_simem_size_0:
called_computation_lowered:
.L_overlay_start_0:
0x88: {  	s2 =	sld [smem:$0x3FD9]  }
0x89: {  	s3 =	sld [smem:$0x3FFE];
	_ =	sdelay $0x1  }
0x8a: {  	s1 =	srdreg.scid  }
0x8b: {  	s0 =	sand.u32 $0x1, s1  }
0x8c: {  	s17 =	sshll.u32 s0, $0xA;
	s2 =	sadd.s32 s3, s2  }
0x8d: {  	s2 =	sadd.s32 s2, s17  }
0x8e: {  	[smem:$0x3FBD] =	sst s2  }
0x8f: {  	_ = 	snop  }
0x90: {  	s2 =	sld [smem:$0x3FD0];
	(tm) =	ssettm $0x1  }
0x91: {  	s18 =	sld [smem:$0x3FFB];
	_ =	sdelay $0x3  }
0x92: {  	_ =	strace s18  }
0x93: {  	s3 =	sld [smem:$0x3FFC];
	_ =	sdelay $0x3  }
0x94: {  	_ =	strace s3  }
0x95: {  	s3 =	sld [smem:$0x3FFD];
	_ =	sdelay $0x3  }
0x96: {  	_ =	strace s3  }
0x97: {  	_ =	strace $0x8FFFFFFF  }
0x98: {  	s19 =	sld [smem:$0x3FDB];
	_ =	sdelay $0x1  }
0x99: {  	s4 =	simm.s32 $_scs_section_size  }
0x9a: {  	s5 =	simm.s32 $_size__tile_overlayer_lowered;
	s6 =	simm.s32 $_tile_overlayer_lowered  }
0x9b: {  	s22 =	simm.s32 $0x1BFF;
	s21 =	sshll.u32 s6, $0x1;
	s3 =	sadd.s32 s4, s19  }
0x9c: {  	s7 =	simm.s32 $0x0;
	s20 =	sshll.u32 s5, $0x1;
	s5 =	sadd.s32 s21, s3  }
0x9d: {  	[timem:s7], [sflag:s22] =	dma.local [hbm:s5], s20  }
0x9e: {  	_ =	swait.ge [sflag:s22], s20  }
0x9f: {  	s4 =	ssub.s32 $0x0, s20;
	[sflag:s22] =	ssyncset.done $0x0  }
0xa0: {  	[sflag:s22] =	ssyncadd.s32 s4;
	_ =	sdelay $0x1  }
0xa1: {  	s23 =	simm.s32 $0x1B8B  }
0xa2: {  	_ =	swait.ge [sflag:s23], $0x1  }
0xa3: {  	[sflag:s23] =	ssyncset.done $0x0  }
0xa4: {  	s25 =	simm.s32 $0x1B8E;
	s24 =	sld [smem:$0x3FFE];
	[sflag:s23] =	ssyncadd.s32 $0xFFFFFFFF  }
0xa5: {  	s26 =	simm.s32 $execute0_lowered;
	[smem:$0x3FD2] =	sst s25  }
0xa6: {  	s5 =	sshll.u32 s26, $0x1;
	_ =	strace $0x80000046;
	[dreg:$0x1] =	wrdreg $0xFFFFFFFF  }
0xa7: {  	s28 =	simm.s32 $_size_execute0_lowered;
	s3 =	sadd.s32 s3, s5;
	[dreg:$0x0] =	wrdreg $0x0  }
0xa8: {  	s5 =	sshll.u32 s28, $0x1;
	[dreg:$0x2] =	wrdreg s3  }
0xa9: {  	[dreg:$0x3] =	wrdreg s5  }
0xaa: {  	[dreg:$0x4] =	wrdreg $0xC0  }
0xab: {  	_ =	task [dreg:s7], $0x5FFFF  }
0xac: {  	[dreg:$0x1] =	wrdreg $0xFFFFFFFF  }
0xad: {  	[dreg:$0x0] =	wrdreg $0x60  }
0xae: {  	[dreg:$0x2] =	wrdreg s24  }
0xaf: {  	[dreg:$0x3] =	wrdreg s2  }
0xb0: {  	[dreg:$0x4] =	wrdreg $0x175800  }
0xb1: {  	[dreg:$0x5] =	wrdreg $0x125800  }
0xb2: {  	[dreg:$0x6] =	wrdreg $0x14D800  }
0xb3: {  	[dreg:$0x7] =	wrdreg $0x175900  }
0xb4: {  	[dreg:$0x8] =	wrdreg $0x9  }
0xb5: {  	_ =	task.clear_ibuf [dreg:s7], $0x9FFFF;
	_ =	strace $0x90000046  }
0xb6: {  	s29 =	simm.s32 $0x9;
	_ =	strace $0x80000048  }
0xb7: {  	_ =	swait.ge [sflag:s29], $0x1  }
0xb8: {  	[sflag:s29] =	ssyncadd.s32 $0xFFFFFFFF  }
0xb9: {  	_ =	strace $0x90000048  }
0xba: {  	_ =	sfence  }
0xbb: {  	s30 =	sld [smem:$0x0];
	_ =	sdelay $0x2  }
0xbc: {  	s31 =	sshll.u32 s1, $0xD;
	s1 =	sshrl.u32 s1, $0x2  }
0xbd: {  	s3 =	sand.u32 $0x4000, s31;
	s1 =	sadd.s32 s1, s30  }
0xbe: {  	s0 =	sor.u32 s3, s0;
	s1 =	sshll.u32 s1, $0x11  }
0xbf: {  	s0 =	sor.u32 s1, s0  }
0xc0: {  	s0 =	sadd.s32 $0x8F2B, s0  }
0xc1: {  	[sflag:s0] =	ssyncadd.remote.s32 $0x1  }
0xc2: {  	_ =	sfence.sel $0xFFFF  }
0xc3: {  	[dreg:$0x0] =	wrdreg $0xFFFFFFFF;
	(pc) =	sbr.abs _section_cstart, $3  }
0xc4: {  	[dreg:$0x1] =	wrdreg $0xFFFFFFFF  }
0xc5: {  	_ =	task.clear_ibuf [dreg:s7], $0x2FFFF;
	_ =	strace $0x9FFFFFFF  }
0xc6: {  	(tm) =	ssettm $0x7FFFFFFF  }
0xc7: {  	_ =	shalt  }
tec
execute0_lowered:
.L_overlay_start_1:
0x0: {  	(tag) =	ssettag $0x1  }
0x1: {  	s0 =	rddreg [dreg:$0x3];
	s1 =	srdreg.scid  }
0x2: {  	s6 =	stileid.u32;
	s5 =	simm.s32 $0x0;
	s2 =	sand.u32 $0x1, s1  }
0x3: {  	s8 =	sshrl.u32 s6, $0x3;
	s4 =	sshll.u32 s6, $0x7;
	[smem:$0x777] =	sst s2  }
0x4: {  	s2 =	ssub.s32 $0x2, s2;
	s1 =	smul.u32 $0x14000, s8;
	[smem:$0x779] =	sst s4  }
0x5: {  	s4 =	sand.u32 $0x380, s4;
	s8 =	smul.u32 $0x1400, s6;
	s3 =	sshrl.u32 s2, $0x1  }
0x6: {  	[smem:$0x7FF] =	sst s5;
	s2 =	ssub.s32 s2, s3;
	s1 =	sor.u32 s4, s1  }
0x7: {  	s22 =	sadd.s32 s8, s0;
	s4 =	sor.u32 $0x80, s8;
	s3 =	sor.u32 $0x180, s8  }
0x8: {  	s9 =	sor.u32 $0x200, s8;
	s10 =	sor.u32 $0x280, s8;
	s11 =	sor.u32 $0x300, s8  }
0x9: {  	s12 =	sor.u32 $0x380, s8;
	s13 =	sadd.s32 $0x14000, s8;
	s14 =	sadd.s32 $0x14080, s8  }
0xa: {  	s15 =	sadd.s32 $0x14100, s8;
	s16 =	sadd.s32 $0x14180, s8;
	s17 =	sadd.s32 $0x14200, s8  }
0xb: {  	s18 =	sadd.s32 $0x14280, s8;
	s20 =	sadd.s32 $0x14380, s8;
	[smem:$0x77E] =	sst s2  }
0xc: {  	[smem:$0x775] =	sst s1;
	s1 =	sadd.s32 s1, s0;
	s23 =	sadd.s32 s4, s0  }
0xd: {  	s2 =	sor.u32 $0x100, s8;
	s26 =	sadd.s32 s3, s0;
	s19 =	sadd.s32 s18, s0  }
0xe: {  	s28 =	sadd.s32 s9, s0;
	[dreg:$0x15] =	wrdreg s19;
	s19 =	sadd.s32 $0x14300, s8  }
0xf: {  	s29 =	sadd.s32 s10, s0;
	s30 =	sadd.s32 s11, s0;
	s21 =	sadd.s32 s19, s0  }
0x10: {  	s31 =	sadd.s32 s12, s0;
	s5 =	sadd.s32 s14, s0;
	[dreg:$0x16] =	wrdreg s21  }
0x11: {  	s6 =	sadd.s32 s15, s0;
	s7 =	sadd.s32 s16, s0;
	s21 =	rddreg [dreg:$0x4]  }
0x12: {  	s25 =	sadd.s32 s17, s0;
	[dreg:$0x7] =	wrdreg s1;
	s8 =	sadd.s32 s8, s21  }
0x13: {  	s24 =	sadd.s32 s2, s0;
	s4 =	sadd.s32 s4, s21;
	[dreg:$0x18] =	wrdreg s8  }
0x14: {  	s1 =	sadd.s32 s13, s0;
	s9 =	sadd.s32 s9, s21;
	[dreg:$0x19] =	wrdreg s4  }
0x15: {  	s0 =	sadd.s32 s20, s0;
	[smem:$0x7D0] =	sst s9;
	s8 =	sadd.s32 s11, s21  }
0x16: {  	s9 =	sadd.s32 s12, s21;
	s12 =	sadd.s32 s19, s21;
	s19 =	rddreg [dreg:$0x1]  }
0x17: {  	s2 =	sadd.s32 s2, s21;
	s3 =	sadd.s32 s3, s21;
	[dreg:$0x1d] =	wrdreg s8  }
0x18: {  	s10 =	sadd.s32 s10, s21;
	s14 =	sadd.s32 s14, s21;
	[smem:$0x7FB] =	sst s12  }
0x19: {  	s15 =	sadd.s32 s15, s21;
	s16 =	sadd.s32 s16, s21;
	s12 =	sld [smem:$0x775]  }
0x1a: {  	s17 =	sadd.s32 s17, s21;
	s11 =	sadd.s32 s13, s21;
	[dreg:$0x1e] =	wrdreg s9  }
0x1b: {  	s18 =	sadd.s32 s18, s21;
	s13 =	stileid.u32;
	[dreg:$0x1f] =	wrdreg s11  }
0x1c: {  	s8 =	rddreg [dreg:$0x0];
	s9 =	smul.u32 $0x2720, s13;
	s4 =	sadd.s32 s12, s21  }
0x1d: {  	s20 =	sadd.s32 s20, s21;
	[smem:$0x7FD] =	sst s4;
	s4 =	smul.u32 $0x50, s13  }
0x1e: {  	s11 =	smul.u32 $0x4E2, s13;
	s21 =	rddreg [dreg:$0x2];
	s13 =	sshrl.u32 s9, $0x3  }
0x1f: {  	s12 =	sadd.s32 s13, s8;
	s13 =	sadd.s32 s4, s8;
	s4 =	rddreg [dreg:$0x5]  }
0x20: {  	s8 =	sadd.s32 s11, s8;
	s11 =	sadd.s32 s19, s11;
	s19 =	sld [smem:$0x777]  }
0x21: {  	[smem:$0x776] =	sst s11;
	s8 =	sadd.s32 $0x1E00, s8  }
0x22: {  	s11 =	sadd.s32 $0xBE00, s13;
	_ =	strace $0x80000047;
	[smem:$0x778] =	sst s8  }
0x23: {  	s13 =	sadd.s32 s9, s4;
	[smem:$0x77B] =	sst s11  }
0x24: {  	s9 =	sadd.s32 $0x400, s22;
	[smem:$0x77C] =	sst s13  }
0x25: {  	[smem:$0x780] =	sst s9  }
0x26: {  	[dreg:$0x8] =	wrdreg s22  }
0x27: {  	[dreg:$0x9] =	wrdreg s23  }
0x28: {  	[dreg:$0xa] =	wrdreg s24  }
0x29: {  	[dreg:$0xb] =	wrdreg s26  }
0x2a: {  	[dreg:$0xc] =	wrdreg s28  }
0x2b: {  	[dreg:$0xd] =	wrdreg s29  }
0x2c: {  	[dreg:$0xe] =	wrdreg s30  }
0x2d: {  	[dreg:$0xf] =	wrdreg s31  }
0x2e: {  	[dreg:$0x10] =	wrdreg s1  }
0x2f: {  	[dreg:$0x11] =	wrdreg s5  }
0x30: {  	[dreg:$0x12] =	wrdreg s6  }
0x31: {  	[dreg:$0x13] =	wrdreg s7  }
0x32: {  	[dreg:$0x14] =	wrdreg s25  }
0x33: {  	[dreg:$0x17] =	wrdreg s0  }
0x34: {  	[dreg:$0x1a] =	wrdreg s2  }
0x35: {  	[dreg:$0x1b] =	wrdreg s3  }
0x36: {  	[dreg:$0x1c] =	wrdreg s10  }
0x37: {  	[smem:$0x7E8] =	sst s14  }
0x38: {  	[smem:$0x7ED] =	sst s15  }
0x39: {  	s11 =	sadd.s32 $0x800, s22;
	p0 =	sne.s32 s19, $0x0;
	s19 =	sld [smem:$0x779]  }
0x3a: {  	s13 =	sadd.s32 $0x1000, s22;
	[smem:$0x781] =	sst s11  }
0x3b: {  	s9 =	sadd.s32 $0x1000, s23;
	[smem:$0x783] =	sst s13  }
0x3c: {  	[smem:$0x787] =	sst s9;
	s11 =	sadd.s32 $0x400, s24  }
0x3d: {  	s13 =	sadd.s32 $0xC00, s24;
	[smem:$0x788] =	sst s11  }
0x3e: {  	s9 =	sadd.s32 $0x800, s28;
	[smem:$0x78A] =	sst s13  }
0x3f: {  	[smem:$0x791] =	sst s9;
	s11 =	sadd.s32 $0xC00, s28  }
0x40: {  	s13 =	sadd.s32 $0x400, s29;
	[smem:$0x792] =	sst s11  }
0x41: {  	s9 =	sadd.s32 $0xC00, s31;
	[smem:$0x794] =	sst s13  }
0x42: {  	[smem:$0x79E] =	sst s9  }
0x43: {  	s11 =	sadd.s32 $0x1000, s31;
	s8 =	sadd.s32 s19, s21;
	s21 =	sld [smem:$0x77E]  }
0x44: {  	s13 =	sadd.s32 $0x800, s1;
	[smem:$0x79F] =	sst s11  }
0x45: {  	s9 =	sadd.s32 $0x800, s25;
	[smem:$0x7A1] =	sst s13  }
0x46: {  	[smem:$0x7B1] =	sst s9  }
0x47: {  	s13 =	rddreg [dreg:$0x15]  }
0x48: {  	s19 =	sadd.s32 $0x6E00, s12;
	[smem:$0x77A] =	sst s8  }
0x49: {  	s12 =	sadd.s32 $0xC00, s22;
	[smem:$0x77D] =	sst s19  }
0x4a: {  	s22 =	sadd.s32 $0xC00, s23;
	[smem:$0x782] =	sst s12  }
0x4b: {  	s11 =	sadd.s32 $0xC00, s25;
	[smem:$0x786] =	sst s22  }
0x4c: {  	s19 =	sadd.s32 $0x400, s23;
	[smem:$0x7B2] =	sst s11  }
0x4d: {  	s12 =	sadd.s32 $0x800, s24;
	[smem:$0x784] =	sst s19  }
0x4e: {  	s22 =	sadd.s32 $0x800, s26;
	[smem:$0x789] =	sst s12  }
0x4f: {  	s19 =	sadd.s32 $0x1000, s24;
	[smem:$0x78D] =	sst s22  }
0x50: {  	s24 =	sadd.s32 $0x1000, s26;
	[smem:$0x78B] =	sst s19  }
0x51: {  	s12 =	sadd.s32 $0x1000, s28;
	[smem:$0x78F] =	sst s24  }
0x52: {  	s22 =	sadd.s32 $0x1000, s29;
	[smem:$0x793] =	sst s12  }
0x53: {  	s8 =	smax.u32 s21, $0x1;
	[smem:$0x797] =	sst s22  }
0x54: {  	s21 =	sadd.s32 $0x800, s23;
	[smem:$0x77F] =	sst s8  }
0x55: {  	s23 =	sadd.s32 $0xC00, s26;
	[smem:$0x785] =	sst s21  }
0x56: {  	s19 =	sadd.s32 $0x800, s29;
	[smem:$0x78E] =	sst s23  }
0x57: {  	s24 =	sadd.s32 $0x800, s30;
	[smem:$0x795] =	sst s19  }
0x58: {  	s12 =	sadd.s32 $0x400, s1;
	[smem:$0x799] =	sst s24  }
0x59: {  	s22 =	sadd.s32 $0x800, s5;
	[smem:$0x7A0] =	sst s12  }
0x5a: {  	s21 =	sadd.s32 $0x400, s26;
	[smem:$0x7A5] =	sst s22  }
0x5b: {  	s26 =	sadd.s32 $0x400, s28;
	[smem:$0x78C] =	sst s21  }
0x5c: {  	s23 =	sadd.s32 $0x400, s30;
	[smem:$0x790] =	sst s26  }
0x5d: {  	s28 =	sadd.s32 $0x1000, s30;
	[smem:$0x798] =	sst s23  }
0x5e: {  	s19 =	sadd.s32 $0xC00, s1;
	[smem:$0x79B] =	sst s28  }
0x5f: {  	s1 =	sadd.s32 $0x1000, s1;
	[smem:$0x7A2] =	sst s19  }
0x60: {  	s24 =	sadd.s32 $0x1000, s5;
	[smem:$0x7A3] =	sst s1  }
0x61: {  	s8 =	sadd.s32 $0x400, s25;
	[smem:$0x7A7] =	sst s24  }
0x62: {  	s12 =	sadd.s32 $0x1000, s25;
	[smem:$0x7B0] =	sst s8  }
0x63: {  	s22 =	sadd.s32 $0xC00, s13;
	[smem:$0x7B3] =	sst s12  }
0x64: {  	[smem:$0x7B6] =	sst s22  }
0x65: {  	s24 =	rddreg [dreg:$0x16]  }
0x66: {  	s21 =	sadd.s32 $0xC00, s29;
	s12 =	rddreg [dreg:$0x19]  }
0x67: {  	s26 =	sadd.s32 $0xC00, s30;
	[smem:$0x796] =	sst s21  }
0x68: {  	s29 =	sadd.s32 $0x400, s31;
	[smem:$0x79A] =	sst s26  }
0x69: {  	s30 =	sadd.s32 $0x800, s31;
	[smem:$0x79C] =	sst s29  }
0x6a: {  	s23 =	sadd.s32 $0xC00, s5;
	[smem:$0x79D] =	sst s30  }
0x6b: {  	s28 =	sadd.s32 $0x800, s6;
	[smem:$0x7A6] =	sst s23  }
0x6c: {  	s31 =	sadd.s32 $0x400, s7;
	[smem:$0x7A9] =	sst s28  }
0x6d: {  	s19 =	sadd.s32 $0x400, s13;
	[smem:$0x7AC] =	sst s31  }
0x6e: {  	s21 =	sadd.s32 $0x400, s5;
	[smem:$0x7B4] =	sst s19  }
0x6f: {  	s26 =	sadd.s32 $0x400, s6;
	[smem:$0x7A4] =	sst s21  }
0x70: {  	s29 =	sadd.s32 $0xC00, s6;
	[smem:$0x7A8] =	sst s26  }
0x71: {  	s30 =	sadd.s32 $0x1000, s6;
	[smem:$0x7AA] =	sst s29  }
0x72: {  	s5 =	sadd.s32 $0x800, s7;
	[smem:$0x7AB] =	sst s30  }
0x73: {  	s6 =	sadd.s32 $0xC00, s7;
	[smem:$0x7AD] =	sst s5  }
0x74: {  	s7 =	sadd.s32 $0x1000, s7;
	[smem:$0x7AE] =	sst s6  }
0x75: {  	s23 =	sadd.s32 $0x1000, s13;
	[smem:$0x7AF] =	sst s7  }
0x76: {  	s25 =	sadd.s32 $0x400, s24;
	[smem:$0x7B7] =	sst s23  }
0x77: {  	s28 =	sadd.s32 $0xC00, s24;
	[smem:$0x7B8] =	sst s25  }
0x78: {  	s31 =	sadd.s32 $0x800, s0;
	[smem:$0x7BA] =	sst s28  }
0x79: {  	[smem:$0x7BD] =	sst s31  }
0x7a: {  	s19 =	sadd.s32 $0x800, s12;
	s6 =	rddreg [dreg:$0x18]  }
0x7b: {  	s22 =	sadd.s32 $0x1000, s12;
	[smem:$0x7C5] =	sst s19  }
0x7c: {  	[smem:$0x7C7] =	sst s22  }
0x7d: {  	s21 =	sadd.s32 $0x800, s13;
	s22 =	rddreg [dreg:$0x1e]  }
0x7e: {  	s26 =	sadd.s32 $0x800, s24;
	[smem:$0x7B5] =	sst s21  }
0x7f: {  	s29 =	sadd.s32 $0x1000, s24;
	[smem:$0x7B9] =	sst s26  }
0x80: {  	s30 =	sadd.s32 $0x400, s0;
	[smem:$0x7BB] =	sst s29  }
0x81: {  	s5 =	sadd.s32 $0xC00, s0;
	[smem:$0x7BC] =	sst s30  }
0x82: {  	s0 =	sadd.s32 $0x1000, s0;
	[smem:$0x7BE] =	sst s5  }
0x83: {  	s13 =	sadd.s32 $0x400, s12;
	[smem:$0x7BF] =	sst s0  }
0x84: {  	s23 =	sadd.s32 $0x400, s2;
	[smem:$0x7C4] =	sst s13  }
0x85: {  	s24 =	sadd.s32 $0x800, s2;
	[smem:$0x7C8] =	sst s23  }
0x86: {  	s25 =	sadd.s32 $0xC00, s2;
	[smem:$0x7C9] =	sst s24  }
0x87: {  	s28 =	sadd.s32 $0x400, s3;
	[smem:$0x7CA] =	sst s25  }
0x88: {  	s31 =	sadd.s32 $0x1000, s3;
	[smem:$0x7CC] =	sst s28  }
0x89: {  	[smem:$0x7CF] =	sst s31  }
0x8a: {  	s29 =	sadd.s32 $0x800, s3;
	s30 =	sadd.s32 $0xC00, s3;
	s3 =	sld [smem:$0x7D0]  }
0x8b: {  	s7 =	sadd.s32 $0x400, s6;
	s28 =	rddreg [dreg:$0x1f]  }
0x8c: {  	s8 =	sadd.s32 $0x800, s6;
	[smem:$0x7C0] =	sst s7  }
0x8d: {  	s9 =	sadd.s32 $0xC00, s6;
	[smem:$0x7C1] =	sst s8  }
0x8e: {  	s11 =	sadd.s32 $0x1000, s6;
	[smem:$0x7C2] =	sst s9  }
0x8f: {  	s21 =	sadd.s32 $0xC00, s12;
	[smem:$0x7C3] =	sst s11  }
0x90: {  	s26 =	sadd.s32 $0x1000, s2;
	[smem:$0x7C6] =	sst s21  }
0x91: {  	[smem:$0x7CB] =	sst s26  }
0x92: {  	[smem:$0x7CD] =	sst s29  }
0x93: {  	[smem:$0x7CE] =	sst s30  }
0x94: {  	s23 =	sadd.s32 $0x400, s22;
	s11 =	rddreg [dreg:$0x1d]  }
0x95: {  	s24 =	sadd.s32 $0x800, s22;
	[smem:$0x7DD] =	sst s23  }
0x96: {  	s25 =	sadd.s32 $0xC00, s22;
	[smem:$0x7DE] =	sst s24  }
0x97: {  	s7 =	sadd.s32 $0x400, s10;
	[smem:$0x7DF] =	sst s25  }
0x98: {  	s8 =	sadd.s32 $0x800, s10;
	[smem:$0x7D5] =	sst s7  }
0x99: {  	s9 =	sadd.s32 $0xC00, s10;
	[smem:$0x7D6] =	sst s8  }
0x9a: {  	s10 =	sadd.s32 $0x1000, s10;
	[smem:$0x7D7] =	sst s9  }
0x9b: {  	s26 =	sadd.s32 $0x1000, s22;
	[smem:$0x7D8] =	sst s10  }
0x9c: {  	s29 =	sadd.s32 $0x400, s28;
	[smem:$0x7E0] =	sst s26  }
0x9d: {  	s30 =	sadd.s32 $0x800, s28;
	[smem:$0x7E1] =	sst s29  }
0x9e: {  	s31 =	sadd.s32 $0xC00, s28;
	[smem:$0x7E2] =	sst s30  }
0x9f: {  	s22 =	sadd.s32 $0x800, s17;
	[smem:$0x7E3] =	sst s31  }
0xa0: {  	s23 =	sadd.s32 $0xC00, s17;
	[smem:$0x7F4] =	sst s22  }
0xa1: {  	s24 =	sadd.s32 $0x1000, s17;
	[smem:$0x7F5] =	sst s23  }
0xa2: {  	s25 =	sadd.s32 $0x400, s18;
	[smem:$0x7F6] =	sst s24  }
0xa3: {  	s12 =	sadd.s32 $0x400, s11;
	[smem:$0x7F7] =	sst s25  }
0xa4: {  	s13 =	sadd.s32 $0x800, s11;
	[smem:$0x7D9] =	sst s12  }
0xa5: {  	s19 =	sadd.s32 $0xC00, s11;
	[smem:$0x7DA] =	sst s13  }
0xa6: {  	s21 =	sadd.s32 $0x1000, s11;
	[smem:$0x7DB] =	sst s19  }
0xa7: {  	s7 =	sadd.s32 $0xC00, s14;
	[smem:$0x7DC] =	sst s21  }
0xa8: {  	s8 =	sadd.s32 $0x1000, s14;
	[smem:$0x7E7] =	sst s7  }
0xa9: {  	s9 =	sadd.s32 $0x400, s15;
	[smem:$0x7E9] =	sst s8  }
0xaa: {  	s10 =	sadd.s32 $0x800, s15;
	[smem:$0x7EA] =	sst s9  }
0xab: {  	s11 =	sadd.s32 $0xC00, s15;
	[smem:$0x7EB] =	sst s10  }
0xac: {  	s26 =	sadd.s32 $0x800, s18;
	[smem:$0x7EC] =	sst s11  }
0xad: {  	s29 =	sadd.s32 $0x1000, s18;
	[smem:$0x7F8] =	sst s26  }
0xae: {  	s1 =	sadd.s32 $0x400, s3;
	[smem:$0x7FA] =	sst s29  }
0xaf: {  	s2 =	sadd.s32 $0x800, s3;
	[smem:$0x7D1] =	sst s1  }
0xb0: {  	s5 =	sadd.s32 $0xC00, s3;
	[smem:$0x7D2] =	sst s2  }
0xb1: {  	s6 =	sadd.s32 $0x1000, s3;
	[smem:$0x7D3] =	sst s5  }
0xb2: {  	s12 =	sadd.s32 $0x1000, s15;
	[smem:$0x7D4] =	sst s6  }
0xb3: {  	s22 =	sadd.s32 $0xC00, s20;
	s13 =	sadd.s32 $0x400, s16;
	[smem:$0x7EE] =	sst s12  }
0xb4: {  	s23 =	sadd.s32 $0x1000, s20;
	s15 =	sadd.s32 $0xC00, s16;
	[smem:$0x7EF] =	sst s13  }
0xb5: {  	s24 =	simm.s32 $0x4F00;
	s19 =	sadd.s32 $0x1000, s16;
	[smem:$0x7F1] =	sst s15  }
0xb6: {  	s31 =	stileid.u32;
	s21 =	sadd.s32 $0x400, s17;
	[smem:$0x7F2] =	sst s19  }
0xb7: {  	v0 =	vimm.s32 $0x0;
	s11 =	sadd.s32 $0x800, s20;
	s2 =	sadd.s32 $0x1000, s28;
	[smem:$0x7F3] =	sst s21  }
0xb8: {  	v1 =	vlaneseq.u32;
	v2 =	vimm.s32 $0x1;
	vm3 =	vcmask $0xB10;
	s28 =	sadd.s32 $0xC00, s18;
	s13 =	smov.u32 s18;
	s18 =	sld [smem:$0x7FB]  }
0xb9: {  	vm4 =	vcmask $0xF14;
	vm5 =	vmmov $0x1;
	s8 =	smov.u32 s20;
	v3 =	vmov s31;
	s21 =	sadd.s32 $0x400, s20;
	s20 =	sld [smem:$0x7FD]  }
0xba: {  	vm6 =	vcmask $0x1318;
	s10 =	smov.u32 s17;
	s5 =	sadd.s32 $0x400, s14;
	vm0 =	vgt.u32 v3, v1;
	v3 =	vimm.s32 $0xEDCBA987;
	[smem:$0x7E4] =	sst s2  }
0xbb: {  	vm7 =	vcmask $0x171C;
	v4 =	vimm.s32 $0x65432100;
	s9 =	simm.s32 $0x80;
	s6 =	sadd.s32 $0x800, s14;
	[smem:$0x7E5] =	sst s5;
	v3 =	vunpack.c.l.s4.s8 v3  }
0xbc: {  	vm8 =	vcmask $0x1B20;
	vm9 =	vcmask $0x1F24;
	v4 =	vunpack.c.l.s4.s8 v4;
	s26 =	simm.s32 $0xF400;
	s14 =	sadd.s32 $0x800, s16;
	[smem:$0x7E6] =	sst s6  }
0xbd: {  	vm10 =	vcmask $0x2328;
	vm11 =	vcmask $0x272C;
	s15 =	simm.s32 $0x1;
	s1 =	simm.s32 $0x400;
	[smem:$0x7F0] =	sst s14;
	v3 =	vunpack.c.0.s8.s32 v3  }
0xbe: {  	vm12 =	vcmask $0x2B30;
	vm13 =	vcmask $0x2F34;
	v4 =	vunpack.c.0.s8.s32 v4;
	s12 =	simm.s32 $0x0;
	s2 =	smov.u32 s16;
	[smem:$0x7F9] =	sst s28  }
0xbf: {  	vm14 =	vcmask $0x3338;
	vm15 =	vcmask $0x373C;
	s16 =	simm.s32 $0x7700;
	s30 =	sadd.s32 $0x400, s18;
	s6 =	sadd.s32 $0x800, s18;
	v5 =	vand.u32 $0xF, v3  }
0xc0: {  	vm1 =	vmmov $0x7fff;
	s19 =	sadd.s32 $0xC00, s18;
	s14 =	sadd.s32 $0x1000, s18;
	[smem:$0x7FC] =	sst s30;
	v3 =	vor.u32 $0x80000000, v1;
	v4 =	vcombine.low v4, v5  }
.LBB2_1:
0xc1: {  	s0 =	sld [smem:$0x778];
	_ =	sdelay $0x1  }
0xc2: {  	s5 =	simm.s32 $0x0  }
0xc3: {  	[tilespmem:s5], [sflag:$0x1] =	stream.linear.gather [hbm4b:s0+s5], $0x2710, $0x38;
	[tilespmem:$0x19CB0] =	vst v63  }
0xc4: {  	_ =	swait.ge [sflag:s15], $0x2710  }
0xc5: {  	[sflag:s15] =	ssyncset.done $0x0  }
0xc6: {  	s5 =	simm.s32 $0x0;
	[sflag:s15] =	ssyncadd.s32 $0xFFFFD8F0  }
.LBB2_2:
0xc7: {  	p1 =	sne.s32 s5, $0x9FC0  }
.Ltmp0:
0xc8: {  	_ = 	snop;
	(pc) =	sbr.rel @p1 .LBB2_2-.Ltmp0, $3  }
0xc9: {  	_ =	sdelay $0x1  }
0xca: {  	s7 =	sshra.s32 s5, $0x2  }
0xcb: {  	s5 =	sadd.s32 $0x40, s5;
	[tilespmem:s7+$0x4F00] =	vst v0  }
0xcc: {  	s7 =	simm.s32 $0x0;
	s5 =	simm.s32 $0x40  }
.LBB2_4:
0xcd: {  	p1 =	sne.s32 s5, $0x9C00;
	v5 =	vld [tilespmem:s7+$0x0];
	_ =	sdelay $0x3  }
.Ltmp1:
0xce: {  	(pc) =	sbr.rel @p1 .LBB2_4-.Ltmp1, $2  }
0xcf: {  	_ =	sdelay $0x2  }
0xd0: {  	s7 =	sshra.s32 s5, $0x2;
	s5 =	sadd.s32 $0x40, s5;
	[tilespmem:v5+s24+$0x0] =	vst.idx.add.s32.msk $0xffff, v2  }
0xd1: {  	v5 =	vld [tilespmem:s7+$0x0];
	_ =	sdelay $0x7  }
0xd2: {  	s5 =	rddreg [dreg:$0x7];
	[tilespmem:v5+s24+$0x0] =	vst.idx.add.s32.msk $0xffff, v2  }
0xd3: {  	[spmem:s5] =	stream.strided.scatter [tilespmem:s24], [sflag:$0x1], $0x2800, s1, s9, $0x38;
	[tilespmem:$0x19CB0] =	vst v63  }
0xd4: {  	_ =	swait.ge [sflag:s15], $0x2800  }
0xd5: {  	[sflag:s15] =	ssyncset.done $0x0  }
0xd6: {  	[sflag:s15] =	ssyncadd.s32 $0xFFFFD800  }
0xd7: {  	[bflag:$0x0] =	sbarrier.arrive $0xFFFF  }
0xd8: {  	s25 =	rddreg [dreg:$0x8]  }
0xd9: {  	s0 =	simm.s32 $0x9F00;
	s30 =	sld [smem:$0x780]  }
0xda: {  	[tilespmem:s0], [sflag:$0x1] =	stream.linear.gather [spmem:s25], $0x80, $0x38;
	[tilespmem:$0x19CB0] =	vst v63  }
0xdb: {  	s31 =	simm.s32 $0xA300;
	s5 =	sld [smem:$0x781]  }
0xdc: {  	[tilespmem:s31], [sflag:$0x1] =	stream.linear.gather [spmem:s30], $0x80, $0x38;
	[tilespmem:$0x19CB0] =	vst v63  }
0xdd: {  	s7 =	simm.s32 $0xA700;
	s17 =	sld [smem:$0x782]  }
0xde: {  	[tilespmem:s7], [sflag:$0x1] =	stream.linear.gather [spmem:s5], $0x80, $0x38;
	[tilespmem:$0x19CB0] =	vst v63  }
0xdf: {  	s25 =	simm.s32 $0xAB00;
	s30 =	sld [smem:$0x783]  }
0xe0: {  	[tilespmem:s25], [sflag:$0x1] =	stream.linear.gather [spmem:s17], $0x80, $0x38;
	[tilespmem:$0x19CB0] =	vst v63  }
0xe1: {  	s31 =	simm.s32 $0xAF00  }
0xe2: {  	[tilespmem:s31], [sflag:$0x1] =	stream.linear.gather [spmem:s30], $0x80, $0x38;
	[tilespmem:$0x19CB0] =	vst v63  }
0xe3: {  	_ =	swait.ge [sflag:s15], $0x280  }
0xe4: {  	[sflag:s15] =	ssyncset.done $0x0;
	s0 =	rddreg [dreg:$0x9]  }
0xe5: {  	s1 =	simm.s32 $0x9F80;
	s5 =	sld [smem:$0x784];
	[sflag:s15] =	ssyncadd.s32 $0xFFFFFD80  }
0xe6: {  	[tilespmem:s1], [sflag:$0x1] =	stream.linear.gather [spmem:s0], $0x80, $0x38;
	[tilespmem:$0x19CB0] =	vst v63  }
0xe7: {  	s7 =	simm.s32 $0xA380;
	s17 =	sld [smem:$0x785]  }
0xe8: {  	[tilespmem:s7], [sflag:$0x1] =	stream.linear.gather [spmem:s5], $0x80, $0x38;
	[tilespmem:$0x19CB0] =	vst v63  }
0xe9: {  	s25 =	simm.s32 $0xA780;
	s30 =	sld [smem:$0x786]  }
0xea: {  	[tilespmem:s25], [sflag:$0x1] =	stream.linear.gather [spmem:s17], $0x80, $0x38;
	[tilespmem:$0x19CB0] =	vst v63  }
0xeb: {  	s31 =	simm.s32 $0xAB80;
	s5 =	sld [smem:$0x787]  }
0xec: {  	[tilespmem:s31], [sflag:$0x1] =	stream.linear.gather [spmem:s30], $0x80, $0x38;
	[tilespmem:$0x19CB0] =	vst v63  }
0xed: {  	s7 =	simm.s32 $0xAF80  }
0xee: {  	[tilespmem:s7], [sflag:$0x1] =	stream.linear.gather [spmem:s5], $0x80, $0x38;
	[tilespmem:$0x19CB0] =	vst v63  }
0xef: {  	_ =	swait.ge [sflag:s15], $0x280  }
0xf0: {  	[sflag:s15] =	ssyncset.done $0x0;
	s17 =	rddreg [dreg:$0xa]  }
0xf1: {  	s25 =	simm.s32 $0xA000;
	s30 =	sld [smem:$0x788];
	[sflag:s15] =	ssyncadd.s32 $0xFFFFFD80  }
0xf2: {  	[tilespmem:s25], [sflag:$0x1] =	stream.linear.gather [spmem:s17], $0x80, $0x38;
	[tilespmem:$0x19CB0] =	vst v63  }
0xf3: {  	s31 =	simm.s32 $0xA400;
	s5 =	sld [smem:$0x789]  }
0xf4: {  	[tilespmem:s31], [sflag:$0x1] =	stream.linear.gather [spmem:s30], $0x80, $0x38;
	[tilespmem:$0x19CB0] =	vst v63  }
0xf5: {  	s7 =	simm.s32 $0xA800;
	s17 =	sld [smem:$0x78A]  }
0xf6: {  	[tilespmem:s7], [sflag:$0x1] =	stream.linear.gather [spmem:s5], $0x80, $0x38;
	[tilespmem:$0x19CB0] =	vst v63  }
0xf7: {  	s25 =	simm.s32 $0xAC00;
	s30 =	sld [smem:$0x78B]  }
0xf8: {  	[tilespmem:s25], [sflag:$0x1] =	stream.linear.gather [spmem:s17], $0x80, $0x38;
	[tilespmem:$0x19CB0] =	vst v63  }
0xf9: {  	s31 =	simm.s32 $0xB000  }
0xfa: {  	[tilespmem:s31], [sflag:$0x1] =	stream.linear.gather [spmem:s30], $0x80, $0x38;
	[tilespmem:$0x19CB0] =	vst v63  }
0xfb: {  	_ =	swait.ge [sflag:s15], $0x280  }
0xfc: {  	[sflag:s15] =	ssyncset.done $0x0;
	s0 =	rddreg [dreg:$0xb]  }
0xfd: {  	s1 =	simm.s32 $0xA080;
	s5 =	sld [smem:$0x78C];
	[sflag:s15] =	ssyncadd.s32 $0xFFFFFD80  }
0xfe: {  	[tilespmem:s1], [sflag:$0x1] =	stream.linear.gather [spmem:s0], $0x80, $0x38;
	[tilespmem:$0x19CB0] =	vst v63  }
0xff: {  	s7 =	simm.s32 $0xA480;
	s17 =	sld [smem:$0x78D]  }
0x100: {  	[tilespmem:s7], [sflag:$0x1] =	stream.linear.gather [spmem:s5], $0x80, $0x38;
	[tilespmem:$0x19CB0] =	vst v63  }
0x101: {  	s25 =	simm.s32 $0xA880;
	s30 =	sld [smem:$0x78E]  }
0x102: {  	[tilespmem:s25], [sflag:$0x1] =	stream.linear.gather [spmem:s17], $0x80, $0x38;
	[tilespmem:$0x19CB0] =	vst v63  }
0x103: {  	s31 =	simm.s32 $0xAC80;
	s5 =	sld [smem:$0x78F]  }
0x104: {  	[tilespmem:s31], [sflag:$0x1] =	stream.linear.gather [spmem:s30], $0x80, $0x38;
	[tilespmem:$0x19CB0] =	vst v63  }
0x105: {  	s7 =	simm.s32 $0xB080  }
0x106: {  	[tilespmem:s7], [sflag:$0x1] =	stream.linear.gather [spmem:s5], $0x80, $0x38;
	[tilespmem:$0x19CB0] =	vst v63  }
0x107: {  	_ =	swait.ge [sflag:s15], $0x280  }
0x108: {  	[sflag:s15] =	ssyncset.done $0x0;
	s17 =	rddreg [dreg:$0xc]  }
0x109: {  	s25 =	simm.s32 $0xA100;
	s30 =	sld [smem:$0x790];
	[sflag:s15] =	ssyncadd.s32 $0xFFFFFD80  }
0x10a: {  	[tilespmem:s25], [sflag:$0x1] =	stream.linear.gather [spmem:s17], $0x80, $0x38;
	[tilespmem:$0x19CB0] =	vst v63  }
0x10b: {  	s31 =	simm.s32 $0xA500;
	s5 =	sld [smem:$0x791]  }
0x10c: {  	[tilespmem:s31], [sflag:$0x1] =	stream.linear.gather [spmem:s30], $0x80, $0x38;
	[tilespmem:$0x19CB0] =	vst v63  }
0x10d: {  	s7 =	simm.s32 $0xA900;
	s17 =	sld [smem:$0x792]  }
0x10e: {  	[tilespmem:s7], [sflag:$0x1] =	stream.linear.gather [spmem:s5], $0x80, $0x38;
	[tilespmem:$0x19CB0] =	vst v63  }
0x10f: {  	s25 =	simm.s32 $0xAD00;
	s30 =	sld [smem:$0x793]  }
0x110: {  	[tilespmem:s25], [sflag:$0x1] =	stream.linear.gather [spmem:s17], $0x80, $0x38;
	[tilespmem:$0x19CB0] =	vst v63  }
0x111: {  	s31 =	simm.s32 $0xB100  }
0x112: {  	[tilespmem:s31], [sflag:$0x1] =	stream.linear.gather [spmem:s30], $0x80, $0x38;
	[tilespmem:$0x19CB0] =	vst v63  }
0x113: {  	_ =	swait.ge [sflag:s15], $0x280  }
0x114: {  	[sflag:s15] =	ssyncset.done $0x0;
	s0 =	rddreg [dreg:$0xd]  }
0x115: {  	s1 =	simm.s32 $0xA180;
	s5 =	sld [smem:$0x794];
	[sflag:s15] =	ssyncadd.s32 $0xFFFFFD80  }
0x116: {  	[tilespmem:s1], [sflag:$0x1] =	stream.linear.gather [spmem:s0], $0x80, $0x38;
	[tilespmem:$0x19CB0] =	vst v63  }
0x117: {  	s7 =	simm.s32 $0xA580;
	s17 =	sld [smem:$0x795]  }
0x118: {  	[tilespmem:s7], [sflag:$0x1] =	stream.linear.gather [spmem:s5], $0x80, $0x38;
	[tilespmem:$0x19CB0] =	vst v63  }
0x119: {  	s25 =	simm.s32 $0xA980;
	s30 =	sld [smem:$0x796]  }
0x11a: {  	[tilespmem:s25], [sflag:$0x1] =	stream.linear.gather [spmem:s17], $0x80, $0x38;
	[tilespmem:$0x19CB0] =	vst v63  }
0x11b: {  	s31 =	simm.s32 $0xAD80;
	s5 =	sld [smem:$0x797]  }
0x11c: {  	[tilespmem:s31], [sflag:$0x1] =	stream.linear.gather [spmem:s30], $0x80, $0x38;
	[tilespmem:$0x19CB0] =	vst v63  }
0x11d: {  	s7 =	simm.s32 $0xB180  }
0x11e: {  	[tilespmem:s7], [sflag:$0x1] =	stream.linear.gather [spmem:s5], $0x80, $0x38;
	[tilespmem:$0x19CB0] =	vst v63  }
0x11f: {  	_ =	swait.ge [sflag:s15], $0x280  }
0x120: {  	[sflag:s15] =	ssyncset.done $0x0;
	s17 =	rddreg [dreg:$0xe]  }
0x121: {  	s25 =	simm.s32 $0xA200;
	s30 =	sld [smem:$0x798];
	[sflag:s15] =	ssyncadd.s32 $0xFFFFFD80  }
0x122: {  	[tilespmem:s25], [sflag:$0x1] =	stream.linear.gather [spmem:s17], $0x80, $0x38;
	[tilespmem:$0x19CB0] =	vst v63  }
0x123: {  	s31 =	simm.s32 $0xA600;
	s5 =	sld [smem:$0x799]  }
0x124: {  	[tilespmem:s31], [sflag:$0x1] =	stream.linear.gather [spmem:s30], $0x80, $0x38;
	[tilespmem:$0x19CB0] =	vst v63  }
0x125: {  	s7 =	simm.s32 $0xAA00;
	s17 =	sld [smem:$0x79A]  }
0x126: {  	[tilespmem:s7], [sflag:$0x1] =	stream.linear.gather [spmem:s5], $0x80, $0x38;
	[tilespmem:$0x19CB0] =	vst v63  }
0x127: {  	s25 =	simm.s32 $0xAE00;
	s30 =	sld [smem:$0x79B]  }
0x128: {  	[tilespmem:s25], [sflag:$0x1] =	stream.linear.gather [spmem:s17], $0x80, $0x38;
	[tilespmem:$0x19CB0] =	vst v63  }
0x129: {  	s31 =	simm.s32 $0xB200  }
0x12a: {  	[tilespmem:s31], [sflag:$0x1] =	stream.linear.gather [spmem:s30], $0x80, $0x38;
	[tilespmem:$0x19CB0] =	vst v63  }
0x12b: {  	_ =	swait.ge [sflag:s15], $0x280  }
0x12c: {  	[sflag:s15] =	ssyncset.done $0x0;
	s0 =	rddreg [dreg:$0xf]  }
0x12d: {  	s1 =	simm.s32 $0xA280;
	s5 =	sld [smem:$0x79C];
	[sflag:s15] =	ssyncadd.s32 $0xFFFFFD80  }
0x12e: {  	[tilespmem:s1], [sflag:$0x1] =	stream.linear.gather [spmem:s0], $0x80, $0x38;
	[tilespmem:$0x19CB0] =	vst v63  }
0x12f: {  	s7 =	simm.s32 $0xA680;
	s17 =	sld [smem:$0x79D]  }
0x130: {  	[tilespmem:s7], [sflag:$0x1] =	stream.linear.gather [spmem:s5], $0x80, $0x38;
	[tilespmem:$0x19CB0] =	vst v63  }
0x131: {  	s25 =	simm.s32 $0xAA80;
	s30 =	sld [smem:$0x79E]  }
0x132: {  	[tilespmem:s25], [sflag:$0x1] =	stream.linear.gather [spmem:s17], $0x80, $0x38;
	[tilespmem:$0x19CB0] =	vst v63  }
0x133: {  	s31 =	simm.s32 $0xAE80;
	s5 =	sld [smem:$0x79F]  }
0x134: {  	[tilespmem:s31], [sflag:$0x1] =	stream.linear.gather [spmem:s30], $0x80, $0x38;
	[tilespmem:$0x19CB0] =	vst v63  }
0x135: {  	s7 =	simm.s32 $0xB280  }
0x136: {  	[tilespmem:s7], [sflag:$0x1] =	stream.linear.gather [spmem:s5], $0x80, $0x38;
	[tilespmem:$0x19CB0] =	vst v63  }
0x137: {  	_ =	swait.ge [sflag:s15], $0x280  }
0x138: {  	[sflag:s15] =	ssyncset.done $0x0;
	s17 =	rddreg [dreg:$0x10]  }
0x139: {  	s25 =	simm.s32 $0xB300;
	s30 =	sld [smem:$0x7A0];
	[sflag:s15] =	ssyncadd.s32 $0xFFFFFD80  }
0x13a: {  	[tilespmem:s25], [sflag:$0x1] =	stream.linear.gather [spmem:s17], $0x80, $0x38;
	[tilespmem:$0x19CB0] =	vst v63  }
0x13b: {  	s31 =	simm.s32 $0xB700;
	s5 =	sld [smem:$0x7A1]  }
0x13c: {  	[tilespmem:s31], [sflag:$0x1] =	stream.linear.gather [spmem:s30], $0x80, $0x38;
	[tilespmem:$0x19CB0] =	vst v63  }
0x13d: {  	s7 =	simm.s32 $0xBB00;
	s17 =	sld [smem:$0x7A2]  }
0x13e: {  	[tilespmem:s7], [sflag:$0x1] =	stream.linear.gather [spmem:s5], $0x80, $0x38;
	[tilespmem:$0x19CB0] =	vst v63  }
0x13f: {  	s25 =	simm.s32 $0xBF00;
	s30 =	sld [smem:$0x7A3]  }
0x140: {  	[tilespmem:s25], [sflag:$0x1] =	stream.linear.gather [spmem:s17], $0x80, $0x38;
	[tilespmem:$0x19CB0] =	vst v63  }
0x141: {  	s31 =	simm.s32 $0xC300  }
0x142: {  	[tilespmem:s31], [sflag:$0x1] =	stream.linear.gather [spmem:s30], $0x80, $0x38;
	[tilespmem:$0x19CB0] =	vst v63  }
0x143: {  	_ =	swait.ge [sflag:s15], $0x280  }
0x144: {  	[sflag:s15] =	ssyncset.done $0x0;
	s5 =	rddreg [dreg:$0x11]  }
0x145: {  	s7 =	simm.s32 $0xB380;
	s17 =	sld [smem:$0x7A4];
	[sflag:s15] =	ssyncadd.s32 $0xFFFFFD80  }
0x146: {  	[tilespmem:s7], [sflag:$0x1] =	stream.linear.gather [spmem:s5], $0x80, $0x38;
	[tilespmem:$0x19CB0] =	vst v63  }
0x147: {  	s25 =	simm.s32 $0xB780;
	s30 =	sld [smem:$0x7A5]  }
0x148: {  	[tilespmem:s25], [sflag:$0x1] =	stream.linear.gather [spmem:s17], $0x80, $0x38;
	[tilespmem:$0x19CB0] =	vst v63  }
0x149: {  	s31 =	simm.s32 $0xBB80;
	s5 =	sld [smem:$0x7A6]  }
0x14a: {  	[tilespmem:s31], [sflag:$0x1] =	stream.linear.gather [spmem:s30], $0x80, $0x38;
	[tilespmem:$0x19CB0] =	vst v63  }
0x14b: {  	s7 =	simm.s32 $0xBF80;
	s17 =	sld [smem:$0x7A7]  }
0x14c: {  	[tilespmem:s7], [sflag:$0x1] =	stream.linear.gather [spmem:s5], $0x80, $0x38;
	[tilespmem:$0x19CB0] =	vst v63  }
0x14d: {  	s25 =	simm.s32 $0xC380  }
0x14e: {  	[tilespmem:s25], [sflag:$0x1] =	stream.linear.gather [spmem:s17], $0x80, $0x38;
	[tilespmem:$0x19CB0] =	vst v63  }
0x14f: {  	_ =	swait.ge [sflag:s15], $0x280  }
0x150: {  	[sflag:s15] =	ssyncset.done $0x0;
	s30 =	rddreg [dreg:$0x12]  }
0x151: {  	s31 =	simm.s32 $0xB400;
	s5 =	sld [smem:$0x7A8];
	[sflag:s15] =	ssyncadd.s32 $0xFFFFFD80  }
0x152: {  	[tilespmem:s31], [sflag:$0x1] =	stream.linear.gather [spmem:s30], $0x80, $0x38;
	[tilespmem:$0x19CB0] =	vst v63  }
0x153: {  	s7 =	simm.s32 $0xB800;
	s17 =	sld [smem:$0x7A9]  }
0x154: {  	[tilespmem:s7], [sflag:$0x1] =	stream.linear.gather [spmem:s5], $0x80, $0x38;
	[tilespmem:$0x19CB0] =	vst v63  }
0x155: {  	s25 =	simm.s32 $0xBC00;
	s30 =	sld [smem:$0x7AA]  }
0x156: {  	[tilespmem:s25], [sflag:$0x1] =	stream.linear.gather [spmem:s17], $0x80, $0x38;
	[tilespmem:$0x19CB0] =	vst v63  }
0x157: {  	s31 =	simm.s32 $0xC000;
	s5 =	sld [smem:$0x7AB]  }
0x158: {  	[tilespmem:s31], [sflag:$0x1] =	stream.linear.gather [spmem:s30], $0x80, $0x38;
	[tilespmem:$0x19CB0] =	vst v63  }
0x159: {  	s7 =	simm.s32 $0xC400  }
0x15a: {  	[tilespmem:s7], [sflag:$0x1] =	stream.linear.gather [spmem:s5], $0x80, $0x38;
	[tilespmem:$0x19CB0] =	vst v63  }
0x15b: {  	_ =	swait.ge [sflag:s15], $0x280  }
0x15c: {  	[sflag:s15] =	ssyncset.done $0x0;
	s17 =	rddreg [dreg:$0x13]  }
0x15d: {  	s25 =	simm.s32 $0xB480;
	s30 =	sld [smem:$0x7AC];
	[sflag:s15] =	ssyncadd.s32 $0xFFFFFD80  }
0x15e: {  	[tilespmem:s25], [sflag:$0x1] =	stream.linear.gather [spmem:s17], $0x80, $0x38;
	[tilespmem:$0x19CB0] =	vst v63  }
0x15f: {  	s31 =	simm.s32 $0xB880;
	s5 =	sld [smem:$0x7AD]  }
0x160: {  	[tilespmem:s31], [sflag:$0x1] =	stream.linear.gather [spmem:s30], $0x80, $0x38;
	[tilespmem:$0x19CB0] =	vst v63  }
0x161: {  	s7 =	simm.s32 $0xBC80;
	s17 =	sld [smem:$0x7AE]  }
0x162: {  	[tilespmem:s7], [sflag:$0x1] =	stream.linear.gather [spmem:s5], $0x80, $0x38;
	[tilespmem:$0x19CB0] =	vst v63  }
0x163: {  	s25 =	simm.s32 $0xC080;
	s30 =	sld [smem:$0x7AF]  }
0x164: {  	[tilespmem:s25], [sflag:$0x1] =	stream.linear.gather [spmem:s17], $0x80, $0x38;
	[tilespmem:$0x19CB0] =	vst v63  }
0x165: {  	s31 =	simm.s32 $0xC480  }
0x166: {  	[tilespmem:s31], [sflag:$0x1] =	stream.linear.gather [spmem:s30], $0x80, $0x38;
	[tilespmem:$0x19CB0] =	vst v63  }
0x167: {  	_ =	swait.ge [sflag:s15], $0x280  }
0x168: {  	[sflag:s15] =	ssyncset.done $0x0;
	s5 =	rddreg [dreg:$0x14]  }
0x169: {  	s7 =	simm.s32 $0xB500;
	s17 =	sld [smem:$0x7B0];
	[sflag:s15] =	ssyncadd.s32 $0xFFFFFD80  }
0x16a: {  	[tilespmem:s7], [sflag:$0x1] =	stream.linear.gather [spmem:s5], $0x80, $0x38;
	[tilespmem:$0x19CB0] =	vst v63  }
0x16b: {  	s25 =	simm.s32 $0xB900;
	s30 =	sld [smem:$0x7B1]  }
0x16c: {  	[tilespmem:s25], [sflag:$0x1] =	stream.linear.gather [spmem:s17], $0x80, $0x38;
	[tilespmem:$0x19CB0] =	vst v63  }
0x16d: {  	s31 =	simm.s32 $0xBD00;
	s5 =	sld [smem:$0x7B2]  }
0x16e: {  	[tilespmem:s31], [sflag:$0x1] =	stream.linear.gather [spmem:s30], $0x80, $0x38;
	[tilespmem:$0x19CB0] =	vst v63  }
0x16f: {  	s7 =	simm.s32 $0xC100;
	s17 =	sld [smem:$0x7B3]  }
0x170: {  	[tilespmem:s7], [sflag:$0x1] =	stream.linear.gather [spmem:s5], $0x80, $0x38;
	[tilespmem:$0x19CB0] =	vst v63  }
0x171: {  	s25 =	simm.s32 $0xC500  }
0x172: {  	[tilespmem:s25], [sflag:$0x1] =	stream.linear.gather [spmem:s17], $0x80, $0x38;
	[tilespmem:$0x19CB0] =	vst v63  }
0x173: {  	_ =	swait.ge [sflag:s15], $0x280  }
0x174: {  	[sflag:s15] =	ssyncset.done $0x0;
	s30 =	rddreg [dreg:$0x15]  }
0x175: {  	s31 =	simm.s32 $0xB580;
	s5 =	sld [smem:$0x7B4];
	[sflag:s15] =	ssyncadd.s32 $0xFFFFFD80  }
0x176: {  	[tilespmem:s31], [sflag:$0x1] =	stream.linear.gather [spmem:s30], $0x80, $0x38;
	[tilespmem:$0x19CB0] =	vst v63  }
0x177: {  	s7 =	simm.s32 $0xB980;
	s17 =	sld [smem:$0x7B5]  }
0x178: {  	[tilespmem:s7], [sflag:$0x1] =	stream.linear.gather [spmem:s5], $0x80, $0x38;
	[tilespmem:$0x19CB0] =	vst v63  }
0x179: {  	s25 =	simm.s32 $0xBD80;
	s30 =	sld [smem:$0x7B6]  }
0x17a: {  	[tilespmem:s25], [sflag:$0x1] =	stream.linear.gather [spmem:s17], $0x80, $0x38;
	[tilespmem:$0x19CB0] =	vst v63  }
0x17b: {  	s31 =	simm.s32 $0xC180;
	s5 =	sld [smem:$0x7B7]  }
0x17c: {  	[tilespmem:s31], [sflag:$0x1] =	stream.linear.gather [spmem:s30], $0x80, $0x38;
	[tilespmem:$0x19CB0] =	vst v63  }
0x17d: {  	s7 =	simm.s32 $0xC580  }
0x17e: {  	[tilespmem:s7], [sflag:$0x1] =	stream.linear.gather [spmem:s5], $0x80, $0x38;
	[tilespmem:$0x19CB0] =	vst v63  }
0x17f: {  	_ =	swait.ge [sflag:s15], $0x280  }
0x180: {  	[sflag:s15] =	ssyncset.done $0x0;
	s17 =	rddreg [dreg:$0x16]  }
0x181: {  	s25 =	simm.s32 $0xB600;
	s30 =	sld [smem:$0x7B8];
	[sflag:s15] =	ssyncadd.s32 $0xFFFFFD80  }
0x182: {  	[tilespmem:s25], [sflag:$0x1] =	stream.linear.gather [spmem:s17], $0x80, $0x38;
	[tilespmem:$0x19CB0] =	vst v63  }
0x183: {  	s31 =	simm.s32 $0xBA00;
	s5 =	sld [smem:$0x7B9]  }
0x184: {  	[tilespmem:s31], [sflag:$0x1] =	stream.linear.gather [spmem:s30], $0x80, $0x38;
	[tilespmem:$0x19CB0] =	vst v63  }
0x185: {  	s7 =	simm.s32 $0xBE00;
	s17 =	sld [smem:$0x7BA]  }
0x186: {  	[tilespmem:s7], [sflag:$0x1] =	stream.linear.gather [spmem:s5], $0x80, $0x38;
	[tilespmem:$0x19CB0] =	vst v63  }
0x187: {  	s25 =	simm.s32 $0xC200;
	s30 =	sld [smem:$0x7BB]  }
0x188: {  	[tilespmem:s25], [sflag:$0x1] =	stream.linear.gather [spmem:s17], $0x80, $0x38;
	[tilespmem:$0x19CB0] =	vst v63  }
0x189: {  	s31 =	simm.s32 $0xC600  }
0x18a: {  	[tilespmem:s31], [sflag:$0x1] =	stream.linear.gather [spmem:s30], $0x80, $0x38;
	[tilespmem:$0x19CB0] =	vst v63  }
0x18b: {  	_ =	swait.ge [sflag:s15], $0x280  }
0x18c: {  	[sflag:s15] =	ssyncset.done $0x0;
	s5 =	rddreg [dreg:$0x17]  }
0x18d: {  	s7 =	simm.s32 $0xB680;
	s17 =	sld [smem:$0x7BC];
	[sflag:s15] =	ssyncadd.s32 $0xFFFFFD80  }
0x18e: {  	[tilespmem:s7], [sflag:$0x1] =	stream.linear.gather [spmem:s5], $0x80, $0x38;
	[tilespmem:$0x19CB0] =	vst v63  }
0x18f: {  	s25 =	simm.s32 $0xBA80;
	s30 =	sld [smem:$0x7BD]  }
0x190: {  	[tilespmem:s25], [sflag:$0x1] =	stream.linear.gather [spmem:s17], $0x80, $0x38;
	[tilespmem:$0x19CB0] =	vst v63  }
0x191: {  	s31 =	simm.s32 $0xBE80;
	s5 =	sld [smem:$0x7BE]  }
0x192: {  	[tilespmem:s31], [sflag:$0x1] =	stream.linear.gather [spmem:s30], $0x80, $0x38;
	[tilespmem:$0x19CB0] =	vst v63  }
0x193: {  	s7 =	simm.s32 $0xC280;
	s17 =	sld [smem:$0x7BF]  }
0x194: {  	[tilespmem:s7], [sflag:$0x1] =	stream.linear.gather [spmem:s5], $0x80, $0x38;
	[tilespmem:$0x19CB0] =	vst v63  }
0x195: {  	s25 =	simm.s32 $0xC680  }
0x196: {  	[tilespmem:s25], [sflag:$0x1] =	stream.linear.gather [spmem:s17], $0x80, $0x38;
	[tilespmem:$0x19CB0] =	vst v63  }
0x197: {  	s5 =	simm.s32 $0x0;
	_ =	swait.ge [sflag:s15], $0x280  }
0x198: {  	s30 =	sand.u32 $0x70, s5;
	s25 =	sand.u32 $0x1C00, s5;
	[sflag:s15] =	ssyncset.done $0x0  }
0x199: {  	s28 =	sor.u32 s30, s25;
	[sflag:s15] =	ssyncadd.s32 $0xFFFFFD80  }
0x19a: {  	v6 =	vld [tilespmem:s28+$0x9F00]  }
0x19b: {  	v7 =	vld [tilespmem:s28+$0x9F80]  }
0x19c: {  	v8 =	vld [tilespmem:s28+$0xA000]  }
0x19d: {  	v9 =	vld [tilespmem:s28+$0xA080]  }
0x19e: {  	v5 =	vimm.s32 $0x0;
	v10 =	vld [tilespmem:s28+$0xA100]  }
0x19f: {  	[tilespmem:s28+$0xC700] =	vst v5;
	v11 =	vld [tilespmem:s28+$0xA180]  }
0x1a0: {  	[tilespmem:s28+$0xC780] =	vst v6;
	v6 =	vadd.s32 v6, v7;
	v7 =	vld [tilespmem:s28+$0xA200]  }
0x1a1: {  	[tilespmem:s28+$0xC800] =	vst v6;
	v6 =	vadd.s32 v6, v8  }
0x1a2: {  	[tilespmem:s28+$0xC880] =	vst v6;
	v6 =	vadd.s32 v6, v9  }
0x1a3: {  	[tilespmem:s28+$0xC900] =	vst v6;
	v6 =	vadd.s32 v6, v10  }
0x1a4: {  	s31 =	sor.u32 s5, s5;
	[tilespmem:s28+$0xC980] =	vst v6;
	v6 =	vadd.s32 v6, v11  }
0x1a5: {  	s7 =	sor.u32 $0x380, s31;
	[tilespmem:s28+$0xCA00] =	vst v6;
	v6 =	vadd.s32 v6, v7  }
0x1a6: {  	v7 =	vld [tilespmem:s7+$0x9F00];
	[tilespmem:s7+$0xC700] =	vst v6  }
0x1a7: {  	v12 =	vld [tilespmem:s28+$0xB300]  }
0x1a8: {  	v11 =	vld [tilespmem:s28+$0xB380]  }
0x1a9: {  	v10 =	vld [tilespmem:s28+$0xB400]  }
0x1aa: {  	v13 =	vld [tilespmem:s28+$0xB480]  }
0x1ab: {  	v9 =	vld [tilespmem:s28+$0xB500];
	v6 =	vadd.s32 v6, v7  }
0x1ac: {  	v8 =	vld [tilespmem:s28+$0xB580];
	[tilespmem:s28+$0xDB00] =	vst v6;
	v7 =	vadd.s32 v6, v12  }
0x1ad: {  	v6 =	vld [tilespmem:s28+$0xB600];
	[tilespmem:s28+$0xDB80] =	vst v7;
	v11 =	vadd.s32 v7, v11  }
0x1ae: {  	v7 =	vld [tilespmem:s28+$0xB680];
	[tilespmem:s28+$0xDC00] =	vst v11;
	v10 =	vadd.s32 v11, v10  }
0x1af: {  	s29 =	simm.s32 $0xEF00;
	s25 =	simm.s32 $0xEF00;
	s7 =	simm.s32 $0x10;
	[tilespmem:s28+$0xDC80] =	vst v10;
	v10 =	vadd.s32 v10, v13  }
.LBB2_6:
0x1b0: {  	p1 =	sne.s32 s7, $0x270;
	[tilespmem:s28+$0xDD00] =	vst v10;
	v9 =	vadd.s32 v10, v9;
	s5 =	sadd.s32 $0x80, s5;
	s29 =	sadd.s32 $0x10, s29  }
0x1b1: {  	s30 =	smov.u32 s7;
	s7 =	sadd.s32 $0x10, s7;
	[tilespmem:s28+$0xDD80] =	vst v9;
	v8 =	vadd.s32 v9, v8  }
0x1b2: {  	s17 =	sand.u32 $0x70, s30;
	s31 =	sand.u32 $0x1C00, s5;
	[tilespmem:s28+$0xDE00] =	vst v8;
	v6 =	vadd.s32 v8, v6  }
0x1b3: {  	[tilespmem:s28+$0xDE80] =	vst v6;
	s28 =	sor.u32 s17, s31;
	v6 =	vadd.s32 v6, v7  }
0x1b4: {  	[tilespmem:s25+$0x0] =	vst v6;
	s25 =	smov.u32 s29  }
0x1b5: {  	v6 =	vld [tilespmem:s28+$0x9F00]  }
0x1b6: {  	v7 =	vld [tilespmem:s28+$0x9F80]  }
0x1b7: {  	v8 =	vld [tilespmem:s28+$0xA000]  }
0x1b8: {  	v9 =	vld [tilespmem:s28+$0xA080]  }
0x1b9: {  	v10 =	vld [tilespmem:s28+$0xA100]  }
0x1ba: {  	[tilespmem:s28+$0xC700] =	vst v5;
	v11 =	vld [tilespmem:s28+$0xA180]  }
0x1bb: {  	[tilespmem:s28+$0xC780] =	vst v6;
	v6 =	vadd.s32 v6, v7;
	v7 =	vld [tilespmem:s28+$0xA200]  }
0x1bc: {  	[tilespmem:s28+$0xC800] =	vst v6;
	v6 =	vadd.s32 v6, v8  }
0x1bd: {  	[tilespmem:s28+$0xC880] =	vst v6;
	v6 =	vadd.s32 v6, v9  }
0x1be: {  	s17 =	sor.u32 s5, s30;
	[tilespmem:s28+$0xC900] =	vst v6;
	v6 =	vadd.s32 v6, v10  }
0x1bf: {  	s17 =	sor.u32 $0x380, s17;
	[tilespmem:s28+$0xC980] =	vst v6;
	v6 =	vadd.s32 v6, v11  }
0x1c0: {  	[tilespmem:s28+$0xCA00] =	vst v6;
	v6 =	vadd.s32 v6, v7  }
0x1c1: {  	[tilespmem:s17+$0xC700] =	vst v6;
	v7 =	vld [tilespmem:s17+$0x9F00]  }
0x1c2: {  	v10 =	vld [tilespmem:s28+$0xB400]  }
0x1c3: {  	v11 =	vld [tilespmem:s28+$0xB380]  }
0x1c4: {  	v12 =	vld [tilespmem:s28+$0xB300];
	_ =	sdelay $0x1  }
0x1c5: {  	v6 =	vadd.s32 v6, v7;
	v13 =	vld [tilespmem:s28+$0xB480]  }
0x1c6: {  	[tilespmem:s28+$0xDB00] =	vst v6;
	v9 =	vld [tilespmem:s28+$0xB500]  }
.Ltmp2:
0x1c7: {  	v8 =	vld [tilespmem:s28+$0xB580];
	(pc) =	sbr.rel @p1 .LBB2_6-.Ltmp2, $4  }
0x1c8: {  	v7 =	vadd.s32 v6, v12;
	v6 =	vld [tilespmem:s28+$0xB600]  }
0x1c9: {  	[tilespmem:s28+$0xDB80] =	vst v7;
	v11 =	vadd.s32 v7, v11;
	v7 =	vld [tilespmem:s28+$0xB680]  }
0x1ca: {  	[tilespmem:s28+$0xDC00] =	vst v11;
	v10 =	vadd.s32 v11, v10  }
0x1cb: {  	[tilespmem:s28+$0xDC80] =	vst v10;
	v10 =	vadd.s32 v10, v13  }
0x1cc: {  	[tilespmem:s28+$0xDD00] =	vst v10;
	v9 =	vadd.s32 v10, v9  }
0x1cd: {  	[tilespmem:s28+$0xDD80] =	vst v9;
	v8 =	vadd.s32 v9, v8  }
0x1ce: {  	[tilespmem:s28+$0xDE00] =	vst v8;
	v6 =	vadd.s32 v8, v6  }
0x1cf: {  	[tilespmem:s28+$0xDE80] =	vst v6;
	v6 =	vadd.s32 v6, v7  }
0x1d0: {  	s7 =	simm.s32 $0x0;
	[tilespmem:s25+$0x0] =	vst v6  }
0x1d1: {  	s5 =	simm.s32 $0x40;
	v6 =	vld [tilespmem:s7+$0xEF00]  }
.LBB2_8:
0x1d2: {  	p1 =	sne.s32 s5, $0x9C0  }
.Ltmp3:
0x1d3: {  	_ = 	snop;
	(pc) =	sbr.rel @p1 .LBB2_8-.Ltmp3, $3  }
0x1d4: {  	_ =	sdelay $0x1  }
0x1d5: {  	s7 =	sshra.s32 s5, $0x2;
	s5 =	sadd.s32 $0x40, s5;
	v5 =	vadd.s32 v5, v6  }
0x1d6: {  	v6 =	vld [tilespmem:s7+$0xEF00]  }
0x1d7: {  	_ =	sdelay $0x3  }
0x1d8: {  	v5 =	vadd.s32 v5, v6  }
0x1d9: {  	(xrf0) =	vadd.scan.msk.s32 $0xffff, v5;
	_ =	sdelay $0x5  }
0x1da: {  	v5, _, _ =	vpop (xrf0)  }
0x1db: {  	s0 =	sld [smem:$0x77A];
	v5 =	vbroadcast v5, $0xF;
	_ =	sdelay $0x1  }
0x1dc: {  	s1 =	simm.s32 $0xF480;
	[tilespmem:$0xF480] =	vst v5  }
0x1dd: {  	[spmem:s0] =	stream.linear.scatter [tilespmem:s1], [sflag:$0x1], $0x80, $0x38;
	[tilespmem:$0x19CB0] =	vst v63  }
0x1de: {  	_ =	swait.ge [sflag:s15], $0x80  }
0x1df: {  	[sflag:s15] =	ssyncset.done $0x0  }
0x1e0: {  	[sflag:s15] =	ssyncadd.s32 $0xFFFFFF80  }
0x1e1: {  	[bflag:$0x0] =	sbarrier.arrive $0xFFFF  }
0x1e2: {  	s31 =	simm.s32 $0xF500;
	s25 =	rddreg [dreg:$0x2]  }
0x1e3: {  	[tilespmem:s31], [sflag:$0x1] =	stream.linear.gather [spmem:s25], $0x800, $0x38;
	[tilespmem:$0x19CB0] =	vst v63  }
0x1e4: {  	_ =	swait.ge [sflag:s15], $0x800  }
0x1e5: {  	[sflag:s15] =	ssyncset.done $0x0  }
0x1e6: {  	[sflag:s15] =	ssyncadd.s32 $0xFFFFF800  }
0x1e7: {  	v5 =	vld [tilespmem:$0xF500]  }
0x1e8: {  	v6 =	vld [tilespmem:$0xF580]  }
0x1e9: {  	v7 =	vld [tilespmem:$0xF600]  }
0x1ea: {  	v8 =	vld [tilespmem:$0xF680]  }
0x1eb: {  	v9 =	vld [tilespmem:$0xF700]  }
0x1ec: {  	vm2 =	vcmask $0x308;
	v10 =	vld [tilespmem:$0xF780]  }
0x1ed: {  	v11 =	vld [tilespmem:$0xF800];
	v5 =	vnsel vm5, $0x0, v5;
	v6 =	vsel vm2, $0x0, v6;
	vm2 =	vcmask $0x70C  }
0x1ee: {  	v5 =	vadd.s32 v5, v6;
	v6 =	vsel vm2, $0x0, v7;
	v7 =	vld [tilespmem:$0xF880]  }
0x1ef: {  	v5 =	vadd.s32 v6, v5;
	v6 =	vsel vm3, $0x0, v8;
	v8 =	vld [tilespmem:$0xF900]  }
0x1f0: {  	v5 =	vadd.s32 v6, v5;
	v6 =	vsel vm4, $0x0, v9;
	v9 =	vld [tilespmem:$0xF980]  }
0x1f1: {  	v5 =	vadd.s32 v6, v5;
	v6 =	vsel vm6, $0x0, v10;
	v10 =	vld [tilespmem:$0xFA00]  }
0x1f2: {  	v5 =	vadd.s32 v6, v5;
	v6 =	vsel vm7, $0x0, v11;
	v11 =	vld [tilespmem:$0xFA80]  }
0x1f3: {  	v5 =	vadd.s32 v6, v5;
	v6 =	vsel vm8, $0x0, v7;
	v7 =	vld [tilespmem:$0xFB00]  }
0x1f4: {  	v5 =	vadd.s32 v6, v5;
	v6 =	vsel vm9, $0x0, v8;
	v8 =	vld [tilespmem:$0xFB80]  }
0x1f5: {  	v5 =	vadd.s32 v6, v5;
	v6 =	vsel vm10, $0x0, v9;
	v9 =	vld [tilespmem:$0xFC00]  }
0x1f6: {  	v5 =	vadd.s32 v6, v5;
	v6 =	vsel vm11, $0x0, v10;
	v10 =	vld [tilespmem:$0xFC80]  }
0x1f7: {  	v5 =	vadd.s32 v6, v5;
	v6 =	vsel vm12, $0x0, v11  }
0x1f8: {  	v5 =	vadd.s32 v6, v5;
	v6 =	vsel vm13, $0x0, v7  }
0x1f9: {  	v5 =	vadd.s32 v6, v5;
	v6 =	vsel vm14, $0x0, v8  }
0x1fa: {  	v5 =	vadd.s32 v6, v5;
	v6 =	vsel vm15, $0x0, v9  }
0x1fb: {  	v5 =	vadd.s32 v6, v5;
	v6 =	vsel vm1, $0x0, v10  }
0x1fc: {  	v5 =	vadd.s32 v6, v5  }
0x1fd: {  	v5 =	vnsel vm0, $0x0, v5  }
0x1fe: {  	(xrf0) =	vadd.scan.msk.s32 $0xffff, v5;
	_ =	sdelay $0x5  }
0x1ff: {  	v5, _, _ =	vpop (xrf0)  }
0x200: {  	(v2sf) =	vpush v5, $0xF  }
0x201: {  	s25 =	simm.s32 $0x0  }
0x202: {  	s5 =	simm.s32 $0x10;
	v6 =	vld [tilespmem:s25+$0xEF00]  }
0x203: {  	v5 =	vld [tilespmem:s5+$0xEF00];
	_ =	sdelay $0x3  }
0x204: {  	(xrf0) =	vadd.scan.msk.s32 $0xffff, v6  }
0x205: {  	(xrf0) =	vadd.scan.msk.s32 $0xffff, v5;
	_ =	sdelay $0x4  }
0x206: {  	s7 =	simm.s32 $0x20;
	v10, _, _ =	vpop (xrf0)  }
0x207: {  	v8 =	vld [tilespmem:s7+$0xEF00];
	(v2sf) =	vpush v10, $0xF;
	v9, _, _ =	vpop (xrf0)  }
0x208: {  	s29 =	spop (v2sf);
	(v2sf) =	vpush v9, $0xF;
	_ =	sdelay $0x3  }
0x209: {  	s28 =	simm.s32 $0x30;
	(xrf0) =	vadd.scan.msk.s32 $0xffff, v8  }
0x20a: {  	v7 =	vld [tilespmem:s28+$0xEF00];
	_ =	sdelay $0x3  }
0x20b: {  	s30 =	simm.s32 $0x100;
	s1 =	simm.s32 $0x400  }
.LBB2_10:
0x20c: {  	s17 =	sshra.s32 s30, $0x2;
	p1 =	sne.s32 s30, $0x9C0;
	s30 =	sadd.s32 $0x40, s30;
	(xrf0) =	vadd.scan.msk.s32 $0xffff, v7;
	v11, _, _ =	vpop (xrf0);
	v12 =	vsub.s32 s29, v6;
	v6 =	vmov v5;
	v5 =	vmov v8  }
.Ltmp4:
0x20d: {  	v8 =	vmovc v7;
	(v2sf) =	vpush v11, $0xF;
	v12 =	vadd.s32 v10, v12;
	v10 =	vmovc v9;
	v9 =	vmov v11;
	v7 =	vld [tilespmem:s17+$0xEF00];
	(pc) =	sbr.rel @p1 .LBB2_10-.Ltmp4, $4  }
0x20e: {  	[tilespmem:s25+$0xF180] =	vst v12;
	s25 =	smov.u32 s5;
	s5 =	smov.u32 s7;
	s7 =	smov.u32 s28  }
0x20f: {  	s28 =	smov.u32 s17  }
0x210: {  	s17 =	spop (v2sf)  }
0x211: {  	s29 =	sadd.s32 s29, s17  }
0x212: {  	(xrf0) =	vadd.scan.msk.s32 $0xffff, v7;
	v11, _, _ =	vpop (xrf0)  }
0x213: {  	(v2sf) =	vpush v11, $0xF;
	_ =	sdelay $0x4  }
0x214: {  	v12, _, _ =	vpop (xrf0)  }
0x215: {  	(v2sf) =	vpush v12, $0xF;
	_ =	sdelay $0x6  }
0x216: {  	s17 =	spop (v2sf)  }
0x217: {  	v6 =	vsub.s32 s29, v6;
	s17 =	sadd.s32 s29, s17;
	s29 =	spop (v2sf)  }
0x218: {  	v6 =	vadd.s32 v10, v6;
	v5 =	vsub.s32 s17, v5;
	s17 =	sadd.s32 s17, s29;
	s29 =	spop (v2sf)  }
0x219: {  	[tilespmem:s25+$0xF180] =	vst v6;
	v5 =	vadd.s32 v9, v5;
	v6 =	vsub.s32 s17, v8;
	s17 =	sadd.s32 s17, s29  }
0x21a: {  	s0 =	sld [smem:$0x77B];
	[tilespmem:s5+$0xF180] =	vst v5;
	v5 =	vadd.s32 v11, v6;
	v6 =	vsub.s32 s17, v7  }
0x21b: {  	[tilespmem:s7+$0xF180] =	vst v5;
	v5 =	vadd.s32 v12, v6  }
0x21c: {  	s5 =	simm.s32 @!p0 $0x0;
	s7 =	simm.s32 @!p0 $0xF180;
	[tilespmem:s28+$0xF180] =	vst v5  }
0x21d: {  	[hbm4b:s0+s5] =	stream.linear.scatter @!p0 [tilespmem:s7], [sflag:$0x1], $0x280, $0x38;
	[tilespmem:$0x19CB0] =	vst v63  }
0x21e: {  	s7 =	simm.s32 @!p0 $0x1;
	s17 =	spop (v2sf)  }
0x21f: {  	s5 =	simm.s32 $0x0;
	_ =	swait.ge @!p0 [sflag:s7], $0x280  }
0x220: {  	s25 =	sand.u32 $0x70, s5;
	s30 =	sand.u32 $0x1C00, s5;
	[sflag:s7] =	ssyncset.done @!p0 $0x0  }
0x221: {  	s28 =	sor.u32 s25, s30;
	[sflag:s7] =	ssyncadd.s32 @!p0 $0xFFFFFD80  }
0x222: {  	s25 =	simm.s32 $0xF180;
	v6 =	vld [tilespmem:s28+$0xC880]  }
0x223: {  	v5 =	vld [tilespmem:s25+$0x0]  }
0x224: {  	v7 =	vld [tilespmem:s28+$0xC980]  }
0x225: {  	v8 =	vld [tilespmem:s28+$0xC800]  }
0x226: {  	v60 =	vld [tilespmem:s28+$0xC780]  }
0x227: {  	v62 =	vld [tilespmem:s28+$0xC700]  }
0x228: {  	v61 =	vld [tilespmem:s28+$0xC900];
	v6 =	vadd.s32 v5, v6  }
0x229: {  	v63 =	vld [tilespmem:s28+$0xCA00];
	[tilespmem:s28+$0xC880] =	vst v6;
	v6 =	vadd.s32 v5, v7  }
0x22a: {  	v7 =	vadd.s32 v5, v8;
	[tilespmem:s28+$0xC980] =	vst v6  }
0x22b: {  	v6 =	vadd.s32 v5, v60;
	[tilespmem:s28+$0xC800] =	vst v7  }
0x22c: {  	v7 =	vadd.s32 v5, v62;
	[tilespmem:s28+$0xC780] =	vst v6  }
0x22d: {  	v6 =	vadd.s32 v5, v61;
	[tilespmem:s28+$0xC700] =	vst v7  }
0x22e: {  	s31 =	sor.u32 s5, s5;
	[tilespmem:s28+$0xC900] =	vst v6;
	v6 =	vadd.s32 v5, v63  }
0x22f: {  	s29 =	sor.u32 $0x380, s31;
	[tilespmem:s28+$0xCA00] =	vst v6  }
0x230: {  	s7 =	simm.s32 $0x10;
	v6 =	vld [tilespmem:s29+$0xC700]  }
.LBB2_12:
0x231: {  	_ =	sdelay $0x3  }
0x232: {  	p1 =	sne.s32 s7, $0x270;
	s5 =	sadd.s32 $0x80, s5;
	s25 =	sadd.s32 $0x10, s25;
	v6 =	vadd.s32 v5, v6  }
0x233: {  	[tilespmem:s29+$0xC700] =	vst v6;
	s29 =	smov.u32 s7;
	s7 =	sadd.s32 $0x10, s7  }
0x234: {  	v6 =	vld [tilespmem:s28+$0xDE80]  }
0x235: {  	v7 =	vld [tilespmem:s28+$0xDB00]  }
0x236: {  	v8 =	vld [tilespmem:s28+$0xDB80]  }
0x237: {  	v9 =	vld [tilespmem:s28+$0xDC00]  }
0x238: {  	v10 =	vld [tilespmem:s28+$0xDC80]  }
0x239: {  	v11 =	vld [tilespmem:s28+$0xDD00];
	v6 =	vadd.s32 v5, v6  }
0x23a: {  	v7 =	vadd.s32 v5, v7;
	v12 =	vld [tilespmem:s28+$0xDD80];
	[tilespmem:s28+$0xDE80] =	vst v6  }
0x23b: {  	[tilespmem:s28+$0xDB00] =	vst v7;
	v6 =	vadd.s32 v5, v8;
	v7 =	vld [tilespmem:s28+$0xDE00]  }
0x23c: {  	[tilespmem:s28+$0xDB80] =	vst v6;
	v6 =	vadd.s32 v5, v9  }
0x23d: {  	[tilespmem:s28+$0xDC00] =	vst v6;
	v6 =	vadd.s32 v5, v10  }
0x23e: {  	s30 =	sand.u32 $0x1C00, s5;
	s17 =	sand.u32 $0x70, s29;
	[tilespmem:s28+$0xDC80] =	vst v6;
	v6 =	vadd.s32 v5, v11  }
0x23f: {  	s17 =	sor.u32 s17, s30;
	[tilespmem:s28+$0xDD00] =	vst v6;
	v6 =	vadd.s32 v5, v12  }
0x240: {  	v8 =	vld [tilespmem:s17+$0xCA00];
	[tilespmem:s28+$0xDD80] =	vst v6;
	v5 =	vadd.s32 v5, v7  }
0x241: {  	v6 =	vld [tilespmem:s17+$0xC880];
	[tilespmem:s28+$0xDE00] =	vst v5;
	s28 =	smov.u32 s17  }
0x242: {  	v5 =	vld [tilespmem:s25+$0x0]  }
0x243: {  	v7 =	vld [tilespmem:s28+$0xC980]  }
0x244: {  	v9 =	vld [tilespmem:s28+$0xC800]  }
0x245: {  	v10 =	vld [tilespmem:s28+$0xC780]  }
0x246: {  	v11 =	vld [tilespmem:s28+$0xC900]  }
0x247: {  	v12 =	vld [tilespmem:s28+$0xC700];
	v6 =	vadd.s32 v5, v6;
	v8 =	vadd.s32 v5, v8  }
0x248: {  	[tilespmem:s28+$0xC880] =	vst v6;
	v6 =	vadd.s32 v5, v7  }
0x249: {  	v7 =	vadd.s32 v5, v9;
	[tilespmem:s28+$0xC980] =	vst v6  }
0x24a: {  	v6 =	vadd.s32 v5, v10;
	[tilespmem:s28+$0xC800] =	vst v7  }
.Ltmp5:
0x24b: {  	[tilespmem:s28+$0xC780] =	vst v6;
	v6 =	vadd.s32 v5, v11;
	(pc) =	sbr.rel @p1 .LBB2_12-.Ltmp5, $4  }
0x24c: {  	v7 =	vadd.s32 v5, v12;
	[tilespmem:s28+$0xC900] =	vst v6  }
0x24d: {  	s17 =	sor.u32 s5, s29;
	[tilespmem:s28+$0xC700] =	vst v7  }
0x24e: {  	s29 =	sor.u32 $0x380, s17;
	[tilespmem:s28+$0xCA00] =	vst v8  }
0x24f: {  	v6 =	vld [tilespmem:s29+$0xC700]  }
0x250: {  	_ =	sdelay $0x3  }
0x251: {  	v6 =	vadd.s32 v5, v6  }
0x252: {  	[tilespmem:s29+$0xC700] =	vst v6  }
0x253: {  	v6 =	vld [tilespmem:s28+$0xDE80]  }
0x254: {  	v7 =	vld [tilespmem:s28+$0xDB00]  }
0x255: {  	v8 =	vld [tilespmem:s28+$0xDB80]  }
0x256: {  	v9 =	vld [tilespmem:s28+$0xDC00]  }
0x257: {  	v10 =	vld [tilespmem:s28+$0xDC80]  }
0x258: {  	v11 =	vld [tilespmem:s28+$0xDD00];
	v6 =	vadd.s32 v5, v6  }
0x259: {  	v12 =	vld [tilespmem:s28+$0xDD80];
	v7 =	vadd.s32 v5, v7;
	[tilespmem:s28+$0xDE80] =	vst v6  }
0x25a: {  	[tilespmem:s28+$0xDB00] =	vst v7;
	v6 =	vadd.s32 v5, v8;
	v7 =	vld [tilespmem:s28+$0xDE00]  }
0x25b: {  	[tilespmem:s28+$0xDB80] =	vst v6;
	v6 =	vadd.s32 v5, v9  }
0x25c: {  	[tilespmem:s28+$0xDC00] =	vst v6;
	v6 =	vadd.s32 v5, v10  }
0x25d: {  	[tilespmem:s28+$0xDC80] =	vst v6;
	v6 =	vadd.s32 v5, v11  }
0x25e: {  	[tilespmem:s28+$0xDD00] =	vst v6;
	v6 =	vadd.s32 v5, v12  }
0x25f: {  	s0 =	rddreg [dreg:$0x18];
	[tilespmem:s28+$0xDD80] =	vst v6;
	v5 =	vadd.s32 v5, v7  }
0x260: {  	s5 =	simm.s32 $0xC700;
	s17 =	sld [smem:$0x7C0];
	[tilespmem:s28+$0xDE00] =	vst v5  }
0x261: {  	[spmem:s0] =	stream.linear.scatter [tilespmem:s5], [sflag:$0x1], $0x80, $0x38;
	[tilespmem:$0x19CB0] =	vst v63  }
0x262: {  	s25 =	simm.s32 $0xCB00;
	s28 =	sld [smem:$0x7C1]  }
0x263: {  	[spmem:s17] =	stream.linear.scatter [tilespmem:s25], [sflag:$0x1], $0x80, $0x38;
	[tilespmem:$0x19CB0] =	vst v63  }
0x264: {  	s30 =	sld [smem:$0x7C2];
	s29 =	simm.s32 $0xCF00  }
0x265: {  	[spmem:s28] =	stream.linear.scatter [tilespmem:s29], [sflag:$0x1], $0x80, $0x38;
	[tilespmem:$0x19CB0] =	vst v63  }
0x266: {  	s31 =	simm.s32 $0xD300;
	s5 =	sld [smem:$0x7C3]  }
0x267: {  	[spmem:s30] =	stream.linear.scatter [tilespmem:s31], [sflag:$0x1], $0x80, $0x38;
	[tilespmem:$0x19CB0] =	vst v63  }
0x268: {  	s7 =	simm.s32 $0xD700  }
0x269: {  	[spmem:s5] =	stream.linear.scatter [tilespmem:s7], [sflag:$0x1], $0x80, $0x38;
	[tilespmem:$0x19CB0] =	vst v63  }
0x26a: {  	_ =	swait.ge [sflag:s15], $0x280  }
0x26b: {  	[sflag:s15] =	ssyncset.done $0x0;
	s17 =	rddreg [dreg:$0x19]  }
0x26c: {  	s25 =	simm.s32 $0xC780;
	s28 =	sld [smem:$0x7C4];
	[sflag:s15] =	ssyncadd.s32 $0xFFFFFD80  }
0x26d: {  	[spmem:s17] =	stream.linear.scatter [tilespmem:s25], [sflag:$0x1], $0x80, $0x38;
	[tilespmem:$0x19CB0] =	vst v63  }
0x26e: {  	s29 =	simm.s32 $0xCB80;
	s30 =	sld [smem:$0x7C5]  }
0x26f: {  	[spmem:s28] =	stream.linear.scatter [tilespmem:s29], [sflag:$0x1], $0x80, $0x38;
	[tilespmem:$0x19CB0] =	vst v63  }
0x270: {  	s31 =	simm.s32 $0xCF80;
	s5 =	sld [smem:$0x7C6]  }
0x271: {  	[spmem:s30] =	stream.linear.scatter [tilespmem:s31], [sflag:$0x1], $0x80, $0x38;
	[tilespmem:$0x19CB0] =	vst v63  }
0x272: {  	s7 =	simm.s32 $0xD380;
	s17 =	sld [smem:$0x7C7]  }
0x273: {  	[spmem:s5] =	stream.linear.scatter [tilespmem:s7], [sflag:$0x1], $0x80, $0x38;
	[tilespmem:$0x19CB0] =	vst v63  }
0x274: {  	s25 =	simm.s32 $0xD780  }
0x275: {  	[spmem:s17] =	stream.linear.scatter [tilespmem:s25], [sflag:$0x1], $0x80, $0x38;
	[tilespmem:$0x19CB0] =	vst v63  }
0x276: {  	_ =	swait.ge [sflag:s15], $0x280  }
0x277: {  	[sflag:s15] =	ssyncset.done $0x0;
	s28 =	rddreg [dreg:$0x1a]  }
0x278: {  	s29 =	simm.s32 $0xC800;
	s30 =	sld [smem:$0x7C8];
	[sflag:s15] =	ssyncadd.s32 $0xFFFFFD80  }
0x279: {  	[spmem:s28] =	stream.linear.scatter [tilespmem:s29], [sflag:$0x1], $0x80, $0x38;
	[tilespmem:$0x19CB0] =	vst v63  }
0x27a: {  	s31 =	simm.s32 $0xCC00;
	s5 =	sld [smem:$0x7C9]  }
0x27b: {  	[spmem:s30] =	stream.linear.scatter [tilespmem:s31], [sflag:$0x1], $0x80, $0x38;
	[tilespmem:$0x19CB0] =	vst v63  }
0x27c: {  	s7 =	simm.s32 $0xD000;
	s17 =	sld [smem:$0x7CA]  }
0x27d: {  	[spmem:s5] =	stream.linear.scatter [tilespmem:s7], [sflag:$0x1], $0x80, $0x38;
	[tilespmem:$0x19CB0] =	vst v63  }
0x27e: {  	s25 =	simm.s32 $0xD400;
	s28 =	sld [smem:$0x7CB]  }
0x27f: {  	[spmem:s17] =	stream.linear.scatter [tilespmem:s25], [sflag:$0x1], $0x80, $0x38;
	[tilespmem:$0x19CB0] =	vst v63  }
0x280: {  	s29 =	simm.s32 $0xD800  }
0x281: {  	[spmem:s28] =	stream.linear.scatter [tilespmem:s29], [sflag:$0x1], $0x80, $0x38;
	[tilespmem:$0x19CB0] =	vst v63  }
0x282: {  	_ =	swait.ge [sflag:s15], $0x280  }
0x283: {  	[sflag:s15] =	ssyncset.done $0x0;
	s30 =	rddreg [dreg:$0x1b]  }
0x284: {  	s31 =	simm.s32 $0xC880;
	s5 =	sld [smem:$0x7CC];
	[sflag:s15] =	ssyncadd.s32 $0xFFFFFD80  }
0x285: {  	[spmem:s30] =	stream.linear.scatter [tilespmem:s31], [sflag:$0x1], $0x80, $0x38;
	[tilespmem:$0x19CB0] =	vst v63  }
0x286: {  	s7 =	simm.s32 $0xCC80;
	s17 =	sld [smem:$0x7CD]  }
0x287: {  	[spmem:s5] =	stream.linear.scatter [tilespmem:s7], [sflag:$0x1], $0x80, $0x38;
	[tilespmem:$0x19CB0] =	vst v63  }
0x288: {  	s25 =	simm.s32 $0xD080;
	s28 =	sld [smem:$0x7CE]  }
0x289: {  	[spmem:s17] =	stream.linear.scatter [tilespmem:s25], [sflag:$0x1], $0x80, $0x38;
	[tilespmem:$0x19CB0] =	vst v63  }
0x28a: {  	s29 =	simm.s32 $0xD480;
	s30 =	sld [smem:$0x7CF]  }
0x28b: {  	[spmem:s28] =	stream.linear.scatter [tilespmem:s29], [sflag:$0x1], $0x80, $0x38;
	[tilespmem:$0x19CB0] =	vst v63  }
0x28c: {  	s31 =	simm.s32 $0xD880  }
0x28d: {  	[spmem:s30] =	stream.linear.scatter [tilespmem:s31], [sflag:$0x1], $0x80, $0x38;
	[tilespmem:$0x19CB0] =	vst v63  }
0x28e: {  	_ =	swait.ge [sflag:s15], $0x280  }
0x28f: {  	[sflag:s15] =	ssyncset.done $0x0  }
0x290: {  	s7 =	simm.s32 $0xC900;
	s17 =	sld [smem:$0x7D1];
	[sflag:s15] =	ssyncadd.s32 $0xFFFFFD80  }
0x291: {  	[spmem:s3] =	stream.linear.scatter [tilespmem:s7], [sflag:$0x1], $0x80, $0x38;
	[tilespmem:$0x19CB0] =	vst v63  }
0x292: {  	s25 =	simm.s32 $0xCD00;
	s28 =	sld [smem:$0x7D2]  }
0x293: {  	[spmem:s17] =	stream.linear.scatter [tilespmem:s25], [sflag:$0x1], $0x80, $0x38;
	[tilespmem:$0x19CB0] =	vst v63  }
0x294: {  	s29 =	simm.s32 $0xD100;
	s30 =	sld [smem:$0x7D3]  }
0x295: {  	[spmem:s28] =	stream.linear.scatter [tilespmem:s29], [sflag:$0x1], $0x80, $0x38;
	[tilespmem:$0x19CB0] =	vst v63  }
0x296: {  	s31 =	simm.s32 $0xD500;
	s5 =	sld [smem:$0x7D4]  }
0x297: {  	[spmem:s30] =	stream.linear.scatter [tilespmem:s31], [sflag:$0x1], $0x80, $0x38;
	[tilespmem:$0x19CB0] =	vst v63  }
0x298: {  	s7 =	simm.s32 $0xD900  }
0x299: {  	[spmem:s5] =	stream.linear.scatter [tilespmem:s7], [sflag:$0x1], $0x80, $0x38;
	[tilespmem:$0x19CB0] =	vst v63  }
0x29a: {  	_ =	swait.ge [sflag:s15], $0x280  }
0x29b: {  	[sflag:s15] =	ssyncset.done $0x0;
	s17 =	rddreg [dreg:$0x1c]  }
0x29c: {  	s25 =	simm.s32 $0xC980;
	s28 =	sld [smem:$0x7D5];
	[sflag:s15] =	ssyncadd.s32 $0xFFFFFD80  }
0x29d: {  	[spmem:s17] =	stream.linear.scatter [tilespmem:s25], [sflag:$0x1], $0x80, $0x38;
	[tilespmem:$0x19CB0] =	vst v63  }
0x29e: {  	s29 =	simm.s32 $0xCD80;
	s30 =	sld [smem:$0x7D6]  }
0x29f: {  	[spmem:s28] =	stream.linear.scatter [tilespmem:s29], [sflag:$0x1], $0x80, $0x38;
	[tilespmem:$0x19CB0] =	vst v63  }
0x2a0: {  	s31 =	simm.s32 $0xD180;
	s5 =	sld [smem:$0x7D7]  }
0x2a1: {  	[spmem:s30] =	stream.linear.scatter [tilespmem:s31], [sflag:$0x1], $0x80, $0x38;
	[tilespmem:$0x19CB0] =	vst v63  }
0x2a2: {  	s7 =	simm.s32 $0xD580;
	s17 =	sld [smem:$0x7D8]  }
0x2a3: {  	[spmem:s5] =	stream.linear.scatter [tilespmem:s7], [sflag:$0x1], $0x80, $0x38;
	[tilespmem:$0x19CB0] =	vst v63  }
0x2a4: {  	s25 =	simm.s32 $0xD980  }
0x2a5: {  	[spmem:s17] =	stream.linear.scatter [tilespmem:s25], [sflag:$0x1], $0x80, $0x38;
	[tilespmem:$0x19CB0] =	vst v63  }
0x2a6: {  	_ =	swait.ge [sflag:s15], $0x280  }
0x2a7: {  	[sflag:s15] =	ssyncset.done $0x0;
	s28 =	rddreg [dreg:$0x1d]  }
0x2a8: {  	s29 =	simm.s32 $0xCA00;
	s30 =	sld [smem:$0x7D9];
	[sflag:s15] =	ssyncadd.s32 $0xFFFFFD80  }
0x2a9: {  	[spmem:s28] =	stream.linear.scatter [tilespmem:s29], [sflag:$0x1], $0x80, $0x38;
	[tilespmem:$0x19CB0] =	vst v63  }
0x2aa: {  	s31 =	simm.s32 $0xCE00;
	s5 =	sld [smem:$0x7DA]  }
0x2ab: {  	[spmem:s30] =	stream.linear.scatter [tilespmem:s31], [sflag:$0x1], $0x80, $0x38;
	[tilespmem:$0x19CB0] =	vst v63  }
0x2ac: {  	s7 =	simm.s32 $0xD200;
	s17 =	sld [smem:$0x7DB]  }
0x2ad: {  	[spmem:s5] =	stream.linear.scatter [tilespmem:s7], [sflag:$0x1], $0x80, $0x38;
	[tilespmem:$0x19CB0] =	vst v63  }
0x2ae: {  	s25 =	simm.s32 $0xD600;
	s28 =	sld [smem:$0x7DC]  }
0x2af: {  	[spmem:s17] =	stream.linear.scatter [tilespmem:s25], [sflag:$0x1], $0x80, $0x38;
	[tilespmem:$0x19CB0] =	vst v63  }
0x2b0: {  	s29 =	simm.s32 $0xDA00  }
0x2b1: {  	[spmem:s28] =	stream.linear.scatter [tilespmem:s29], [sflag:$0x1], $0x80, $0x38;
	[tilespmem:$0x19CB0] =	vst v63  }
0x2b2: {  	_ =	swait.ge [sflag:s15], $0x280  }
0x2b3: {  	[sflag:s15] =	ssyncset.done $0x0;
	s30 =	rddreg [dreg:$0x1e]  }
0x2b4: {  	s31 =	simm.s32 $0xCA80;
	s5 =	sld [smem:$0x7DD];
	[sflag:s15] =	ssyncadd.s32 $0xFFFFFD80  }
0x2b5: {  	[spmem:s30] =	stream.linear.scatter [tilespmem:s31], [sflag:$0x1], $0x80, $0x38;
	[tilespmem:$0x19CB0] =	vst v63  }
0x2b6: {  	s7 =	simm.s32 $0xCE80;
	s17 =	sld [smem:$0x7DE]  }
0x2b7: {  	[spmem:s5] =	stream.linear.scatter [tilespmem:s7], [sflag:$0x1], $0x80, $0x38;
	[tilespmem:$0x19CB0] =	vst v63  }
0x2b8: {  	s25 =	simm.s32 $0xD280;
	s28 =	sld [smem:$0x7DF]  }
0x2b9: {  	[spmem:s17] =	stream.linear.scatter [tilespmem:s25], [sflag:$0x1], $0x80, $0x38;
	[tilespmem:$0x19CB0] =	vst v63  }
0x2ba: {  	s29 =	simm.s32 $0xD680;
	s30 =	sld [smem:$0x7E0]  }
0x2bb: {  	[spmem:s28] =	stream.linear.scatter [tilespmem:s29], [sflag:$0x1], $0x80, $0x38;
	[tilespmem:$0x19CB0] =	vst v63  }
0x2bc: {  	s31 =	simm.s32 $0xDA80  }
0x2bd: {  	[spmem:s30] =	stream.linear.scatter [tilespmem:s31], [sflag:$0x1], $0x80, $0x38;
	[tilespmem:$0x19CB0] =	vst v63  }
0x2be: {  	_ =	swait.ge [sflag:s15], $0x280  }
0x2bf: {  	[sflag:s15] =	ssyncset.done $0x0;
	s5 =	rddreg [dreg:$0x1f]  }
0x2c0: {  	s7 =	simm.s32 $0xDB00;
	s17 =	sld [smem:$0x7E1];
	[sflag:s15] =	ssyncadd.s32 $0xFFFFFD80  }
0x2c1: {  	[spmem:s5] =	stream.linear.scatter [tilespmem:s7], [sflag:$0x1], $0x80, $0x38;
	[tilespmem:$0x19CB0] =	vst v63  }
0x2c2: {  	s25 =	simm.s32 $0xDF00;
	s28 =	sld [smem:$0x7E2]  }
0x2c3: {  	[spmem:s17] =	stream.linear.scatter [tilespmem:s25], [sflag:$0x1], $0x80, $0x38;
	[tilespmem:$0x19CB0] =	vst v63  }
0x2c4: {  	s29 =	simm.s32 $0xE300;
	s30 =	sld [smem:$0x7E3]  }
0x2c5: {  	[spmem:s28] =	stream.linear.scatter [tilespmem:s29], [sflag:$0x1], $0x80, $0x38;
	[tilespmem:$0x19CB0] =	vst v63  }
0x2c6: {  	s31 =	simm.s32 $0xE700;
	s5 =	sld [smem:$0x7E4]  }
0x2c7: {  	[spmem:s30] =	stream.linear.scatter [tilespmem:s31], [sflag:$0x1], $0x80, $0x38;
	[tilespmem:$0x19CB0] =	vst v63  }
0x2c8: {  	s7 =	simm.s32 $0xEB00  }
0x2c9: {  	[spmem:s5] =	stream.linear.scatter [tilespmem:s7], [sflag:$0x1], $0x80, $0x38;
	[tilespmem:$0x19CB0] =	vst v63  }
0x2ca: {  	_ =	swait.ge [sflag:s15], $0x280  }
0x2cb: {  	s17 =	sld [smem:$0x7E8]  }
0x2cc: {  	[sflag:s15] =	ssyncset.done $0x0  }
0x2cd: {  	s25 =	simm.s32 $0xDB80;
	s28 =	sld [smem:$0x7E5];
	[sflag:s15] =	ssyncadd.s32 $0xFFFFFD80  }
0x2ce: {  	[spmem:s17] =	stream.linear.scatter [tilespmem:s25], [sflag:$0x1], $0x80, $0x38;
	[tilespmem:$0x19CB0] =	vst v63  }
0x2cf: {  	s29 =	simm.s32 $0xDF80;
	s30 =	sld [smem:$0x7E6]  }
0x2d0: {  	[spmem:s28] =	stream.linear.scatter [tilespmem:s29], [sflag:$0x1], $0x80, $0x38;
	[tilespmem:$0x19CB0] =	vst v63  }
0x2d1: {  	s31 =	simm.s32 $0xE380;
	s5 =	sld [smem:$0x7E7]  }
0x2d2: {  	[spmem:s30] =	stream.linear.scatter [tilespmem:s31], [sflag:$0x1], $0x80, $0x38;
	[tilespmem:$0x19CB0] =	vst v63  }
0x2d3: {  	s7 =	simm.s32 $0xE780;
	s17 =	sld [smem:$0x7E9]  }
0x2d4: {  	[spmem:s5] =	stream.linear.scatter [tilespmem:s7], [sflag:$0x1], $0x80, $0x38;
	[tilespmem:$0x19CB0] =	vst v63  }
0x2d5: {  	s25 =	simm.s32 $0xEB80  }
0x2d6: {  	[spmem:s17] =	stream.linear.scatter [tilespmem:s25], [sflag:$0x1], $0x80, $0x38;
	[tilespmem:$0x19CB0] =	vst v63  }
0x2d7: {  	_ =	swait.ge [sflag:s15], $0x280  }
0x2d8: {  	s28 =	sld [smem:$0x7ED]  }
0x2d9: {  	[sflag:s15] =	ssyncset.done $0x0  }
0x2da: {  	s29 =	simm.s32 $0xDC00;
	s30 =	sld [smem:$0x7EA];
	[sflag:s15] =	ssyncadd.s32 $0xFFFFFD80  }
0x2db: {  	[spmem:s28] =	stream.linear.scatter [tilespmem:s29], [sflag:$0x1], $0x80, $0x38;
	[tilespmem:$0x19CB0] =	vst v63  }
0x2dc: {  	s31 =	simm.s32 $0xE000;
	s7 =	sld [smem:$0x7EB]  }
0x2dd: {  	[spmem:s30] =	stream.linear.scatter [tilespmem:s31], [sflag:$0x1], $0x80, $0x38;
	[tilespmem:$0x19CB0] =	vst v63  }
0x2de: {  	s17 =	simm.s32 $0xE400;
	s25 =	sld [smem:$0x7EC]  }
0x2df: {  	[spmem:s7] =	stream.linear.scatter [tilespmem:s17], [sflag:$0x1], $0x80, $0x38;
	[tilespmem:$0x19CB0] =	vst v63  }
0x2e0: {  	s28 =	simm.s32 $0xE800;
	s29 =	sld [smem:$0x7EE]  }
0x2e1: {  	[spmem:s25] =	stream.linear.scatter [tilespmem:s28], [sflag:$0x1], $0x80, $0x38;
	[tilespmem:$0x19CB0] =	vst v63  }
0x2e2: {  	s30 =	simm.s32 $0xEC00  }
0x2e3: {  	[spmem:s29] =	stream.linear.scatter [tilespmem:s30], [sflag:$0x1], $0x80, $0x38;
	[tilespmem:$0x19CB0] =	vst v63  }
0x2e4: {  	_ =	swait.ge [sflag:s15], $0x280  }
0x2e5: {  	[sflag:s15] =	ssyncset.done $0x0  }
0x2e6: {  	s31 =	simm.s32 $0xDC80;
	s5 =	sld [smem:$0x7EF];
	[sflag:s15] =	ssyncadd.s32 $0xFFFFFD80  }
0x2e7: {  	[spmem:s2] =	stream.linear.scatter [tilespmem:s31], [sflag:$0x1], $0x80, $0x38;
	[tilespmem:$0x19CB0] =	vst v63  }
0x2e8: {  	s7 =	simm.s32 $0xE080;
	s17 =	sld [smem:$0x7F0]  }
0x2e9: {  	[spmem:s5] =	stream.linear.scatter [tilespmem:s7], [sflag:$0x1], $0x80, $0x38;
	[tilespmem:$0x19CB0] =	vst v63  }
0x2ea: {  	s25 =	simm.s32 $0xE480;
	s28 =	sld [smem:$0x7F1]  }
0x2eb: {  	[spmem:s17] =	stream.linear.scatter [tilespmem:s25], [sflag:$0x1], $0x80, $0x38;
	[tilespmem:$0x19CB0] =	vst v63  }
0x2ec: {  	s29 =	simm.s32 $0xE880;
	s30 =	sld [smem:$0x7F2]  }
0x2ed: {  	[spmem:s28] =	stream.linear.scatter [tilespmem:s29], [sflag:$0x1], $0x80, $0x38;
	[tilespmem:$0x19CB0] =	vst v63  }
0x2ee: {  	s31 =	simm.s32 $0xEC80  }
0x2ef: {  	[spmem:s30] =	stream.linear.scatter [tilespmem:s31], [sflag:$0x1], $0x80, $0x38;
	[tilespmem:$0x19CB0] =	vst v63  }
0x2f0: {  	_ =	swait.ge [sflag:s15], $0x280  }
0x2f1: {  	[sflag:s15] =	ssyncset.done $0x0  }
0x2f2: {  	s7 =	simm.s32 $0xDD00;
	s17 =	sld [smem:$0x7F3];
	[sflag:s15] =	ssyncadd.s32 $0xFFFFFD80  }
0x2f3: {  	[spmem:s10] =	stream.linear.scatter [tilespmem:s7], [sflag:$0x1], $0x80, $0x38;
	[tilespmem:$0x19CB0] =	vst v63  }
0x2f4: {  	s25 =	simm.s32 $0xE100;
	s28 =	sld [smem:$0x7F4]  }
0x2f5: {  	[spmem:s17] =	stream.linear.scatter [tilespmem:s25], [sflag:$0x1], $0x80, $0x38;
	[tilespmem:$0x19CB0] =	vst v63  }
0x2f6: {  	s29 =	simm.s32 $0xE500;
	s30 =	sld [smem:$0x7F5]  }
0x2f7: {  	[spmem:s28] =	stream.linear.scatter [tilespmem:s29], [sflag:$0x1], $0x80, $0x38;
	[tilespmem:$0x19CB0] =	vst v63  }
0x2f8: {  	s31 =	simm.s32 $0xE900;
	s7 =	sld [smem:$0x7F6]  }
0x2f9: {  	[spmem:s30] =	stream.linear.scatter [tilespmem:s31], [sflag:$0x1], $0x80, $0x38;
	[tilespmem:$0x19CB0] =	vst v63  }
0x2fa: {  	s17 =	simm.s32 $0xED00  }
0x2fb: {  	[spmem:s7] =	stream.linear.scatter [tilespmem:s17], [sflag:$0x1], $0x80, $0x38;
	[tilespmem:$0x19CB0] =	vst v63  }
0x2fc: {  	_ =	swait.ge [sflag:s15], $0x280  }
0x2fd: {  	[sflag:s15] =	ssyncset.done $0x0  }
0x2fe: {  	s25 =	simm.s32 $0xDD80;
	s28 =	sld [smem:$0x7F7];
	[sflag:s15] =	ssyncadd.s32 $0xFFFFFD80  }
0x2ff: {  	[spmem:s13] =	stream.linear.scatter [tilespmem:s25], [sflag:$0x1], $0x80, $0x38;
	[tilespmem:$0x19CB0] =	vst v63  }
0x300: {  	s29 =	simm.s32 $0xE180;
	s30 =	sld [smem:$0x7F8]  }
0x301: {  	[spmem:s28] =	stream.linear.scatter [tilespmem:s29], [sflag:$0x1], $0x80, $0x38;
	[tilespmem:$0x19CB0] =	vst v63  }
0x302: {  	s31 =	simm.s32 $0xE580;
	s5 =	sld [smem:$0x7F9]  }
0x303: {  	[spmem:s30] =	stream.linear.scatter [tilespmem:s31], [sflag:$0x1], $0x80, $0x38;
	[tilespmem:$0x19CB0] =	vst v63  }
0x304: {  	s7 =	simm.s32 $0xE980;
	s17 =	sld [smem:$0x7FA]  }
0x305: {  	[spmem:s5] =	stream.linear.scatter [tilespmem:s7], [sflag:$0x1], $0x80, $0x38;
	[tilespmem:$0x19CB0] =	vst v63  }
0x306: {  	s25 =	simm.s32 $0xED80  }
0x307: {  	[spmem:s17] =	stream.linear.scatter [tilespmem:s25], [sflag:$0x1], $0x80, $0x38;
	[tilespmem:$0x19CB0] =	vst v63  }
0x308: {  	_ =	swait.ge [sflag:s15], $0x280  }
0x309: {  	[sflag:s15] =	ssyncset.done $0x0  }
0x30a: {  	s28 =	simm.s32 $0xDE00;
	s29 =	sld [smem:$0x7FC];
	[sflag:s15] =	ssyncadd.s32 $0xFFFFFD80  }
0x30b: {  	[spmem:s18] =	stream.linear.scatter [tilespmem:s28], [sflag:$0x1], $0x80, $0x38;
	[tilespmem:$0x19CB0] =	vst v63  }
0x30c: {  	s30 =	simm.s32 $0xE200  }
0x30d: {  	[spmem:s29] =	stream.linear.scatter [tilespmem:s30], [sflag:$0x1], $0x80, $0x38;
	[tilespmem:$0x19CB0] =	vst v63  }
0x30e: {  	s31 =	simm.s32 $0xE600  }
0x30f: {  	[spmem:s6] =	stream.linear.scatter [tilespmem:s31], [sflag:$0x1], $0x80, $0x38;
	[tilespmem:$0x19CB0] =	vst v63  }
0x310: {  	s5 =	simm.s32 $0xEA00  }
0x311: {  	[spmem:s19] =	stream.linear.scatter [tilespmem:s5], [sflag:$0x1], $0x80, $0x38;
	[tilespmem:$0x19CB0] =	vst v63  }
0x312: {  	s7 =	simm.s32 $0xEE00  }
0x313: {  	[spmem:s14] =	stream.linear.scatter [tilespmem:s7], [sflag:$0x1], $0x80, $0x38;
	[tilespmem:$0x19CB0] =	vst v63  }
0x314: {  	_ =	swait.ge [sflag:s15], $0x280  }
0x315: {  	[sflag:s15] =	ssyncset.done $0x0  }
0x316: {  	s17 =	simm.s32 $0xDE80;
	[sflag:s15] =	ssyncadd.s32 $0xFFFFFD80  }
0x317: {  	[spmem:s8] =	stream.linear.scatter [tilespmem:s17], [sflag:$0x1], $0x80, $0x38;
	[tilespmem:$0x19CB0] =	vst v63  }
0x318: {  	s25 =	simm.s32 $0xE280  }
0x319: {  	[spmem:s21] =	stream.linear.scatter [tilespmem:s25], [sflag:$0x1], $0x80, $0x38;
	[tilespmem:$0x19CB0] =	vst v63  }
0x31a: {  	s28 =	simm.s32 $0xE680  }
0x31b: {  	[spmem:s11] =	stream.linear.scatter [tilespmem:s28], [sflag:$0x1], $0x80, $0x38;
	[tilespmem:$0x19CB0] =	vst v63  }
0x31c: {  	s29 =	simm.s32 $0xEA80  }
0x31d: {  	[spmem:s22] =	stream.linear.scatter [tilespmem:s29], [sflag:$0x1], $0x80, $0x38;
	[tilespmem:$0x19CB0] =	vst v63  }
0x31e: {  	s30 =	simm.s32 $0xEE80  }
0x31f: {  	[spmem:s23] =	stream.linear.scatter [tilespmem:s30], [sflag:$0x1], $0x80, $0x38;
	[tilespmem:$0x19CB0] =	vst v63  }
0x320: {  	_ =	swait.ge [sflag:s15], $0x280  }
0x321: {  	[sflag:s15] =	ssyncset.done $0x0  }
0x322: {  	[sflag:s15] =	ssyncadd.s32 $0xFFFFFD80  }
0x323: {  	[bflag:$0x0] =	sbarrier.arrive $0xFFFF  }
0x324: {  	[tilespmem:s16], [sflag:$0x1] =	stream.strided.gather [spmem:s20], $0x2800, s1, s9, $0x38;
	[tilespmem:$0x19CB0] =	vst v63  }
0x325: {  	_ =	swait.ge [sflag:s15], $0x2800  }
0x326: {  	s31 =	sld [smem:$0x776]  }
0x327: {  	[sflag:s15] =	ssyncset.done $0x0  }
0x328: {  	s5 =	simm.s32 $0x0;
	s7 =	simm.s32 $0x2780;
	[sflag:s15] =	ssyncadd.s32 $0xFFFFD800  }
0x329: {  	[tilespmem:s7], [sflag:$0x1] =	stream.linear.gather [hbm4b:s31+s5], $0x2710, $0x38;
	[tilespmem:$0x19CB0] =	vst v63  }
0x32a: {  	_ =	swait.ge [sflag:s15], $0x2710  }
0x32b: {  	[sflag:s15] =	ssyncset.done $0x0  }
0x32c: {  	[sflag:s15] =	ssyncadd.s32 $0xFFFFD8F0  }
0x32d: {  	v5 =	vld [tilespmem:s5+$0x0];
	_ =	sdelay $0x4  }
0x32e: {  	v6 =	vshll.u32 v5, $0x4  }
0x32f: {  	v6 =	vxor.u32 v3, v6  }
0x330: {  	(xrf1) =	vsort.ascd.msk.u32 $0xffff, v6, v1;
	_ =	sdelay $0xd  }
0x331: {  	v6, v7, _ =	vpop (xrf1)  }
0x332: {  	v6 =	vxor.u32 $0x80000000, v6  }
0x333: {  	[tilespmem:$0xF400] =	vst v6  }
0x334: {  	v63 =	vld.idx.msk [tilespmem:v4+s26+$0x0], $0xffff;
	_ =	sdelay $0x4  }
0x335: {  	v6 =	vxor.u32 v63, v6  }
0x336: {  	vm2 =	vgt.u32 v6, $0xF  }
0x337: {  	v6 =	vnsel vm2, $0x80000000, v3  }
0x338: {  	(xrf0) =	vmax.scan.msk.u32 $0xffff, v6;
	_ =	sdelay $0x5  }
0x339: {  	v6, _, _ =	vpop (xrf0)  }
0x33a: {  	v6 =	vxor.u32 $0x80000000, v6  }
0x33b: {  	v6 =	vsub.s32 v1, v6  }
0x33c: {  	[tilespmem:v7+s26+$0x0] =	vst.idx.msk $0xffff, v6  }
0x33d: {  	v6 =	vld.idx.msk [tilespmem:v5+s16+$0x0], $0xffff  }
0x33e: {  	v7 =	vld [tilespmem:$0xF400];
	_ =	sdelay $0x4  }
0x33f: {  	v6 =	vadd.s32 v6, v7  }
0x340: {  	v6 =	vadd.s32 $0x80, v6  }
0x341: {  	vm2 =	vgt.s32 v6, $0x0  }
0x342: {  	v6 =	vnsel vm2, $0x0, v6  }
0x343: {  	s25 =	sand.u32 $0x3FF0, s5;
	s7 =	simm.s32 $0x10;
	[tilespmem:v5+s16+$0x0] =	vst.idx.add.s32.msk $0xffff, v2;
	v5 =	vmin.u32 v6, $0x271FF  }
.LBB2_14:
0x344: {  	p1 =	sne.s32 s7, $0x2700  }
0x345: {  	[tilespmem:s25+$0xFD00] =	vst v5;
	s5 =	sadd.s32 $0x10, s5;
	s25 =	smov.u32 s7;
	s7 =	sadd.s32 $0x10, s7  }
0x346: {  	v5 =	vld [tilespmem:s5+$0x0];
	_ =	sdelay $0x4  }
0x347: {  	v6 =	vshll.u32 v5, $0x4  }
0x348: {  	v6 =	vxor.u32 v3, v6  }
0x349: {  	(xrf1) =	vsort.ascd.msk.u32 $0xffff, v6, v1;
	_ =	sdelay $0xd  }
0x34a: {  	v6, v7, _ =	vpop (xrf1)  }
0x34b: {  	v6 =	vxor.u32 $0x80000000, v6  }
0x34c: {  	[tilespmem:$0xF400] =	vst v6  }
0x34d: {  	v8 =	vld.idx.msk [tilespmem:v4+s26+$0x0], $0xffff;
	_ =	sdelay $0x5  }
0x34e: {  	v6 =	vxor.u32 v8, v6  }
0x34f: {  	vm2 =	vgt.u32 v6, $0xF  }
0x350: {  	v6 =	vnsel vm2, $0x80000000, v3  }
0x351: {  	(xrf0) =	vmax.scan.msk.u32 $0xffff, v6;
	_ =	sdelay $0x5  }
0x352: {  	v6, _, _ =	vpop (xrf0)  }
0x353: {  	v6 =	vxor.u32 $0x80000000, v6  }
0x354: {  	v6 =	vsub.s32 v1, v6  }
0x355: {  	[tilespmem:v7+s26+$0x0] =	vst.idx.msk $0xffff, v6  }
0x356: {  	v6 =	vld.idx.msk [tilespmem:v5+s16+$0x0], $0xffff  }
0x357: {  	v7 =	vld [tilespmem:$0xF400]  }
0x358: {  	[tilespmem:v5+s16+$0x0] =	vst.idx.add.s32.msk $0xffff, v2;
	_ =	sdelay $0x3  }
.Ltmp6:
0x359: {  	v5 =	vadd.s32 v6, v7;
	(pc) =	sbr.rel @p1 .LBB2_14-.Ltmp6, $4  }
0x35a: {  	v5 =	vadd.s32 $0x80, v5  }
0x35b: {  	vm2 =	vgt.s32 v5, $0x0  }
0x35c: {  	v5 =	vnsel vm2, $0x0, v5  }
0x35d: {  	s25 =	sand.u32 $0x3FF0, s25;
	v5 =	vmin.u32 v5, $0x271FF  }
0x35e: {  	[tilespmem:s25+$0xFD00] =	vst v5  }
0x35f: {  	v5 =	vld [tilespmem:$0x12400];
	_ =	sdelay $0x4  }
0x360: {  	s5 =	simm.s32 $0x2780;
	s7 =	simm.s32 $0xFD00;
	[tilespmem:$0x12500] =	vst v5  }
0x361: {  	[spmem:s4] =	stream.indirect.scatter [tilespmem:s5], [sflag:$0x1], $0x1, s7, s9, $0xb8;
	[tilespmem:$0x19CB0] =	vst v63  }
0x362: {  	s5 =	simm.s32 $0x200;
	_ =	swait.ge [sflag:s15], $0x80  }
.LBB2_16:
0x363: {  	s7 =	sshra.s32 s5, $0x2  }
0x364: {  	[sflag:s15] =	ssyncset.done $0x0;
	p1 =	sne.s32 s5, $0x9A00;
	s17 =	sadd.s32 $0x2780, s7  }
.Ltmp7:
0x365: {  	s7 =	sadd.s32 $0xFD00, s7;
	[sflag:s15] =	ssyncadd.s32 $0xFFFFFF80;
	(pc) =	sbr.rel @p1 .LBB2_16-.Ltmp7, $3  }
0x366: {  	[spmem:s4] =	stream.indirect.scatter [tilespmem:s17], [sflag:$0x1], $0x1, s7, s9, $0xb8;
	[tilespmem:$0x19CB0] =	vst v63  }
0x367: {  	s5 =	sadd.s32 $0x200, s5;
	_ =	sdelay $0x1  }
0x368: {  	_ =	swait.ge [sflag:s15], $0x80  }
0x369: {  	[sflag:s15] =	ssyncset.done $0x0;
	s0 =	simm.s32 $0x10  }
0x36a: {  	s5 =	simm.s32 $0x12500;
	s7 =	simm.s32 $0x4E80;
	[sflag:s15] =	ssyncadd.s32 $0xFFFFFF80  }
0x36b: {  	[spmem:s4] =	stream.indirect.scatter [tilespmem:s7], [sflag:$0x1], $0x1, s5, s0, $0xb8;
	[tilespmem:$0x19CB0] =	vst v63  }
0x36c: {  	_ =	swait.ge [sflag:s15], $0x10  }
0x36d: {  	[sflag:s15] =	ssyncset.done $0x0  }
0x36e: {  	[sflag:s15] =	ssyncadd.s32 $0xFFFFFFF0  }
0x36f: {  	[bflag:$0x0] =	sbarrier.arrive $0xFFFF  }
0x370: {  	s0 =	sld [smem:$0x77C];
	_ =	sdelay $0x1  }
0x371: {  	s5 =	simm.s32 @!p0 $0x7700;
	s7 =	simm.s32 @!p0 $0x1  }
0x372: {  	[tilespmem:s5], [sflag:$0x1] =	stream.linear.gather @!p0 [spmem:s0], $0x2720, $0x38;
	[tilespmem:$0x19CB0] =	vst v63  }
0x373: {  	_ =	swait.ge @!p0 [sflag:s7], $0x2720  }
0x374: {  	s0 =	sld [smem:$0x77D]  }
0x375: {  	[sflag:s7] =	ssyncset.done @!p0 $0x0  }
0x376: {  	s17 =	simm.s32 @!p0 $0x0;
	[sflag:s7] =	ssyncadd.s32 @!p0 $0xFFFFD8E0  }
0x377: {  	[hbm4b:s0+s17] =	stream.linear.scatter @!p0 [tilespmem:s5], [sflag:$0x1], $0x2720, $0x38;
	[tilespmem:$0x19CB0] =	vst v63  }
0x378: {  	_ =	swait.ge @!p0 [sflag:s7], $0x2720  }
0x379: {  	s31 =	sld [smem:$0x77F];
	_ =	sdelay $0x1  }
0x37a: {  	s12 =	sadd.s32 $0x1, s12  }
0x37b: {  	p1 =	sne.s32 s12, s31  }
.Ltmp8:
0x37c: {  	_ = 	snop;
	(pc) =	sbr.rel @p1 .LBB2_1-.Ltmp8, $3  }
0x37d: {  	_ =	sdelay $0x1  }
0x37e: {  	[sflag:s7] =	ssyncset.done @!p0 $0x0  }
0x37f: {  	[sflag:s7] =	ssyncadd.s32 @!p0 $0xFFFFD8E0  }
0x380: {  	_ =	sfence.sel $0x180000  }
0x381: {  	[bflag:$0x0] =	sbarrier.arrive $0xFFFF  }
0x382: {  	_ =	strace $0x90000047  }
0x383: {  	s0 =	stileid.u32;
	[bflag:$0x2] =	sbarrier.arrive $0xFFFF  }
0x384: {  	p0 =	sne.s32 s0, $0x0;
	s0 =	rddreg [dreg:$0x6]  }
0x385: {  	s0 =	sadd.s32 @!p0 $0x100000, s0  }
0x386: {  	[sflag:s0] =	ssyncadd.tile.s32 @!p0 $0x1;
	_ =	shalt  }
.Lfunc_end2:
_tile_overlayer_lowered:
.L_overlay_start_2:
0x387: {  	(tag) =	ssettag $0x2  }
0x388: {  	s0 =	rddreg [dreg:$0x0];
	s2 =	stileid.u32  }
0x389: {  	s1 =	rddreg [dreg:$0x1];
	p0 =	sne.s32 s2, $0x0  }
0x38a: {  	s3 =	rddreg [dreg:$0x2];
	[bflag:$0x3] =	sbarrier.arrive $0xFFFF;
	s2 =	simm.s32 @!p0 $0x1C01  }
0x38b: {  	[timem:s3], [sflag:s2] =	dma.local @!p0 [hbm:s0], s1  }
0x38c: {  	s0 =	simm.s32 @!p0 $0x1  }
0x38d: {  	_ =	swait.ge @!p0 [sflag:s0], s1  }
0x38e: {  	s1 =	ssub.s32 @!p0 $0x0, s1;
	[sflag:s0] =	ssyncset.done @!p0 $0x0  }
0x38f: {  	[sflag:s0] =	ssyncadd.s32 @!p0 s1  }
0x390: {  	[bflag:$0x3] =	sbarrier.arrive $0xFFFF  }
0x391: {  	_ =	shalt  }

</sc_bundles>
